<compile_context>
chip_gen: v7x
topology: tpu7x:2x2x1
jax: 0.10.2.dev20260603
libtpu: 0.0.44.dev20260713+nightly
codegen_flags: <defaults>
</compile_context>

<pallas_src>
import functools

import jax
import jax.numpy as jnp
from jax import lax
from jax.experimental import pallas as pl
from jax.experimental.pallas import tpu as pltpu
from jax.experimental.pallas import tpu_sc as plsc

N = 10000
E = 320000
D = 128
H = 128
G = 128

NC = 2
NS = 16
NW = NC * NS
EPW = E // NW
CHUNK = 40
NCHUNKS = EPW // CHUNK
NB = 9
OFF_G = 2
OFF_S = 6
NSTEPS = NCHUNKS + NB
NGROUPS = -(-NSTEPS // NB)
N_PAD = 10240
RPT = N_PAD // NS

BLK = 1000
NBLK = N // BLK



@functools.cache
def _make_sc_agg():
    mesh = plsc.VectorSubcoreMesh(core_axis_name="c", subcore_axis_name="s",
                                  num_cores=NC)

    @functools.partial(
        pl.kernel,
        mesh=mesh,
        out_type=jax.ShapeDtypeStruct((NC, N_PAD, D), jnp.float32),
        scratch_types=[
            *[pltpu.VMEM((2, CHUNK), jnp.int32) for _ in range(NB)],
            *[pltpu.VMEM((CHUNK, D), jnp.float32) for _ in range(NB)],
            pltpu.VMEM_SHARED((N_PAD, D), jnp.float32),
            pltpu.SemaphoreType.DMA((NB,)),
            pltpu.SemaphoreType.DMA((NB,)),
            pltpu.SemaphoreType.DMA((NB,)),
        ],
    )
    def sc_agg(z_hbm, src_hbm, dst_hbm, zeros_hbm, out_hbm, *rest):
        idxs = rest[:NB]
        bufs = rest[NB:2 * NB]
        agg_sh, isem, gsem, ssem = rest[2 * NB:2 * NB + 4]
        c = lax.axis_index("c")
        s = lax.axis_index("s")
        wid = s * NC + c

        pltpu.sync_copy(zeros_hbm, agg_sh.at[pl.ds(s * RPT, RPT)])
        plsc.subcore_barrier()

        def group(gi, carry):
            for b in range(NB):
                t = gi * NB + b
                bg = (b - OFF_G) % NB
                bs = (b - OFF_S) % NB
                tg = t - OFF_G
                ts = t - OFF_S

                @pl.when(jnp.logical_and(t >= NB, t < NCHUNKS + NB))
                def _():
                    pltpu.make_async_copy(
                        bufs[b], agg_sh.at[idxs[b].at[1]], ssem.at[b]).wait()

                @pl.when(t < NCHUNKS)
                def _():
                    pltpu.async_copy(src_hbm.at[wid, t], idxs[b].at[0],
                                     isem.at[b])
                    pltpu.async_copy(dst_hbm.at[wid, t], idxs[b].at[1],
                                     isem.at[b])

                @pl.when(jnp.logical_and(tg >= 0, tg < NCHUNKS))
                def _():
                    pltpu.make_async_copy(src_hbm.at[wid, tg],
                                          idxs[bg].at[0], isem.at[bg]).wait()
                    pltpu.make_async_copy(dst_hbm.at[wid, tg],
                                          idxs[bg].at[1], isem.at[bg]).wait()
                    pltpu.async_copy(z_hbm.at[idxs[bg].at[0]], bufs[bg],
                                     gsem.at[bg])

                @pl.when(jnp.logical_and(ts >= 0, ts < NCHUNKS))
                def _():
                    pltpu.make_async_copy(z_hbm.at[idxs[bs].at[0]], bufs[bs],
                                          gsem.at[bs]).wait()
                    pltpu.async_copy(bufs[bs], agg_sh.at[idxs[bs].at[1]],
                                     ssem.at[bs], add=True)
            return carry

        lax.fori_loop(0, NGROUPS, group, 0)
        plsc.subcore_barrier()
        pltpu.sync_copy(agg_sh.at[pl.ds(s * RPT, RPT)],
                        out_hbm.at[c, pl.ds(s * RPT, RPT)])

    return sc_agg



def _mlp(h, w1, b1, w2, b2, a):
    h = jnp.maximum(jnp.dot(h, w1, preferred_element_type=jnp.float32) + b1, 0.0)
    h = jnp.dot(h, w2, preferred_element_type=jnp.float32) + b2
    return jnp.where(h > 0, h, a * h)


def _mlp1_body(x_ref, agg_ref, w1_ref, b1_ref, w2_ref, b2_ref, pa_ref, out_ref):
    h = x_ref[...] + agg_ref[0] + agg_ref[1]
    out_ref[...] = _mlp(h, w1_ref[...], b1_ref[...], w2_ref[...], b2_ref[...],
                        pa_ref[0, 0])


def _mlp2_body(z_ref, agg_ref, batch_ref, w1_ref, b1_ref, w2_ref, b2_ref,
               pa_ref, g_ref, be_ref, out_ref, seg_s, cnt_s, cs_s, cq_s):
    i = pl.program_id(0)
    h = z_ref[...] + agg_ref[0] + agg_ref[1]
    z2 = _mlp(h, w1_ref[...], b1_ref[...], w2_ref[...], b2_ref[...],
              pa_ref[0, 0])
    bb = batch_ref[0, 0, :]
    gids = lax.broadcasted_iota(jnp.int32, (G, BLK), 0)
    onehot = (bb[None, :] == gids).astype(jnp.float32)

    @pl.when(i == 0)
    def _():
        seg_s[...] = jnp.zeros_like(seg_s)
        cnt_s[...] = jnp.zeros_like(cnt_s)
        cs_s[...] = jnp.zeros_like(cs_s)
        cq_s[...] = jnp.zeros_like(cq_s)

    seg_s[...] += jnp.dot(onehot, z2, preferred_element_type=jnp.float32,
                          precision=lax.Precision.HIGHEST)
    cnt_s[...] += jnp.sum(onehot, axis=1)[:, None]
    cs_s[...] += jnp.sum(z2, axis=0)[None, :]
    cq_s[...] += jnp.sum(z2 * z2, axis=0)[None, :]

    @pl.when(i == NBLK - 1)
    def _():
        mu = cs_s[...] / N
        var = cq_s[...] / N - mu * mu
        scale = g_ref[...] / jnp.sqrt(var + 1e-5)
        shift = be_ref[...] - mu * scale
        g1 = seg_s[...] * scale + cnt_s[...] * shift
        out_ref[:, :H] = g1
        out_ref[:, H:] = g1


def _row_spec(bs):
    return pl.BlockSpec(bs, lambda i: (i,) + (0,) * (len(bs) - 1))


_W_SPECS = [
    pl.BlockSpec((H, H), lambda i: (0, 0)),
    pl.BlockSpec((1, H), lambda i: (0, 0)),
    pl.BlockSpec((H, H), lambda i: (0, 0)),
    pl.BlockSpec((1, H), lambda i: (0, 0)),
    pl.BlockSpec((1, 1), lambda i: (0, 0), memory_space=pltpu.SMEM),
]

_mlp1_call = pl.pallas_call(
    _mlp1_body,
    grid=(NBLK,),
    in_specs=[
        _row_spec((BLK, D)),
        pl.BlockSpec((NC, BLK, D), lambda i: (0, i, 0)),
        *_W_SPECS,
    ],
    out_specs=_row_spec((BLK, H)),
    out_shape=jax.ShapeDtypeStruct((N, H), jnp.float32),
)

_mlp2_call = pl.pallas_call(
    _mlp2_body,
    grid=(NBLK,),
    in_specs=[
        _row_spec((BLK, H)),
        pl.BlockSpec((NC, BLK, H), lambda i: (0, i, 0)),
        pl.BlockSpec((1, 1, BLK), lambda i: (i, 0, 0)),
        *_W_SPECS,
        pl.BlockSpec((1, H), lambda i: (0, 0)),
        pl.BlockSpec((1, H), lambda i: (0, 0)),
    ],
    out_specs=pl.BlockSpec((G, 2 * H), lambda i: (0, 0)),
    out_shape=jax.ShapeDtypeStruct((G, 2 * H), jnp.float32),
    scratch_shapes=[
        pltpu.VMEM((G, H), jnp.float32),
        pltpu.VMEM((G, 1), jnp.float32),
        pltpu.VMEM((1, H), jnp.float32),
        pltpu.VMEM((1, H), jnp.float32),
    ],
)


def kernel(x, edge_index, batch, w1a, b1a, w2a, b2a, w1b, b1b, w2b, b2b,
           prelu_a, gamma, beta):
    x = x.astype(jnp.float32)
    src = edge_index[0].reshape(NW, NCHUNKS, CHUNK)
    dst = edge_index[1].reshape(NW, NCHUNKS, CHUNK)
    zeros = jnp.zeros((RPT, D), jnp.float32)
    batch3 = batch.reshape(NBLK, 1, BLK)
    pa = jnp.asarray(prelu_a, jnp.float32).reshape(1, 1)
    b1a2, b2a2 = b1a.reshape(1, H), b2a.reshape(1, H)
    b1b2, b2b2 = b1b.reshape(1, H), b2b.reshape(1, H)

    sc_agg = _make_sc_agg()
    agg1 = sc_agg(x, src, dst, zeros)
    z1 = _mlp1_call(x, agg1, w1a, b1a2, w2a, b2a2, pa)
    agg2 = sc_agg(z1, src, dst, zeros)
    out = _mlp2_call(z1, agg2, batch3, w1b, b1b2, w2b, b2b2, pa,
                     gamma.reshape(1, H), beta.reshape(1, H))
    return out

# --- scband reference (transcript-rebuilt; emitter-appended) ---
"""Pipeline reference for scband-bgrl-g2-l-86998857548315 (READ-ONLY COPY).

The authoritative reference and input builder live on the scoring server;
editing this copy changes nothing except your own understanding.
"""

import jax, jax.numpy as jnp
import numpy as np

N = 10000
E = 320000
D = 128
H = 128
G = 128


def setup_inputs(seed: int = 0) -> dict:
    key = jax.random.key(seed)
    ks = jax.random.split(key, 16)
    x = jax.random.normal(ks[0], (N, D), dtype=jnp.float32)
    edge_index = jax.random.randint(ks[1], (2, E), 0, N, dtype=jnp.int32)
    batch = jnp.sort(jax.random.randint(ks[2], (N,), 0, G, dtype=jnp.int32))
    s1 = 1.0 / np.sqrt(D)
    s2 = 1.0 / np.sqrt(H)
    w1a = jax.random.uniform(ks[3], (D, H), jnp.float32, -s1, s1)
    b1a = jax.random.uniform(ks[4], (H,), jnp.float32, -s1, s1)
    w2a = jax.random.uniform(ks[5], (H, H), jnp.float32, -s2, s2)
    b2a = jax.random.uniform(ks[6], (H,), jnp.float32, -s2, s2)
    w1b = jax.random.uniform(ks[7], (H, H), jnp.float32, -s2, s2)
    b1b = jax.random.uniform(ks[8], (H,), jnp.float32, -s2, s2)
    w2b = jax.random.uniform(ks[9], (H, H), jnp.float32, -s2, s2)
    b2b = jax.random.uniform(ks[10], (H,), jnp.float32, -s2, s2)
    prelu_a = jnp.float32(0.25)
    gamma = jnp.ones((H,), jnp.float32)
    beta = jnp.zeros((H,), jnp.float32)
    return {"x": x, "edge_index": edge_index, "batch": batch,
            "w1a": w1a, "b1a": b1a, "w2a": w2a, "b2a": b2a,
            "w1b": w1b, "b1b": b1b, "w2b": w2b, "b2b": b2b,
            "prelu_a": prelu_a, "gamma": gamma, "beta": beta}


def _prelu(z, a):
    return jnp.where(z > 0, z, a * z)


def _gin_conv(z, src, dst, w1, b1, w2, b2):
    # GINConv (eps=0): out = mlp(x + sum_{j in N(i)} x_j)
    agg = jax.ops.segment_sum(z[src], dst, num_segments=N)
    h = z + agg
    h = jnp.maximum(h @ w1 + b1, 0.0)
    h = h @ w2 + b2
    return h


def reference(x, edge_index, batch, w1a, b1a, w2a, b2a, w1b, b1b, w2b, b2b, prelu_a, gamma, beta):
    # Augmentations have pe=pf=0 and dropout=0 -> identity; both views identical.
    src, dst = edge_index[0], edge_index[1]
    z = x.astype(jnp.float32)
    z = _gin_conv(z, src, dst, w1a, b1a, w2a, b2a)
    z = _prelu(z, prelu_a)
    z = _gin_conv(z, src, dst, w1b, b1b, w2b, b2b)
    z = _prelu(z, prelu_a)
    # BatchNorm1d (batch statistics)
    mu = jnp.mean(z, axis=0)
    var = jnp.var(z, axis=0)
    z = (z - mu) / jnp.sqrt(var + 1e-5) * gamma + beta
    # global_add_pool per view
    g1 = jax.ops.segment_sum(z, batch, num_segments=G)
    g2 = g1  # view 2 identical under identity augmentation
    out = jnp.concatenate([g1, g2], axis=1)
    return out

if __name__ == "__main__":
    import jax
    _d = setup_inputs()
    print(jax.jit(kernel)(*tuple(_d.values())))

</pallas_src>

<mosaic_0001>
#map = affine_map<(d0, d1) -> (0, 0)>
#map1 = affine_map<(d0, d1) -> (0, 0, 0)>
module attributes {stable_mosaic.version = 14 : i64} {
  func.func @sc_agg(%arg0: i32, %arg1: i32, %arg2: memref<10000x128xf32, #tpu.memory_space<hbm>>, %arg3: memref<32x250x40xi32, #tpu.memory_space<hbm>>, %arg4: memref<32x250x40xi32, #tpu.memory_space<hbm>>, %arg5: memref<640x128xf32, #tpu.memory_space<hbm>>, %arg6: memref<2x10240x128xf32, #tpu.memory_space<hbm>>, %arg7: memref<2x40xi32, #tpu.memory_space<vmem>>, %arg8: memref<2x40xi32, #tpu.memory_space<vmem>>, %arg9: memref<2x40xi32, #tpu.memory_space<vmem>>, %arg10: memref<2x40xi32, #tpu.memory_space<vmem>>, %arg11: memref<2x40xi32, #tpu.memory_space<vmem>>, %arg12: memref<2x40xi32, #tpu.memory_space<vmem>>, %arg13: memref<2x40xi32, #tpu.memory_space<vmem>>, %arg14: memref<2x40xi32, #tpu.memory_space<vmem>>, %arg15: memref<2x40xi32, #tpu.memory_space<vmem>>, %arg16: memref<40x128xf32, #tpu.memory_space<vmem>>, %arg17: memref<40x128xf32, #tpu.memory_space<vmem>>, %arg18: memref<40x128xf32, #tpu.memory_space<vmem>>, %arg19: memref<40x128xf32, #tpu.memory_space<vmem>>, %arg20: memref<40x128xf32, #tpu.memory_space<vmem>>, %arg21: memref<40x128xf32, #tpu.memory_space<vmem>>, %arg22: memref<40x128xf32, #tpu.memory_space<vmem>>, %arg23: memref<40x128xf32, #tpu.memory_space<vmem>>, %arg24: memref<40x128xf32, #tpu.memory_space<vmem>>, %arg25: memref<10240x128xf32, #tpu.memory_space<vmem_shared>>, %arg26: memref<9x!tpu.dma_semaphore, #tpu.memory_space<semaphore_mem>>, %arg27: memref<9x!tpu.dma_semaphore, #tpu.memory_space<semaphore_mem>>, %arg28: memref<9x!tpu.dma_semaphore, #tpu.memory_space<semaphore_mem>>) attributes {dimension_semantics = [#tpu.dimension_semantics<core_parallel>, #tpu.dimension_semantics<subcore_parallel>], iteration_bounds = array<i64: 2, 16>, scalar_prefetch = 0 : i64, scratch_operands = 22 : i64, tpu.core_type = #tpu.core_type<sc_vector_subcore>, window_params = [{transform_indices = #map}, {transform_indices = #map1}, {transform_indices = #map1}, {transform_indices = #map}, {transform_indices = #map1}]} {
    %mul3A = arith.constant 2 : i32
    %mul3A_0 = arith.muli %arg1, %mul3A : i32
    %add3A = arith.addi %mul3A_0, %arg0 : i32
    %mul3A_1 = arith.constant 640 : i32
    %mul3A_2 = arith.muli %arg1, %mul3A_1 : i32
    "tpu.region"() ({
      %run_scoped3A = tpu.sem_alloc : memref<!tpu.dma_semaphore, #tpu.memory_space<semaphore_mem>>
      %dma_start3A = arith.constant 0 : i32
      %dma_start3A_13 = tpu.memref_slice %arg25[%mul3A_2, %dma_start3A] : memref<10240x128xf32, #tpu.memory_space<vmem_shared>> -> memref<640x128xf32, #tpu.memory_space<vmem_shared>>
      tpu.enqueue_dma source(%arg5 : memref<640x128xf32, #tpu.memory_space<hbm>>) target(%dma_start3A_13 : memref<640x128xf32, #tpu.memory_space<vmem_shared>>) target_semaphore(%run_scoped3A : memref<!tpu.dma_semaphore, #tpu.memory_space<semaphore_mem>>)
      %dma_wait3A = arith.constant 0 : i32
      %dma_wait3A_14 = tpu.memref_slice %arg25[%mul3A_2, %dma_wait3A] : memref<10240x128xf32, #tpu.memory_space<vmem_shared>> -> memref<640x128xf32, #tpu.memory_space<vmem_shared>>
      tpu.wait_dma2 semaphore(%run_scoped3A : memref<!tpu.dma_semaphore, #tpu.memory_space<semaphore_mem>>) src(%arg5 : memref<640x128xf32, #tpu.memory_space<hbm>>) dst(%dma_wait3A_14 : memref<640x128xf32, #tpu.memory_space<vmem_shared>>)
      tpu.yield
    }) : () -> ()
    %barrier3A = arith.constant 0 : index
    tpu.barrier barrier_id(%barrier3A)
    %scan3A = arith.constant 0 : i32
    %scan3A_3 = arith.constant 0 : i32
    %scan3A_4 = arith.constant 29 : i32
    %scan3A_5 = arith.addi %scan3A_3, %scan3A_4 : i32
    %scan3A_6 = arith.constant 1 : i32
    scf.for %scan3A_13 = %scan3A_3 to %scan3A_5 step %scan3A_6  : i32 {
      %mul3A_14 = arith.constant 9 : i32
      %mul3A_15 = arith.muli %scan3A_13, %mul3A_14 : i32
      %add3A_16 = arith.constant 0 : i32
      %add3A_17 = arith.addi %mul3A_15, %add3A_16 : i32
      %sub3A = arith.constant 2 : i32
      %sub3A_18 = arith.subi %add3A_17, %sub3A : i32
      %sub3A_19 = arith.constant 6 : i32
      %sub3A_20 = arith.subi %add3A_17, %sub3A_19 : i32
      %ge3A = arith.constant 9 : i32
      %ge3A_21 = arith.cmpi sge, %add3A_17, %ge3A : i32
      %lt3A = arith.constant 259 : i32
      %lt3A_22 = arith.cmpi slt, %add3A_17, %lt3A : i32
      %and3A = arith.andi %ge3A_21, %lt3A_22 : i1
      %convert_element_type3A = arith.extui %and3A : i1 to i32
      %cond3A = arith.constant 0 : i32
      %cond3A_23 = arith.cmpi ne, %convert_element_type3A, %cond3A : i32
      scf.if %cond3A_23 {
        %dma_wait3A = arith.constant 1 : i32
        %dma_wait3A_341 = arith.constant 0 : i32
        %dma_wait3A_342 = arith.constant 0 : i32
        %dma_wait3A_343 = tpu.memref_slice %arg7[%dma_wait3A, %dma_wait3A_342] : memref<2x40xi32, #tpu.memory_space<vmem>> -> memref<1x40xi32, #tpu.memory_space<vmem>>
        %dma_wait3A_344 = tpu.memref_squeeze %dma_wait3A_343 : memref<1x40xi32, #tpu.memory_space<vmem>> -> memref<40xi32, #tpu.memory_space<vmem>>
        %dma_wait3A_345 = arith.constant 0 : i32
        %dma_wait3A_346 = arith.constant 0 : i32
        %dma_wait3A_347 = tpu.memref_slice %arg25[%dma_wait3A_345, %dma_wait3A_346] : memref<10240x128xf32, #tpu.memory_space<vmem_shared>> -> memref<10240x128xf32, #tpu.memory_space<vmem_shared>>
        %dma_wait3A_348 = tpu.memref_slice %arg28[%dma_wait3A_341] : memref<9x!tpu.dma_semaphore, #tpu.memory_space<semaphore_mem>> -> memref<1x!tpu.dma_semaphore, #tpu.memory_space<semaphore_mem>>
        %dma_wait3A_349 = tpu.memref_squeeze %dma_wait3A_348 : memref<1x!tpu.dma_semaphore, #tpu.memory_space<semaphore_mem>> -> memref<!tpu.dma_semaphore, #tpu.memory_space<semaphore_mem>>
        tpu.wait_indirect_dma semaphore(%dma_wait3A_349 : memref<!tpu.dma_semaphore, #tpu.memory_space<semaphore_mem>>) src(%arg16 : memref<40x128xf32, #tpu.memory_space<vmem>>) dst(%dma_wait3A_347 : memref<10240x128xf32, #tpu.memory_space<vmem_shared>>)
      } else {
      }
      %lt3A_24 = arith.constant 250 : i32
      %lt3A_25 = arith.cmpi slt, %add3A_17, %lt3A_24 : i32
      %convert_element_type3A_26 = arith.extui %lt3A_25 : i1 to i32
      %cond3A_27 = arith.constant 0 : i32
      %cond3A_28 = arith.cmpi ne, %convert_element_type3A_26, %cond3A_27 : i32
      scf.if %cond3A_28 {
        %dma_start3A = arith.constant 0 : i32
        %dma_start3A_341 = arith.constant 0 : i32
        %dma_start3A_342 = arith.constant 0 : i32
        %dma_start3A_343 = tpu.memref_slice %arg7[%dma_start3A, %dma_start3A_342] : memref<2x40xi32, #tpu.memory_space<vmem>> -> memref<1x40xi32, #tpu.memory_space<vmem>>
        %dma_start3A_344 = tpu.memref_squeeze %dma_start3A_343 : memref<1x40xi32, #tpu.memory_space<vmem>> -> memref<40xi32, #tpu.memory_space<vmem>>
        %dma_start3A_345 = arith.constant 0 : i32
        %dma_start3A_346 = tpu.memref_slice %arg3[%add3A, %add3A_17, %dma_start3A_345] : memref<32x250x40xi32, #tpu.memory_space<hbm>> -> memref<1x1x40xi32, #tpu.memory_space<hbm>>
        %dma_start3A_347 = tpu.memref_squeeze %dma_start3A_346 : memref<1x1x40xi32, #tpu.memory_space<hbm>> -> memref<40xi32, #tpu.memory_space<hbm>>
        %dma_start3A_348 = tpu.memref_slice %arg26[%dma_start3A_341] : memref<9x!tpu.dma_semaphore, #tpu.memory_space<semaphore_mem>> -> memref<1x!tpu.dma_semaphore, #tpu.memory_space<semaphore_mem>>
        %dma_start3A_349 = tpu.memref_squeeze %dma_start3A_348 : memref<1x!tpu.dma_semaphore, #tpu.memory_space<semaphore_mem>> -> memref<!tpu.dma_semaphore, #tpu.memory_space<semaphore_mem>>
        %dma_start3A_350 = arith.constant 0 : i32
        %dma_start3A_351 = tpu.memref_slice %arg7[%dma_start3A, %dma_start3A_350] : memref<2x40xi32, #tpu.memory_space<vmem>> -> memref<1x40xi32, #tpu.memory_space<vmem>>
        %dma_start3A_352 = tpu.memref_squeeze %dma_start3A_351 : memref<1x40xi32, #tpu.memory_space<vmem>> -> memref<40xi32, #tpu.memory_space<vmem>>
        %dma_start3A_353 = arith.constant 0 : i32
        %dma_start3A_354 = tpu.memref_slice %arg3[%add3A, %add3A_17, %dma_start3A_353] : memref<32x250x40xi32, #tpu.memory_space<hbm>> -> memref<1x1x40xi32, #tpu.memory_space<hbm>>
        %dma_start3A_355 = tpu.memref_squeeze %dma_start3A_354 : memref<1x1x40xi32, #tpu.memory_space<hbm>> -> memref<40xi32, #tpu.memory_space<hbm>>
        tpu.enqueue_dma source(%dma_start3A_355 : memref<40xi32, #tpu.memory_space<hbm>>) target(%dma_start3A_352 : memref<40xi32, #tpu.memory_space<vmem>>) target_semaphore(%dma_start3A_349 : memref<!tpu.dma_semaphore, #tpu.memory_space<semaphore_mem>>)
        %dma_start3A_356 = arith.constant 1 : i32
        %dma_start3A_357 = arith.constant 0 : i32
        %dma_start3A_358 = arith.constant 0 : i32
        %dma_start3A_359 = tpu.memref_slice %arg7[%dma_start3A_356, %dma_start3A_358] : memref<2x40xi32, #tpu.memory_space<vmem>> -> memref<1x40xi32, #tpu.memory_space<vmem>>
        %dma_start3A_360 = tpu.memref_squeeze %dma_start3A_359 : memref<1x40xi32, #tpu.memory_space<vmem>> -> memref<40xi32, #tpu.memory_space<vmem>>
        %dma_start3A_361 = arith.constant 0 : i32
        %dma_start3A_362 = tpu.memref_slice %arg4[%add3A, %add3A_17, %dma_start3A_361] : memref<32x250x40xi32, #tpu.memory_space<hbm>> -> memref<1x1x40xi32, #tpu.memory_space<hbm>>
        %dma_start3A_363 = tpu.memref_squeeze %dma_start3A_362 : memref<1x1x40xi32, #tpu.memory_space<hbm>> -> memref<40xi32, #tpu.memory_space<hbm>>
        %dma_start3A_364 = tpu.memref_slice %arg26[%dma_start3A_357] : memref<9x!tpu.dma_semaphore, #tpu.memory_space<semaphore_mem>> -> memref<1x!tpu.dma_semaphore, #tpu.memory_space<semaphore_mem>>
        %dma_start3A_365 = tpu.memref_squeeze %dma_start3A_364 : memref<1x!tpu.dma_semaphore, #tpu.memory_space<semaphore_mem>> -> memref<!tpu.dma_semaphore, #tpu.memory_space<semaphore_mem>>
        %dma_start3A_366 = arith.constant 0 : i32
        %dma_start3A_367 = tpu.memref_slice %arg7[%dma_start3A_356, %dma_start3A_366] : memref<2x40xi32, #tpu.memory_space<vmem>> -> memref<1x40xi32, #tpu.memory_space<vmem>>
        %dma_start3A_368 = tpu.memref_squeeze %dma_start3A_367 : memref<1x40xi32, #tpu.memory_space<vmem>> -> memref<40xi32, #tpu.memory_space<vmem>>
        %dma_start3A_369 = arith.constant 0 : i32
        %dma_start3A_370 = tpu.memref_slice %arg4[%add3A, %add3A_17, %dma_start3A_369] : memref<32x250x40xi32, #tpu.memory_space<hbm>> -> memref<1x1x40xi32, #tpu.memory_space<hbm>>
        %dma_start3A_371 = tpu.memref_squeeze %dma_start3A_370 : memref<1x1x40xi32, #tpu.memory_space<hbm>> -> memref<40xi32, #tpu.memory_space<hbm>>
        tpu.enqueue_dma source(%dma_start3A_371 : memref<40xi32, #tpu.memory_space<hbm>>) target(%dma_start3A_368 : memref<40xi32, #tpu.memory_space<vmem>>) target_semaphore(%dma_start3A_365 : memref<!tpu.dma_semaphore, #tpu.memory_space<semaphore_mem>>)
      } else {
      }
      %ge3A_29 = arith.constant 0 : i32
      %ge3A_30 = arith.cmpi sge, %sub3A_18, %ge3A_29 : i32
      %lt3A_31 = arith.constant 250 : i32
      %lt3A_32 = arith.cmpi slt, %sub3A_18, %lt3A_31 : i32
      %and3A_33 = arith.andi %ge3A_30, %lt3A_32 : i1
      %convert_element_type3A_34 = arith.extui %and3A_33 : i1 to i32
      %cond3A_35 = arith.constant 0 : i32
      %cond3A_36 = arith.cmpi ne, %convert_element_type3A_34, %cond3A_35 : i32
      scf.if %cond3A_36 {
        %dma_wait3A = arith.constant 0 : i32
        %dma_wait3A_341 = arith.constant 7 : i32
        %dma_wait3A_342 = arith.constant 0 : i32
        %dma_wait3A_343 = tpu.memref_slice %arg14[%dma_wait3A, %dma_wait3A_342] : memref<2x40xi32, #tpu.memory_space<vmem>> -> memref<1x40xi32, #tpu.memory_space<vmem>>
        %dma_wait3A_344 = tpu.memref_squeeze %dma_wait3A_343 : memref<1x40xi32, #tpu.memory_space<vmem>> -> memref<40xi32, #tpu.memory_space<vmem>>
        %dma_wait3A_345 = arith.constant 0 : i32
        %dma_wait3A_346 = tpu.memref_slice %arg3[%add3A, %sub3A_18, %dma_wait3A_345] : memref<32x250x40xi32, #tpu.memory_space<hbm>> -> memref<1x1x40xi32, #tpu.memory_space<hbm>>
        %dma_wait3A_347 = tpu.memref_squeeze %dma_wait3A_346 : memref<1x1x40xi32, #tpu.memory_space<hbm>> -> memref<40xi32, #tpu.memory_space<hbm>>
        %dma_wait3A_348 = tpu.memref_slice %arg26[%dma_wait3A_341] : memref<9x!tpu.dma_semaphore, #tpu.memory_space<semaphore_mem>> -> memref<1x!tpu.dma_semaphore, #tpu.memory_space<semaphore_mem>>
        %dma_wait3A_349 = tpu.memref_squeeze %dma_wait3A_348 : memref<1x!tpu.dma_semaphore, #tpu.memory_space<semaphore_mem>> -> memref<!tpu.dma_semaphore, #tpu.memory_space<semaphore_mem>>
        %dma_wait3A_350 = arith.constant 0 : i32
        %dma_wait3A_351 = tpu.memref_slice %arg14[%dma_wait3A, %dma_wait3A_350] : memref<2x40xi32, #tpu.memory_space<vmem>> -> memref<1x40xi32, #tpu.memory_space<vmem>>
        %dma_wait3A_352 = tpu.memref_squeeze %dma_wait3A_351 : memref<1x40xi32, #tpu.memory_space<vmem>> -> memref<40xi32, #tpu.memory_space<vmem>>
        %dma_wait3A_353 = arith.constant 0 : i32
        %dma_wait3A_354 = tpu.memref_slice %arg3[%add3A, %sub3A_18, %dma_wait3A_353] : memref<32x250x40xi32, #tpu.memory_space<hbm>> -> memref<1x1x40xi32, #tpu.memory_space<hbm>>
        %dma_wait3A_355 = tpu.memref_squeeze %dma_wait3A_354 : memref<1x1x40xi32, #tpu.memory_space<hbm>> -> memref<40xi32, #tpu.memory_space<hbm>>
        tpu.wait_dma2 semaphore(%dma_wait3A_349 : memref<!tpu.dma_semaphore, #tpu.memory_space<semaphore_mem>>) src(%dma_wait3A_355 : memref<40xi32, #tpu.memory_space<hbm>>) dst(%dma_wait3A_352 : memref<40xi32, #tpu.memory_space<vmem>>)
        %dma_wait3A_356 = arith.constant 1 : i32
        %dma_wait3A_357 = arith.constant 7 : i32
        %dma_wait3A_358 = arith.constant 0 : i32
        %dma_wait3A_359 = tpu.memref_slice %arg14[%dma_wait3A_356, %dma_wait3A_358] : memref<2x40xi32, #tpu.memory_space<vmem>> -> memref<1x40xi32, #tpu.memory_space<vmem>>
        %dma_wait3A_360 = tpu.memref_squeeze %dma_wait3A_359 : memref<1x40xi32, #tpu.memory_space<vmem>> -> memref<40xi32, #tpu.memory_space<vmem>>
        %dma_wait3A_361 = arith.constant 0 : i32
        %dma_wait3A_362 = tpu.memref_slice %arg4[%add3A, %sub3A_18, %dma_wait3A_361] : memref<32x250x40xi32, #tpu.memory_space<hbm>> -> memref<1x1x40xi32, #tpu.memory_space<hbm>>
        %dma_wait3A_363 = tpu.memref_squeeze %dma_wait3A_362 : memref<1x1x40xi32, #tpu.memory_space<hbm>> -> memref<40xi32, #tpu.memory_space<hbm>>
        %dma_wait3A_364 = tpu.memref_slice %arg26[%dma_wait3A_357] : memref<9x!tpu.dma_semaphore, #tpu.memory_space<semaphore_mem>> -> memref<1x!tpu.dma_semaphore, #tpu.memory_space<semaphore_mem>>
        %dma_wait3A_365 = tpu.memref_squeeze %dma_wait3A_364 : memref<1x!tpu.dma_semaphore, #tpu.memory_space<semaphore_mem>> -> memref<!tpu.dma_semaphore, #tpu.memory_space<semaphore_mem>>
        %dma_wait3A_366 = arith.constant 0 : i32
        %dma_wait3A_367 = tpu.memref_slice %arg14[%dma_wait3A_356, %dma_wait3A_366] : memref<2x40xi32, #tpu.memory_space<vmem>> -> memref<1x40xi32, #tpu.memory_space<vmem>>
        %dma_wait3A_368 = tpu.memref_squeeze %dma_wait3A_367 : memref<1x40xi32, #tpu.memory_space<vmem>> -> memref<40xi32, #tpu.memory_space<vmem>>
        %dma_wait3A_369 = arith.constant 0 : i32
        %dma_wait3A_370 = tpu.memref_slice %arg4[%add3A, %sub3A_18, %dma_wait3A_369] : memref<32x250x40xi32, #tpu.memory_space<hbm>> -> memref<1x1x40xi32, #tpu.memory_space<hbm>>
        %dma_wait3A_371 = tpu.memref_squeeze %dma_wait3A_370 : memref<1x1x40xi32, #tpu.memory_space<hbm>> -> memref<40xi32, #tpu.memory_space<hbm>>
        tpu.wait_dma2 semaphore(%dma_wait3A_365 : memref<!tpu.dma_semaphore, #tpu.memory_space<semaphore_mem>>) src(%dma_wait3A_371 : memref<40xi32, #tpu.memory_space<hbm>>) dst(%dma_wait3A_368 : memref<40xi32, #tpu.memory_space<vmem>>)
        %dma_start3A = arith.constant 0 : i32
        %dma_start3A_372 = arith.constant 7 : i32
        %dma_start3A_373 = arith.constant 0 : i32
        %dma_start3A_374 = tpu.memref_slice %arg14[%dma_start3A, %dma_start3A_373] : memref<2x40xi32, #tpu.memory_space<vmem>> -> memref<1x40xi32, #tpu.memory_space<vmem>>
        %dma_start3A_375 = tpu.memref_squeeze %dma_start3A_374 : memref<1x40xi32, #tpu.memory_space<vmem>> -> memref<40xi32, #tpu.memory_space<vmem>>
        %dma_start3A_376 = arith.constant 0 : i32
        %dma_start3A_377 = arith.constant 0 : i32
        %dma_start3A_378 = tpu.memref_slice %arg2[%dma_start3A_376, %dma_start3A_377] : memref<10000x128xf32, #tpu.memory_space<hbm>> -> memref<10000x128xf32, #tpu.memory_space<hbm>>
        %dma_start3A_379 = tpu.memref_slice %arg27[%dma_start3A_372] : memref<9x!tpu.dma_semaphore, #tpu.memory_space<semaphore_mem>> -> memref<1x!tpu.dma_semaphore, #tpu.memory_space<semaphore_mem>>
        %dma_start3A_380 = tpu.memref_squeeze %dma_start3A_379 : memref<1x!tpu.dma_semaphore, #tpu.memory_space<semaphore_mem>> -> memref<!tpu.dma_semaphore, #tpu.memory_space<semaphore_mem>>
        tpu.enqueue_indirect_dma source(%dma_start3A_378 : memref<10000x128xf32, #tpu.memory_space<hbm>>) target(%arg23 : memref<40x128xf32, #tpu.memory_space<vmem>>) offsets(%dma_start3A_375 : memref<40xi32, #tpu.memory_space<vmem>>) semaphore(%dma_start3A_380 : memref<!tpu.dma_semaphore, #tpu.memory_space<semaphore_mem>>)
      } else {
      }
      %ge3A_37 = arith.constant 0 : i32
      %ge3A_38 = arith.cmpi sge, %sub3A_20, %ge3A_37 : i32
      %lt3A_39 = arith.constant 250 : i32
      %lt3A_40 = arith.cmpi slt, %sub3A_20, %lt3A_39 : i32
      %and3A_41 = arith.andi %ge3A_38, %lt3A_40 : i1
      %convert_element_type3A_42 = arith.extui %and3A_41 : i1 to i32
      %cond3A_43 = arith.constant 0 : i32
      %cond3A_44 = arith.cmpi ne, %convert_element_type3A_42, %cond3A_43 : i32
      scf.if %cond3A_44 {
        %dma_wait3A = arith.constant 0 : i32
        %dma_wait3A_341 = arith.constant 3 : i32
        %dma_wait3A_342 = arith.constant 0 : i32
        %dma_wait3A_343 = tpu.memref_slice %arg10[%dma_wait3A, %dma_wait3A_342] : memref<2x40xi32, #tpu.memory_space<vmem>> -> memref<1x40xi32, #tpu.memory_space<vmem>>
        %dma_wait3A_344 = tpu.memref_squeeze %dma_wait3A_343 : memref<1x40xi32, #tpu.memory_space<vmem>> -> memref<40xi32, #tpu.memory_space<vmem>>
        %dma_wait3A_345 = arith.constant 0 : i32
        %dma_wait3A_346 = arith.constant 0 : i32
        %dma_wait3A_347 = tpu.memref_slice %arg2[%dma_wait3A_345, %dma_wait3A_346] : memref<10000x128xf32, #tpu.memory_space<hbm>> -> memref<10000x128xf32, #tpu.memory_space<hbm>>
        %dma_wait3A_348 = tpu.memref_slice %arg27[%dma_wait3A_341] : memref<9x!tpu.dma_semaphore, #tpu.memory_space<semaphore_mem>> -> memref<1x!tpu.dma_semaphore, #tpu.memory_space<semaphore_mem>>
        %dma_wait3A_349 = tpu.memref_squeeze %dma_wait3A_348 : memref<1x!tpu.dma_semaphore, #tpu.memory_space<semaphore_mem>> -> memref<!tpu.dma_semaphore, #tpu.memory_space<semaphore_mem>>
        tpu.wait_indirect_dma semaphore(%dma_wait3A_349 : memref<!tpu.dma_semaphore, #tpu.memory_space<semaphore_mem>>) src(%dma_wait3A_347 : memref<10000x128xf32, #tpu.memory_space<hbm>>) dst(%arg19 : memref<40x128xf32, #tpu.memory_space<vmem>>)
        %dma_start3A = arith.constant 1 : i32
        %dma_start3A_350 = arith.constant 3 : i32
        %dma_start3A_351 = arith.constant 0 : i32
        %dma_start3A_352 = tpu.memref_slice %arg10[%dma_start3A, %dma_start3A_351] : memref<2x40xi32, #tpu.memory_space<vmem>> -> memref<1x40xi32, #tpu.memory_space<vmem>>
        %dma_start3A_353 = tpu.memref_squeeze %dma_start3A_352 : memref<1x40xi32, #tpu.memory_space<vmem>> -> memref<40xi32, #tpu.memory_space<vmem>>
        %dma_start3A_354 = arith.constant 0 : i32
        %dma_start3A_355 = arith.constant 0 : i32
        %dma_start3A_356 = tpu.memref_slice %arg25[%dma_start3A_354, %dma_start3A_355] : memref<10240x128xf32, #tpu.memory_space<vmem_shared>> -> memref<10240x128xf32, #tpu.memory_space<vmem_shared>>
        %dma_start3A_357 = tpu.memref_slice %arg28[%dma_start3A_350] : memref<9x!tpu.dma_semaphore, #tpu.memory_space<semaphore_mem>> -> memref<1x!tpu.dma_semaphore, #tpu.memory_space<semaphore_mem>>
        %dma_start3A_358 = tpu.memref_squeeze %dma_start3A_357 : memref<1x!tpu.dma_semaphore, #tpu.memory_space<semaphore_mem>> -> memref<!tpu.dma_semaphore, #tpu.memory_space<semaphore_mem>>
        tpu.enqueue_indirect_dma source(%arg19 : memref<40x128xf32, #tpu.memory_space<vmem>>) target(%dma_start3A_356 : memref<10240x128xf32, #tpu.memory_space<vmem_shared>>) offsets(%dma_start3A_353 : memref<40xi32, #tpu.memory_space<vmem>>) semaphore(%dma_start3A_358 : memref<!tpu.dma_semaphore, #tpu.memory_space<semaphore_mem>>) {add = true}
      } else {
      }
      %mul3A_45 = arith.constant 9 : i32
      %mul3A_46 = arith.muli %scan3A_13, %mul3A_45 : i32
      %add3A_47 = arith.constant 1 : i32
      %add3A_48 = arith.addi %mul3A_46, %add3A_47 : i32
      %sub3A_49 = arith.constant 2 : i32
      %sub3A_50 = arith.subi %add3A_48, %sub3A_49 : i32
      %sub3A_51 = arith.constant 6 : i32
      %sub3A_52 = arith.subi %add3A_48, %sub3A_51 : i32
      %ge3A_53 = arith.constant 9 : i32
      %ge3A_54 = arith.cmpi sge, %add3A_48, %ge3A_53 : i32
      %lt3A_55 = arith.constant 259 : i32
      %lt3A_56 = arith.cmpi slt, %add3A_48, %lt3A_55 : i32
      %and3A_57 = arith.andi %ge3A_54, %lt3A_56 : i1
      %convert_element_type3A_58 = arith.extui %and3A_57 : i1 to i32
      %cond3A_59 = arith.constant 0 : i32
      %cond3A_60 = arith.cmpi ne, %convert_element_type3A_58, %cond3A_59 : i32
      scf.if %cond3A_60 {
        %dma_wait3A = arith.constant 1 : i32
        %dma_wait3A_341 = arith.constant 1 : i32
        %dma_wait3A_342 = arith.constant 0 : i32
        %dma_wait3A_343 = tpu.memref_slice %arg8[%dma_wait3A, %dma_wait3A_342] : memref<2x40xi32, #tpu.memory_space<vmem>> -> memref<1x40xi32, #tpu.memory_space<vmem>>
        %dma_wait3A_344 = tpu.memref_squeeze %dma_wait3A_343 : memref<1x40xi32, #tpu.memory_space<vmem>> -> memref<40xi32, #tpu.memory_space<vmem>>
        %dma_wait3A_345 = arith.constant 0 : i32
        %dma_wait3A_346 = arith.constant 0 : i32
        %dma_wait3A_347 = tpu.memref_slice %arg25[%dma_wait3A_345, %dma_wait3A_346] : memref<10240x128xf32, #tpu.memory_space<vmem_shared>> -> memref<10240x128xf32, #tpu.memory_space<vmem_shared>>
        %dma_wait3A_348 = tpu.memref_slice %arg28[%dma_wait3A_341] : memref<9x!tpu.dma_semaphore, #tpu.memory_space<semaphore_mem>> -> memref<1x!tpu.dma_semaphore, #tpu.memory_space<semaphore_mem>>
        %dma_wait3A_349 = tpu.memref_squeeze %dma_wait3A_348 : memref<1x!tpu.dma_semaphore, #tpu.memory_space<semaphore_mem>> -> memref<!tpu.dma_semaphore, #tpu.memory_space<semaphore_mem>>
        tpu.wait_indirect_dma semaphore(%dma_wait3A_349 : memref<!tpu.dma_semaphore, #tpu.memory_space<semaphore_mem>>) src(%arg17 : memref<40x128xf32, #tpu.memory_space<vmem>>) dst(%dma_wait3A_347 : memref<10240x128xf32, #tpu.memory_space<vmem_shared>>)
      } else {
      }
      %lt3A_61 = arith.constant 250 : i32
      %lt3A_62 = arith.cmpi slt, %add3A_48, %lt3A_61 : i32
      %convert_element_type3A_63 = arith.extui %lt3A_62 : i1 to i32
      %cond3A_64 = arith.constant 0 : i32
      %cond3A_65 = arith.cmpi ne, %convert_element_type3A_63, %cond3A_64 : i32
      scf.if %cond3A_65 {
        %dma_start3A = arith.constant 0 : i32
        %dma_start3A_341 = arith.constant 1 : i32
        %dma_start3A_342 = arith.constant 0 : i32
        %dma_start3A_343 = tpu.memref_slice %arg8[%dma_start3A, %dma_start3A_342] : memref<2x40xi32, #tpu.memory_space<vmem>> -> memref<1x40xi32, #tpu.memory_space<vmem>>
        %dma_start3A_344 = tpu.memref_squeeze %dma_start3A_343 : memref<1x40xi32, #tpu.memory_space<vmem>> -> memref<40xi32, #tpu.memory_space<vmem>>
        %dma_start3A_345 = arith.constant 0 : i32
        %dma_start3A_346 = tpu.memref_slice %arg3[%add3A, %add3A_48, %dma_start3A_345] : memref<32x250x40xi32, #tpu.memory_space<hbm>> -> memref<1x1x40xi32, #tpu.memory_space<hbm>>
        %dma_start3A_347 = tpu.memref_squeeze %dma_start3A_346 : memref<1x1x40xi32, #tpu.memory_space<hbm>> -> memref<40xi32, #tpu.memory_space<hbm>>
        %dma_start3A_348 = tpu.memref_slice %arg26[%dma_start3A_341] : memref<9x!tpu.dma_semaphore, #tpu.memory_space<semaphore_mem>> -> memref<1x!tpu.dma_semaphore, #tpu.memory_space<semaphore_mem>>
        %dma_start3A_349 = tpu.memref_squeeze %dma_start3A_348 : memref<1x!tpu.dma_semaphore, #tpu.memory_space<semaphore_mem>> -> memref<!tpu.dma_semaphore, #tpu.memory_space<semaphore_mem>>
        %dma_start3A_350 = arith.constant 0 : i32
        %dma_start3A_351 = tpu.memref_slice %arg8[%dma_start3A, %dma_start3A_350] : memref<2x40xi32, #tpu.memory_space<vmem>> -> memref<1x40xi32, #tpu.memory_space<vmem>>
        %dma_start3A_352 = tpu.memref_squeeze %dma_start3A_351 : memref<1x40xi32, #tpu.memory_space<vmem>> -> memref<40xi32, #tpu.memory_space<vmem>>
        %dma_start3A_353 = arith.constant 0 : i32
        %dma_start3A_354 = tpu.memref_slice %arg3[%add3A, %add3A_48, %dma_start3A_353] : memref<32x250x40xi32, #tpu.memory_space<hbm>> -> memref<1x1x40xi32, #tpu.memory_space<hbm>>
        %dma_start3A_355 = tpu.memref_squeeze %dma_start3A_354 : memref<1x1x40xi32, #tpu.memory_space<hbm>> -> memref<40xi32, #tpu.memory_space<hbm>>
        tpu.enqueue_dma source(%dma_start3A_355 : memref<40xi32, #tpu.memory_space<hbm>>) target(%dma_start3A_352 : memref<40xi32, #tpu.memory_space<vmem>>) target_semaphore(%dma_start3A_349 : memref<!tpu.dma_semaphore, #tpu.memory_space<semaphore_mem>>)
        %dma_start3A_356 = arith.constant 1 : i32
        %dma_start3A_357 = arith.constant 1 : i32
        %dma_start3A_358 = arith.constant 0 : i32
        %dma_start3A_359 = tpu.memref_slice %arg8[%dma_start3A_356, %dma_start3A_358] : memref<2x40xi32, #tpu.memory_space<vmem>> -> memref<1x40xi32, #tpu.memory_space<vmem>>
        %dma_start3A_360 = tpu.memref_squeeze %dma_start3A_359 : memref<1x40xi32, #tpu.memory_space<vmem>> -> memref<40xi32, #tpu.memory_space<vmem>>
        %dma_start3A_361 = arith.constant 0 : i32
        %dma_start3A_362 = tpu.memref_slice %arg4[%add3A, %add3A_48, %dma_start3A_361] : memref<32x250x40xi32, #tpu.memory_space<hbm>> -> memref<1x1x40xi32, #tpu.memory_space<hbm>>
        %dma_start3A_363 = tpu.memref_squeeze %dma_start3A_362 : memref<1x1x40xi32, #tpu.memory_space<hbm>> -> memref<40xi32, #tpu.memory_space<hbm>>
        %dma_start3A_364 = tpu.memref_slice %arg26[%dma_start3A_357] : memref<9x!tpu.dma_semaphore, #tpu.memory_space<semaphore_mem>> -> memref<1x!tpu.dma_semaphore, #tpu.memory_space<semaphore_mem>>
        %dma_start3A_365 = tpu.memref_squeeze %dma_start3A_364 : memref<1x!tpu.dma_semaphore, #tpu.memory_space<semaphore_mem>> -> memref<!tpu.dma_semaphore, #tpu.memory_space<semaphore_mem>>
        %dma_start3A_366 = arith.constant 0 : i32
        %dma_start3A_367 = tpu.memref_slice %arg8[%dma_start3A_356, %dma_start3A_366] : memref<2x40xi32, #tpu.memory_space<vmem>> -> memref<1x40xi32, #tpu.memory_space<vmem>>
        %dma_start3A_368 = tpu.memref_squeeze %dma_start3A_367 : memref<1x40xi32, #tpu.memory_space<vmem>> -> memref<40xi32, #tpu.memory_space<vmem>>
        %dma_start3A_369 = arith.constant 0 : i32
        %dma_start3A_370 = tpu.memref_slice %arg4[%add3A, %add3A_48, %dma_start3A_369] : memref<32x250x40xi32, #tpu.memory_space<hbm>> -> memref<1x1x40xi32, #tpu.memory_space<hbm>>
        %dma_start3A_371 = tpu.memref_squeeze %dma_start3A_370 : memref<1x1x40xi32, #tpu.memory_space<hbm>> -> memref<40xi32, #tpu.memory_space<hbm>>
        tpu.enqueue_dma source(%dma_start3A_371 : memref<40xi32, #tpu.memory_space<hbm>>) target(%dma_start3A_368 : memref<40xi32, #tpu.memory_space<vmem>>) target_semaphore(%dma_start3A_365 : memref<!tpu.dma_semaphore, #tpu.memory_space<semaphore_mem>>)
      } else {
      }
      %ge3A_66 = arith.constant 0 : i32
      %ge3A_67 = arith.cmpi sge, %sub3A_50, %ge3A_66 : i32
      %lt3A_68 = arith.constant 250 : i32
      %lt3A_69 = arith.cmpi slt, %sub3A_50, %lt3A_68 : i32
      %and3A_70 = arith.andi %ge3A_67, %lt3A_69 : i1
      %convert_element_type3A_71 = arith.extui %and3A_70 : i1 to i32
      %cond3A_72 = arith.constant 0 : i32
      %cond3A_73 = arith.cmpi ne, %convert_element_type3A_71, %cond3A_72 : i32
      scf.if %cond3A_73 {
        %dma_wait3A = arith.constant 0 : i32
        %dma_wait3A_341 = arith.constant 8 : i32
        %dma_wait3A_342 = arith.constant 0 : i32
        %dma_wait3A_343 = tpu.memref_slice %arg15[%dma_wait3A, %dma_wait3A_342] : memref<2x40xi32, #tpu.memory_space<vmem>> -> memref<1x40xi32, #tpu.memory_space<vmem>>
        %dma_wait3A_344 = tpu.memref_squeeze %dma_wait3A_343 : memref<1x40xi32, #tpu.memory_space<vmem>> -> memref<40xi32, #tpu.memory_space<vmem>>
        %dma_wait3A_345 = arith.constant 0 : i32
        %dma_wait3A_346 = tpu.memref_slice %arg3[%add3A, %sub3A_50, %dma_wait3A_345] : memref<32x250x40xi32, #tpu.memory_space<hbm>> -> memref<1x1x40xi32, #tpu.memory_space<hbm>>
        %dma_wait3A_347 = tpu.memref_squeeze %dma_wait3A_346 : memref<1x1x40xi32, #tpu.memory_space<hbm>> -> memref<40xi32, #tpu.memory_space<hbm>>
        %dma_wait3A_348 = tpu.memref_slice %arg26[%dma_wait3A_341] : memref<9x!tpu.dma_semaphore, #tpu.memory_space<semaphore_mem>> -> memref<1x!tpu.dma_semaphore, #tpu.memory_space<semaphore_mem>>
        %dma_wait3A_349 = tpu.memref_squeeze %dma_wait3A_348 : memref<1x!tpu.dma_semaphore, #tpu.memory_space<semaphore_mem>> -> memref<!tpu.dma_semaphore, #tpu.memory_space<semaphore_mem>>
        %dma_wait3A_350 = arith.constant 0 : i32
        %dma_wait3A_351 = tpu.memref_slice %arg15[%dma_wait3A, %dma_wait3A_350] : memref<2x40xi32, #tpu.memory_space<vmem>> -> memref<1x40xi32, #tpu.memory_space<vmem>>
        %dma_wait3A_352 = tpu.memref_squeeze %dma_wait3A_351 : memref<1x40xi32, #tpu.memory_space<vmem>> -> memref<40xi32, #tpu.memory_space<vmem>>
        %dma_wait3A_353 = arith.constant 0 : i32
        %dma_wait3A_354 = tpu.memref_slice %arg3[%add3A, %sub3A_50, %dma_wait3A_353] : memref<32x250x40xi32, #tpu.memory_space<hbm>> -> memref<1x1x40xi32, #tpu.memory_space<hbm>>
        %dma_wait3A_355 = tpu.memref_squeeze %dma_wait3A_354 : memref<1x1x40xi32, #tpu.memory_space<hbm>> -> memref<40xi32, #tpu.memory_space<hbm>>
        tpu.wait_dma2 semaphore(%dma_wait3A_349 : memref<!tpu.dma_semaphore, #tpu.memory_space<semaphore_mem>>) src(%dma_wait3A_355 : memref<40xi32, #tpu.memory_space<hbm>>) dst(%dma_wait3A_352 : memref<40xi32, #tpu.memory_space<vmem>>)
        %dma_wait3A_356 = arith.constant 1 : i32
        %dma_wait3A_357 = arith.constant 8 : i32
        %dma_wait3A_358 = arith.constant 0 : i32
        %dma_wait3A_359 = tpu.memref_slice %arg15[%dma_wait3A_356, %dma_wait3A_358] : memref<2x40xi32, #tpu.memory_space<vmem>> -> memref<1x40xi32, #tpu.memory_space<vmem>>
        %dma_wait3A_360 = tpu.memref_squeeze %dma_wait3A_359 : memref<1x40xi32, #tpu.memory_space<vmem>> -> memref<40xi32, #tpu.memory_space<vmem>>
        %dma_wait3A_361 = arith.constant 0 : i32
        %dma_wait3A_362 = tpu.memref_slice %arg4[%add3A, %sub3A_50, %dma_wait3A_361] : memref<32x250x40xi32, #tpu.memory_space<hbm>> -> memref<1x1x40xi32, #tpu.memory_space<hbm>>
        %dma_wait3A_363 = tpu.memref_squeeze %dma_wait3A_362 : memref<1x1x40xi32, #tpu.memory_space<hbm>> -> memref<40xi32, #tpu.memory_space<hbm>>
        %dma_wait3A_364 = tpu.memref_slice %arg26[%dma_wait3A_357] : memref<9x!tpu.dma_semaphore, #tpu.memory_space<semaphore_mem>> -> memref<1x!tpu.dma_semaphore, #tpu.memory_space<semaphore_mem>>
        %dma_wait3A_365 = tpu.memref_squeeze %dma_wait3A_364 : memref<1x!tpu.dma_semaphore, #tpu.memory_space<semaphore_mem>> -> memref<!tpu.dma_semaphore, #tpu.memory_space<semaphore_mem>>
        %dma_wait3A_366 = arith.constant 0 : i32
        %dma_wait3A_367 = tpu.memref_slice %arg15[%dma_wait3A_356, %dma_wait3A_366] : memref<2x40xi32, #tpu.memory_space<vmem>> -> memref<1x40xi32, #tpu.memory_space<vmem>>
        %dma_wait3A_368 = tpu.memref_squeeze %dma_wait3A_367 : memref<1x40xi32, #tpu.memory_space<vmem>> -> memref<40xi32, #tpu.memory_space<vmem>>
        %dma_wait3A_369 = arith.constant 0 : i32
        %dma_wait3A_370 = tpu.memref_slice %arg4[%add3A, %sub3A_50, %dma_wait3A_369] : memref<32x250x40xi32, #tpu.memory_space<hbm>> -> memref<1x1x40xi32, #tpu.memory_space<hbm>>
        %dma_wait3A_371 = tpu.memref_squeeze %dma_wait3A_370 : memref<1x1x40xi32, #tpu.memory_space<hbm>> -> memref<40xi32, #tpu.memory_space<hbm>>
        tpu.wait_dma2 semaphore(%dma_wait3A_365 : memref<!tpu.dma_semaphore, #tpu.memory_space<semaphore_mem>>) src(%dma_wait3A_371 : memref<40xi32, #tpu.memory_space<hbm>>) dst(%dma_wait3A_368 : memref<40xi32, #tpu.memory_space<vmem>>)
        %dma_start3A = arith.constant 0 : i32
        %dma_start3A_372 = arith.constant 8 : i32
        %dma_start3A_373 = arith.constant 0 : i32
        %dma_start3A_374 = tpu.memref_slice %arg15[%dma_start3A, %dma_start3A_373] : memref<2x40xi32, #tpu.memory_space<vmem>> -> memref<1x40xi32, #tpu.memory_space<vmem>>
        %dma_start3A_375 = tpu.memref_squeeze %dma_start3A_374 : memref<1x40xi32, #tpu.memory_space<vmem>> -> memref<40xi32, #tpu.memory_space<vmem>>
        %dma_start3A_376 = arith.constant 0 : i32
        %dma_start3A_377 = arith.constant 0 : i32
        %dma_start3A_378 = tpu.memref_slice %arg2[%dma_start3A_376, %dma_start3A_377] : memref<10000x128xf32, #tpu.memory_space<hbm>> -> memref<10000x128xf32, #tpu.memory_space<hbm>>
        %dma_start3A_379 = tpu.memref_slice %arg27[%dma_start3A_372] : memref<9x!tpu.dma_semaphore, #tpu.memory_space<semaphore_mem>> -> memref<1x!tpu.dma_semaphore, #tpu.memory_space<semaphore_mem>>
        %dma_start3A_380 = tpu.memref_squeeze %dma_start3A_379 : memref<1x!tpu.dma_semaphore, #tpu.memory_space<semaphore_mem>> -> memref<!tpu.dma_semaphore, #tpu.memory_space<semaphore_mem>>
        tpu.enqueue_indirect_dma source(%dma_start3A_378 : memref<10000x128xf32, #tpu.memory_space<hbm>>) target(%arg24 : memref<40x128xf32, #tpu.memory_space<vmem>>) offsets(%dma_start3A_375 : memref<40xi32, #tpu.memory_space<vmem>>) semaphore(%dma_start3A_380 : memref<!tpu.dma_semaphore, #tpu.memory_space<semaphore_mem>>)
      } else {
      }
      %ge3A_74 = arith.constant 0 : i32
      %ge3A_75 = arith.cmpi sge, %sub3A_52, %ge3A_74 : i32
      %lt3A_76 = arith.constant 250 : i32
      %lt3A_77 = arith.cmpi slt, %sub3A_52, %lt3A_76 : i32
      %and3A_78 = arith.andi %ge3A_75, %lt3A_77 : i1
      %convert_element_type3A_79 = arith.extui %and3A_78 : i1 to i32
      %cond3A_80 = arith.constant 0 : i32
      %cond3A_81 = arith.cmpi ne, %convert_element_type3A_79, %cond3A_80 : i32
      scf.if %cond3A_81 {
        %dma_wait3A = arith.constant 0 : i32
        %dma_wait3A_341 = arith.constant 4 : i32
        %dma_wait3A_342 = arith.constant 0 : i32
        %dma_wait3A_343 = tpu.memref_slice %arg11[%dma_wait3A, %dma_wait3A_342] : memref<2x40xi32, #tpu.memory_space<vmem>> -> memref<1x40xi32, #tpu.memory_space<vmem>>
        %dma_wait3A_344 = tpu.memref_squeeze %dma_wait3A_343 : memref<1x40xi32, #tpu.memory_space<vmem>> -> memref<40xi32, #tpu.memory_space<vmem>>
        %dma_wait3A_345 = arith.constant 0 : i32
        %dma_wait3A_346 = arith.constant 0 : i32
        %dma_wait3A_347 = tpu.memref_slice %arg2[%dma_wait3A_345, %dma_wait3A_346] : memref<10000x128xf32, #tpu.memory_space<hbm>> -> memref<10000x128xf32, #tpu.memory_space<hbm>>
        %dma_wait3A_348 = tpu.memref_slice %arg27[%dma_wait3A_341] : memref<9x!tpu.dma_semaphore, #tpu.memory_space<semaphore_mem>> -> memref<1x!tpu.dma_semaphore, #tpu.memory_space<semaphore_mem>>
        %dma_wait3A_349 = tpu.memref_squeeze %dma_wait3A_348 : memref<1x!tpu.dma_semaphore, #tpu.memory_space<semaphore_mem>> -> memref<!tpu.dma_semaphore, #tpu.memory_space<semaphore_mem>>
        tpu.wait_indirect_dma semaphore(%dma_wait3A_349 : memref<!tpu.dma_semaphore, #tpu.memory_space<semaphore_mem>>) src(%dma_wait3A_347 : memref<10000x128xf32, #tpu.memory_space<hbm>>) dst(%arg20 : memref<40x128xf32, #tpu.memory_space<vmem>>)
        %dma_start3A = arith.constant 1 : i32
        %dma_start3A_350 = arith.constant 4 : i32
        %dma_start3A_351 = arith.constant 0 : i32
        %dma_start3A_352 = tpu.memref_slice %arg11[%dma_start3A, %dma_start3A_351] : memref<2x40xi32, #tpu.memory_space<vmem>> -> memref<1x40xi32, #tpu.memory_space<vmem>>
        %dma_start3A_353 = tpu.memref_squeeze %dma_start3A_352 : memref<1x40xi32, #tpu.memory_space<vmem>> -> memref<40xi32, #tpu.memory_space<vmem>>
        %dma_start3A_354 = arith.constant 0 : i32
        %dma_start3A_355 = arith.constant 0 : i32
        %dma_start3A_356 = tpu.memref_slice %arg25[%dma_start3A_354, %dma_start3A_355] : memref<10240x128xf32, #tpu.memory_space<vmem_shared>> -> memref<10240x128xf32, #tpu.memory_space<vmem_shared>>
        %dma_start3A_357 = tpu.memref_slice %arg28[%dma_start3A_350] : memref<9x!tpu.dma_semaphore, #tpu.memory_space<semaphore_mem>> -> memref<1x!tpu.dma_semaphore, #tpu.memory_space<semaphore_mem>>
        %dma_start3A_358 = tpu.memref_squeeze %dma_start3A_357 : memref<1x!tpu.dma_semaphore, #tpu.memory_space<semaphore_mem>> -> memref<!tpu.dma_semaphore, #tpu.memory_space<semaphore_mem>>
        tpu.enqueue_indirect_dma source(%arg20 : memref<40x128xf32, #tpu.memory_space<vmem>>) target(%dma_start3A_356 : memref<10240x128xf32, #tpu.memory_space<vmem_shared>>) offsets(%dma_start3A_353 : memref<40xi32, #tpu.memory_space<vmem>>) semaphore(%dma_start3A_358 : memref<!tpu.dma_semaphore, #tpu.memory_space<semaphore_mem>>) {add = true}
      } else {
      }
      %mul3A_82 = arith.constant 9 : i32
      %mul3A_83 = arith.muli %scan3A_13, %mul3A_82 : i32
      %add3A_84 = arith.constant 2 : i32
      %add3A_85 = arith.addi %mul3A_83, %add3A_84 : i32
      %sub3A_86 = arith.constant 2 : i32
      %sub3A_87 = arith.subi %add3A_85, %sub3A_86 : i32
      %sub3A_88 = arith.constant 6 : i32
      %sub3A_89 = arith.subi %add3A_85, %sub3A_88 : i32
      %ge3A_90 = arith.constant 9 : i32
      %ge3A_91 = arith.cmpi sge, %add3A_85, %ge3A_90 : i32
      %lt3A_92 = arith.constant 259 : i32
      %lt3A_93 = arith.cmpi slt, %add3A_85, %lt3A_92 : i32
      %and3A_94 = arith.andi %ge3A_91, %lt3A_93 : i1
      %convert_element_type3A_95 = arith.extui %and3A_94 : i1 to i32
      %cond3A_96 = arith.constant 0 : i32
      %cond3A_97 = arith.cmpi ne, %convert_element_type3A_95, %cond3A_96 : i32
      scf.if %cond3A_97 {
        %dma_wait3A = arith.constant 1 : i32
        %dma_wait3A_341 = arith.constant 2 : i32
        %dma_wait3A_342 = arith.constant 0 : i32
        %dma_wait3A_343 = tpu.memref_slice %arg9[%dma_wait3A, %dma_wait3A_342] : memref<2x40xi32, #tpu.memory_space<vmem>> -> memref<1x40xi32, #tpu.memory_space<vmem>>
        %dma_wait3A_344 = tpu.memref_squeeze %dma_wait3A_343 : memref<1x40xi32, #tpu.memory_space<vmem>> -> memref<40xi32, #tpu.memory_space<vmem>>
        %dma_wait3A_345 = arith.constant 0 : i32
        %dma_wait3A_346 = arith.constant 0 : i32
        %dma_wait3A_347 = tpu.memref_slice %arg25[%dma_wait3A_345, %dma_wait3A_346] : memref<10240x128xf32, #tpu.memory_space<vmem_shared>> -> memref<10240x128xf32, #tpu.memory_space<vmem_shared>>
        %dma_wait3A_348 = tpu.memref_slice %arg28[%dma_wait3A_341] : memref<9x!tpu.dma_semaphore, #tpu.memory_space<semaphore_mem>> -> memref<1x!tpu.dma_semaphore, #tpu.memory_space<semaphore_mem>>
        %dma_wait3A_349 = tpu.memref_squeeze %dma_wait3A_348 : memref<1x!tpu.dma_semaphore, #tpu.memory_space<semaphore_mem>> -> memref<!tpu.dma_semaphore, #tpu.memory_space<semaphore_mem>>
        tpu.wait_indirect_dma semaphore(%dma_wait3A_349 : memref<!tpu.dma_semaphore, #tpu.memory_space<semaphore_mem>>) src(%arg18 : memref<40x128xf32, #tpu.memory_space<vmem>>) dst(%dma_wait3A_347 : memref<10240x128xf32, #tpu.memory_space<vmem_shared>>)
      } else {
      }
      %lt3A_98 = arith.constant 250 : i32
      %lt3A_99 = arith.cmpi slt, %add3A_85, %lt3A_98 : i32
      %convert_element_type3A_100 = arith.extui %lt3A_99 : i1 to i32
      %cond3A_101 = arith.constant 0 : i32
      %cond3A_102 = arith.cmpi ne, %convert_element_type3A_100, %cond3A_101 : i32
      scf.if %cond3A_102 {
        %dma_start3A = arith.constant 0 : i32
        %dma_start3A_341 = arith.constant 2 : i32
        %dma_start3A_342 = arith.constant 0 : i32
        %dma_start3A_343 = tpu.memref_slice %arg9[%dma_start3A, %dma_start3A_342] : memref<2x40xi32, #tpu.memory_space<vmem>> -> memref<1x40xi32, #tpu.memory_space<vmem>>
        %dma_start3A_344 = tpu.memref_squeeze %dma_start3A_343 : memref<1x40xi32, #tpu.memory_space<vmem>> -> memref<40xi32, #tpu.memory_space<vmem>>
        %dma_start3A_345 = arith.constant 0 : i32
        %dma_start3A_346 = tpu.memref_slice %arg3[%add3A, %add3A_85, %dma_start3A_345] : memref<32x250x40xi32, #tpu.memory_space<hbm>> -> memref<1x1x40xi32, #tpu.memory_space<hbm>>
        %dma_start3A_347 = tpu.memref_squeeze %dma_start3A_346 : memref<1x1x40xi32, #tpu.memory_space<hbm>> -> memref<40xi32, #tpu.memory_space<hbm>>
        %dma_start3A_348 = tpu.memref_slice %arg26[%dma_start3A_341] : memref<9x!tpu.dma_semaphore, #tpu.memory_space<semaphore_mem>> -> memref<1x!tpu.dma_semaphore, #tpu.memory_space<semaphore_mem>>
        %dma_start3A_349 = tpu.memref_squeeze %dma_start3A_348 : memref<1x!tpu.dma_semaphore, #tpu.memory_space<semaphore_mem>> -> memref<!tpu.dma_semaphore, #tpu.memory_space<semaphore_mem>>
        %dma_start3A_350 = arith.constant 0 : i32
        %dma_start3A_351 = tpu.memref_slice %arg9[%dma_start3A, %dma_start3A_350] : memref<2x40xi32, #tpu.memory_space<vmem>> -> memref<1x40xi32, #tpu.memory_space<vmem>>
        %dma_start3A_352 = tpu.memref_squeeze %dma_start3A_351 : memref<1x40xi32, #tpu.memory_space<vmem>> -> memref<40xi32, #tpu.memory_space<vmem>>
        %dma_start3A_353 = arith.constant 0 : i32
        %dma_start3A_354 = tpu.memref_slice %arg3[%add3A, %add3A_85, %dma_start3A_353] : memref<32x250x40xi32, #tpu.memory_space<hbm>> -> memref<1x1x40xi32, #tpu.memory_space<hbm>>
        %dma_start3A_355 = tpu.memref_squeeze %dma_start3A_354 : memref<1x1x40xi32, #tpu.memory_space<hbm>> -> memref<40xi32, #tpu.memory_space<hbm>>
        tpu.enqueue_dma source(%dma_start3A_355 : memref<40xi32, #tpu.memory_space<hbm>>) target(%dma_start3A_352 : memref<40xi32, #tpu.memory_space<vmem>>) target_semaphore(%dma_start3A_349 : memref<!tpu.dma_semaphore, #tpu.memory_space<semaphore_mem>>)
        %dma_start3A_356 = arith.constant 1 : i32
        %dma_start3A_357 = arith.constant 2 : i32
        %dma_start3A_358 = arith.constant 0 : i32
        %dma_start3A_359 = tpu.memref_slice %arg9[%dma_start3A_356, %dma_start3A_358] : memref<2x40xi32, #tpu.memory_space<vmem>> -> memref<1x40xi32, #tpu.memory_space<vmem>>
        %dma_start3A_360 = tpu.memref_squeeze %dma_start3A_359 : memref<1x40xi32, #tpu.memory_space<vmem>> -> memref<40xi32, #tpu.memory_space<vmem>>
        %dma_start3A_361 = arith.constant 0 : i32
        %dma_start3A_362 = tpu.memref_slice %arg4[%add3A, %add3A_85, %dma_start3A_361] : memref<32x250x40xi32, #tpu.memory_space<hbm>> -> memref<1x1x40xi32, #tpu.memory_space<hbm>>
        %dma_start3A_363 = tpu.memref_squeeze %dma_start3A_362 : memref<1x1x40xi32, #tpu.memory_space<hbm>> -> memref<40xi32, #tpu.memory_space<hbm>>
        %dma_start3A_364 = tpu.memref_slice %arg26[%dma_start3A_357] : memref<9x!tpu.dma_semaphore, #tpu.memory_space<semaphore_mem>> -> memref<1x!tpu.dma_semaphore, #tpu.memory_space<semaphore_mem>>
        %dma_start3A_365 = tpu.memref_squeeze %dma_start3A_364 : memref<1x!tpu.dma_semaphore, #tpu.memory_space<semaphore_mem>> -> memref<!tpu.dma_semaphore, #tpu.memory_space<semaphore_mem>>
        %dma_start3A_366 = arith.constant 0 : i32
        %dma_start3A_367 = tpu.memref_slice %arg9[%dma_start3A_356, %dma_start3A_366] : memref<2x40xi32, #tpu.memory_space<vmem>> -> memref<1x40xi32, #tpu.memory_space<vmem>>
        %dma_start3A_368 = tpu.memref_squeeze %dma_start3A_367 : memref<1x40xi32, #tpu.memory_space<vmem>> -> memref<40xi32, #tpu.memory_space<vmem>>
        %dma_start3A_369 = arith.constant 0 : i32
        %dma_start3A_370 = tpu.memref_slice %arg4[%add3A, %add3A_85, %dma_start3A_369] : memref<32x250x40xi32, #tpu.memory_space<hbm>> -> memref<1x1x40xi32, #tpu.memory_space<hbm>>
        %dma_start3A_371 = tpu.memref_squeeze %dma_start3A_370 : memref<1x1x40xi32, #tpu.memory_space<hbm>> -> memref<40xi32, #tpu.memory_space<hbm>>
        tpu.enqueue_dma source(%dma_start3A_371 : memref<40xi32, #tpu.memory_space<hbm>>) target(%dma_start3A_368 : memref<40xi32, #tpu.memory_space<vmem>>) target_semaphore(%dma_start3A_365 : memref<!tpu.dma_semaphore, #tpu.memory_space<semaphore_mem>>)
      } else {
      }
      %ge3A_103 = arith.constant 0 : i32
      %ge3A_104 = arith.cmpi sge, %sub3A_87, %ge3A_103 : i32
      %lt3A_105 = arith.constant 250 : i32
      %lt3A_106 = arith.cmpi slt, %sub3A_87, %lt3A_105 : i32
      %and3A_107 = arith.andi %ge3A_104, %lt3A_106 : i1
      %convert_element_type3A_108 = arith.extui %and3A_107 : i1 to i32
      %cond3A_109 = arith.constant 0 : i32
      %cond3A_110 = arith.cmpi ne, %convert_element_type3A_108, %cond3A_109 : i32
      scf.if %cond3A_110 {
        %dma_wait3A = arith.constant 0 : i32
        %dma_wait3A_341 = arith.constant 0 : i32
        %dma_wait3A_342 = arith.constant 0 : i32
        %dma_wait3A_343 = tpu.memref_slice %arg7[%dma_wait3A, %dma_wait3A_342] : memref<2x40xi32, #tpu.memory_space<vmem>> -> memref<1x40xi32, #tpu.memory_space<vmem>>
        %dma_wait3A_344 = tpu.memref_squeeze %dma_wait3A_343 : memref<1x40xi32, #tpu.memory_space<vmem>> -> memref<40xi32, #tpu.memory_space<vmem>>
        %dma_wait3A_345 = arith.constant 0 : i32
        %dma_wait3A_346 = tpu.memref_slice %arg3[%add3A, %sub3A_87, %dma_wait3A_345] : memref<32x250x40xi32, #tpu.memory_space<hbm>> -> memref<1x1x40xi32, #tpu.memory_space<hbm>>
        %dma_wait3A_347 = tpu.memref_squeeze %dma_wait3A_346 : memref<1x1x40xi32, #tpu.memory_space<hbm>> -> memref<40xi32, #tpu.memory_space<hbm>>
        %dma_wait3A_348 = tpu.memref_slice %arg26[%dma_wait3A_341] : memref<9x!tpu.dma_semaphore, #tpu.memory_space<semaphore_mem>> -> memref<1x!tpu.dma_semaphore, #tpu.memory_space<semaphore_mem>>
        %dma_wait3A_349 = tpu.memref_squeeze %dma_wait3A_348 : memref<1x!tpu.dma_semaphore, #tpu.memory_space<semaphore_mem>> -> memref<!tpu.dma_semaphore, #tpu.memory_space<semaphore_mem>>
        %dma_wait3A_350 = arith.constant 0 : i32
        %dma_wait3A_351 = tpu.memref_slice %arg7[%dma_wait3A, %dma_wait3A_350] : memref<2x40xi32, #tpu.memory_space<vmem>> -> memref<1x40xi32, #tpu.memory_space<vmem>>
        %dma_wait3A_352 = tpu.memref_squeeze %dma_wait3A_351 : memref<1x40xi32, #tpu.memory_space<vmem>> -> memref<40xi32, #tpu.memory_space<vmem>>
        %dma_wait3A_353 = arith.constant 0 : i32
        %dma_wait3A_354 = tpu.memref_slice %arg3[%add3A, %sub3A_87, %dma_wait3A_353] : memref<32x250x40xi32, #tpu.memory_space<hbm>> -> memref<1x1x40xi32, #tpu.memory_space<hbm>>
        %dma_wait3A_355 = tpu.memref_squeeze %dma_wait3A_354 : memref<1x1x40xi32, #tpu.memory_space<hbm>> -> memref<40xi32, #tpu.memory_space<hbm>>
        tpu.wait_dma2 semaphore(%dma_wait3A_349 : memref<!tpu.dma_semaphore, #tpu.memory_space<semaphore_mem>>) src(%dma_wait3A_355 : memref<40xi32, #tpu.memory_space<hbm>>) dst(%dma_wait3A_352 : memref<40xi32, #tpu.memory_space<vmem>>)
        %dma_wait3A_356 = arith.constant 1 : i32
        %dma_wait3A_357 = arith.constant 0 : i32
        %dma_wait3A_358 = arith.constant 0 : i32
        %dma_wait3A_359 = tpu.memref_slice %arg7[%dma_wait3A_356, %dma_wait3A_358] : memref<2x40xi32, #tpu.memory_space<vmem>> -> memref<1x40xi32, #tpu.memory_space<vmem>>
        %dma_wait3A_360 = tpu.memref_squeeze %dma_wait3A_359 : memref<1x40xi32, #tpu.memory_space<vmem>> -> memref<40xi32, #tpu.memory_space<vmem>>
        %dma_wait3A_361 = arith.constant 0 : i32
        %dma_wait3A_362 = tpu.memref_slice %arg4[%add3A, %sub3A_87, %dma_wait3A_361] : memref<32x250x40xi32, #tpu.memory_space<hbm>> -> memref<1x1x40xi32, #tpu.memory_space<hbm>>
        %dma_wait3A_363 = tpu.memref_squeeze %dma_wait3A_362 : memref<1x1x40xi32, #tpu.memory_space<hbm>> -> memref<40xi32, #tpu.memory_space<hbm>>
        %dma_wait3A_364 = tpu.memref_slice %arg26[%dma_wait3A_357] : memref<9x!tpu.dma_semaphore, #tpu.memory_space<semaphore_mem>> -> memref<1x!tpu.dma_semaphore, #tpu.memory_space<semaphore_mem>>
        %dma_wait3A_365 = tpu.memref_squeeze %dma_wait3A_364 : memref<1x!tpu.dma_semaphore, #tpu.memory_space<semaphore_mem>> -> memref<!tpu.dma_semaphore, #tpu.memory_space<semaphore_mem>>
        %dma_wait3A_366 = arith.constant 0 : i32
        %dma_wait3A_367 = tpu.memref_slice %arg7[%dma_wait3A_356, %dma_wait3A_366] : memref<2x40xi32, #tpu.memory_space<vmem>> -> memref<1x40xi32, #tpu.memory_space<vmem>>
        %dma_wait3A_368 = tpu.memref_squeeze %dma_wait3A_367 : memref<1x40xi32, #tpu.memory_space<vmem>> -> memref<40xi32, #tpu.memory_space<vmem>>
        %dma_wait3A_369 = arith.constant 0 : i32
        %dma_wait3A_370 = tpu.memref_slice %arg4[%add3A, %sub3A_87, %dma_wait3A_369] : memref<32x250x40xi32, #tpu.memory_space<hbm>> -> memref<1x1x40xi32, #tpu.memory_space<hbm>>
        %dma_wait3A_371 = tpu.memref_squeeze %dma_wait3A_370 : memref<1x1x40xi32, #tpu.memory_space<hbm>> -> memref<40xi32, #tpu.memory_space<hbm>>
        tpu.wait_dma2 semaphore(%dma_wait3A_365 : memref<!tpu.dma_semaphore, #tpu.memory_space<semaphore_mem>>) src(%dma_wait3A_371 : memref<40xi32, #tpu.memory_space<hbm>>) dst(%dma_wait3A_368 : memref<40xi32, #tpu.memory_space<vmem>>)
        %dma_start3A = arith.constant 0 : i32
        %dma_start3A_372 = arith.constant 0 : i32
        %dma_start3A_373 = arith.constant 0 : i32
        %dma_start3A_374 = tpu.memref_slice %arg7[%dma_start3A, %dma_start3A_373] : memref<2x40xi32, #tpu.memory_space<vmem>> -> memref<1x40xi32, #tpu.memory_space<vmem>>
        %dma_start3A_375 = tpu.memref_squeeze %dma_start3A_374 : memref<1x40xi32, #tpu.memory_space<vmem>> -> memref<40xi32, #tpu.memory_space<vmem>>
        %dma_start3A_376 = arith.constant 0 : i32
        %dma_start3A_377 = arith.constant 0 : i32
        %dma_start3A_378 = tpu.memref_slice %arg2[%dma_start3A_376, %dma_start3A_377] : memref<10000x128xf32, #tpu.memory_space<hbm>> -> memref<10000x128xf32, #tpu.memory_space<hbm>>
        %dma_start3A_379 = tpu.memref_slice %arg27[%dma_start3A_372] : memref<9x!tpu.dma_semaphore, #tpu.memory_space<semaphore_mem>> -> memref<1x!tpu.dma_semaphore, #tpu.memory_space<semaphore_mem>>
        %dma_start3A_380 = tpu.memref_squeeze %dma_start3A_379 : memref<1x!tpu.dma_semaphore, #tpu.memory_space<semaphore_mem>> -> memref<!tpu.dma_semaphore, #tpu.memory_space<semaphore_mem>>
        tpu.enqueue_indirect_dma source(%dma_start3A_378 : memref<10000x128xf32, #tpu.memory_space<hbm>>) target(%arg16 : memref<40x128xf32, #tpu.memory_space<vmem>>) offsets(%dma_start3A_375 : memref<40xi32, #tpu.memory_space<vmem>>) semaphore(%dma_start3A_380 : memref<!tpu.dma_semaphore, #tpu.memory_space<semaphore_mem>>)
      } else {
      }
      %ge3A_111 = arith.constant 0 : i32
      %ge3A_112 = arith.cmpi sge, %sub3A_89, %ge3A_111 : i32
      %lt3A_113 = arith.constant 250 : i32
      %lt3A_114 = arith.cmpi slt, %sub3A_89, %lt3A_113 : i32
      %and3A_115 = arith.andi %ge3A_112, %lt3A_114 : i1
      %convert_element_type3A_116 = arith.extui %and3A_115 : i1 to i32
      %cond3A_117 = arith.constant 0 : i32
      %cond3A_118 = arith.cmpi ne, %convert_element_type3A_116, %cond3A_117 : i32
      scf.if %cond3A_118 {
        %dma_wait3A = arith.constant 0 : i32
        %dma_wait3A_341 = arith.constant 5 : i32
        %dma_wait3A_342 = arith.constant 0 : i32
        %dma_wait3A_343 = tpu.memref_slice %arg12[%dma_wait3A, %dma_wait3A_342] : memref<2x40xi32, #tpu.memory_space<vmem>> -> memref<1x40xi32, #tpu.memory_space<vmem>>
        %dma_wait3A_344 = tpu.memref_squeeze %dma_wait3A_343 : memref<1x40xi32, #tpu.memory_space<vmem>> -> memref<40xi32, #tpu.memory_space<vmem>>
        %dma_wait3A_345 = arith.constant 0 : i32
        %dma_wait3A_346 = arith.constant 0 : i32
        %dma_wait3A_347 = tpu.memref_slice %arg2[%dma_wait3A_345, %dma_wait3A_346] : memref<10000x128xf32, #tpu.memory_space<hbm>> -> memref<10000x128xf32, #tpu.memory_space<hbm>>
        %dma_wait3A_348 = tpu.memref_slice %arg27[%dma_wait3A_341] : memref<9x!tpu.dma_semaphore, #tpu.memory_space<semaphore_mem>> -> memref<1x!tpu.dma_semaphore, #tpu.memory_space<semaphore_mem>>
        %dma_wait3A_349 = tpu.memref_squeeze %dma_wait3A_348 : memref<1x!tpu.dma_semaphore, #tpu.memory_space<semaphore_mem>> -> memref<!tpu.dma_semaphore, #tpu.memory_space<semaphore_mem>>
        tpu.wait_indirect_dma semaphore(%dma_wait3A_349 : memref<!tpu.dma_semaphore, #tpu.memory_space<semaphore_mem>>) src(%dma_wait3A_347 : memref<10000x128xf32, #tpu.memory_space<hbm>>) dst(%arg21 : memref<40x128xf32, #tpu.memory_space<vmem>>)
        %dma_start3A = arith.constant 1 : i32
        %dma_start3A_350 = arith.constant 5 : i32
        %dma_start3A_351 = arith.constant 0 : i32
        %dma_start3A_352 = tpu.memref_slice %arg12[%dma_start3A, %dma_start3A_351] : memref<2x40xi32, #tpu.memory_space<vmem>> -> memref<1x40xi32, #tpu.memory_space<vmem>>
        %dma_start3A_353 = tpu.memref_squeeze %dma_start3A_352 : memref<1x40xi32, #tpu.memory_space<vmem>> -> memref<40xi32, #tpu.memory_space<vmem>>
        %dma_start3A_354 = arith.constant 0 : i32
        %dma_start3A_355 = arith.constant 0 : i32
        %dma_start3A_356 = tpu.memref_slice %arg25[%dma_start3A_354, %dma_start3A_355] : memref<10240x128xf32, #tpu.memory_space<vmem_shared>> -> memref<10240x128xf32, #tpu.memory_space<vmem_shared>>
        %dma_start3A_357 = tpu.memref_slice %arg28[%dma_start3A_350] : memref<9x!tpu.dma_semaphore, #tpu.memory_space<semaphore_mem>> -> memref<1x!tpu.dma_semaphore, #tpu.memory_space<semaphore_mem>>
        %dma_start3A_358 = tpu.memref_squeeze %dma_start3A_357 : memref<1x!tpu.dma_semaphore, #tpu.memory_space<semaphore_mem>> -> memref<!tpu.dma_semaphore, #tpu.memory_space<semaphore_mem>>
        tpu.enqueue_indirect_dma source(%arg21 : memref<40x128xf32, #tpu.memory_space<vmem>>) target(%dma_start3A_356 : memref<10240x128xf32, #tpu.memory_space<vmem_shared>>) offsets(%dma_start3A_353 : memref<40xi32, #tpu.memory_space<vmem>>) semaphore(%dma_start3A_358 : memref<!tpu.dma_semaphore, #tpu.memory_space<semaphore_mem>>) {add = true}
      } else {
      }
      %mul3A_119 = arith.constant 9 : i32
      %mul3A_120 = arith.muli %scan3A_13, %mul3A_119 : i32
      %add3A_121 = arith.constant 3 : i32
      %add3A_122 = arith.addi %mul3A_120, %add3A_121 : i32
      %sub3A_123 = arith.constant 2 : i32
      %sub3A_124 = arith.subi %add3A_122, %sub3A_123 : i32
      %sub3A_125 = arith.constant 6 : i32
      %sub3A_126 = arith.subi %add3A_122, %sub3A_125 : i32
      %ge3A_127 = arith.constant 9 : i32
      %ge3A_128 = arith.cmpi sge, %add3A_122, %ge3A_127 : i32
      %lt3A_129 = arith.constant 259 : i32
      %lt3A_130 = arith.cmpi slt, %add3A_122, %lt3A_129 : i32
      %and3A_131 = arith.andi %ge3A_128, %lt3A_130 : i1
      %convert_element_type3A_132 = arith.extui %and3A_131 : i1 to i32
      %cond3A_133 = arith.constant 0 : i32
      %cond3A_134 = arith.cmpi ne, %convert_element_type3A_132, %cond3A_133 : i32
      scf.if %cond3A_134 {
        %dma_wait3A = arith.constant 1 : i32
        %dma_wait3A_341 = arith.constant 3 : i32
        %dma_wait3A_342 = arith.constant 0 : i32
        %dma_wait3A_343 = tpu.memref_slice %arg10[%dma_wait3A, %dma_wait3A_342] : memref<2x40xi32, #tpu.memory_space<vmem>> -> memref<1x40xi32, #tpu.memory_space<vmem>>
        %dma_wait3A_344 = tpu.memref_squeeze %dma_wait3A_343 : memref<1x40xi32, #tpu.memory_space<vmem>> -> memref<40xi32, #tpu.memory_space<vmem>>
        %dma_wait3A_345 = arith.constant 0 : i32
        %dma_wait3A_346 = arith.constant 0 : i32
        %dma_wait3A_347 = tpu.memref_slice %arg25[%dma_wait3A_345, %dma_wait3A_346] : memref<10240x128xf32, #tpu.memory_space<vmem_shared>> -> memref<10240x128xf32, #tpu.memory_space<vmem_shared>>
        %dma_wait3A_348 = tpu.memref_slice %arg28[%dma_wait3A_341] : memref<9x!tpu.dma_semaphore, #tpu.memory_space<semaphore_mem>> -> memref<1x!tpu.dma_semaphore, #tpu.memory_space<semaphore_mem>>
        %dma_wait3A_349 = tpu.memref_squeeze %dma_wait3A_348 : memref<1x!tpu.dma_semaphore, #tpu.memory_space<semaphore_mem>> -> memref<!tpu.dma_semaphore, #tpu.memory_space<semaphore_mem>>
        tpu.wait_indirect_dma semaphore(%dma_wait3A_349 : memref<!tpu.dma_semaphore, #tpu.memory_space<semaphore_mem>>) src(%arg19 : memref<40x128xf32, #tpu.memory_space<vmem>>) dst(%dma_wait3A_347 : memref<10240x128xf32, #tpu.memory_space<vmem_shared>>)
      } else {
      }
      %lt3A_135 = arith.constant 250 : i32
      %lt3A_136 = arith.cmpi slt, %add3A_122, %lt3A_135 : i32
      %convert_element_type3A_137 = arith.extui %lt3A_136 : i1 to i32
      %cond3A_138 = arith.constant 0 : i32
      %cond3A_139 = arith.cmpi ne, %convert_element_type3A_137, %cond3A_138 : i32
      scf.if %cond3A_139 {
        %dma_start3A = arith.constant 0 : i32
        %dma_start3A_341 = arith.constant 3 : i32
        %dma_start3A_342 = arith.constant 0 : i32
        %dma_start3A_343 = tpu.memref_slice %arg10[%dma_start3A, %dma_start3A_342] : memref<2x40xi32, #tpu.memory_space<vmem>> -> memref<1x40xi32, #tpu.memory_space<vmem>>
        %dma_start3A_344 = tpu.memref_squeeze %dma_start3A_343 : memref<1x40xi32, #tpu.memory_space<vmem>> -> memref<40xi32, #tpu.memory_space<vmem>>
        %dma_start3A_345 = arith.constant 0 : i32
        %dma_start3A_346 = tpu.memref_slice %arg3[%add3A, %add3A_122, %dma_start3A_345] : memref<32x250x40xi32, #tpu.memory_space<hbm>> -> memref<1x1x40xi32, #tpu.memory_space<hbm>>
        %dma_start3A_347 = tpu.memref_squeeze %dma_start3A_346 : memref<1x1x40xi32, #tpu.memory_space<hbm>> -> memref<40xi32, #tpu.memory_space<hbm>>
        %dma_start3A_348 = tpu.memref_slice %arg26[%dma_start3A_341] : memref<9x!tpu.dma_semaphore, #tpu.memory_space<semaphore_mem>> -> memref<1x!tpu.dma_semaphore, #tpu.memory_space<semaphore_mem>>
        %dma_start3A_349 = tpu.memref_squeeze %dma_start3A_348 : memref<1x!tpu.dma_semaphore, #tpu.memory_space<semaphore_mem>> -> memref<!tpu.dma_semaphore, #tpu.memory_space<semaphore_mem>>
        %dma_start3A_350 = arith.constant 0 : i32
        %dma_start3A_351 = tpu.memref_slice %arg10[%dma_start3A, %dma_start3A_350] : memref<2x40xi32, #tpu.memory_space<vmem>> -> memref<1x40xi32, #tpu.memory_space<vmem>>
        %dma_start3A_352 = tpu.memref_squeeze %dma_start3A_351 : memref<1x40xi32, #tpu.memory_space<vmem>> -> memref<40xi32, #tpu.memory_space<vmem>>
        %dma_start3A_353 = arith.constant 0 : i32
        %dma_start3A_354 = tpu.memref_slice %arg3[%add3A, %add3A_122, %dma_start3A_353] : memref<32x250x40xi32, #tpu.memory_space<hbm>> -> memref<1x1x40xi32, #tpu.memory_space<hbm>>
        %dma_start3A_355 = tpu.memref_squeeze %dma_start3A_354 : memref<1x1x40xi32, #tpu.memory_space<hbm>> -> memref<40xi32, #tpu.memory_space<hbm>>
        tpu.enqueue_dma source(%dma_start3A_355 : memref<40xi32, #tpu.memory_space<hbm>>) target(%dma_start3A_352 : memref<40xi32, #tpu.memory_space<vmem>>) target_semaphore(%dma_start3A_349 : memref<!tpu.dma_semaphore, #tpu.memory_space<semaphore_mem>>)
        %dma_start3A_356 = arith.constant 1 : i32
        %dma_start3A_357 = arith.constant 3 : i32
        %dma_start3A_358 = arith.constant 0 : i32
        %dma_start3A_359 = tpu.memref_slice %arg10[%dma_start3A_356, %dma_start3A_358] : memref<2x40xi32, #tpu.memory_space<vmem>> -> memref<1x40xi32, #tpu.memory_space<vmem>>
        %dma_start3A_360 = tpu.memref_squeeze %dma_start3A_359 : memref<1x40xi32, #tpu.memory_space<vmem>> -> memref<40xi32, #tpu.memory_space<vmem>>
        %dma_start3A_361 = arith.constant 0 : i32
        %dma_start3A_362 = tpu.memref_slice %arg4[%add3A, %add3A_122, %dma_start3A_361] : memref<32x250x40xi32, #tpu.memory_space<hbm>> -> memref<1x1x40xi32, #tpu.memory_space<hbm>>
        %dma_start3A_363 = tpu.memref_squeeze %dma_start3A_362 : memref<1x1x40xi32, #tpu.memory_space<hbm>> -> memref<40xi32, #tpu.memory_space<hbm>>
        %dma_start3A_364 = tpu.memref_slice %arg26[%dma_start3A_357] : memref<9x!tpu.dma_semaphore, #tpu.memory_space<semaphore_mem>> -> memref<1x!tpu.dma_semaphore, #tpu.memory_space<semaphore_mem>>
        %dma_start3A_365 = tpu.memref_squeeze %dma_start3A_364 : memref<1x!tpu.dma_semaphore, #tpu.memory_space<semaphore_mem>> -> memref<!tpu.dma_semaphore, #tpu.memory_space<semaphore_mem>>
        %dma_start3A_366 = arith.constant 0 : i32
        %dma_start3A_367 = tpu.memref_slice %arg10[%dma_start3A_356, %dma_start3A_366] : memref<2x40xi32, #tpu.memory_space<vmem>> -> memref<1x40xi32, #tpu.memory_space<vmem>>
        %dma_start3A_368 = tpu.memref_squeeze %dma_start3A_367 : memref<1x40xi32, #tpu.memory_space<vmem>> -> memref<40xi32, #tpu.memory_space<vmem>>
        %dma_start3A_369 = arith.constant 0 : i32
        %dma_start3A_370 = tpu.memref_slice %arg4[%add3A, %add3A_122, %dma_start3A_369] : memref<32x250x40xi32, #tpu.memory_space<hbm>> -> memref<1x1x40xi32, #tpu.memory_space<hbm>>
        %dma_start3A_371 = tpu.memref_squeeze %dma_start3A_370 : memref<1x1x40xi32, #tpu.memory_space<hbm>> -> memref<40xi32, #tpu.memory_space<hbm>>
        tpu.enqueue_dma source(%dma_start3A_371 : memref<40xi32, #tpu.memory_space<hbm>>) target(%dma_start3A_368 : memref<40xi32, #tpu.memory_space<vmem>>) target_semaphore(%dma_start3A_365 : memref<!tpu.dma_semaphore, #tpu.memory_space<semaphore_mem>>)
      } else {
      }
      %ge3A_140 = arith.constant 0 : i32
      %ge3A_141 = arith.cmpi sge, %sub3A_124, %ge3A_140 : i32
      %lt3A_142 = arith.constant 250 : i32
      %lt3A_143 = arith.cmpi slt, %sub3A_124, %lt3A_142 : i32
      %and3A_144 = arith.andi %ge3A_141, %lt3A_143 : i1
      %convert_element_type3A_145 = arith.extui %and3A_144 : i1 to i32
      %cond3A_146 = arith.constant 0 : i32
      %cond3A_147 = arith.cmpi ne, %convert_element_type3A_145, %cond3A_146 : i32
      scf.if %cond3A_147 {
        %dma_wait3A = arith.constant 0 : i32
        %dma_wait3A_341 = arith.constant 1 : i32
        %dma_wait3A_342 = arith.constant 0 : i32
        %dma_wait3A_343 = tpu.memref_slice %arg8[%dma_wait3A, %dma_wait3A_342] : memref<2x40xi32, #tpu.memory_space<vmem>> -> memref<1x40xi32, #tpu.memory_space<vmem>>
        %dma_wait3A_344 = tpu.memref_squeeze %dma_wait3A_343 : memref<1x40xi32, #tpu.memory_space<vmem>> -> memref<40xi32, #tpu.memory_space<vmem>>
        %dma_wait3A_345 = arith.constant 0 : i32
        %dma_wait3A_346 = tpu.memref_slice %arg3[%add3A, %sub3A_124, %dma_wait3A_345] : memref<32x250x40xi32, #tpu.memory_space<hbm>> -> memref<1x1x40xi32, #tpu.memory_space<hbm>>
        %dma_wait3A_347 = tpu.memref_squeeze %dma_wait3A_346 : memref<1x1x40xi32, #tpu.memory_space<hbm>> -> memref<40xi32, #tpu.memory_space<hbm>>
        %dma_wait3A_348 = tpu.memref_slice %arg26[%dma_wait3A_341] : memref<9x!tpu.dma_semaphore, #tpu.memory_space<semaphore_mem>> -> memref<1x!tpu.dma_semaphore, #tpu.memory_space<semaphore_mem>>
        %dma_wait3A_349 = tpu.memref_squeeze %dma_wait3A_348 : memref<1x!tpu.dma_semaphore, #tpu.memory_space<semaphore_mem>> -> memref<!tpu.dma_semaphore, #tpu.memory_space<semaphore_mem>>
        %dma_wait3A_350 = arith.constant 0 : i32
        %dma_wait3A_351 = tpu.memref_slice %arg8[%dma_wait3A, %dma_wait3A_350] : memref<2x40xi32, #tpu.memory_space<vmem>> -> memref<1x40xi32, #tpu.memory_space<vmem>>
        %dma_wait3A_352 = tpu.memref_squeeze %dma_wait3A_351 : memref<1x40xi32, #tpu.memory_space<vmem>> -> memref<40xi32, #tpu.memory_space<vmem>>
        %dma_wait3A_353 = arith.constant 0 : i32
        %dma_wait3A_354 = tpu.memref_slice %arg3[%add3A, %sub3A_124, %dma_wait3A_353] : memref<32x250x40xi32, #tpu.memory_space<hbm>> -> memref<1x1x40xi32, #tpu.memory_space<hbm>>
        %dma_wait3A_355 = tpu.memref_squeeze %dma_wait3A_354 : memref<1x1x40xi32, #tpu.memory_space<hbm>> -> memref<40xi32, #tpu.memory_space<hbm>>
        tpu.wait_dma2 semaphore(%dma_wait3A_349 : memref<!tpu.dma_semaphore, #tpu.memory_space<semaphore_mem>>) src(%dma_wait3A_355 : memref<40xi32, #tpu.memory_space<hbm>>) dst(%dma_wait3A_352 : memref<40xi32, #tpu.memory_space<vmem>>)
        %dma_wait3A_356 = arith.constant 1 : i32
        %dma_wait3A_357 = arith.constant 1 : i32
        %dma_wait3A_358 = arith.constant 0 : i32
        %dma_wait3A_359 = tpu.memref_slice %arg8[%dma_wait3A_356, %dma_wait3A_358] : memref<2x40xi32, #tpu.memory_space<vmem>> -> memref<1x40xi32, #tpu.memory_space<vmem>>
        %dma_wait3A_360 = tpu.memref_squeeze %dma_wait3A_359 : memref<1x40xi32, #tpu.memory_space<vmem>> -> memref<40xi32, #tpu.memory_space<vmem>>
        %dma_wait3A_361 = arith.constant 0 : i32
        %dma_wait3A_362 = tpu.memref_slice %arg4[%add3A, %sub3A_124, %dma_wait3A_361] : memref<32x250x40xi32, #tpu.memory_space<hbm>> -> memref<1x1x40xi32, #tpu.memory_space<hbm>>
        %dma_wait3A_363 = tpu.memref_squeeze %dma_wait3A_362 : memref<1x1x40xi32, #tpu.memory_space<hbm>> -> memref<40xi32, #tpu.memory_space<hbm>>
        %dma_wait3A_364 = tpu.memref_slice %arg26[%dma_wait3A_357] : memref<9x!tpu.dma_semaphore, #tpu.memory_space<semaphore_mem>> -> memref<1x!tpu.dma_semaphore, #tpu.memory_space<semaphore_mem>>
        %dma_wait3A_365 = tpu.memref_squeeze %dma_wait3A_364 : memref<1x!tpu.dma_semaphore, #tpu.memory_space<semaphore_mem>> -> memref<!tpu.dma_semaphore, #tpu.memory_space<semaphore_mem>>
        %dma_wait3A_366 = arith.constant 0 : i32
        %dma_wait3A_367 = tpu.memref_slice %arg8[%dma_wait3A_356, %dma_wait3A_366] : memref<2x40xi32, #tpu.memory_space<vmem>> -> memref<1x40xi32, #tpu.memory_space<vmem>>
        %dma_wait3A_368 = tpu.memref_squeeze %dma_wait3A_367 : memref<1x40xi32, #tpu.memory_space<vmem>> -> memref<40xi32, #tpu.memory_space<vmem>>
        %dma_wait3A_369 = arith.constant 0 : i32
        %dma_wait3A_370 = tpu.memref_slice %arg4[%add3A, %sub3A_124, %dma_wait3A_369] : memref<32x250x40xi32, #tpu.memory_space<hbm>> -> memref<1x1x40xi32, #tpu.memory_space<hbm>>
        %dma_wait3A_371 = tpu.memref_squeeze %dma_wait3A_370 : memref<1x1x40xi32, #tpu.memory_space<hbm>> -> memref<40xi32, #tpu.memory_space<hbm>>
        tpu.wait_dma2 semaphore(%dma_wait3A_365 : memref<!tpu.dma_semaphore, #tpu.memory_space<semaphore_mem>>) src(%dma_wait3A_371 : memref<40xi32, #tpu.memory_space<hbm>>) dst(%dma_wait3A_368 : memref<40xi32, #tpu.memory_space<vmem>>)
        %dma_start3A = arith.constant 0 : i32
        %dma_start3A_372 = arith.constant 1 : i32
        %dma_start3A_373 = arith.constant 0 : i32
        %dma_start3A_374 = tpu.memref_slice %arg8[%dma_start3A, %dma_start3A_373] : memref<2x40xi32, #tpu.memory_space<vmem>> -> memref<1x40xi32, #tpu.memory_space<vmem>>
        %dma_start3A_375 = tpu.memref_squeeze %dma_start3A_374 : memref<1x40xi32, #tpu.memory_space<vmem>> -> memref<40xi32, #tpu.memory_space<vmem>>
        %dma_start3A_376 = arith.constant 0 : i32
        %dma_start3A_377 = arith.constant 0 : i32
        %dma_start3A_378 = tpu.memref_slice %arg2[%dma_start3A_376, %dma_start3A_377] : memref<10000x128xf32, #tpu.memory_space<hbm>> -> memref<10000x128xf32, #tpu.memory_space<hbm>>
        %dma_start3A_379 = tpu.memref_slice %arg27[%dma_start3A_372] : memref<9x!tpu.dma_semaphore, #tpu.memory_space<semaphore_mem>> -> memref<1x!tpu.dma_semaphore, #tpu.memory_space<semaphore_mem>>
        %dma_start3A_380 = tpu.memref_squeeze %dma_start3A_379 : memref<1x!tpu.dma_semaphore, #tpu.memory_space<semaphore_mem>> -> memref<!tpu.dma_semaphore, #tpu.memory_space<semaphore_mem>>
        tpu.enqueue_indirect_dma source(%dma_start3A_378 : memref<10000x128xf32, #tpu.memory_space<hbm>>) target(%arg17 : memref<40x128xf32, #tpu.memory_space<vmem>>) offsets(%dma_start3A_375 : memref<40xi32, #tpu.memory_space<vmem>>) semaphore(%dma_start3A_380 : memref<!tpu.dma_semaphore, #tpu.memory_space<semaphore_mem>>)
      } else {
      }
      %ge3A_148 = arith.constant 0 : i32
      %ge3A_149 = arith.cmpi sge, %sub3A_126, %ge3A_148 : i32
      %lt3A_150 = arith.constant 250 : i32
      %lt3A_151 = arith.cmpi slt, %sub3A_126, %lt3A_150 : i32
      %and3A_152 = arith.andi %ge3A_149, %lt3A_151 : i1
      %convert_element_type3A_153 = arith.extui %and3A_152 : i1 to i32
      %cond3A_154 = arith.constant 0 : i32
      %cond3A_155 = arith.cmpi ne, %convert_element_type3A_153, %cond3A_154 : i32
      scf.if %cond3A_155 {
        %dma_wait3A = arith.constant 0 : i32
        %dma_wait3A_341 = arith.constant 6 : i32
        %dma_wait3A_342 = arith.constant 0 : i32
        %dma_wait3A_343 = tpu.memref_slice %arg13[%dma_wait3A, %dma_wait3A_342] : memref<2x40xi32, #tpu.memory_space<vmem>> -> memref<1x40xi32, #tpu.memory_space<vmem>>
        %dma_wait3A_344 = tpu.memref_squeeze %dma_wait3A_343 : memref<1x40xi32, #tpu.memory_space<vmem>> -> memref<40xi32, #tpu.memory_space<vmem>>
        %dma_wait3A_345 = arith.constant 0 : i32
        %dma_wait3A_346 = arith.constant 0 : i32
        %dma_wait3A_347 = tpu.memref_slice %arg2[%dma_wait3A_345, %dma_wait3A_346] : memref<10000x128xf32, #tpu.memory_space<hbm>> -> memref<10000x128xf32, #tpu.memory_space<hbm>>
        %dma_wait3A_348 = tpu.memref_slice %arg27[%dma_wait3A_341] : memref<9x!tpu.dma_semaphore, #tpu.memory_space<semaphore_mem>> -> memref<1x!tpu.dma_semaphore, #tpu.memory_space<semaphore_mem>>
        %dma_wait3A_349 = tpu.memref_squeeze %dma_wait3A_348 : memref<1x!tpu.dma_semaphore, #tpu.memory_space<semaphore_mem>> -> memref<!tpu.dma_semaphore, #tpu.memory_space<semaphore_mem>>
        tpu.wait_indirect_dma semaphore(%dma_wait3A_349 : memref<!tpu.dma_semaphore, #tpu.memory_space<semaphore_mem>>) src(%dma_wait3A_347 : memref<10000x128xf32, #tpu.memory_space<hbm>>) dst(%arg22 : memref<40x128xf32, #tpu.memory_space<vmem>>)
        %dma_start3A = arith.constant 1 : i32
        %dma_start3A_350 = arith.constant 6 : i32
        %dma_start3A_351 = arith.constant 0 : i32
        %dma_start3A_352 = tpu.memref_slice %arg13[%dma_start3A, %dma_start3A_351] : memref<2x40xi32, #tpu.memory_space<vmem>> -> memref<1x40xi32, #tpu.memory_space<vmem>>
        %dma_start3A_353 = tpu.memref_squeeze %dma_start3A_352 : memref<1x40xi32, #tpu.memory_space<vmem>> -> memref<40xi32, #tpu.memory_space<vmem>>
        %dma_start3A_354 = arith.constant 0 : i32
        %dma_start3A_355 = arith.constant 0 : i32
        %dma_start3A_356 = tpu.memref_slice %arg25[%dma_start3A_354, %dma_start3A_355] : memref<10240x128xf32, #tpu.memory_space<vmem_shared>> -> memref<10240x128xf32, #tpu.memory_space<vmem_shared>>
        %dma_start3A_357 = tpu.memref_slice %arg28[%dma_start3A_350] : memref<9x!tpu.dma_semaphore, #tpu.memory_space<semaphore_mem>> -> memref<1x!tpu.dma_semaphore, #tpu.memory_space<semaphore_mem>>
        %dma_start3A_358 = tpu.memref_squeeze %dma_start3A_357 : memref<1x!tpu.dma_semaphore, #tpu.memory_space<semaphore_mem>> -> memref<!tpu.dma_semaphore, #tpu.memory_space<semaphore_mem>>
        tpu.enqueue_indirect_dma source(%arg22 : memref<40x128xf32, #tpu.memory_space<vmem>>) target(%dma_start3A_356 : memref<10240x128xf32, #tpu.memory_space<vmem_shared>>) offsets(%dma_start3A_353 : memref<40xi32, #tpu.memory_space<vmem>>) semaphore(%dma_start3A_358 : memref<!tpu.dma_semaphore, #tpu.memory_space<semaphore_mem>>) {add = true}
      } else {
      }
      %mul3A_156 = arith.constant 9 : i32
      %mul3A_157 = arith.muli %scan3A_13, %mul3A_156 : i32
      %add3A_158 = arith.constant 4 : i32
      %add3A_159 = arith.addi %mul3A_157, %add3A_158 : i32
      %sub3A_160 = arith.constant 2 : i32
      %sub3A_161 = arith.subi %add3A_159, %sub3A_160 : i32
      %sub3A_162 = arith.constant 6 : i32
      %sub3A_163 = arith.subi %add3A_159, %sub3A_162 : i32
      %ge3A_164 = arith.constant 9 : i32
      %ge3A_165 = arith.cmpi sge, %add3A_159, %ge3A_164 : i32
      %lt3A_166 = arith.constant 259 : i32
      %lt3A_167 = arith.cmpi slt, %add3A_159, %lt3A_166 : i32
      %and3A_168 = arith.andi %ge3A_165, %lt3A_167 : i1
      %convert_element_type3A_169 = arith.extui %and3A_168 : i1 to i32
      %cond3A_170 = arith.constant 0 : i32
      %cond3A_171 = arith.cmpi ne, %convert_element_type3A_169, %cond3A_170 : i32
      scf.if %cond3A_171 {
        %dma_wait3A = arith.constant 1 : i32
        %dma_wait3A_341 = arith.constant 4 : i32
        %dma_wait3A_342 = arith.constant 0 : i32
        %dma_wait3A_343 = tpu.memref_slice %arg11[%dma_wait3A, %dma_wait3A_342] : memref<2x40xi32, #tpu.memory_space<vmem>> -> memref<1x40xi32, #tpu.memory_space<vmem>>
        %dma_wait3A_344 = tpu.memref_squeeze %dma_wait3A_343 : memref<1x40xi32, #tpu.memory_space<vmem>> -> memref<40xi32, #tpu.memory_space<vmem>>
        %dma_wait3A_345 = arith.constant 0 : i32
        %dma_wait3A_346 = arith.constant 0 : i32
        %dma_wait3A_347 = tpu.memref_slice %arg25[%dma_wait3A_345, %dma_wait3A_346] : memref<10240x128xf32, #tpu.memory_space<vmem_shared>> -> memref<10240x128xf32, #tpu.memory_space<vmem_shared>>
        %dma_wait3A_348 = tpu.memref_slice %arg28[%dma_wait3A_341] : memref<9x!tpu.dma_semaphore, #tpu.memory_space<semaphore_mem>> -> memref<1x!tpu.dma_semaphore, #tpu.memory_space<semaphore_mem>>
        %dma_wait3A_349 = tpu.memref_squeeze %dma_wait3A_348 : memref<1x!tpu.dma_semaphore, #tpu.memory_space<semaphore_mem>> -> memref<!tpu.dma_semaphore, #tpu.memory_space<semaphore_mem>>
        tpu.wait_indirect_dma semaphore(%dma_wait3A_349 : memref<!tpu.dma_semaphore, #tpu.memory_space<semaphore_mem>>) src(%arg20 : memref<40x128xf32, #tpu.memory_space<vmem>>) dst(%dma_wait3A_347 : memref<10240x128xf32, #tpu.memory_space<vmem_shared>>)
      } else {
      }
      %lt3A_172 = arith.constant 250 : i32
      %lt3A_173 = arith.cmpi slt, %add3A_159, %lt3A_172 : i32
      %convert_element_type3A_174 = arith.extui %lt3A_173 : i1 to i32
      %cond3A_175 = arith.constant 0 : i32
      %cond3A_176 = arith.cmpi ne, %convert_element_type3A_174, %cond3A_175 : i32
      scf.if %cond3A_176 {
        %dma_start3A = arith.constant 0 : i32
        %dma_start3A_341 = arith.constant 4 : i32
        %dma_start3A_342 = arith.constant 0 : i32
        %dma_start3A_343 = tpu.memref_slice %arg11[%dma_start3A, %dma_start3A_342] : memref<2x40xi32, #tpu.memory_space<vmem>> -> memref<1x40xi32, #tpu.memory_space<vmem>>
        %dma_start3A_344 = tpu.memref_squeeze %dma_start3A_343 : memref<1x40xi32, #tpu.memory_space<vmem>> -> memref<40xi32, #tpu.memory_space<vmem>>
        %dma_start3A_345 = arith.constant 0 : i32
        %dma_start3A_346 = tpu.memref_slice %arg3[%add3A, %add3A_159, %dma_start3A_345] : memref<32x250x40xi32, #tpu.memory_space<hbm>> -> memref<1x1x40xi32, #tpu.memory_space<hbm>>
        %dma_start3A_347 = tpu.memref_squeeze %dma_start3A_346 : memref<1x1x40xi32, #tpu.memory_space<hbm>> -> memref<40xi32, #tpu.memory_space<hbm>>
        %dma_start3A_348 = tpu.memref_slice %arg26[%dma_start3A_341] : memref<9x!tpu.dma_semaphore, #tpu.memory_space<semaphore_mem>> -> memref<1x!tpu.dma_semaphore, #tpu.memory_space<semaphore_mem>>
        %dma_start3A_349 = tpu.memref_squeeze %dma_start3A_348 : memref<1x!tpu.dma_semaphore, #tpu.memory_space<semaphore_mem>> -> memref<!tpu.dma_semaphore, #tpu.memory_space<semaphore_mem>>
        %dma_start3A_350 = arith.constant 0 : i32
        %dma_start3A_351 = tpu.memref_slice %arg11[%dma_start3A, %dma_start3A_350] : memref<2x40xi32, #tpu.memory_space<vmem>> -> memref<1x40xi32, #tpu.memory_space<vmem>>
        %dma_start3A_352 = tpu.memref_squeeze %dma_start3A_351 : memref<1x40xi32, #tpu.memory_space<vmem>> -> memref<40xi32, #tpu.memory_space<vmem>>
        %dma_start3A_353 = arith.constant 0 : i32
        %dma_start3A_354 = tpu.memref_slice %arg3[%add3A, %add3A_159, %dma_start3A_353] : memref<32x250x40xi32, #tpu.memory_space<hbm>> -> memref<1x1x40xi32, #tpu.memory_space<hbm>>
        %dma_start3A_355 = tpu.memref_squeeze %dma_start3A_354 : memref<1x1x40xi32, #tpu.memory_space<hbm>> -> memref<40xi32, #tpu.memory_space<hbm>>
        tpu.enqueue_dma source(%dma_start3A_355 : memref<40xi32, #tpu.memory_space<hbm>>) target(%dma_start3A_352 : memref<40xi32, #tpu.memory_space<vmem>>) target_semaphore(%dma_start3A_349 : memref<!tpu.dma_semaphore, #tpu.memory_space<semaphore_mem>>)
        %dma_start3A_356 = arith.constant 1 : i32
        %dma_start3A_357 = arith.constant 4 : i32
        %dma_start3A_358 = arith.constant 0 : i32
        %dma_start3A_359 = tpu.memref_slice %arg11[%dma_start3A_356, %dma_start3A_358] : memref<2x40xi32, #tpu.memory_space<vmem>> -> memref<1x40xi32, #tpu.memory_space<vmem>>
        %dma_start3A_360 = tpu.memref_squeeze %dma_start3A_359 : memref<1x40xi32, #tpu.memory_space<vmem>> -> memref<40xi32, #tpu.memory_space<vmem>>
        %dma_start3A_361 = arith.constant 0 : i32
        %dma_start3A_362 = tpu.memref_slice %arg4[%add3A, %add3A_159, %dma_start3A_361] : memref<32x250x40xi32, #tpu.memory_space<hbm>> -> memref<1x1x40xi32, #tpu.memory_space<hbm>>
        %dma_start3A_363 = tpu.memref_squeeze %dma_start3A_362 : memref<1x1x40xi32, #tpu.memory_space<hbm>> -> memref<40xi32, #tpu.memory_space<hbm>>
        %dma_start3A_364 = tpu.memref_slice %arg26[%dma_start3A_357] : memref<9x!tpu.dma_semaphore, #tpu.memory_space<semaphore_mem>> -> memref<1x!tpu.dma_semaphore, #tpu.memory_space<semaphore_mem>>
        %dma_start3A_365 = tpu.memref_squeeze %dma_start3A_364 : memref<1x!tpu.dma_semaphore, #tpu.memory_space<semaphore_mem>> -> memref<!tpu.dma_semaphore, #tpu.memory_space<semaphore_mem>>
        %dma_start3A_366 = arith.constant 0 : i32
        %dma_start3A_367 = tpu.memref_slice %arg11[%dma_start3A_356, %dma_start3A_366] : memref<2x40xi32, #tpu.memory_space<vmem>> -> memref<1x40xi32, #tpu.memory_space<vmem>>
        %dma_start3A_368 = tpu.memref_squeeze %dma_start3A_367 : memref<1x40xi32, #tpu.memory_space<vmem>> -> memref<40xi32, #tpu.memory_space<vmem>>
        %dma_start3A_369 = arith.constant 0 : i32
        %dma_start3A_370 = tpu.memref_slice %arg4[%add3A, %add3A_159, %dma_start3A_369] : memref<32x250x40xi32, #tpu.memory_space<hbm>> -> memref<1x1x40xi32, #tpu.memory_space<hbm>>
        %dma_start3A_371 = tpu.memref_squeeze %dma_start3A_370 : memref<1x1x40xi32, #tpu.memory_space<hbm>> -> memref<40xi32, #tpu.memory_space<hbm>>
        tpu.enqueue_dma source(%dma_start3A_371 : memref<40xi32, #tpu.memory_space<hbm>>) target(%dma_start3A_368 : memref<40xi32, #tpu.memory_space<vmem>>) target_semaphore(%dma_start3A_365 : memref<!tpu.dma_semaphore, #tpu.memory_space<semaphore_mem>>)
      } else {
      }
      %ge3A_177 = arith.constant 0 : i32
      %ge3A_178 = arith.cmpi sge, %sub3A_161, %ge3A_177 : i32
      %lt3A_179 = arith.constant 250 : i32
      %lt3A_180 = arith.cmpi slt, %sub3A_161, %lt3A_179 : i32
      %and3A_181 = arith.andi %ge3A_178, %lt3A_180 : i1
      %convert_element_type3A_182 = arith.extui %and3A_181 : i1 to i32
      %cond3A_183 = arith.constant 0 : i32
      %cond3A_184 = arith.cmpi ne, %convert_element_type3A_182, %cond3A_183 : i32
      scf.if %cond3A_184 {
        %dma_wait3A = arith.constant 0 : i32
        %dma_wait3A_341 = arith.constant 2 : i32
        %dma_wait3A_342 = arith.constant 0 : i32
        %dma_wait3A_343 = tpu.memref_slice %arg9[%dma_wait3A, %dma_wait3A_342] : memref<2x40xi32, #tpu.memory_space<vmem>> -> memref<1x40xi32, #tpu.memory_space<vmem>>
        %dma_wait3A_344 = tpu.memref_squeeze %dma_wait3A_343 : memref<1x40xi32, #tpu.memory_space<vmem>> -> memref<40xi32, #tpu.memory_space<vmem>>
        %dma_wait3A_345 = arith.constant 0 : i32
        %dma_wait3A_346 = tpu.memref_slice %arg3[%add3A, %sub3A_161, %dma_wait3A_345] : memref<32x250x40xi32, #tpu.memory_space<hbm>> -> memref<1x1x40xi32, #tpu.memory_space<hbm>>
        %dma_wait3A_347 = tpu.memref_squeeze %dma_wait3A_346 : memref<1x1x40xi32, #tpu.memory_space<hbm>> -> memref<40xi32, #tpu.memory_space<hbm>>
        %dma_wait3A_348 = tpu.memref_slice %arg26[%dma_wait3A_341] : memref<9x!tpu.dma_semaphore, #tpu.memory_space<semaphore_mem>> -> memref<1x!tpu.dma_semaphore, #tpu.memory_space<semaphore_mem>>
        %dma_wait3A_349 = tpu.memref_squeeze %dma_wait3A_348 : memref<1x!tpu.dma_semaphore, #tpu.memory_space<semaphore_mem>> -> memref<!tpu.dma_semaphore, #tpu.memory_space<semaphore_mem>>
        %dma_wait3A_350 = arith.constant 0 : i32
        %dma_wait3A_351 = tpu.memref_slice %arg9[%dma_wait3A, %dma_wait3A_350] : memref<2x40xi32, #tpu.memory_space<vmem>> -> memref<1x40xi32, #tpu.memory_space<vmem>>
        %dma_wait3A_352 = tpu.memref_squeeze %dma_wait3A_351 : memref<1x40xi32, #tpu.memory_space<vmem>> -> memref<40xi32, #tpu.memory_space<vmem>>
        %dma_wait3A_353 = arith.constant 0 : i32
        %dma_wait3A_354 = tpu.memref_slice %arg3[%add3A, %sub3A_161, %dma_wait3A_353] : memref<32x250x40xi32, #tpu.memory_space<hbm>> -> memref<1x1x40xi32, #tpu.memory_space<hbm>>
        %dma_wait3A_355 = tpu.memref_squeeze %dma_wait3A_354 : memref<1x1x40xi32, #tpu.memory_space<hbm>> -> memref<40xi32, #tpu.memory_space<hbm>>
        tpu.wait_dma2 semaphore(%dma_wait3A_349 : memref<!tpu.dma_semaphore, #tpu.memory_space<semaphore_mem>>) src(%dma_wait3A_355 : memref<40xi32, #tpu.memory_space<hbm>>) dst(%dma_wait3A_352 : memref<40xi32, #tpu.memory_space<vmem>>)
        %dma_wait3A_356 = arith.constant 1 : i32
        %dma_wait3A_357 = arith.constant 2 : i32
        %dma_wait3A_358 = arith.constant 0 : i32
        %dma_wait3A_359 = tpu.memref_slice %arg9[%dma_wait3A_356, %dma_wait3A_358] : memref<2x40xi32, #tpu.memory_space<vmem>> -> memref<1x40xi32, #tpu.memory_space<vmem>>
        %dma_wait3A_360 = tpu.memref_squeeze %dma_wait3A_359 : memref<1x40xi32, #tpu.memory_space<vmem>> -> memref<40xi32, #tpu.memory_space<vmem>>
        %dma_wait3A_361 = arith.constant 0 : i32
        %dma_wait3A_362 = tpu.memref_slice %arg4[%add3A, %sub3A_161, %dma_wait3A_361] : memref<32x250x40xi32, #tpu.memory_space<hbm>> -> memref<1x1x40xi32, #tpu.memory_space<hbm>>
        %dma_wait3A_363 = tpu.memref_squeeze %dma_wait3A_362 : memref<1x1x40xi32, #tpu.memory_space<hbm>> -> memref<40xi32, #tpu.memory_space<hbm>>
        %dma_wait3A_364 = tpu.memref_slice %arg26[%dma_wait3A_357] : memref<9x!tpu.dma_semaphore, #tpu.memory_space<semaphore_mem>> -> memref<1x!tpu.dma_semaphore, #tpu.memory_space<semaphore_mem>>
        %dma_wait3A_365 = tpu.memref_squeeze %dma_wait3A_364 : memref<1x!tpu.dma_semaphore, #tpu.memory_space<semaphore_mem>> -> memref<!tpu.dma_semaphore, #tpu.memory_space<semaphore_mem>>
        %dma_wait3A_366 = arith.constant 0 : i32
        %dma_wait3A_367 = tpu.memref_slice %arg9[%dma_wait3A_356, %dma_wait3A_366] : memref<2x40xi32, #tpu.memory_space<vmem>> -> memref<1x40xi32, #tpu.memory_space<vmem>>
        %dma_wait3A_368 = tpu.memref_squeeze %dma_wait3A_367 : memref<1x40xi32, #tpu.memory_space<vmem>> -> memref<40xi32, #tpu.memory_space<vmem>>
        %dma_wait3A_369 = arith.constant 0 : i32
        %dma_wait3A_370 = tpu.memref_slice %arg4[%add3A, %sub3A_161, %dma_wait3A_369] : memref<32x250x40xi32, #tpu.memory_space<hbm>> -> memref<1x1x40xi32, #tpu.memory_space<hbm>>
        %dma_wait3A_371 = tpu.memref_squeeze %dma_wait3A_370 : memref<1x1x40xi32, #tpu.memory_space<hbm>> -> memref<40xi32, #tpu.memory_space<hbm>>
        tpu.wait_dma2 semaphore(%dma_wait3A_365 : memref<!tpu.dma_semaphore, #tpu.memory_space<semaphore_mem>>) src(%dma_wait3A_371 : memref<40xi32, #tpu.memory_space<hbm>>) dst(%dma_wait3A_368 : memref<40xi32, #tpu.memory_space<vmem>>)
        %dma_start3A = arith.constant 0 : i32
        %dma_start3A_372 = arith.constant 2 : i32
        %dma_start3A_373 = arith.constant 0 : i32
        %dma_start3A_374 = tpu.memref_slice %arg9[%dma_start3A, %dma_start3A_373] : memref<2x40xi32, #tpu.memory_space<vmem>> -> memref<1x40xi32, #tpu.memory_space<vmem>>
        %dma_start3A_375 = tpu.memref_squeeze %dma_start3A_374 : memref<1x40xi32, #tpu.memory_space<vmem>> -> memref<40xi32, #tpu.memory_space<vmem>>
        %dma_start3A_376 = arith.constant 0 : i32
        %dma_start3A_377 = arith.constant 0 : i32
        %dma_start3A_378 = tpu.memref_slice %arg2[%dma_start3A_376, %dma_start3A_377] : memref<10000x128xf32, #tpu.memory_space<hbm>> -> memref<10000x128xf32, #tpu.memory_space<hbm>>
        %dma_start3A_379 = tpu.memref_slice %arg27[%dma_start3A_372] : memref<9x!tpu.dma_semaphore, #tpu.memory_space<semaphore_mem>> -> memref<1x!tpu.dma_semaphore, #tpu.memory_space<semaphore_mem>>
        %dma_start3A_380 = tpu.memref_squeeze %dma_start3A_379 : memref<1x!tpu.dma_semaphore, #tpu.memory_space<semaphore_mem>> -> memref<!tpu.dma_semaphore, #tpu.memory_space<semaphore_mem>>
        tpu.enqueue_indirect_dma source(%dma_start3A_378 : memref<10000x128xf32, #tpu.memory_space<hbm>>) target(%arg18 : memref<40x128xf32, #tpu.memory_space<vmem>>) offsets(%dma_start3A_375 : memref<40xi32, #tpu.memory_space<vmem>>) semaphore(%dma_start3A_380 : memref<!tpu.dma_semaphore, #tpu.memory_space<semaphore_mem>>)
      } else {
      }
      %ge3A_185 = arith.constant 0 : i32
      %ge3A_186 = arith.cmpi sge, %sub3A_163, %ge3A_185 : i32
      %lt3A_187 = arith.constant 250 : i32
      %lt3A_188 = arith.cmpi slt, %sub3A_163, %lt3A_187 : i32
      %and3A_189 = arith.andi %ge3A_186, %lt3A_188 : i1
      %convert_element_type3A_190 = arith.extui %and3A_189 : i1 to i32
      %cond3A_191 = arith.constant 0 : i32
      %cond3A_192 = arith.cmpi ne, %convert_element_type3A_190, %cond3A_191 : i32
      scf.if %cond3A_192 {
        %dma_wait3A = arith.constant 0 : i32
        %dma_wait3A_341 = arith.constant 7 : i32
        %dma_wait3A_342 = arith.constant 0 : i32
        %dma_wait3A_343 = tpu.memref_slice %arg14[%dma_wait3A, %dma_wait3A_342] : memref<2x40xi32, #tpu.memory_space<vmem>> -> memref<1x40xi32, #tpu.memory_space<vmem>>
        %dma_wait3A_344 = tpu.memref_squeeze %dma_wait3A_343 : memref<1x40xi32, #tpu.memory_space<vmem>> -> memref<40xi32, #tpu.memory_space<vmem>>
        %dma_wait3A_345 = arith.constant 0 : i32
        %dma_wait3A_346 = arith.constant 0 : i32
        %dma_wait3A_347 = tpu.memref_slice %arg2[%dma_wait3A_345, %dma_wait3A_346] : memref<10000x128xf32, #tpu.memory_space<hbm>> -> memref<10000x128xf32, #tpu.memory_space<hbm>>
        %dma_wait3A_348 = tpu.memref_slice %arg27[%dma_wait3A_341] : memref<9x!tpu.dma_semaphore, #tpu.memory_space<semaphore_mem>> -> memref<1x!tpu.dma_semaphore, #tpu.memory_space<semaphore_mem>>
        %dma_wait3A_349 = tpu.memref_squeeze %dma_wait3A_348 : memref<1x!tpu.dma_semaphore, #tpu.memory_space<semaphore_mem>> -> memref<!tpu.dma_semaphore, #tpu.memory_space<semaphore_mem>>
        tpu.wait_indirect_dma semaphore(%dma_wait3A_349 : memref<!tpu.dma_semaphore, #tpu.memory_space<semaphore_mem>>) src(%dma_wait3A_347 : memref<10000x128xf32, #tpu.memory_space<hbm>>) dst(%arg23 : memref<40x128xf32, #tpu.memory_space<vmem>>)
        %dma_start3A = arith.constant 1 : i32
        %dma_start3A_350 = arith.constant 7 : i32
        %dma_start3A_351 = arith.constant 0 : i32
        %dma_start3A_352 = tpu.memref_slice %arg14[%dma_start3A, %dma_start3A_351] : memref<2x40xi32, #tpu.memory_space<vmem>> -> memref<1x40xi32, #tpu.memory_space<vmem>>
        %dma_start3A_353 = tpu.memref_squeeze %dma_start3A_352 : memref<1x40xi32, #tpu.memory_space<vmem>> -> memref<40xi32, #tpu.memory_space<vmem>>
        %dma_start3A_354 = arith.constant 0 : i32
        %dma_start3A_355 = arith.constant 0 : i32
        %dma_start3A_356 = tpu.memref_slice %arg25[%dma_start3A_354, %dma_start3A_355] : memref<10240x128xf32, #tpu.memory_space<vmem_shared>> -> memref<10240x128xf32, #tpu.memory_space<vmem_shared>>
        %dma_start3A_357 = tpu.memref_slice %arg28[%dma_start3A_350] : memref<9x!tpu.dma_semaphore, #tpu.memory_space<semaphore_mem>> -> memref<1x!tpu.dma_semaphore, #tpu.memory_space<semaphore_mem>>
        %dma_start3A_358 = tpu.memref_squeeze %dma_start3A_357 : memref<1x!tpu.dma_semaphore, #tpu.memory_space<semaphore_mem>> -> memref<!tpu.dma_semaphore, #tpu.memory_space<semaphore_mem>>
        tpu.enqueue_indirect_dma source(%arg23 : memref<40x128xf32, #tpu.memory_space<vmem>>) target(%dma_start3A_356 : memref<10240x128xf32, #tpu.memory_space<vmem_shared>>) offsets(%dma_start3A_353 : memref<40xi32, #tpu.memory_space<vmem>>) semaphore(%dma_start3A_358 : memref<!tpu.dma_semaphore, #tpu.memory_space<semaphore_mem>>) {add = true}
      } else {
      }
      %mul3A_193 = arith.constant 9 : i32
      %mul3A_194 = arith.muli %scan3A_13, %mul3A_193 : i32
      %add3A_195 = arith.constant 5 : i32
      %add3A_196 = arith.addi %mul3A_194, %add3A_195 : i32
      %sub3A_197 = arith.constant 2 : i32
      %sub3A_198 = arith.subi %add3A_196, %sub3A_197 : i32
      %sub3A_199 = arith.constant 6 : i32
      %sub3A_200 = arith.subi %add3A_196, %sub3A_199 : i32
      %ge3A_201 = arith.constant 9 : i32
      %ge3A_202 = arith.cmpi sge, %add3A_196, %ge3A_201 : i32
      %lt3A_203 = arith.constant 259 : i32
      %lt3A_204 = arith.cmpi slt, %add3A_196, %lt3A_203 : i32
      %and3A_205 = arith.andi %ge3A_202, %lt3A_204 : i1
      %convert_element_type3A_206 = arith.extui %and3A_205 : i1 to i32
      %cond3A_207 = arith.constant 0 : i32
      %cond3A_208 = arith.cmpi ne, %convert_element_type3A_206, %cond3A_207 : i32
      scf.if %cond3A_208 {
        %dma_wait3A = arith.constant 1 : i32
        %dma_wait3A_341 = arith.constant 5 : i32
        %dma_wait3A_342 = arith.constant 0 : i32
        %dma_wait3A_343 = tpu.memref_slice %arg12[%dma_wait3A, %dma_wait3A_342] : memref<2x40xi32, #tpu.memory_space<vmem>> -> memref<1x40xi32, #tpu.memory_space<vmem>>
        %dma_wait3A_344 = tpu.memref_squeeze %dma_wait3A_343 : memref<1x40xi32, #tpu.memory_space<vmem>> -> memref<40xi32, #tpu.memory_space<vmem>>
        %dma_wait3A_345 = arith.constant 0 : i32
        %dma_wait3A_346 = arith.constant 0 : i32
        %dma_wait3A_347 = tpu.memref_slice %arg25[%dma_wait3A_345, %dma_wait3A_346] : memref<10240x128xf32, #tpu.memory_space<vmem_shared>> -> memref<10240x128xf32, #tpu.memory_space<vmem_shared>>
        %dma_wait3A_348 = tpu.memref_slice %arg28[%dma_wait3A_341] : memref<9x!tpu.dma_semaphore, #tpu.memory_space<semaphore_mem>> -> memref<1x!tpu.dma_semaphore, #tpu.memory_space<semaphore_mem>>
        %dma_wait3A_349 = tpu.memref_squeeze %dma_wait3A_348 : memref<1x!tpu.dma_semaphore, #tpu.memory_space<semaphore_mem>> -> memref<!tpu.dma_semaphore, #tpu.memory_space<semaphore_mem>>
        tpu.wait_indirect_dma semaphore(%dma_wait3A_349 : memref<!tpu.dma_semaphore, #tpu.memory_space<semaphore_mem>>) src(%arg21 : memref<40x128xf32, #tpu.memory_space<vmem>>) dst(%dma_wait3A_347 : memref<10240x128xf32, #tpu.memory_space<vmem_shared>>)
      } else {
      }
      %lt3A_209 = arith.constant 250 : i32
      %lt3A_210 = arith.cmpi slt, %add3A_196, %lt3A_209 : i32
      %convert_element_type3A_211 = arith.extui %lt3A_210 : i1 to i32
      %cond3A_212 = arith.constant 0 : i32
      %cond3A_213 = arith.cmpi ne, %convert_element_type3A_211, %cond3A_212 : i32
      scf.if %cond3A_213 {
        %dma_start3A = arith.constant 0 : i32
        %dma_start3A_341 = arith.constant 5 : i32
        %dma_start3A_342 = arith.constant 0 : i32
        %dma_start3A_343 = tpu.memref_slice %arg12[%dma_start3A, %dma_start3A_342] : memref<2x40xi32, #tpu.memory_space<vmem>> -> memref<1x40xi32, #tpu.memory_space<vmem>>
        %dma_start3A_344 = tpu.memref_squeeze %dma_start3A_343 : memref<1x40xi32, #tpu.memory_space<vmem>> -> memref<40xi32, #tpu.memory_space<vmem>>
        %dma_start3A_345 = arith.constant 0 : i32
        %dma_start3A_346 = tpu.memref_slice %arg3[%add3A, %add3A_196, %dma_start3A_345] : memref<32x250x40xi32, #tpu.memory_space<hbm>> -> memref<1x1x40xi32, #tpu.memory_space<hbm>>
        %dma_start3A_347 = tpu.memref_squeeze %dma_start3A_346 : memref<1x1x40xi32, #tpu.memory_space<hbm>> -> memref<40xi32, #tpu.memory_space<hbm>>
        %dma_start3A_348 = tpu.memref_slice %arg26[%dma_start3A_341] : memref<9x!tpu.dma_semaphore, #tpu.memory_space<semaphore_mem>> -> memref<1x!tpu.dma_semaphore, #tpu.memory_space<semaphore_mem>>
        %dma_start3A_349 = tpu.memref_squeeze %dma_start3A_348 : memref<1x!tpu.dma_semaphore, #tpu.memory_space<semaphore_mem>> -> memref<!tpu.dma_semaphore, #tpu.memory_space<semaphore_mem>>
        %dma_start3A_350 = arith.constant 0 : i32
        %dma_start3A_351 = tpu.memref_slice %arg12[%dma_start3A, %dma_start3A_350] : memref<2x40xi32, #tpu.memory_space<vmem>> -> memref<1x40xi32, #tpu.memory_space<vmem>>
        %dma_start3A_352 = tpu.memref_squeeze %dma_start3A_351 : memref<1x40xi32, #tpu.memory_space<vmem>> -> memref<40xi32, #tpu.memory_space<vmem>>
        %dma_start3A_353 = arith.constant 0 : i32
        %dma_start3A_354 = tpu.memref_slice %arg3[%add3A, %add3A_196, %dma_start3A_353] : memref<32x250x40xi32, #tpu.memory_space<hbm>> -> memref<1x1x40xi32, #tpu.memory_space<hbm>>
        %dma_start3A_355 = tpu.memref_squeeze %dma_start3A_354 : memref<1x1x40xi32, #tpu.memory_space<hbm>> -> memref<40xi32, #tpu.memory_space<hbm>>
        tpu.enqueue_dma source(%dma_start3A_355 : memref<40xi32, #tpu.memory_space<hbm>>) target(%dma_start3A_352 : memref<40xi32, #tpu.memory_space<vmem>>) target_semaphore(%dma_start3A_349 : memref<!tpu.dma_semaphore, #tpu.memory_space<semaphore_mem>>)
        %dma_start3A_356 = arith.constant 1 : i32
        %dma_start3A_357 = arith.constant 5 : i32
        %dma_start3A_358 = arith.constant 0 : i32
        %dma_start3A_359 = tpu.memref_slice %arg12[%dma_start3A_356, %dma_start3A_358] : memref<2x40xi32, #tpu.memory_space<vmem>> -> memref<1x40xi32, #tpu.memory_space<vmem>>
        %dma_start3A_360 = tpu.memref_squeeze %dma_start3A_359 : memref<1x40xi32, #tpu.memory_space<vmem>> -> memref<40xi32, #tpu.memory_space<vmem>>
        %dma_start3A_361 = arith.constant 0 : i32
        %dma_start3A_362 = tpu.memref_slice %arg4[%add3A, %add3A_196, %dma_start3A_361] : memref<32x250x40xi32, #tpu.memory_space<hbm>> -> memref<1x1x40xi32, #tpu.memory_space<hbm>>
        %dma_start3A_363 = tpu.memref_squeeze %dma_start3A_362 : memref<1x1x40xi32, #tpu.memory_space<hbm>> -> memref<40xi32, #tpu.memory_space<hbm>>
        %dma_start3A_364 = tpu.memref_slice %arg26[%dma_start3A_357] : memref<9x!tpu.dma_semaphore, #tpu.memory_space<semaphore_mem>> -> memref<1x!tpu.dma_semaphore, #tpu.memory_space<semaphore_mem>>
        %dma_start3A_365 = tpu.memref_squeeze %dma_start3A_364 : memref<1x!tpu.dma_semaphore, #tpu.memory_space<semaphore_mem>> -> memref<!tpu.dma_semaphore, #tpu.memory_space<semaphore_mem>>
        %dma_start3A_366 = arith.constant 0 : i32
        %dma_start3A_367 = tpu.memref_slice %arg12[%dma_start3A_356, %dma_start3A_366] : memref<2x40xi32, #tpu.memory_space<vmem>> -> memref<1x40xi32, #tpu.memory_space<vmem>>
        %dma_start3A_368 = tpu.memref_squeeze %dma_start3A_367 : memref<1x40xi32, #tpu.memory_space<vmem>> -> memref<40xi32, #tpu.memory_space<vmem>>
        %dma_start3A_369 = arith.constant 0 : i32
        %dma_start3A_370 = tpu.memref_slice %arg4[%add3A, %add3A_196, %dma_start3A_369] : memref<32x250x40xi32, #tpu.memory_space<hbm>> -> memref<1x1x40xi32, #tpu.memory_space<hbm>>
        %dma_start3A_371 = tpu.memref_squeeze %dma_start3A_370 : memref<1x1x40xi32, #tpu.memory_space<hbm>> -> memref<40xi32, #tpu.memory_space<hbm>>
        tpu.enqueue_dma source(%dma_start3A_371 : memref<40xi32, #tpu.memory_space<hbm>>) target(%dma_start3A_368 : memref<40xi32, #tpu.memory_space<vmem>>) target_semaphore(%dma_start3A_365 : memref<!tpu.dma_semaphore, #tpu.memory_space<semaphore_mem>>)
      } else {
      }
      %ge3A_214 = arith.constant 0 : i32
      %ge3A_215 = arith.cmpi sge, %sub3A_198, %ge3A_214 : i32
      %lt3A_216 = arith.constant 250 : i32
      %lt3A_217 = arith.cmpi slt, %sub3A_198, %lt3A_216 : i32
      %and3A_218 = arith.andi %ge3A_215, %lt3A_217 : i1
      %convert_element_type3A_219 = arith.extui %and3A_218 : i1 to i32
      %cond3A_220 = arith.constant 0 : i32
      %cond3A_221 = arith.cmpi ne, %convert_element_type3A_219, %cond3A_220 : i32
      scf.if %cond3A_221 {
        %dma_wait3A = arith.constant 0 : i32
        %dma_wait3A_341 = arith.constant 3 : i32
        %dma_wait3A_342 = arith.constant 0 : i32
        %dma_wait3A_343 = tpu.memref_slice %arg10[%dma_wait3A, %dma_wait3A_342] : memref<2x40xi32, #tpu.memory_space<vmem>> -> memref<1x40xi32, #tpu.memory_space<vmem>>
        %dma_wait3A_344 = tpu.memref_squeeze %dma_wait3A_343 : memref<1x40xi32, #tpu.memory_space<vmem>> -> memref<40xi32, #tpu.memory_space<vmem>>
        %dma_wait3A_345 = arith.constant 0 : i32
        %dma_wait3A_346 = tpu.memref_slice %arg3[%add3A, %sub3A_198, %dma_wait3A_345] : memref<32x250x40xi32, #tpu.memory_space<hbm>> -> memref<1x1x40xi32, #tpu.memory_space<hbm>>
        %dma_wait3A_347 = tpu.memref_squeeze %dma_wait3A_346 : memref<1x1x40xi32, #tpu.memory_space<hbm>> -> memref<40xi32, #tpu.memory_space<hbm>>
        %dma_wait3A_348 = tpu.memref_slice %arg26[%dma_wait3A_341] : memref<9x!tpu.dma_semaphore, #tpu.memory_space<semaphore_mem>> -> memref<1x!tpu.dma_semaphore, #tpu.memory_space<semaphore_mem>>
        %dma_wait3A_349 = tpu.memref_squeeze %dma_wait3A_348 : memref<1x!tpu.dma_semaphore, #tpu.memory_space<semaphore_mem>> -> memref<!tpu.dma_semaphore, #tpu.memory_space<semaphore_mem>>
        %dma_wait3A_350 = arith.constant 0 : i32
        %dma_wait3A_351 = tpu.memref_slice %arg10[%dma_wait3A, %dma_wait3A_350] : memref<2x40xi32, #tpu.memory_space<vmem>> -> memref<1x40xi32, #tpu.memory_space<vmem>>
        %dma_wait3A_352 = tpu.memref_squeeze %dma_wait3A_351 : memref<1x40xi32, #tpu.memory_space<vmem>> -> memref<40xi32, #tpu.memory_space<vmem>>
        %dma_wait3A_353 = arith.constant 0 : i32
        %dma_wait3A_354 = tpu.memref_slice %arg3[%add3A, %sub3A_198, %dma_wait3A_353] : memref<32x250x40xi32, #tpu.memory_space<hbm>> -> memref<1x1x40xi32, #tpu.memory_space<hbm>>
        %dma_wait3A_355 = tpu.memref_squeeze %dma_wait3A_354 : memref<1x1x40xi32, #tpu.memory_space<hbm>> -> memref<40xi32, #tpu.memory_space<hbm>>
        tpu.wait_dma2 semaphore(%dma_wait3A_349 : memref<!tpu.dma_semaphore, #tpu.memory_space<semaphore_mem>>) src(%dma_wait3A_355 : memref<40xi32, #tpu.memory_space<hbm>>) dst(%dma_wait3A_352 : memref<40xi32, #tpu.memory_space<vmem>>)
        %dma_wait3A_356 = arith.constant 1 : i32
        %dma_wait3A_357 = arith.constant 3 : i32
        %dma_wait3A_358 = arith.constant 0 : i32
        %dma_wait3A_359 = tpu.memref_slice %arg10[%dma_wait3A_356, %dma_wait3A_358] : memref<2x40xi32, #tpu.memory_space<vmem>> -> memref<1x40xi32, #tpu.memory_space<vmem>>
        %dma_wait3A_360 = tpu.memref_squeeze %dma_wait3A_359 : memref<1x40xi32, #tpu.memory_space<vmem>> -> memref<40xi32, #tpu.memory_space<vmem>>
        %dma_wait3A_361 = arith.constant 0 : i32
        %dma_wait3A_362 = tpu.memref_slice %arg4[%add3A, %sub3A_198, %dma_wait3A_361] : memref<32x250x40xi32, #tpu.memory_space<hbm>> -> memref<1x1x40xi32, #tpu.memory_space<hbm>>
        %dma_wait3A_363 = tpu.memref_squeeze %dma_wait3A_362 : memref<1x1x40xi32, #tpu.memory_space<hbm>> -> memref<40xi32, #tpu.memory_space<hbm>>
        %dma_wait3A_364 = tpu.memref_slice %arg26[%dma_wait3A_357] : memref<9x!tpu.dma_semaphore, #tpu.memory_space<semaphore_mem>> -> memref<1x!tpu.dma_semaphore, #tpu.memory_space<semaphore_mem>>
        %dma_wait3A_365 = tpu.memref_squeeze %dma_wait3A_364 : memref<1x!tpu.dma_semaphore, #tpu.memory_space<semaphore_mem>> -> memref<!tpu.dma_semaphore, #tpu.memory_space<semaphore_mem>>
        %dma_wait3A_366 = arith.constant 0 : i32
        %dma_wait3A_367 = tpu.memref_slice %arg10[%dma_wait3A_356, %dma_wait3A_366] : memref<2x40xi32, #tpu.memory_space<vmem>> -> memref<1x40xi32, #tpu.memory_space<vmem>>
        %dma_wait3A_368 = tpu.memref_squeeze %dma_wait3A_367 : memref<1x40xi32, #tpu.memory_space<vmem>> -> memref<40xi32, #tpu.memory_space<vmem>>
        %dma_wait3A_369 = arith.constant 0 : i32
        %dma_wait3A_370 = tpu.memref_slice %arg4[%add3A, %sub3A_198, %dma_wait3A_369] : memref<32x250x40xi32, #tpu.memory_space<hbm>> -> memref<1x1x40xi32, #tpu.memory_space<hbm>>
        %dma_wait3A_371 = tpu.memref_squeeze %dma_wait3A_370 : memref<1x1x40xi32, #tpu.memory_space<hbm>> -> memref<40xi32, #tpu.memory_space<hbm>>
        tpu.wait_dma2 semaphore(%dma_wait3A_365 : memref<!tpu.dma_semaphore, #tpu.memory_space<semaphore_mem>>) src(%dma_wait3A_371 : memref<40xi32, #tpu.memory_space<hbm>>) dst(%dma_wait3A_368 : memref<40xi32, #tpu.memory_space<vmem>>)
        %dma_start3A = arith.constant 0 : i32
        %dma_start3A_372 = arith.constant 3 : i32
        %dma_start3A_373 = arith.constant 0 : i32
        %dma_start3A_374 = tpu.memref_slice %arg10[%dma_start3A, %dma_start3A_373] : memref<2x40xi32, #tpu.memory_space<vmem>> -> memref<1x40xi32, #tpu.memory_space<vmem>>
        %dma_start3A_375 = tpu.memref_squeeze %dma_start3A_374 : memref<1x40xi32, #tpu.memory_space<vmem>> -> memref<40xi32, #tpu.memory_space<vmem>>
        %dma_start3A_376 = arith.constant 0 : i32
        %dma_start3A_377 = arith.constant 0 : i32
        %dma_start3A_378 = tpu.memref_slice %arg2[%dma_start3A_376, %dma_start3A_377] : memref<10000x128xf32, #tpu.memory_space<hbm>> -> memref<10000x128xf32, #tpu.memory_space<hbm>>
        %dma_start3A_379 = tpu.memref_slice %arg27[%dma_start3A_372] : memref<9x!tpu.dma_semaphore, #tpu.memory_space<semaphore_mem>> -> memref<1x!tpu.dma_semaphore, #tpu.memory_space<semaphore_mem>>
        %dma_start3A_380 = tpu.memref_squeeze %dma_start3A_379 : memref<1x!tpu.dma_semaphore, #tpu.memory_space<semaphore_mem>> -> memref<!tpu.dma_semaphore, #tpu.memory_space<semaphore_mem>>
        tpu.enqueue_indirect_dma source(%dma_start3A_378 : memref<10000x128xf32, #tpu.memory_space<hbm>>) target(%arg19 : memref<40x128xf32, #tpu.memory_space<vmem>>) offsets(%dma_start3A_375 : memref<40xi32, #tpu.memory_space<vmem>>) semaphore(%dma_start3A_380 : memref<!tpu.dma_semaphore, #tpu.memory_space<semaphore_mem>>)
      } else {
      }
      %ge3A_222 = arith.constant 0 : i32
      %ge3A_223 = arith.cmpi sge, %sub3A_200, %ge3A_222 : i32
      %lt3A_224 = arith.constant 250 : i32
      %lt3A_225 = arith.cmpi slt, %sub3A_200, %lt3A_224 : i32
      %and3A_226 = arith.andi %ge3A_223, %lt3A_225 : i1
      %convert_element_type3A_227 = arith.extui %and3A_226 : i1 to i32
      %cond3A_228 = arith.constant 0 : i32
      %cond3A_229 = arith.cmpi ne, %convert_element_type3A_227, %cond3A_228 : i32
      scf.if %cond3A_229 {
        %dma_wait3A = arith.constant 0 : i32
        %dma_wait3A_341 = arith.constant 8 : i32
        %dma_wait3A_342 = arith.constant 0 : i32
        %dma_wait3A_343 = tpu.memref_slice %arg15[%dma_wait3A, %dma_wait3A_342] : memref<2x40xi32, #tpu.memory_space<vmem>> -> memref<1x40xi32, #tpu.memory_space<vmem>>
        %dma_wait3A_344 = tpu.memref_squeeze %dma_wait3A_343 : memref<1x40xi32, #tpu.memory_space<vmem>> -> memref<40xi32, #tpu.memory_space<vmem>>
        %dma_wait3A_345 = arith.constant 0 : i32
        %dma_wait3A_346 = arith.constant 0 : i32
        %dma_wait3A_347 = tpu.memref_slice %arg2[%dma_wait3A_345, %dma_wait3A_346] : memref<10000x128xf32, #tpu.memory_space<hbm>> -> memref<10000x128xf32, #tpu.memory_space<hbm>>
        %dma_wait3A_348 = tpu.memref_slice %arg27[%dma_wait3A_341] : memref<9x!tpu.dma_semaphore, #tpu.memory_space<semaphore_mem>> -> memref<1x!tpu.dma_semaphore, #tpu.memory_space<semaphore_mem>>
        %dma_wait3A_349 = tpu.memref_squeeze %dma_wait3A_348 : memref<1x!tpu.dma_semaphore, #tpu.memory_space<semaphore_mem>> -> memref<!tpu.dma_semaphore, #tpu.memory_space<semaphore_mem>>
        tpu.wait_indirect_dma semaphore(%dma_wait3A_349 : memref<!tpu.dma_semaphore, #tpu.memory_space<semaphore_mem>>) src(%dma_wait3A_347 : memref<10000x128xf32, #tpu.memory_space<hbm>>) dst(%arg24 : memref<40x128xf32, #tpu.memory_space<vmem>>)
        %dma_start3A = arith.constant 1 : i32
        %dma_start3A_350 = arith.constant 8 : i32
        %dma_start3A_351 = arith.constant 0 : i32
        %dma_start3A_352 = tpu.memref_slice %arg15[%dma_start3A, %dma_start3A_351] : memref<2x40xi32, #tpu.memory_space<vmem>> -> memref<1x40xi32, #tpu.memory_space<vmem>>
        %dma_start3A_353 = tpu.memref_squeeze %dma_start3A_352 : memref<1x40xi32, #tpu.memory_space<vmem>> -> memref<40xi32, #tpu.memory_space<vmem>>
        %dma_start3A_354 = arith.constant 0 : i32
        %dma_start3A_355 = arith.constant 0 : i32
        %dma_start3A_356 = tpu.memref_slice %arg25[%dma_start3A_354, %dma_start3A_355] : memref<10240x128xf32, #tpu.memory_space<vmem_shared>> -> memref<10240x128xf32, #tpu.memory_space<vmem_shared>>
        %dma_start3A_357 = tpu.memref_slice %arg28[%dma_start3A_350] : memref<9x!tpu.dma_semaphore, #tpu.memory_space<semaphore_mem>> -> memref<1x!tpu.dma_semaphore, #tpu.memory_space<semaphore_mem>>
        %dma_start3A_358 = tpu.memref_squeeze %dma_start3A_357 : memref<1x!tpu.dma_semaphore, #tpu.memory_space<semaphore_mem>> -> memref<!tpu.dma_semaphore, #tpu.memory_space<semaphore_mem>>
        tpu.enqueue_indirect_dma source(%arg24 : memref<40x128xf32, #tpu.memory_space<vmem>>) target(%dma_start3A_356 : memref<10240x128xf32, #tpu.memory_space<vmem_shared>>) offsets(%dma_start3A_353 : memref<40xi32, #tpu.memory_space<vmem>>) semaphore(%dma_start3A_358 : memref<!tpu.dma_semaphore, #tpu.memory_space<semaphore_mem>>) {add = true}
      } else {
      }
      %mul3A_230 = arith.constant 9 : i32
      %mul3A_231 = arith.muli %scan3A_13, %mul3A_230 : i32
      %add3A_232 = arith.constant 6 : i32
      %add3A_233 = arith.addi %mul3A_231, %add3A_232 : i32
      %sub3A_234 = arith.constant 2 : i32
      %sub3A_235 = arith.subi %add3A_233, %sub3A_234 : i32
      %sub3A_236 = arith.constant 6 : i32
      %sub3A_237 = arith.subi %add3A_233, %sub3A_236 : i32
      %ge3A_238 = arith.constant 9 : i32
      %ge3A_239 = arith.cmpi sge, %add3A_233, %ge3A_238 : i32
      %lt3A_240 = arith.constant 259 : i32
      %lt3A_241 = arith.cmpi slt, %add3A_233, %lt3A_240 : i32
      %and3A_242 = arith.andi %ge3A_239, %lt3A_241 : i1
      %convert_element_type3A_243 = arith.extui %and3A_242 : i1 to i32
      %cond3A_244 = arith.constant 0 : i32
      %cond3A_245 = arith.cmpi ne, %convert_element_type3A_243, %cond3A_244 : i32
      scf.if %cond3A_245 {
        %dma_wait3A = arith.constant 1 : i32
        %dma_wait3A_341 = arith.constant 6 : i32
        %dma_wait3A_342 = arith.constant 0 : i32
        %dma_wait3A_343 = tpu.memref_slice %arg13[%dma_wait3A, %dma_wait3A_342] : memref<2x40xi32, #tpu.memory_space<vmem>> -> memref<1x40xi32, #tpu.memory_space<vmem>>
        %dma_wait3A_344 = tpu.memref_squeeze %dma_wait3A_343 : memref<1x40xi32, #tpu.memory_space<vmem>> -> memref<40xi32, #tpu.memory_space<vmem>>
        %dma_wait3A_345 = arith.constant 0 : i32
        %dma_wait3A_346 = arith.constant 0 : i32
        %dma_wait3A_347 = tpu.memref_slice %arg25[%dma_wait3A_345, %dma_wait3A_346] : memref<10240x128xf32, #tpu.memory_space<vmem_shared>> -> memref<10240x128xf32, #tpu.memory_space<vmem_shared>>
        %dma_wait3A_348 = tpu.memref_slice %arg28[%dma_wait3A_341] : memref<9x!tpu.dma_semaphore, #tpu.memory_space<semaphore_mem>> -> memref<1x!tpu.dma_semaphore, #tpu.memory_space<semaphore_mem>>
        %dma_wait3A_349 = tpu.memref_squeeze %dma_wait3A_348 : memref<1x!tpu.dma_semaphore, #tpu.memory_space<semaphore_mem>> -> memref<!tpu.dma_semaphore, #tpu.memory_space<semaphore_mem>>
        tpu.wait_indirect_dma semaphore(%dma_wait3A_349 : memref<!tpu.dma_semaphore, #tpu.memory_space<semaphore_mem>>) src(%arg22 : memref<40x128xf32, #tpu.memory_space<vmem>>) dst(%dma_wait3A_347 : memref<10240x128xf32, #tpu.memory_space<vmem_shared>>)
      } else {
      }
      %lt3A_246 = arith.constant 250 : i32
      %lt3A_247 = arith.cmpi slt, %add3A_233, %lt3A_246 : i32
      %convert_element_type3A_248 = arith.extui %lt3A_247 : i1 to i32
      %cond3A_249 = arith.constant 0 : i32
      %cond3A_250 = arith.cmpi ne, %convert_element_type3A_248, %cond3A_249 : i32
      scf.if %cond3A_250 {
        %dma_start3A = arith.constant 0 : i32
        %dma_start3A_341 = arith.constant 6 : i32
        %dma_start3A_342 = arith.constant 0 : i32
        %dma_start3A_343 = tpu.memref_slice %arg13[%dma_start3A, %dma_start3A_342] : memref<2x40xi32, #tpu.memory_space<vmem>> -> memref<1x40xi32, #tpu.memory_space<vmem>>
        %dma_start3A_344 = tpu.memref_squeeze %dma_start3A_343 : memref<1x40xi32, #tpu.memory_space<vmem>> -> memref<40xi32, #tpu.memory_space<vmem>>
        %dma_start3A_345 = arith.constant 0 : i32
        %dma_start3A_346 = tpu.memref_slice %arg3[%add3A, %add3A_233, %dma_start3A_345] : memref<32x250x40xi32, #tpu.memory_space<hbm>> -> memref<1x1x40xi32, #tpu.memory_space<hbm>>
        %dma_start3A_347 = tpu.memref_squeeze %dma_start3A_346 : memref<1x1x40xi32, #tpu.memory_space<hbm>> -> memref<40xi32, #tpu.memory_space<hbm>>
        %dma_start3A_348 = tpu.memref_slice %arg26[%dma_start3A_341] : memref<9x!tpu.dma_semaphore, #tpu.memory_space<semaphore_mem>> -> memref<1x!tpu.dma_semaphore, #tpu.memory_space<semaphore_mem>>
        %dma_start3A_349 = tpu.memref_squeeze %dma_start3A_348 : memref<1x!tpu.dma_semaphore, #tpu.memory_space<semaphore_mem>> -> memref<!tpu.dma_semaphore, #tpu.memory_space<semaphore_mem>>
        %dma_start3A_350 = arith.constant 0 : i32
        %dma_start3A_351 = tpu.memref_slice %arg13[%dma_start3A, %dma_start3A_350] : memref<2x40xi32, #tpu.memory_space<vmem>> -> memref<1x40xi32, #tpu.memory_space<vmem>>
        %dma_start3A_352 = tpu.memref_squeeze %dma_start3A_351 : memref<1x40xi32, #tpu.memory_space<vmem>> -> memref<40xi32, #tpu.memory_space<vmem>>
        %dma_start3A_353 = arith.constant 0 : i32
        %dma_start3A_354 = tpu.memref_slice %arg3[%add3A, %add3A_233, %dma_start3A_353] : memref<32x250x40xi32, #tpu.memory_space<hbm>> -> memref<1x1x40xi32, #tpu.memory_space<hbm>>
        %dma_start3A_355 = tpu.memref_squeeze %dma_start3A_354 : memref<1x1x40xi32, #tpu.memory_space<hbm>> -> memref<40xi32, #tpu.memory_space<hbm>>
        tpu.enqueue_dma source(%dma_start3A_355 : memref<40xi32, #tpu.memory_space<hbm>>) target(%dma_start3A_352 : memref<40xi32, #tpu.memory_space<vmem>>) target_semaphore(%dma_start3A_349 : memref<!tpu.dma_semaphore, #tpu.memory_space<semaphore_mem>>)
        %dma_start3A_356 = arith.constant 1 : i32
        %dma_start3A_357 = arith.constant 6 : i32
        %dma_start3A_358 = arith.constant 0 : i32
        %dma_start3A_359 = tpu.memref_slice %arg13[%dma_start3A_356, %dma_start3A_358] : memref<2x40xi32, #tpu.memory_space<vmem>> -> memref<1x40xi32, #tpu.memory_space<vmem>>
        %dma_start3A_360 = tpu.memref_squeeze %dma_start3A_359 : memref<1x40xi32, #tpu.memory_space<vmem>> -> memref<40xi32, #tpu.memory_space<vmem>>
        %dma_start3A_361 = arith.constant 0 : i32
        %dma_start3A_362 = tpu.memref_slice %arg4[%add3A, %add3A_233, %dma_start3A_361] : memref<32x250x40xi32, #tpu.memory_space<hbm>> -> memref<1x1x40xi32, #tpu.memory_space<hbm>>
        %dma_start3A_363 = tpu.memref_squeeze %dma_start3A_362 : memref<1x1x40xi32, #tpu.memory_space<hbm>> -> memref<40xi32, #tpu.memory_space<hbm>>
        %dma_start3A_364 = tpu.memref_slice %arg26[%dma_start3A_357] : memref<9x!tpu.dma_semaphore, #tpu.memory_space<semaphore_mem>> -> memref<1x!tpu.dma_semaphore, #tpu.memory_space<semaphore_mem>>
        %dma_start3A_365 = tpu.memref_squeeze %dma_start3A_364 : memref<1x!tpu.dma_semaphore, #tpu.memory_space<semaphore_mem>> -> memref<!tpu.dma_semaphore, #tpu.memory_space<semaphore_mem>>
        %dma_start3A_366 = arith.constant 0 : i32
        %dma_start3A_367 = tpu.memref_slice %arg13[%dma_start3A_356, %dma_start3A_366] : memref<2x40xi32, #tpu.memory_space<vmem>> -> memref<1x40xi32, #tpu.memory_space<vmem>>
        %dma_start3A_368 = tpu.memref_squeeze %dma_start3A_367 : memref<1x40xi32, #tpu.memory_space<vmem>> -> memref<40xi32, #tpu.memory_space<vmem>>
        %dma_start3A_369 = arith.constant 0 : i32
        %dma_start3A_370 = tpu.memref_slice %arg4[%add3A, %add3A_233, %dma_start3A_369] : memref<32x250x40xi32, #tpu.memory_space<hbm>> -> memref<1x1x40xi32, #tpu.memory_space<hbm>>
        %dma_start3A_371 = tpu.memref_squeeze %dma_start3A_370 : memref<1x1x40xi32, #tpu.memory_space<hbm>> -> memref<40xi32, #tpu.memory_space<hbm>>
        tpu.enqueue_dma source(%dma_start3A_371 : memref<40xi32, #tpu.memory_space<hbm>>) target(%dma_start3A_368 : memref<40xi32, #tpu.memory_space<vmem>>) target_semaphore(%dma_start3A_365 : memref<!tpu.dma_semaphore, #tpu.memory_space<semaphore_mem>>)
      } else {
      }
      %ge3A_251 = arith.constant 0 : i32
      %ge3A_252 = arith.cmpi sge, %sub3A_235, %ge3A_251 : i32
      %lt3A_253 = arith.constant 250 : i32
      %lt3A_254 = arith.cmpi slt, %sub3A_235, %lt3A_253 : i32
      %and3A_255 = arith.andi %ge3A_252, %lt3A_254 : i1
      %convert_element_type3A_256 = arith.extui %and3A_255 : i1 to i32
      %cond3A_257 = arith.constant 0 : i32
      %cond3A_258 = arith.cmpi ne, %convert_element_type3A_256, %cond3A_257 : i32
      scf.if %cond3A_258 {
        %dma_wait3A = arith.constant 0 : i32
        %dma_wait3A_341 = arith.constant 4 : i32
        %dma_wait3A_342 = arith.constant 0 : i32
        %dma_wait3A_343 = tpu.memref_slice %arg11[%dma_wait3A, %dma_wait3A_342] : memref<2x40xi32, #tpu.memory_space<vmem>> -> memref<1x40xi32, #tpu.memory_space<vmem>>
        %dma_wait3A_344 = tpu.memref_squeeze %dma_wait3A_343 : memref<1x40xi32, #tpu.memory_space<vmem>> -> memref<40xi32, #tpu.memory_space<vmem>>
        %dma_wait3A_345 = arith.constant 0 : i32
        %dma_wait3A_346 = tpu.memref_slice %arg3[%add3A, %sub3A_235, %dma_wait3A_345] : memref<32x250x40xi32, #tpu.memory_space<hbm>> -> memref<1x1x40xi32, #tpu.memory_space<hbm>>
        %dma_wait3A_347 = tpu.memref_squeeze %dma_wait3A_346 : memref<1x1x40xi32, #tpu.memory_space<hbm>> -> memref<40xi32, #tpu.memory_space<hbm>>
        %dma_wait3A_348 = tpu.memref_slice %arg26[%dma_wait3A_341] : memref<9x!tpu.dma_semaphore, #tpu.memory_space<semaphore_mem>> -> memref<1x!tpu.dma_semaphore, #tpu.memory_space<semaphore_mem>>
        %dma_wait3A_349 = tpu.memref_squeeze %dma_wait3A_348 : memref<1x!tpu.dma_semaphore, #tpu.memory_space<semaphore_mem>> -> memref<!tpu.dma_semaphore, #tpu.memory_space<semaphore_mem>>
        %dma_wait3A_350 = arith.constant 0 : i32
        %dma_wait3A_351 = tpu.memref_slice %arg11[%dma_wait3A, %dma_wait3A_350] : memref<2x40xi32, #tpu.memory_space<vmem>> -> memref<1x40xi32, #tpu.memory_space<vmem>>
        %dma_wait3A_352 = tpu.memref_squeeze %dma_wait3A_351 : memref<1x40xi32, #tpu.memory_space<vmem>> -> memref<40xi32, #tpu.memory_space<vmem>>
        %dma_wait3A_353 = arith.constant 0 : i32
        %dma_wait3A_354 = tpu.memref_slice %arg3[%add3A, %sub3A_235, %dma_wait3A_353] : memref<32x250x40xi32, #tpu.memory_space<hbm>> -> memref<1x1x40xi32, #tpu.memory_space<hbm>>
        %dma_wait3A_355 = tpu.memref_squeeze %dma_wait3A_354 : memref<1x1x40xi32, #tpu.memory_space<hbm>> -> memref<40xi32, #tpu.memory_space<hbm>>
        tpu.wait_dma2 semaphore(%dma_wait3A_349 : memref<!tpu.dma_semaphore, #tpu.memory_space<semaphore_mem>>) src(%dma_wait3A_355 : memref<40xi32, #tpu.memory_space<hbm>>) dst(%dma_wait3A_352 : memref<40xi32, #tpu.memory_space<vmem>>)
        %dma_wait3A_356 = arith.constant 1 : i32
        %dma_wait3A_357 = arith.constant 4 : i32
        %dma_wait3A_358 = arith.constant 0 : i32
        %dma_wait3A_359 = tpu.memref_slice %arg11[%dma_wait3A_356, %dma_wait3A_358] : memref<2x40xi32, #tpu.memory_space<vmem>> -> memref<1x40xi32, #tpu.memory_space<vmem>>
        %dma_wait3A_360 = tpu.memref_squeeze %dma_wait3A_359 : memref<1x40xi32, #tpu.memory_space<vmem>> -> memref<40xi32, #tpu.memory_space<vmem>>
        %dma_wait3A_361 = arith.constant 0 : i32
        %dma_wait3A_362 = tpu.memref_slice %arg4[%add3A, %sub3A_235, %dma_wait3A_361] : memref<32x250x40xi32, #tpu.memory_space<hbm>> -> memref<1x1x40xi32, #tpu.memory_space<hbm>>
        %dma_wait3A_363 = tpu.memref_squeeze %dma_wait3A_362 : memref<1x1x40xi32, #tpu.memory_space<hbm>> -> memref<40xi32, #tpu.memory_space<hbm>>
        %dma_wait3A_364 = tpu.memref_slice %arg26[%dma_wait3A_357] : memref<9x!tpu.dma_semaphore, #tpu.memory_space<semaphore_mem>> -> memref<1x!tpu.dma_semaphore, #tpu.memory_space<semaphore_mem>>
        %dma_wait3A_365 = tpu.memref_squeeze %dma_wait3A_364 : memref<1x!tpu.dma_semaphore, #tpu.memory_space<semaphore_mem>> -> memref<!tpu.dma_semaphore, #tpu.memory_space<semaphore_mem>>
        %dma_wait3A_366 = arith.constant 0 : i32
        %dma_wait3A_367 = tpu.memref_slice %arg11[%dma_wait3A_356, %dma_wait3A_366] : memref<2x40xi32, #tpu.memory_space<vmem>> -> memref<1x40xi32, #tpu.memory_space<vmem>>
        %dma_wait3A_368 = tpu.memref_squeeze %dma_wait3A_367 : memref<1x40xi32, #tpu.memory_space<vmem>> -> memref<40xi32, #tpu.memory_space<vmem>>
        %dma_wait3A_369 = arith.constant 0 : i32
        %dma_wait3A_370 = tpu.memref_slice %arg4[%add3A, %sub3A_235, %dma_wait3A_369] : memref<32x250x40xi32, #tpu.memory_space<hbm>> -> memref<1x1x40xi32, #tpu.memory_space<hbm>>
        %dma_wait3A_371 = tpu.memref_squeeze %dma_wait3A_370 : memref<1x1x40xi32, #tpu.memory_space<hbm>> -> memref<40xi32, #tpu.memory_space<hbm>>
        tpu.wait_dma2 semaphore(%dma_wait3A_365 : memref<!tpu.dma_semaphore, #tpu.memory_space<semaphore_mem>>) src(%dma_wait3A_371 : memref<40xi32, #tpu.memory_space<hbm>>) dst(%dma_wait3A_368 : memref<40xi32, #tpu.memory_space<vmem>>)
        %dma_start3A = arith.constant 0 : i32
        %dma_start3A_372 = arith.constant 4 : i32
        %dma_start3A_373 = arith.constant 0 : i32
        %dma_start3A_374 = tpu.memref_slice %arg11[%dma_start3A, %dma_start3A_373] : memref<2x40xi32, #tpu.memory_space<vmem>> -> memref<1x40xi32, #tpu.memory_space<vmem>>
        %dma_start3A_375 = tpu.memref_squeeze %dma_start3A_374 : memref<1x40xi32, #tpu.memory_space<vmem>> -> memref<40xi32, #tpu.memory_space<vmem>>
        %dma_start3A_376 = arith.constant 0 : i32
        %dma_start3A_377 = arith.constant 0 : i32
        %dma_start3A_378 = tpu.memref_slice %arg2[%dma_start3A_376, %dma_start3A_377] : memref<10000x128xf32, #tpu.memory_space<hbm>> -> memref<10000x128xf32, #tpu.memory_space<hbm>>
        %dma_start3A_379 = tpu.memref_slice %arg27[%dma_start3A_372] : memref<9x!tpu.dma_semaphore, #tpu.memory_space<semaphore_mem>> -> memref<1x!tpu.dma_semaphore, #tpu.memory_space<semaphore_mem>>
        %dma_start3A_380 = tpu.memref_squeeze %dma_start3A_379 : memref<1x!tpu.dma_semaphore, #tpu.memory_space<semaphore_mem>> -> memref<!tpu.dma_semaphore, #tpu.memory_space<semaphore_mem>>
        tpu.enqueue_indirect_dma source(%dma_start3A_378 : memref<10000x128xf32, #tpu.memory_space<hbm>>) target(%arg20 : memref<40x128xf32, #tpu.memory_space<vmem>>) offsets(%dma_start3A_375 : memref<40xi32, #tpu.memory_space<vmem>>) semaphore(%dma_start3A_380 : memref<!tpu.dma_semaphore, #tpu.memory_space<semaphore_mem>>)
      } else {
      }
      %ge3A_259 = arith.constant 0 : i32
      %ge3A_260 = arith.cmpi sge, %sub3A_237, %ge3A_259 : i32
      %lt3A_261 = arith.constant 250 : i32
      %lt3A_262 = arith.cmpi slt, %sub3A_237, %lt3A_261 : i32
      %and3A_263 = arith.andi %ge3A_260, %lt3A_262 : i1
      %convert_element_type3A_264 = arith.extui %and3A_263 : i1 to i32
      %cond3A_265 = arith.constant 0 : i32
      %cond3A_266 = arith.cmpi ne, %convert_element_type3A_264, %cond3A_265 : i32
      scf.if %cond3A_266 {
        %dma_wait3A = arith.constant 0 : i32
        %dma_wait3A_341 = arith.constant 0 : i32
        %dma_wait3A_342 = arith.constant 0 : i32
        %dma_wait3A_343 = tpu.memref_slice %arg7[%dma_wait3A, %dma_wait3A_342] : memref<2x40xi32, #tpu.memory_space<vmem>> -> memref<1x40xi32, #tpu.memory_space<vmem>>
        %dma_wait3A_344 = tpu.memref_squeeze %dma_wait3A_343 : memref<1x40xi32, #tpu.memory_space<vmem>> -> memref<40xi32, #tpu.memory_space<vmem>>
        %dma_wait3A_345 = arith.constant 0 : i32
        %dma_wait3A_346 = arith.constant 0 : i32
        %dma_wait3A_347 = tpu.memref_slice %arg2[%dma_wait3A_345, %dma_wait3A_346] : memref<10000x128xf32, #tpu.memory_space<hbm>> -> memref<10000x128xf32, #tpu.memory_space<hbm>>
        %dma_wait3A_348 = tpu.memref_slice %arg27[%dma_wait3A_341] : memref<9x!tpu.dma_semaphore, #tpu.memory_space<semaphore_mem>> -> memref<1x!tpu.dma_semaphore, #tpu.memory_space<semaphore_mem>>
        %dma_wait3A_349 = tpu.memref_squeeze %dma_wait3A_348 : memref<1x!tpu.dma_semaphore, #tpu.memory_space<semaphore_mem>> -> memref<!tpu.dma_semaphore, #tpu.memory_space<semaphore_mem>>
        tpu.wait_indirect_dma semaphore(%dma_wait3A_349 : memref<!tpu.dma_semaphore, #tpu.memory_space<semaphore_mem>>) src(%dma_wait3A_347 : memref<10000x128xf32, #tpu.memory_space<hbm>>) dst(%arg16 : memref<40x128xf32, #tpu.memory_space<vmem>>)
        %dma_start3A = arith.constant 1 : i32
        %dma_start3A_350 = arith.constant 0 : i32
        %dma_start3A_351 = arith.constant 0 : i32
        %dma_start3A_352 = tpu.memref_slice %arg7[%dma_start3A, %dma_start3A_351] : memref<2x40xi32, #tpu.memory_space<vmem>> -> memref<1x40xi32, #tpu.memory_space<vmem>>
        %dma_start3A_353 = tpu.memref_squeeze %dma_start3A_352 : memref<1x40xi32, #tpu.memory_space<vmem>> -> memref<40xi32, #tpu.memory_space<vmem>>
        %dma_start3A_354 = arith.constant 0 : i32
        %dma_start3A_355 = arith.constant 0 : i32
        %dma_start3A_356 = tpu.memref_slice %arg25[%dma_start3A_354, %dma_start3A_355] : memref<10240x128xf32, #tpu.memory_space<vmem_shared>> -> memref<10240x128xf32, #tpu.memory_space<vmem_shared>>
        %dma_start3A_357 = tpu.memref_slice %arg28[%dma_start3A_350] : memref<9x!tpu.dma_semaphore, #tpu.memory_space<semaphore_mem>> -> memref<1x!tpu.dma_semaphore, #tpu.memory_space<semaphore_mem>>
        %dma_start3A_358 = tpu.memref_squeeze %dma_start3A_357 : memref<1x!tpu.dma_semaphore, #tpu.memory_space<semaphore_mem>> -> memref<!tpu.dma_semaphore, #tpu.memory_space<semaphore_mem>>
        tpu.enqueue_indirect_dma source(%arg16 : memref<40x128xf32, #tpu.memory_space<vmem>>) target(%dma_start3A_356 : memref<10240x128xf32, #tpu.memory_space<vmem_shared>>) offsets(%dma_start3A_353 : memref<40xi32, #tpu.memory_space<vmem>>) semaphore(%dma_start3A_358 : memref<!tpu.dma_semaphore, #tpu.memory_space<semaphore_mem>>) {add = true}
      } else {
      }
      %mul3A_267 = arith.constant 9 : i32
      %mul3A_268 = arith.muli %scan3A_13, %mul3A_267 : i32
      %add3A_269 = arith.constant 7 : i32
      %add3A_270 = arith.addi %mul3A_268, %add3A_269 : i32
      %sub3A_271 = arith.constant 2 : i32
      %sub3A_272 = arith.subi %add3A_270, %sub3A_271 : i32
      %sub3A_273 = arith.constant 6 : i32
      %sub3A_274 = arith.subi %add3A_270, %sub3A_273 : i32
      %ge3A_275 = arith.constant 9 : i32
      %ge3A_276 = arith.cmpi sge, %add3A_270, %ge3A_275 : i32
      %lt3A_277 = arith.constant 259 : i32
      %lt3A_278 = arith.cmpi slt, %add3A_270, %lt3A_277 : i32
      %and3A_279 = arith.andi %ge3A_276, %lt3A_278 : i1
      %convert_element_type3A_280 = arith.extui %and3A_279 : i1 to i32
      %cond3A_281 = arith.constant 0 : i32
      %cond3A_282 = arith.cmpi ne, %convert_element_type3A_280, %cond3A_281 : i32
      scf.if %cond3A_282 {
        %dma_wait3A = arith.constant 1 : i32
        %dma_wait3A_341 = arith.constant 7 : i32
        %dma_wait3A_342 = arith.constant 0 : i32
        %dma_wait3A_343 = tpu.memref_slice %arg14[%dma_wait3A, %dma_wait3A_342] : memref<2x40xi32, #tpu.memory_space<vmem>> -> memref<1x40xi32, #tpu.memory_space<vmem>>
        %dma_wait3A_344 = tpu.memref_squeeze %dma_wait3A_343 : memref<1x40xi32, #tpu.memory_space<vmem>> -> memref<40xi32, #tpu.memory_space<vmem>>
        %dma_wait3A_345 = arith.constant 0 : i32
        %dma_wait3A_346 = arith.constant 0 : i32
        %dma_wait3A_347 = tpu.memref_slice %arg25[%dma_wait3A_345, %dma_wait3A_346] : memref<10240x128xf32, #tpu.memory_space<vmem_shared>> -> memref<10240x128xf32, #tpu.memory_space<vmem_shared>>
        %dma_wait3A_348 = tpu.memref_slice %arg28[%dma_wait3A_341] : memref<9x!tpu.dma_semaphore, #tpu.memory_space<semaphore_mem>> -> memref<1x!tpu.dma_semaphore, #tpu.memory_space<semaphore_mem>>
        %dma_wait3A_349 = tpu.memref_squeeze %dma_wait3A_348 : memref<1x!tpu.dma_semaphore, #tpu.memory_space<semaphore_mem>> -> memref<!tpu.dma_semaphore, #tpu.memory_space<semaphore_mem>>
        tpu.wait_indirect_dma semaphore(%dma_wait3A_349 : memref<!tpu.dma_semaphore, #tpu.memory_space<semaphore_mem>>) src(%arg23 : memref<40x128xf32, #tpu.memory_space<vmem>>) dst(%dma_wait3A_347 : memref<10240x128xf32, #tpu.memory_space<vmem_shared>>)
      } else {
      }
      %lt3A_283 = arith.constant 250 : i32
      %lt3A_284 = arith.cmpi slt, %add3A_270, %lt3A_283 : i32
      %convert_element_type3A_285 = arith.extui %lt3A_284 : i1 to i32
      %cond3A_286 = arith.constant 0 : i32
      %cond3A_287 = arith.cmpi ne, %convert_element_type3A_285, %cond3A_286 : i32
      scf.if %cond3A_287 {
        %dma_start3A = arith.constant 0 : i32
        %dma_start3A_341 = arith.constant 7 : i32
        %dma_start3A_342 = arith.constant 0 : i32
        %dma_start3A_343 = tpu.memref_slice %arg14[%dma_start3A, %dma_start3A_342] : memref<2x40xi32, #tpu.memory_space<vmem>> -> memref<1x40xi32, #tpu.memory_space<vmem>>
        %dma_start3A_344 = tpu.memref_squeeze %dma_start3A_343 : memref<1x40xi32, #tpu.memory_space<vmem>> -> memref<40xi32, #tpu.memory_space<vmem>>
        %dma_start3A_345 = arith.constant 0 : i32
        %dma_start3A_346 = tpu.memref_slice %arg3[%add3A, %add3A_270, %dma_start3A_345] : memref<32x250x40xi32, #tpu.memory_space<hbm>> -> memref<1x1x40xi32, #tpu.memory_space<hbm>>
        %dma_start3A_347 = tpu.memref_squeeze %dma_start3A_346 : memref<1x1x40xi32, #tpu.memory_space<hbm>> -> memref<40xi32, #tpu.memory_space<hbm>>
        %dma_start3A_348 = tpu.memref_slice %arg26[%dma_start3A_341] : memref<9x!tpu.dma_semaphore, #tpu.memory_space<semaphore_mem>> -> memref<1x!tpu.dma_semaphore, #tpu.memory_space<semaphore_mem>>
        %dma_start3A_349 = tpu.memref_squeeze %dma_start3A_348 : memref<1x!tpu.dma_semaphore, #tpu.memory_space<semaphore_mem>> -> memref<!tpu.dma_semaphore, #tpu.memory_space<semaphore_mem>>
        %dma_start3A_350 = arith.constant 0 : i32
        %dma_start3A_351 = tpu.memref_slice %arg14[%dma_start3A, %dma_start3A_350] : memref<2x40xi32, #tpu.memory_space<vmem>> -> memref<1x40xi32, #tpu.memory_space<vmem>>
        %dma_start3A_352 = tpu.memref_squeeze %dma_start3A_351 : memref<1x40xi32, #tpu.memory_space<vmem>> -> memref<40xi32, #tpu.memory_space<vmem>>
        %dma_start3A_353 = arith.constant 0 : i32
        %dma_start3A_354 = tpu.memref_slice %arg3[%add3A, %add3A_270, %dma_start3A_353] : memref<32x250x40xi32, #tpu.memory_space<hbm>> -> memref<1x1x40xi32, #tpu.memory_space<hbm>>
        %dma_start3A_355 = tpu.memref_squeeze %dma_start3A_354 : memref<1x1x40xi32, #tpu.memory_space<hbm>> -> memref<40xi32, #tpu.memory_space<hbm>>
        tpu.enqueue_dma source(%dma_start3A_355 : memref<40xi32, #tpu.memory_space<hbm>>) target(%dma_start3A_352 : memref<40xi32, #tpu.memory_space<vmem>>) target_semaphore(%dma_start3A_349 : memref<!tpu.dma_semaphore, #tpu.memory_space<semaphore_mem>>)
        %dma_start3A_356 = arith.constant 1 : i32
        %dma_start3A_357 = arith.constant 7 : i32
        %dma_start3A_358 = arith.constant 0 : i32
        %dma_start3A_359 = tpu.memref_slice %arg14[%dma_start3A_356, %dma_start3A_358] : memref<2x40xi32, #tpu.memory_space<vmem>> -> memref<1x40xi32, #tpu.memory_space<vmem>>
        %dma_start3A_360 = tpu.memref_squeeze %dma_start3A_359 : memref<1x40xi32, #tpu.memory_space<vmem>> -> memref<40xi32, #tpu.memory_space<vmem>>
        %dma_start3A_361 = arith.constant 0 : i32
        %dma_start3A_362 = tpu.memref_slice %arg4[%add3A, %add3A_270, %dma_start3A_361] : memref<32x250x40xi32, #tpu.memory_space<hbm>> -> memref<1x1x40xi32, #tpu.memory_space<hbm>>
        %dma_start3A_363 = tpu.memref_squeeze %dma_start3A_362 : memref<1x1x40xi32, #tpu.memory_space<hbm>> -> memref<40xi32, #tpu.memory_space<hbm>>
        %dma_start3A_364 = tpu.memref_slice %arg26[%dma_start3A_357] : memref<9x!tpu.dma_semaphore, #tpu.memory_space<semaphore_mem>> -> memref<1x!tpu.dma_semaphore, #tpu.memory_space<semaphore_mem>>
        %dma_start3A_365 = tpu.memref_squeeze %dma_start3A_364 : memref<1x!tpu.dma_semaphore, #tpu.memory_space<semaphore_mem>> -> memref<!tpu.dma_semaphore, #tpu.memory_space<semaphore_mem>>
        %dma_start3A_366 = arith.constant 0 : i32
        %dma_start3A_367 = tpu.memref_slice %arg14[%dma_start3A_356, %dma_start3A_366] : memref<2x40xi32, #tpu.memory_space<vmem>> -> memref<1x40xi32, #tpu.memory_space<vmem>>
        %dma_start3A_368 = tpu.memref_squeeze %dma_start3A_367 : memref<1x40xi32, #tpu.memory_space<vmem>> -> memref<40xi32, #tpu.memory_space<vmem>>
        %dma_start3A_369 = arith.constant 0 : i32
        %dma_start3A_370 = tpu.memref_slice %arg4[%add3A, %add3A_270, %dma_start3A_369] : memref<32x250x40xi32, #tpu.memory_space<hbm>> -> memref<1x1x40xi32, #tpu.memory_space<hbm>>
        %dma_start3A_371 = tpu.memref_squeeze %dma_start3A_370 : memref<1x1x40xi32, #tpu.memory_space<hbm>> -> memref<40xi32, #tpu.memory_space<hbm>>
        tpu.enqueue_dma source(%dma_start3A_371 : memref<40xi32, #tpu.memory_space<hbm>>) target(%dma_start3A_368 : memref<40xi32, #tpu.memory_space<vmem>>) target_semaphore(%dma_start3A_365 : memref<!tpu.dma_semaphore, #tpu.memory_space<semaphore_mem>>)
      } else {
      }
      %ge3A_288 = arith.constant 0 : i32
      %ge3A_289 = arith.cmpi sge, %sub3A_272, %ge3A_288 : i32
      %lt3A_290 = arith.constant 250 : i32
      %lt3A_291 = arith.cmpi slt, %sub3A_272, %lt3A_290 : i32
      %and3A_292 = arith.andi %ge3A_289, %lt3A_291 : i1
      %convert_element_type3A_293 = arith.extui %and3A_292 : i1 to i32
      %cond3A_294 = arith.constant 0 : i32
      %cond3A_295 = arith.cmpi ne, %convert_element_type3A_293, %cond3A_294 : i32
      scf.if %cond3A_295 {
        %dma_wait3A = arith.constant 0 : i32
        %dma_wait3A_341 = arith.constant 5 : i32
        %dma_wait3A_342 = arith.constant 0 : i32
        %dma_wait3A_343 = tpu.memref_slice %arg12[%dma_wait3A, %dma_wait3A_342] : memref<2x40xi32, #tpu.memory_space<vmem>> -> memref<1x40xi32, #tpu.memory_space<vmem>>
        %dma_wait3A_344 = tpu.memref_squeeze %dma_wait3A_343 : memref<1x40xi32, #tpu.memory_space<vmem>> -> memref<40xi32, #tpu.memory_space<vmem>>
        %dma_wait3A_345 = arith.constant 0 : i32
        %dma_wait3A_346 = tpu.memref_slice %arg3[%add3A, %sub3A_272, %dma_wait3A_345] : memref<32x250x40xi32, #tpu.memory_space<hbm>> -> memref<1x1x40xi32, #tpu.memory_space<hbm>>
        %dma_wait3A_347 = tpu.memref_squeeze %dma_wait3A_346 : memref<1x1x40xi32, #tpu.memory_space<hbm>> -> memref<40xi32, #tpu.memory_space<hbm>>
        %dma_wait3A_348 = tpu.memref_slice %arg26[%dma_wait3A_341] : memref<9x!tpu.dma_semaphore, #tpu.memory_space<semaphore_mem>> -> memref<1x!tpu.dma_semaphore, #tpu.memory_space<semaphore_mem>>
        %dma_wait3A_349 = tpu.memref_squeeze %dma_wait3A_348 : memref<1x!tpu.dma_semaphore, #tpu.memory_space<semaphore_mem>> -> memref<!tpu.dma_semaphore, #tpu.memory_space<semaphore_mem>>
        %dma_wait3A_350 = arith.constant 0 : i32
        %dma_wait3A_351 = tpu.memref_slice %arg12[%dma_wait3A, %dma_wait3A_350] : memref<2x40xi32, #tpu.memory_space<vmem>> -> memref<1x40xi32, #tpu.memory_space<vmem>>
        %dma_wait3A_352 = tpu.memref_squeeze %dma_wait3A_351 : memref<1x40xi32, #tpu.memory_space<vmem>> -> memref<40xi32, #tpu.memory_space<vmem>>
        %dma_wait3A_353 = arith.constant 0 : i32
        %dma_wait3A_354 = tpu.memref_slice %arg3[%add3A, %sub3A_272, %dma_wait3A_353] : memref<32x250x40xi32, #tpu.memory_space<hbm>> -> memref<1x1x40xi32, #tpu.memory_space<hbm>>
        %dma_wait3A_355 = tpu.memref_squeeze %dma_wait3A_354 : memref<1x1x40xi32, #tpu.memory_space<hbm>> -> memref<40xi32, #tpu.memory_space<hbm>>
        tpu.wait_dma2 semaphore(%dma_wait3A_349 : memref<!tpu.dma_semaphore, #tpu.memory_space<semaphore_mem>>) src(%dma_wait3A_355 : memref<40xi32, #tpu.memory_space<hbm>>) dst(%dma_wait3A_352 : memref<40xi32, #tpu.memory_space<vmem>>)
        %dma_wait3A_356 = arith.constant 1 : i32
        %dma_wait3A_357 = arith.constant 5 : i32
        %dma_wait3A_358 = arith.constant 0 : i32
        %dma_wait3A_359 = tpu.memref_slice %arg12[%dma_wait3A_356, %dma_wait3A_358] : memref<2x40xi32, #tpu.memory_space<vmem>> -> memref<1x40xi32, #tpu.memory_space<vmem>>
        %dma_wait3A_360 = tpu.memref_squeeze %dma_wait3A_359 : memref<1x40xi32, #tpu.memory_space<vmem>> -> memref<40xi32, #tpu.memory_space<vmem>>
        %dma_wait3A_361 = arith.constant 0 : i32
        %dma_wait3A_362 = tpu.memref_slice %arg4[%add3A, %sub3A_272, %dma_wait3A_361] : memref<32x250x40xi32, #tpu.memory_space<hbm>> -> memref<1x1x40xi32, #tpu.memory_space<hbm>>
        %dma_wait3A_363 = tpu.memref_squeeze %dma_wait3A_362 : memref<1x1x40xi32, #tpu.memory_space<hbm>> -> memref<40xi32, #tpu.memory_space<hbm>>
        %dma_wait3A_364 = tpu.memref_slice %arg26[%dma_wait3A_357] : memref<9x!tpu.dma_semaphore, #tpu.memory_space<semaphore_mem>> -> memref<1x!tpu.dma_semaphore, #tpu.memory_space<semaphore_mem>>
        %dma_wait3A_365 = tpu.memref_squeeze %dma_wait3A_364 : memref<1x!tpu.dma_semaphore, #tpu.memory_space<semaphore_mem>> -> memref<!tpu.dma_semaphore, #tpu.memory_space<semaphore_mem>>
        %dma_wait3A_366 = arith.constant 0 : i32
        %dma_wait3A_367 = tpu.memref_slice %arg12[%dma_wait3A_356, %dma_wait3A_366] : memref<2x40xi32, #tpu.memory_space<vmem>> -> memref<1x40xi32, #tpu.memory_space<vmem>>
        %dma_wait3A_368 = tpu.memref_squeeze %dma_wait3A_367 : memref<1x40xi32, #tpu.memory_space<vmem>> -> memref<40xi32, #tpu.memory_space<vmem>>
        %dma_wait3A_369 = arith.constant 0 : i32
        %dma_wait3A_370 = tpu.memref_slice %arg4[%add3A, %sub3A_272, %dma_wait3A_369] : memref<32x250x40xi32, #tpu.memory_space<hbm>> -> memref<1x1x40xi32, #tpu.memory_space<hbm>>
        %dma_wait3A_371 = tpu.memref_squeeze %dma_wait3A_370 : memref<1x1x40xi32, #tpu.memory_space<hbm>> -> memref<40xi32, #tpu.memory_space<hbm>>
        tpu.wait_dma2 semaphore(%dma_wait3A_365 : memref<!tpu.dma_semaphore, #tpu.memory_space<semaphore_mem>>) src(%dma_wait3A_371 : memref<40xi32, #tpu.memory_space<hbm>>) dst(%dma_wait3A_368 : memref<40xi32, #tpu.memory_space<vmem>>)
        %dma_start3A = arith.constant 0 : i32
        %dma_start3A_372 = arith.constant 5 : i32
        %dma_start3A_373 = arith.constant 0 : i32
        %dma_start3A_374 = tpu.memref_slice %arg12[%dma_start3A, %dma_start3A_373] : memref<2x40xi32, #tpu.memory_space<vmem>> -> memref<1x40xi32, #tpu.memory_space<vmem>>
        %dma_start3A_375 = tpu.memref_squeeze %dma_start3A_374 : memref<1x40xi32, #tpu.memory_space<vmem>> -> memref<40xi32, #tpu.memory_space<vmem>>
        %dma_start3A_376 = arith.constant 0 : i32
        %dma_start3A_377 = arith.constant 0 : i32
        %dma_start3A_378 = tpu.memref_slice %arg2[%dma_start3A_376, %dma_start3A_377] : memref<10000x128xf32, #tpu.memory_space<hbm>> -> memref<10000x128xf32, #tpu.memory_space<hbm>>
        %dma_start3A_379 = tpu.memref_slice %arg27[%dma_start3A_372] : memref<9x!tpu.dma_semaphore, #tpu.memory_space<semaphore_mem>> -> memref<1x!tpu.dma_semaphore, #tpu.memory_space<semaphore_mem>>
        %dma_start3A_380 = tpu.memref_squeeze %dma_start3A_379 : memref<1x!tpu.dma_semaphore, #tpu.memory_space<semaphore_mem>> -> memref<!tpu.dma_semaphore, #tpu.memory_space<semaphore_mem>>
        tpu.enqueue_indirect_dma source(%dma_start3A_378 : memref<10000x128xf32, #tpu.memory_space<hbm>>) target(%arg21 : memref<40x128xf32, #tpu.memory_space<vmem>>) offsets(%dma_start3A_375 : memref<40xi32, #tpu.memory_space<vmem>>) semaphore(%dma_start3A_380 : memref<!tpu.dma_semaphore, #tpu.memory_space<semaphore_mem>>)
      } else {
      }
      %ge3A_296 = arith.constant 0 : i32
      %ge3A_297 = arith.cmpi sge, %sub3A_274, %ge3A_296 : i32
      %lt3A_298 = arith.constant 250 : i32
      %lt3A_299 = arith.cmpi slt, %sub3A_274, %lt3A_298 : i32
      %and3A_300 = arith.andi %ge3A_297, %lt3A_299 : i1
      %convert_element_type3A_301 = arith.extui %and3A_300 : i1 to i32
      %cond3A_302 = arith.constant 0 : i32
      %cond3A_303 = arith.cmpi ne, %convert_element_type3A_301, %cond3A_302 : i32
      scf.if %cond3A_303 {
        %dma_wait3A = arith.constant 0 : i32
        %dma_wait3A_341 = arith.constant 1 : i32
        %dma_wait3A_342 = arith.constant 0 : i32
        %dma_wait3A_343 = tpu.memref_slice %arg8[%dma_wait3A, %dma_wait3A_342] : memref<2x40xi32, #tpu.memory_space<vmem>> -> memref<1x40xi32, #tpu.memory_space<vmem>>
        %dma_wait3A_344 = tpu.memref_squeeze %dma_wait3A_343 : memref<1x40xi32, #tpu.memory_space<vmem>> -> memref<40xi32, #tpu.memory_space<vmem>>
        %dma_wait3A_345 = arith.constant 0 : i32
        %dma_wait3A_346 = arith.constant 0 : i32
        %dma_wait3A_347 = tpu.memref_slice %arg2[%dma_wait3A_345, %dma_wait3A_346] : memref<10000x128xf32, #tpu.memory_space<hbm>> -> memref<10000x128xf32, #tpu.memory_space<hbm>>
        %dma_wait3A_348 = tpu.memref_slice %arg27[%dma_wait3A_341] : memref<9x!tpu.dma_semaphore, #tpu.memory_space<semaphore_mem>> -> memref<1x!tpu.dma_semaphore, #tpu.memory_space<semaphore_mem>>
        %dma_wait3A_349 = tpu.memref_squeeze %dma_wait3A_348 : memref<1x!tpu.dma_semaphore, #tpu.memory_space<semaphore_mem>> -> memref<!tpu.dma_semaphore, #tpu.memory_space<semaphore_mem>>
        tpu.wait_indirect_dma semaphore(%dma_wait3A_349 : memref<!tpu.dma_semaphore, #tpu.memory_space<semaphore_mem>>) src(%dma_wait3A_347 : memref<10000x128xf32, #tpu.memory_space<hbm>>) dst(%arg17 : memref<40x128xf32, #tpu.memory_space<vmem>>)
        %dma_start3A = arith.constant 1 : i32
        %dma_start3A_350 = arith.constant 1 : i32
        %dma_start3A_351 = arith.constant 0 : i32
        %dma_start3A_352 = tpu.memref_slice %arg8[%dma_start3A, %dma_start3A_351] : memref<2x40xi32, #tpu.memory_space<vmem>> -> memref<1x40xi32, #tpu.memory_space<vmem>>
        %dma_start3A_353 = tpu.memref_squeeze %dma_start3A_352 : memref<1x40xi32, #tpu.memory_space<vmem>> -> memref<40xi32, #tpu.memory_space<vmem>>
        %dma_start3A_354 = arith.constant 0 : i32
        %dma_start3A_355 = arith.constant 0 : i32
        %dma_start3A_356 = tpu.memref_slice %arg25[%dma_start3A_354, %dma_start3A_355] : memref<10240x128xf32, #tpu.memory_space<vmem_shared>> -> memref<10240x128xf32, #tpu.memory_space<vmem_shared>>
        %dma_start3A_357 = tpu.memref_slice %arg28[%dma_start3A_350] : memref<9x!tpu.dma_semaphore, #tpu.memory_space<semaphore_mem>> -> memref<1x!tpu.dma_semaphore, #tpu.memory_space<semaphore_mem>>
        %dma_start3A_358 = tpu.memref_squeeze %dma_start3A_357 : memref<1x!tpu.dma_semaphore, #tpu.memory_space<semaphore_mem>> -> memref<!tpu.dma_semaphore, #tpu.memory_space<semaphore_mem>>
        tpu.enqueue_indirect_dma source(%arg17 : memref<40x128xf32, #tpu.memory_space<vmem>>) target(%dma_start3A_356 : memref<10240x128xf32, #tpu.memory_space<vmem_shared>>) offsets(%dma_start3A_353 : memref<40xi32, #tpu.memory_space<vmem>>) semaphore(%dma_start3A_358 : memref<!tpu.dma_semaphore, #tpu.memory_space<semaphore_mem>>) {add = true}
      } else {
      }
      %mul3A_304 = arith.constant 9 : i32
      %mul3A_305 = arith.muli %scan3A_13, %mul3A_304 : i32
      %add3A_306 = arith.constant 8 : i32
      %add3A_307 = arith.addi %mul3A_305, %add3A_306 : i32
      %sub3A_308 = arith.constant 2 : i32
      %sub3A_309 = arith.subi %add3A_307, %sub3A_308 : i32
      %sub3A_310 = arith.constant 6 : i32
      %sub3A_311 = arith.subi %add3A_307, %sub3A_310 : i32
      %ge3A_312 = arith.constant 9 : i32
      %ge3A_313 = arith.cmpi sge, %add3A_307, %ge3A_312 : i32
      %lt3A_314 = arith.constant 259 : i32
      %lt3A_315 = arith.cmpi slt, %add3A_307, %lt3A_314 : i32
      %and3A_316 = arith.andi %ge3A_313, %lt3A_315 : i1
      %convert_element_type3A_317 = arith.extui %and3A_316 : i1 to i32
      %cond3A_318 = arith.constant 0 : i32
      %cond3A_319 = arith.cmpi ne, %convert_element_type3A_317, %cond3A_318 : i32
      scf.if %cond3A_319 {
        %dma_wait3A = arith.constant 1 : i32
        %dma_wait3A_341 = arith.constant 8 : i32
        %dma_wait3A_342 = arith.constant 0 : i32
        %dma_wait3A_343 = tpu.memref_slice %arg15[%dma_wait3A, %dma_wait3A_342] : memref<2x40xi32, #tpu.memory_space<vmem>> -> memref<1x40xi32, #tpu.memory_space<vmem>>
        %dma_wait3A_344 = tpu.memref_squeeze %dma_wait3A_343 : memref<1x40xi32, #tpu.memory_space<vmem>> -> memref<40xi32, #tpu.memory_space<vmem>>
        %dma_wait3A_345 = arith.constant 0 : i32
        %dma_wait3A_346 = arith.constant 0 : i32
        %dma_wait3A_347 = tpu.memref_slice %arg25[%dma_wait3A_345, %dma_wait3A_346] : memref<10240x128xf32, #tpu.memory_space<vmem_shared>> -> memref<10240x128xf32, #tpu.memory_space<vmem_shared>>
        %dma_wait3A_348 = tpu.memref_slice %arg28[%dma_wait3A_341] : memref<9x!tpu.dma_semaphore, #tpu.memory_space<semaphore_mem>> -> memref<1x!tpu.dma_semaphore, #tpu.memory_space<semaphore_mem>>
        %dma_wait3A_349 = tpu.memref_squeeze %dma_wait3A_348 : memref<1x!tpu.dma_semaphore, #tpu.memory_space<semaphore_mem>> -> memref<!tpu.dma_semaphore, #tpu.memory_space<semaphore_mem>>
        tpu.wait_indirect_dma semaphore(%dma_wait3A_349 : memref<!tpu.dma_semaphore, #tpu.memory_space<semaphore_mem>>) src(%arg24 : memref<40x128xf32, #tpu.memory_space<vmem>>) dst(%dma_wait3A_347 : memref<10240x128xf32, #tpu.memory_space<vmem_shared>>)
      } else {
      }
      %lt3A_320 = arith.constant 250 : i32
      %lt3A_321 = arith.cmpi slt, %add3A_307, %lt3A_320 : i32
      %convert_element_type3A_322 = arith.extui %lt3A_321 : i1 to i32
      %cond3A_323 = arith.constant 0 : i32
      %cond3A_324 = arith.cmpi ne, %convert_element_type3A_322, %cond3A_323 : i32
      scf.if %cond3A_324 {
        %dma_start3A = arith.constant 0 : i32
        %dma_start3A_341 = arith.constant 8 : i32
        %dma_start3A_342 = arith.constant 0 : i32
        %dma_start3A_343 = tpu.memref_slice %arg15[%dma_start3A, %dma_start3A_342] : memref<2x40xi32, #tpu.memory_space<vmem>> -> memref<1x40xi32, #tpu.memory_space<vmem>>
        %dma_start3A_344 = tpu.memref_squeeze %dma_start3A_343 : memref<1x40xi32, #tpu.memory_space<vmem>> -> memref<40xi32, #tpu.memory_space<vmem>>
        %dma_start3A_345 = arith.constant 0 : i32
        %dma_start3A_346 = tpu.memref_slice %arg3[%add3A, %add3A_307, %dma_start3A_345] : memref<32x250x40xi32, #tpu.memory_space<hbm>> -> memref<1x1x40xi32, #tpu.memory_space<hbm>>
        %dma_start3A_347 = tpu.memref_squeeze %dma_start3A_346 : memref<1x1x40xi32, #tpu.memory_space<hbm>> -> memref<40xi32, #tpu.memory_space<hbm>>
        %dma_start3A_348 = tpu.memref_slice %arg26[%dma_start3A_341] : memref<9x!tpu.dma_semaphore, #tpu.memory_space<semaphore_mem>> -> memref<1x!tpu.dma_semaphore, #tpu.memory_space<semaphore_mem>>
        %dma_start3A_349 = tpu.memref_squeeze %dma_start3A_348 : memref<1x!tpu.dma_semaphore, #tpu.memory_space<semaphore_mem>> -> memref<!tpu.dma_semaphore, #tpu.memory_space<semaphore_mem>>
        %dma_start3A_350 = arith.constant 0 : i32
        %dma_start3A_351 = tpu.memref_slice %arg15[%dma_start3A, %dma_start3A_350] : memref<2x40xi32, #tpu.memory_space<vmem>> -> memref<1x40xi32, #tpu.memory_space<vmem>>
        %dma_start3A_352 = tpu.memref_squeeze %dma_start3A_351 : memref<1x40xi32, #tpu.memory_space<vmem>> -> memref<40xi32, #tpu.memory_space<vmem>>
        %dma_start3A_353 = arith.constant 0 : i32
        %dma_start3A_354 = tpu.memref_slice %arg3[%add3A, %add3A_307, %dma_start3A_353] : memref<32x250x40xi32, #tpu.memory_space<hbm>> -> memref<1x1x40xi32, #tpu.memory_space<hbm>>
        %dma_start3A_355 = tpu.memref_squeeze %dma_start3A_354 : memref<1x1x40xi32, #tpu.memory_space<hbm>> -> memref<40xi32, #tpu.memory_space<hbm>>
        tpu.enqueue_dma source(%dma_start3A_355 : memref<40xi32, #tpu.memory_space<hbm>>) target(%dma_start3A_352 : memref<40xi32, #tpu.memory_space<vmem>>) target_semaphore(%dma_start3A_349 : memref<!tpu.dma_semaphore, #tpu.memory_space<semaphore_mem>>)
        %dma_start3A_356 = arith.constant 1 : i32
        %dma_start3A_357 = arith.constant 8 : i32
        %dma_start3A_358 = arith.constant 0 : i32
        %dma_start3A_359 = tpu.memref_slice %arg15[%dma_start3A_356, %dma_start3A_358] : memref<2x40xi32, #tpu.memory_space<vmem>> -> memref<1x40xi32, #tpu.memory_space<vmem>>
        %dma_start3A_360 = tpu.memref_squeeze %dma_start3A_359 : memref<1x40xi32, #tpu.memory_space<vmem>> -> memref<40xi32, #tpu.memory_space<vmem>>
        %dma_start3A_361 = arith.constant 0 : i32
        %dma_start3A_362 = tpu.memref_slice %arg4[%add3A, %add3A_307, %dma_start3A_361] : memref<32x250x40xi32, #tpu.memory_space<hbm>> -> memref<1x1x40xi32, #tpu.memory_space<hbm>>
        %dma_start3A_363 = tpu.memref_squeeze %dma_start3A_362 : memref<1x1x40xi32, #tpu.memory_space<hbm>> -> memref<40xi32, #tpu.memory_space<hbm>>
        %dma_start3A_364 = tpu.memref_slice %arg26[%dma_start3A_357] : memref<9x!tpu.dma_semaphore, #tpu.memory_space<semaphore_mem>> -> memref<1x!tpu.dma_semaphore, #tpu.memory_space<semaphore_mem>>
        %dma_start3A_365 = tpu.memref_squeeze %dma_start3A_364 : memref<1x!tpu.dma_semaphore, #tpu.memory_space<semaphore_mem>> -> memref<!tpu.dma_semaphore, #tpu.memory_space<semaphore_mem>>
        %dma_start3A_366 = arith.constant 0 : i32
        %dma_start3A_367 = tpu.memref_slice %arg15[%dma_start3A_356, %dma_start3A_366] : memref<2x40xi32, #tpu.memory_space<vmem>> -> memref<1x40xi32, #tpu.memory_space<vmem>>
        %dma_start3A_368 = tpu.memref_squeeze %dma_start3A_367 : memref<1x40xi32, #tpu.memory_space<vmem>> -> memref<40xi32, #tpu.memory_space<vmem>>
        %dma_start3A_369 = arith.constant 0 : i32
        %dma_start3A_370 = tpu.memref_slice %arg4[%add3A, %add3A_307, %dma_start3A_369] : memref<32x250x40xi32, #tpu.memory_space<hbm>> -> memref<1x1x40xi32, #tpu.memory_space<hbm>>
        %dma_start3A_371 = tpu.memref_squeeze %dma_start3A_370 : memref<1x1x40xi32, #tpu.memory_space<hbm>> -> memref<40xi32, #tpu.memory_space<hbm>>
        tpu.enqueue_dma source(%dma_start3A_371 : memref<40xi32, #tpu.memory_space<hbm>>) target(%dma_start3A_368 : memref<40xi32, #tpu.memory_space<vmem>>) target_semaphore(%dma_start3A_365 : memref<!tpu.dma_semaphore, #tpu.memory_space<semaphore_mem>>)
      } else {
      }
      %ge3A_325 = arith.constant 0 : i32
      %ge3A_326 = arith.cmpi sge, %sub3A_309, %ge3A_325 : i32
      %lt3A_327 = arith.constant 250 : i32
      %lt3A_328 = arith.cmpi slt, %sub3A_309, %lt3A_327 : i32
      %and3A_329 = arith.andi %ge3A_326, %lt3A_328 : i1
      %convert_element_type3A_330 = arith.extui %and3A_329 : i1 to i32
      %cond3A_331 = arith.constant 0 : i32
      %cond3A_332 = arith.cmpi ne, %convert_element_type3A_330, %cond3A_331 : i32
      scf.if %cond3A_332 {
        %dma_wait3A = arith.constant 0 : i32
        %dma_wait3A_341 = arith.constant 6 : i32
        %dma_wait3A_342 = arith.constant 0 : i32
        %dma_wait3A_343 = tpu.memref_slice %arg13[%dma_wait3A, %dma_wait3A_342] : memref<2x40xi32, #tpu.memory_space<vmem>> -> memref<1x40xi32, #tpu.memory_space<vmem>>
        %dma_wait3A_344 = tpu.memref_squeeze %dma_wait3A_343 : memref<1x40xi32, #tpu.memory_space<vmem>> -> memref<40xi32, #tpu.memory_space<vmem>>
        %dma_wait3A_345 = arith.constant 0 : i32
        %dma_wait3A_346 = tpu.memref_slice %arg3[%add3A, %sub3A_309, %dma_wait3A_345] : memref<32x250x40xi32, #tpu.memory_space<hbm>> -> memref<1x1x40xi32, #tpu.memory_space<hbm>>
        %dma_wait3A_347 = tpu.memref_squeeze %dma_wait3A_346 : memref<1x1x40xi32, #tpu.memory_space<hbm>> -> memref<40xi32, #tpu.memory_space<hbm>>
        %dma_wait3A_348 = tpu.memref_slice %arg26[%dma_wait3A_341] : memref<9x!tpu.dma_semaphore, #tpu.memory_space<semaphore_mem>> -> memref<1x!tpu.dma_semaphore, #tpu.memory_space<semaphore_mem>>
        %dma_wait3A_349 = tpu.memref_squeeze %dma_wait3A_348 : memref<1x!tpu.dma_semaphore, #tpu.memory_space<semaphore_mem>> -> memref<!tpu.dma_semaphore, #tpu.memory_space<semaphore_mem>>
        %dma_wait3A_350 = arith.constant 0 : i32
        %dma_wait3A_351 = tpu.memref_slice %arg13[%dma_wait3A, %dma_wait3A_350] : memref<2x40xi32, #tpu.memory_space<vmem>> -> memref<1x40xi32, #tpu.memory_space<vmem>>
        %dma_wait3A_352 = tpu.memref_squeeze %dma_wait3A_351 : memref<1x40xi32, #tpu.memory_space<vmem>> -> memref<40xi32, #tpu.memory_space<vmem>>
        %dma_wait3A_353 = arith.constant 0 : i32
        %dma_wait3A_354 = tpu.memref_slice %arg3[%add3A, %sub3A_309, %dma_wait3A_353] : memref<32x250x40xi32, #tpu.memory_space<hbm>> -> memref<1x1x40xi32, #tpu.memory_space<hbm>>
        %dma_wait3A_355 = tpu.memref_squeeze %dma_wait3A_354 : memref<1x1x40xi32, #tpu.memory_space<hbm>> -> memref<40xi32, #tpu.memory_space<hbm>>
        tpu.wait_dma2 semaphore(%dma_wait3A_349 : memref<!tpu.dma_semaphore, #tpu.memory_space<semaphore_mem>>) src(%dma_wait3A_355 : memref<40xi32, #tpu.memory_space<hbm>>) dst(%dma_wait3A_352 : memref<40xi32, #tpu.memory_space<vmem>>)
        %dma_wait3A_356 = arith.constant 1 : i32
        %dma_wait3A_357 = arith.constant 6 : i32
        %dma_wait3A_358 = arith.constant 0 : i32
        %dma_wait3A_359 = tpu.memref_slice %arg13[%dma_wait3A_356, %dma_wait3A_358] : memref<2x40xi32, #tpu.memory_space<vmem>> -> memref<1x40xi32, #tpu.memory_space<vmem>>
        %dma_wait3A_360 = tpu.memref_squeeze %dma_wait3A_359 : memref<1x40xi32, #tpu.memory_space<vmem>> -> memref<40xi32, #tpu.memory_space<vmem>>
        %dma_wait3A_361 = arith.constant 0 : i32
        %dma_wait3A_362 = tpu.memref_slice %arg4[%add3A, %sub3A_309, %dma_wait3A_361] : memref<32x250x40xi32, #tpu.memory_space<hbm>> -> memref<1x1x40xi32, #tpu.memory_space<hbm>>
        %dma_wait3A_363 = tpu.memref_squeeze %dma_wait3A_362 : memref<1x1x40xi32, #tpu.memory_space<hbm>> -> memref<40xi32, #tpu.memory_space<hbm>>
        %dma_wait3A_364 = tpu.memref_slice %arg26[%dma_wait3A_357] : memref<9x!tpu.dma_semaphore, #tpu.memory_space<semaphore_mem>> -> memref<1x!tpu.dma_semaphore, #tpu.memory_space<semaphore_mem>>
        %dma_wait3A_365 = tpu.memref_squeeze %dma_wait3A_364 : memref<1x!tpu.dma_semaphore, #tpu.memory_space<semaphore_mem>> -> memref<!tpu.dma_semaphore, #tpu.memory_space<semaphore_mem>>
        %dma_wait3A_366 = arith.constant 0 : i32
        %dma_wait3A_367 = tpu.memref_slice %arg13[%dma_wait3A_356, %dma_wait3A_366] : memref<2x40xi32, #tpu.memory_space<vmem>> -> memref<1x40xi32, #tpu.memory_space<vmem>>
        %dma_wait3A_368 = tpu.memref_squeeze %dma_wait3A_367 : memref<1x40xi32, #tpu.memory_space<vmem>> -> memref<40xi32, #tpu.memory_space<vmem>>
        %dma_wait3A_369 = arith.constant 0 : i32
        %dma_wait3A_370 = tpu.memref_slice %arg4[%add3A, %sub3A_309, %dma_wait3A_369] : memref<32x250x40xi32, #tpu.memory_space<hbm>> -> memref<1x1x40xi32, #tpu.memory_space<hbm>>
        %dma_wait3A_371 = tpu.memref_squeeze %dma_wait3A_370 : memref<1x1x40xi32, #tpu.memory_space<hbm>> -> memref<40xi32, #tpu.memory_space<hbm>>
        tpu.wait_dma2 semaphore(%dma_wait3A_365 : memref<!tpu.dma_semaphore, #tpu.memory_space<semaphore_mem>>) src(%dma_wait3A_371 : memref<40xi32, #tpu.memory_space<hbm>>) dst(%dma_wait3A_368 : memref<40xi32, #tpu.memory_space<vmem>>)
        %dma_start3A = arith.constant 0 : i32
        %dma_start3A_372 = arith.constant 6 : i32
        %dma_start3A_373 = arith.constant 0 : i32
        %dma_start3A_374 = tpu.memref_slice %arg13[%dma_start3A, %dma_start3A_373] : memref<2x40xi32, #tpu.memory_space<vmem>> -> memref<1x40xi32, #tpu.memory_space<vmem>>
        %dma_start3A_375 = tpu.memref_squeeze %dma_start3A_374 : memref<1x40xi32, #tpu.memory_space<vmem>> -> memref<40xi32, #tpu.memory_space<vmem>>
        %dma_start3A_376 = arith.constant 0 : i32
        %dma_start3A_377 = arith.constant 0 : i32
        %dma_start3A_378 = tpu.memref_slice %arg2[%dma_start3A_376, %dma_start3A_377] : memref<10000x128xf32, #tpu.memory_space<hbm>> -> memref<10000x128xf32, #tpu.memory_space<hbm>>
        %dma_start3A_379 = tpu.memref_slice %arg27[%dma_start3A_372] : memref<9x!tpu.dma_semaphore, #tpu.memory_space<semaphore_mem>> -> memref<1x!tpu.dma_semaphore, #tpu.memory_space<semaphore_mem>>
        %dma_start3A_380 = tpu.memref_squeeze %dma_start3A_379 : memref<1x!tpu.dma_semaphore, #tpu.memory_space<semaphore_mem>> -> memref<!tpu.dma_semaphore, #tpu.memory_space<semaphore_mem>>
        tpu.enqueue_indirect_dma source(%dma_start3A_378 : memref<10000x128xf32, #tpu.memory_space<hbm>>) target(%arg22 : memref<40x128xf32, #tpu.memory_space<vmem>>) offsets(%dma_start3A_375 : memref<40xi32, #tpu.memory_space<vmem>>) semaphore(%dma_start3A_380 : memref<!tpu.dma_semaphore, #tpu.memory_space<semaphore_mem>>)
      } else {
      }
      %ge3A_333 = arith.constant 0 : i32
      %ge3A_334 = arith.cmpi sge, %sub3A_311, %ge3A_333 : i32
      %lt3A_335 = arith.constant 250 : i32
      %lt3A_336 = arith.cmpi slt, %sub3A_311, %lt3A_335 : i32
      %and3A_337 = arith.andi %ge3A_334, %lt3A_336 : i1
      %convert_element_type3A_338 = arith.extui %and3A_337 : i1 to i32
      %cond3A_339 = arith.constant 0 : i32
      %cond3A_340 = arith.cmpi ne, %convert_element_type3A_338, %cond3A_339 : i32
      scf.if %cond3A_340 {
        %dma_wait3A = arith.constant 0 : i32
        %dma_wait3A_341 = arith.constant 2 : i32
        %dma_wait3A_342 = arith.constant 0 : i32
        %dma_wait3A_343 = tpu.memref_slice %arg9[%dma_wait3A, %dma_wait3A_342] : memref<2x40xi32, #tpu.memory_space<vmem>> -> memref<1x40xi32, #tpu.memory_space<vmem>>
        %dma_wait3A_344 = tpu.memref_squeeze %dma_wait3A_343 : memref<1x40xi32, #tpu.memory_space<vmem>> -> memref<40xi32, #tpu.memory_space<vmem>>
        %dma_wait3A_345 = arith.constant 0 : i32
        %dma_wait3A_346 = arith.constant 0 : i32
        %dma_wait3A_347 = tpu.memref_slice %arg2[%dma_wait3A_345, %dma_wait3A_346] : memref<10000x128xf32, #tpu.memory_space<hbm>> -> memref<10000x128xf32, #tpu.memory_space<hbm>>
        %dma_wait3A_348 = tpu.memref_slice %arg27[%dma_wait3A_341] : memref<9x!tpu.dma_semaphore, #tpu.memory_space<semaphore_mem>> -> memref<1x!tpu.dma_semaphore, #tpu.memory_space<semaphore_mem>>
        %dma_wait3A_349 = tpu.memref_squeeze %dma_wait3A_348 : memref<1x!tpu.dma_semaphore, #tpu.memory_space<semaphore_mem>> -> memref<!tpu.dma_semaphore, #tpu.memory_space<semaphore_mem>>
        tpu.wait_indirect_dma semaphore(%dma_wait3A_349 : memref<!tpu.dma_semaphore, #tpu.memory_space<semaphore_mem>>) src(%dma_wait3A_347 : memref<10000x128xf32, #tpu.memory_space<hbm>>) dst(%arg18 : memref<40x128xf32, #tpu.memory_space<vmem>>)
        %dma_start3A = arith.constant 1 : i32
        %dma_start3A_350 = arith.constant 2 : i32
        %dma_start3A_351 = arith.constant 0 : i32
        %dma_start3A_352 = tpu.memref_slice %arg9[%dma_start3A, %dma_start3A_351] : memref<2x40xi32, #tpu.memory_space<vmem>> -> memref<1x40xi32, #tpu.memory_space<vmem>>
        %dma_start3A_353 = tpu.memref_squeeze %dma_start3A_352 : memref<1x40xi32, #tpu.memory_space<vmem>> -> memref<40xi32, #tpu.memory_space<vmem>>
        %dma_start3A_354 = arith.constant 0 : i32
        %dma_start3A_355 = arith.constant 0 : i32
        %dma_start3A_356 = tpu.memref_slice %arg25[%dma_start3A_354, %dma_start3A_355] : memref<10240x128xf32, #tpu.memory_space<vmem_shared>> -> memref<10240x128xf32, #tpu.memory_space<vmem_shared>>
        %dma_start3A_357 = tpu.memref_slice %arg28[%dma_start3A_350] : memref<9x!tpu.dma_semaphore, #tpu.memory_space<semaphore_mem>> -> memref<1x!tpu.dma_semaphore, #tpu.memory_space<semaphore_mem>>
        %dma_start3A_358 = tpu.memref_squeeze %dma_start3A_357 : memref<1x!tpu.dma_semaphore, #tpu.memory_space<semaphore_mem>> -> memref<!tpu.dma_semaphore, #tpu.memory_space<semaphore_mem>>
        tpu.enqueue_indirect_dma source(%arg18 : memref<40x128xf32, #tpu.memory_space<vmem>>) target(%dma_start3A_356 : memref<10240x128xf32, #tpu.memory_space<vmem_shared>>) offsets(%dma_start3A_353 : memref<40xi32, #tpu.memory_space<vmem>>) semaphore(%dma_start3A_358 : memref<!tpu.dma_semaphore, #tpu.memory_space<semaphore_mem>>) {add = true}
      } else {
      }
    }
    %scan3A_7 = arith.constant 29 : i32
    %barrier3A_8 = arith.constant 0 : index
    tpu.barrier barrier_id(%barrier3A_8)
    %mul3A_9 = arith.constant 640 : i32
    %mul3A_10 = arith.muli %arg1, %mul3A_9 : i32
    %mul3A_11 = arith.constant 640 : i32
    %mul3A_12 = arith.muli %arg1, %mul3A_11 : i32
    "tpu.region"() ({
      %run_scoped3A = tpu.sem_alloc : memref<!tpu.dma_semaphore, #tpu.memory_space<semaphore_mem>>
      %dma_start3A = arith.constant 0 : i32
      %dma_start3A_13 = tpu.memref_slice %arg6[%arg0, %mul3A_12, %dma_start3A] : memref<2x10240x128xf32, #tpu.memory_space<hbm>> -> memref<1x640x128xf32, #tpu.memory_space<hbm>>
      %dma_start3A_14 = tpu.memref_squeeze %dma_start3A_13 : memref<1x640x128xf32, #tpu.memory_space<hbm>> -> memref<640x128xf32, #tpu.memory_space<hbm>>
      %dma_start3A_15 = arith.constant 0 : i32
      %dma_start3A_16 = tpu.memref_slice %arg25[%mul3A_10, %dma_start3A_15] : memref<10240x128xf32, #tpu.memory_space<vmem_shared>> -> memref<640x128xf32, #tpu.memory_space<vmem_shared>>
      tpu.enqueue_dma source(%dma_start3A_16 : memref<640x128xf32, #tpu.memory_space<vmem_shared>>) target(%dma_start3A_14 : memref<640x128xf32, #tpu.memory_space<hbm>>) target_semaphore(%run_scoped3A : memref<!tpu.dma_semaphore, #tpu.memory_space<semaphore_mem>>)
      %dma_wait3A = arith.constant 0 : i32
      %dma_wait3A_17 = tpu.memref_slice %arg6[%arg0, %mul3A_12, %dma_wait3A] : memref<2x10240x128xf32, #tpu.memory_space<hbm>> -> memref<1x640x128xf32, #tpu.memory_space<hbm>>
      %dma_wait3A_18 = tpu.memref_squeeze %dma_wait3A_17 : memref<1x640x128xf32, #tpu.memory_space<hbm>> -> memref<640x128xf32, #tpu.memory_space<hbm>>
      %dma_wait3A_19 = arith.constant 0 : i32
      %dma_wait3A_20 = tpu.memref_slice %arg25[%mul3A_10, %dma_wait3A_19] : memref<10240x128xf32, #tpu.memory_space<vmem_shared>> -> memref<640x128xf32, #tpu.memory_space<vmem_shared>>
      tpu.wait_dma2 semaphore(%run_scoped3A : memref<!tpu.dma_semaphore, #tpu.memory_space<semaphore_mem>>) src(%dma_wait3A_20 : memref<640x128xf32, #tpu.memory_space<vmem_shared>>) dst(%dma_wait3A_18 : memref<640x128xf32, #tpu.memory_space<hbm>>)
      tpu.yield
    }) : () -> ()
    return
  }
}

#map = affine_map<(d0, d1) -> (0, 0)>
#map1 = affine_map<(d0, d1) -> (0, 0, 0)>
module attributes {stable_mosaic.version = 14 : i64} {
  func.func @sc_agg(%arg0: i32, %arg1: i32, %arg2: memref<10000x128xf32, #tpu.memory_space<hbm>>, %arg3: memref<32x250x40xi32, #tpu.memory_space<hbm>>, %arg4: memref<32x250x40xi32, #tpu.memory_space<hbm>>, %arg5: memref<640x128xf32, #tpu.memory_space<hbm>>, %arg6: memref<2x10240x128xf32, #tpu.memory_space<hbm>>, %arg7: memref<2x40xi32, #tpu.memory_space<vmem>>, %arg8: memref<2x40xi32, #tpu.memory_space<vmem>>, %arg9: memref<2x40xi32, #tpu.memory_space<vmem>>, %arg10: memref<2x40xi32, #tpu.memory_space<vmem>>, %arg11: memref<2x40xi32, #tpu.memory_space<vmem>>, %arg12: memref<2x40xi32, #tpu.memory_space<vmem>>, %arg13: memref<2x40xi32, #tpu.memory_space<vmem>>, %arg14: memref<2x40xi32, #tpu.memory_space<vmem>>, %arg15: memref<2x40xi32, #tpu.memory_space<vmem>>, %arg16: memref<40x128xf32, #tpu.memory_space<vmem>>, %arg17: memref<40x128xf32, #tpu.memory_space<vmem>>, %arg18: memref<40x128xf32, #tpu.memory_space<vmem>>, %arg19: memref<40x128xf32, #tpu.memory_space<vmem>>, %arg20: memref<40x128xf32, #tpu.memory_space<vmem>>, %arg21: memref<40x128xf32, #tpu.memory_space<vmem>>, %arg22: memref<40x128xf32, #tpu.memory_space<vmem>>, %arg23: memref<40x128xf32, #tpu.memory_space<vmem>>, %arg24: memref<40x128xf32, #tpu.memory_space<vmem>>, %arg25: memref<10240x128xf32, #tpu.memory_space<vmem_shared>>, %arg26: memref<9x!tpu.dma_semaphore, #tpu.memory_space<semaphore_mem>>, %arg27: memref<9x!tpu.dma_semaphore, #tpu.memory_space<semaphore_mem>>, %arg28: memref<9x!tpu.dma_semaphore, #tpu.memory_space<semaphore_mem>>) attributes {dimension_semantics = [#tpu.dimension_semantics<core_parallel>, #tpu.dimension_semantics<subcore_parallel>], iteration_bounds = array<i64: 2, 16>, scalar_prefetch = 0 : i64, scratch_operands = 22 : i64, tpu.core_type = #tpu.core_type<sc_vector_subcore>, window_params = [{transform_indices = #map}, {transform_indices = #map1}, {transform_indices = #map1}, {transform_indices = #map}, {transform_indices = #map1}]} {
    %mul3A = arith.constant 2 : i32
    %mul3A_0 = arith.muli %arg1, %mul3A : i32
    %add3A = arith.addi %mul3A_0, %arg0 : i32
    %mul3A_1 = arith.constant 640 : i32
    %mul3A_2 = arith.muli %arg1, %mul3A_1 : i32
    "tpu.region"() ({
      %run_scoped3A = tpu.sem_alloc : memref<!tpu.dma_semaphore, #tpu.memory_space<semaphore_mem>>
      %dma_start3A = arith.constant 0 : i32
      %dma_start3A_13 = tpu.memref_slice %arg25[%mul3A_2, %dma_start3A] : memref<10240x128xf32, #tpu.memory_space<vmem_shared>> -> memref<640x128xf32, #tpu.memory_space<vmem_shared>>
      tpu.enqueue_dma source(%arg5 : memref<640x128xf32, #tpu.memory_space<hbm>>) target(%dma_start3A_13 : memref<640x128xf32, #tpu.memory_space<vmem_shared>>) target_semaphore(%run_scoped3A : memref<!tpu.dma_semaphore, #tpu.memory_space<semaphore_mem>>)
      %dma_wait3A = arith.constant 0 : i32
      %dma_wait3A_14 = tpu.memref_slice %arg25[%mul3A_2, %dma_wait3A] : memref<10240x128xf32, #tpu.memory_space<vmem_shared>> -> memref<640x128xf32, #tpu.memory_space<vmem_shared>>
      tpu.wait_dma2 semaphore(%run_scoped3A : memref<!tpu.dma_semaphore, #tpu.memory_space<semaphore_mem>>) src(%arg5 : memref<640x128xf32, #tpu.memory_space<hbm>>) dst(%dma_wait3A_14 : memref<640x128xf32, #tpu.memory_space<vmem_shared>>)
      tpu.yield
    }) : () -> ()
    %barrier3A = arith.constant 0 : index
    tpu.barrier barrier_id(%barrier3A)
    %scan3A = arith.constant 0 : i32
    %scan3A_3 = arith.constant 0 : i32
    %scan3A_4 = arith.constant 29 : i32
    %scan3A_5 = arith.addi %scan3A_3, %scan3A_4 : i32
    %scan3A_6 = arith.constant 1 : i32
    scf.for %scan3A_13 = %scan3A_3 to %scan3A_5 step %scan3A_6  : i32 {
      %mul3A_14 = arith.constant 9 : i32
      %mul3A_15 = arith.muli %scan3A_13, %mul3A_14 : i32
      %add3A_16 = arith.constant 0 : i32
      %add3A_17 = arith.addi %mul3A_15, %add3A_16 : i32
      %sub3A = arith.constant 2 : i32
      %sub3A_18 = arith.subi %add3A_17, %sub3A : i32
      %sub3A_19 = arith.constant 6 : i32
      %sub3A_20 = arith.subi %add3A_17, %sub3A_19 : i32
      %ge3A = arith.constant 9 : i32
      %ge3A_21 = arith.cmpi sge, %add3A_17, %ge3A : i32
      %lt3A = arith.constant 259 : i32
      %lt3A_22 = arith.cmpi slt, %add3A_17, %lt3A : i32
      %and3A = arith.andi %ge3A_21, %lt3A_22 : i1
      %convert_element_type3A = arith.extui %and3A : i1 to i32
      %cond3A = arith.constant 0 : i32
      %cond3A_23 = arith.cmpi ne, %convert_element_type3A, %cond3A : i32
      scf.if %cond3A_23 {
        %dma_wait3A = arith.constant 1 : i32
        %dma_wait3A_341 = arith.constant 0 : i32
        %dma_wait3A_342 = arith.constant 0 : i32
        %dma_wait3A_343 = tpu.memref_slice %arg7[%dma_wait3A, %dma_wait3A_342] : memref<2x40xi32, #tpu.memory_space<vmem>> -> memref<1x40xi32, #tpu.memory_space<vmem>>
        %dma_wait3A_344 = tpu.memref_squeeze %dma_wait3A_343 : memref<1x40xi32, #tpu.memory_space<vmem>> -> memref<40xi32, #tpu.memory_space<vmem>>
        %dma_wait3A_345 = arith.constant 0 : i32
        %dma_wait3A_346 = arith.constant 0 : i32
        %dma_wait3A_347 = tpu.memref_slice %arg25[%dma_wait3A_345, %dma_wait3A_346] : memref<10240x128xf32, #tpu.memory_space<vmem_shared>> -> memref<10240x128xf32, #tpu.memory_space<vmem_shared>>
        %dma_wait3A_348 = tpu.memref_slice %arg28[%dma_wait3A_341] : memref<9x!tpu.dma_semaphore, #tpu.memory_space<semaphore_mem>> -> memref<1x!tpu.dma_semaphore, #tpu.memory_space<semaphore_mem>>
        %dma_wait3A_349 = tpu.memref_squeeze %dma_wait3A_348 : memref<1x!tpu.dma_semaphore, #tpu.memory_space<semaphore_mem>> -> memref<!tpu.dma_semaphore, #tpu.memory_space<semaphore_mem>>
        tpu.wait_indirect_dma semaphore(%dma_wait3A_349 : memref<!tpu.dma_semaphore, #tpu.memory_space<semaphore_mem>>) src(%arg16 : memref<40x128xf32, #tpu.memory_space<vmem>>) dst(%dma_wait3A_347 : memref<10240x128xf32, #tpu.memory_space<vmem_shared>>)
      } else {
      }
      %lt3A_24 = arith.constant 250 : i32
      %lt3A_25 = arith.cmpi slt, %add3A_17, %lt3A_24 : i32
      %convert_element_type3A_26 = arith.extui %lt3A_25 : i1 to i32
      %cond3A_27 = arith.constant 0 : i32
      %cond3A_28 = arith.cmpi ne, %convert_element_type3A_26, %cond3A_27 : i32
      scf.if %cond3A_28 {
        %dma_start3A = arith.constant 0 : i32
        %dma_start3A_341 = arith.constant 0 : i32
        %dma_start3A_342 = arith.constant 0 : i32
        %dma_start3A_343 = tpu.memref_slice %arg7[%dma_start3A, %dma_start3A_342] : memref<2x40xi32, #tpu.memory_space<vmem>> -> memref<1x40xi32, #tpu.memory_space<vmem>>
        %dma_start3A_344 = tpu.memref_squeeze %dma_start3A_343 : memref<1x40xi32, #tpu.memory_space<vmem>> -> memref<40xi32, #tpu.memory_space<vmem>>
        %dma_start3A_345 = arith.constant 0 : i32
        %dma_start3A_346 = tpu.memref_slice %arg3[%add3A, %add3A_17, %dma_start3A_345] : memref<32x250x40xi32, #tpu.memory_space<hbm>> -> memref<1x1x40xi32, #tpu.memory_space<hbm>>
        %dma_start3A_347 = tpu.memref_squeeze %dma_start3A_346 : memref<1x1x40xi32, #tpu.memory_space<hbm>> -> memref<40xi32, #tpu.memory_space<hbm>>
        %dma_start3A_348 = tpu.memref_slice %arg26[%dma_start3A_341] : memref<9x!tpu.dma_semaphore, #tpu.memory_space<semaphore_mem>> -> memref<1x!tpu.dma_semaphore, #tpu.memory_space<semaphore_mem>>
        %dma_start3A_349 = tpu.memref_squeeze %dma_start3A_348 : memref<1x!tpu.dma_semaphore, #tpu.memory_space<semaphore_mem>> -> memref<!tpu.dma_semaphore, #tpu.memory_space<semaphore_mem>>
        %dma_start3A_350 = arith.constant 0 : i32
        %dma_start3A_351 = tpu.memref_slice %arg7[%dma_start3A, %dma_start3A_350] : memref<2x40xi32, #tpu.memory_space<vmem>> -> memref<1x40xi32, #tpu.memory_space<vmem>>
        %dma_start3A_352 = tpu.memref_squeeze %dma_start3A_351 : memref<1x40xi32, #tpu.memory_space<vmem>> -> memref<40xi32, #tpu.memory_space<vmem>>
        %dma_start3A_353 = arith.constant 0 : i32
        %dma_start3A_354 = tpu.memref_slice %arg3[%add3A, %add3A_17, %dma_start3A_353] : memref<32x250x40xi32, #tpu.memory_space<hbm>> -> memref<1x1x40xi32, #tpu.memory_space<hbm>>
        %dma_start3A_355 = tpu.memref_squeeze %dma_start3A_354 : memref<1x1x40xi32, #tpu.memory_space<hbm>> -> memref<40xi32, #tpu.memory_space<hbm>>
        tpu.enqueue_dma source(%dma_start3A_355 : memref<40xi32, #tpu.memory_space<hbm>>) target(%dma_start3A_352 : memref<40xi32, #tpu.memory_space<vmem>>) target_semaphore(%dma_start3A_349 : memref<!tpu.dma_semaphore, #tpu.memory_space<semaphore_mem>>)
        %dma_start3A_356 = arith.constant 1 : i32
        %dma_start3A_357 = arith.constant 0 : i32
        %dma_start3A_358 = arith.constant 0 : i32
        %dma_start3A_359 = tpu.memref_slice %arg7[%dma_start3A_356, %dma_start3A_358] : memref<2x40xi32, #tpu.memory_space<vmem>> -> memref<1x40xi32, #tpu.memory_space<vmem>>
        %dma_start3A_360 = tpu.memref_squeeze %dma_start3A_359 : memref<1x40xi32, #tpu.memory_space<vmem>> -> memref<40xi32, #tpu.memory_space<vmem>>
        %dma_start3A_361 = arith.constant 0 : i32
        %dma_start3A_362 = tpu.memref_slice %arg4[%add3A, %add3A_17, %dma_start3A_361] : memref<32x250x40xi32, #tpu.memory_space<hbm>> -> memref<1x1x40xi32, #tpu.memory_space<hbm>>
        %dma_start3A_363 = tpu.memref_squeeze %dma_start3A_362 : memref<1x1x40xi32, #tpu.memory_space<hbm>> -> memref<40xi32, #tpu.memory_space<hbm>>
        %dma_start3A_364 = tpu.memref_slice %arg26[%dma_start3A_357] : memref<9x!tpu.dma_semaphore, #tpu.memory_space<semaphore_mem>> -> memref<1x!tpu.dma_semaphore, #tpu.memory_space<semaphore_mem>>
        %dma_start3A_365 = tpu.memref_squeeze %dma_start3A_364 : memref<1x!tpu.dma_semaphore, #tpu.memory_space<semaphore_mem>> -> memref<!tpu.dma_semaphore, #tpu.memory_space<semaphore_mem>>
        %dma_start3A_366 = arith.constant 0 : i32
        %dma_start3A_367 = tpu.memref_slice %arg7[%dma_start3A_356, %dma_start3A_366] : memref<2x40xi32, #tpu.memory_space<vmem>> -> memref<1x40xi32, #tpu.memory_space<vmem>>
        %dma_start3A_368 = tpu.memref_squeeze %dma_start3A_367 : memref<1x40xi32, #tpu.memory_space<vmem>> -> memref<40xi32, #tpu.memory_space<vmem>>
        %dma_start3A_369 = arith.constant 0 : i32
        %dma_start3A_370 = tpu.memref_slice %arg4[%add3A, %add3A_17, %dma_start3A_369] : memref<32x250x40xi32, #tpu.memory_space<hbm>> -> memref<1x1x40xi32, #tpu.memory_space<hbm>>
        %dma_start3A_371 = tpu.memref_squeeze %dma_start3A_370 : memref<1x1x40xi32, #tpu.memory_space<hbm>> -> memref<40xi32, #tpu.memory_space<hbm>>
        tpu.enqueue_dma source(%dma_start3A_371 : memref<40xi32, #tpu.memory_space<hbm>>) target(%dma_start3A_368 : memref<40xi32, #tpu.memory_space<vmem>>) target_semaphore(%dma_start3A_365 : memref<!tpu.dma_semaphore, #tpu.memory_space<semaphore_mem>>)
      } else {
      }
      %ge3A_29 = arith.constant 0 : i32
      %ge3A_30 = arith.cmpi sge, %sub3A_18, %ge3A_29 : i32
      %lt3A_31 = arith.constant 250 : i32
      %lt3A_32 = arith.cmpi slt, %sub3A_18, %lt3A_31 : i32
      %and3A_33 = arith.andi %ge3A_30, %lt3A_32 : i1
      %convert_element_type3A_34 = arith.extui %and3A_33 : i1 to i32
      %cond3A_35 = arith.constant 0 : i32
      %cond3A_36 = arith.cmpi ne, %convert_element_type3A_34, %cond3A_35 : i32
      scf.if %cond3A_36 {
        %dma_wait3A = arith.constant 0 : i32
        %dma_wait3A_341 = arith.constant 7 : i32
        %dma_wait3A_342 = arith.constant 0 : i32
        %dma_wait3A_343 = tpu.memref_slice %arg14[%dma_wait3A, %dma_wait3A_342] : memref<2x40xi32, #tpu.memory_space<vmem>> -> memref<1x40xi32, #tpu.memory_space<vmem>>
        %dma_wait3A_344 = tpu.memref_squeeze %dma_wait3A_343 : memref<1x40xi32, #tpu.memory_space<vmem>> -> memref<40xi32, #tpu.memory_space<vmem>>
        %dma_wait3A_345 = arith.constant 0 : i32
        %dma_wait3A_346 = tpu.memref_slice %arg3[%add3A, %sub3A_18, %dma_wait3A_345] : memref<32x250x40xi32, #tpu.memory_space<hbm>> -> memref<1x1x40xi32, #tpu.memory_space<hbm>>
        %dma_wait3A_347 = tpu.memref_squeeze %dma_wait3A_346 : memref<1x1x40xi32, #tpu.memory_space<hbm>> -> memref<40xi32, #tpu.memory_space<hbm>>
        %dma_wait3A_348 = tpu.memref_slice %arg26[%dma_wait3A_341] : memref<9x!tpu.dma_semaphore, #tpu.memory_space<semaphore_mem>> -> memref<1x!tpu.dma_semaphore, #tpu.memory_space<semaphore_mem>>
        %dma_wait3A_349 = tpu.memref_squeeze %dma_wait3A_348 : memref<1x!tpu.dma_semaphore, #tpu.memory_space<semaphore_mem>> -> memref<!tpu.dma_semaphore, #tpu.memory_space<semaphore_mem>>
        %dma_wait3A_350 = arith.constant 0 : i32
        %dma_wait3A_351 = tpu.memref_slice %arg14[%dma_wait3A, %dma_wait3A_350] : memref<2x40xi32, #tpu.memory_space<vmem>> -> memref<1x40xi32, #tpu.memory_space<vmem>>
        %dma_wait3A_352 = tpu.memref_squeeze %dma_wait3A_351 : memref<1x40xi32, #tpu.memory_space<vmem>> -> memref<40xi32, #tpu.memory_space<vmem>>
        %dma_wait3A_353 = arith.constant 0 : i32
        %dma_wait3A_354 = tpu.memref_slice %arg3[%add3A, %sub3A_18, %dma_wait3A_353] : memref<32x250x40xi32, #tpu.memory_space<hbm>> -> memref<1x1x40xi32, #tpu.memory_space<hbm>>
        %dma_wait3A_355 = tpu.memref_squeeze %dma_wait3A_354 : memref<1x1x40xi32, #tpu.memory_space<hbm>> -> memref<40xi32, #tpu.memory_space<hbm>>
        tpu.wait_dma2 semaphore(%dma_wait3A_349 : memref<!tpu.dma_semaphore, #tpu.memory_space<semaphore_mem>>) src(%dma_wait3A_355 : memref<40xi32, #tpu.memory_space<hbm>>) dst(%dma_wait3A_352 : memref<40xi32, #tpu.memory_space<vmem>>)
        %dma_wait3A_356 = arith.constant 1 : i32
        %dma_wait3A_357 = arith.constant 7 : i32
        %dma_wait3A_358 = arith.constant 0 : i32
        %dma_wait3A_359 = tpu.memref_slice %arg14[%dma_wait3A_356, %dma_wait3A_358] : memref<2x40xi32, #tpu.memory_space<vmem>> -> memref<1x40xi32, #tpu.memory_space<vmem>>
        %dma_wait3A_360 = tpu.memref_squeeze %dma_wait3A_359 : memref<1x40xi32, #tpu.memory_space<vmem>> -> memref<40xi32, #tpu.memory_space<vmem>>
        %dma_wait3A_361 = arith.constant 0 : i32
        %dma_wait3A_362 = tpu.memref_slice %arg4[%add3A, %sub3A_18, %dma_wait3A_361] : memref<32x250x40xi32, #tpu.memory_space<hbm>> -> memref<1x1x40xi32, #tpu.memory_space<hbm>>
        %dma_wait3A_363 = tpu.memref_squeeze %dma_wait3A_362 : memref<1x1x40xi32, #tpu.memory_space<hbm>> -> memref<40xi32, #tpu.memory_space<hbm>>
        %dma_wait3A_364 = tpu.memref_slice %arg26[%dma_wait3A_357] : memref<9x!tpu.dma_semaphore, #tpu.memory_space<semaphore_mem>> -> memref<1x!tpu.dma_semaphore, #tpu.memory_space<semaphore_mem>>
        %dma_wait3A_365 = tpu.memref_squeeze %dma_wait3A_364 : memref<1x!tpu.dma_semaphore, #tpu.memory_space<semaphore_mem>> -> memref<!tpu.dma_semaphore, #tpu.memory_space<semaphore_mem>>
        %dma_wait3A_366 = arith.constant 0 : i32
        %dma_wait3A_367 = tpu.memref_slice %arg14[%dma_wait3A_356, %dma_wait3A_366] : memref<2x40xi32, #tpu.memory_space<vmem>> -> memref<1x40xi32, #tpu.memory_space<vmem>>
        %dma_wait3A_368 = tpu.memref_squeeze %dma_wait3A_367 : memref<1x40xi32, #tpu.memory_space<vmem>> -> memref<40xi32, #tpu.memory_space<vmem>>
        %dma_wait3A_369 = arith.constant 0 : i32
        %dma_wait3A_370 = tpu.memref_slice %arg4[%add3A, %sub3A_18, %dma_wait3A_369] : memref<32x250x40xi32, #tpu.memory_space<hbm>> -> memref<1x1x40xi32, #tpu.memory_space<hbm>>
        %dma_wait3A_371 = tpu.memref_squeeze %dma_wait3A_370 : memref<1x1x40xi32, #tpu.memory_space<hbm>> -> memref<40xi32, #tpu.memory_space<hbm>>
        tpu.wait_dma2 semaphore(%dma_wait3A_365 : memref<!tpu.dma_semaphore, #tpu.memory_space<semaphore_mem>>) src(%dma_wait3A_371 : memref<40xi32, #tpu.memory_space<hbm>>) dst(%dma_wait3A_368 : memref<40xi32, #tpu.memory_space<vmem>>)
        %dma_start3A = arith.constant 0 : i32
        %dma_start3A_372 = arith.constant 7 : i32
        %dma_start3A_373 = arith.constant 0 : i32
        %dma_start3A_374 = tpu.memref_slice %arg14[%dma_start3A, %dma_start3A_373] : memref<2x40xi32, #tpu.memory_space<vmem>> -> memref<1x40xi32, #tpu.memory_space<vmem>>
        %dma_start3A_375 = tpu.memref_squeeze %dma_start3A_374 : memref<1x40xi32, #tpu.memory_space<vmem>> -> memref<40xi32, #tpu.memory_space<vmem>>
        %dma_start3A_376 = arith.constant 0 : i32
        %dma_start3A_377 = arith.constant 0 : i32
        %dma_start3A_378 = tpu.memref_slice %arg2[%dma_start3A_376, %dma_start3A_377] : memref<10000x128xf32, #tpu.memory_space<hbm>> -> memref<10000x128xf32, #tpu.memory_space<hbm>>
        %dma_start3A_379 = tpu.memref_slice %arg27[%dma_start3A_372] : memref<9x!tpu.dma_semaphore, #tpu.memory_space<semaphore_mem>> -> memref<1x!tpu.dma_semaphore, #tpu.memory_space<semaphore_mem>>
        %dma_start3A_380 = tpu.memref_squeeze %dma_start3A_379 : memref<1x!tpu.dma_semaphore, #tpu.memory_space<semaphore_mem>> -> memref<!tpu.dma_semaphore, #tpu.memory_space<semaphore_mem>>
        tpu.enqueue_indirect_dma source(%dma_start3A_378 : memref<10000x128xf32, #tpu.memory_space<hbm>>) target(%arg23 : memref<40x128xf32, #tpu.memory_space<vmem>>) offsets(%dma_start3A_375 : memref<40xi32, #tpu.memory_space<vmem>>) semaphore(%dma_start3A_380 : memref<!tpu.dma_semaphore, #tpu.memory_space<semaphore_mem>>)
      } else {
      }
      %ge3A_37 = arith.constant 0 : i32
      %ge3A_38 = arith.cmpi sge, %sub3A_20, %ge3A_37 : i32
      %lt3A_39 = arith.constant 250 : i32
      %lt3A_40 = arith.cmpi slt, %sub3A_20, %lt3A_39 : i32
      %and3A_41 = arith.andi %ge3A_38, %lt3A_40 : i1
      %convert_element_type3A_42 = arith.extui %and3A_41 : i1 to i32
      %cond3A_43 = arith.constant 0 : i32
      %cond3A_44 = arith.cmpi ne, %convert_element_type3A_42, %cond3A_43 : i32
      scf.if %cond3A_44 {
        %dma_wait3A = arith.constant 0 : i32
        %dma_wait3A_341 = arith.constant 3 : i32
        %dma_wait3A_342 = arith.constant 0 : i32
        %dma_wait3A_343 = tpu.memref_slice %arg10[%dma_wait3A, %dma_wait3A_342] : memref<2x40xi32, #tpu.memory_space<vmem>> -> memref<1x40xi32, #tpu.memory_space<vmem>>
        %dma_wait3A_344 = tpu.memref_squeeze %dma_wait3A_343 : memref<1x40xi32, #tpu.memory_space<vmem>> -> memref<40xi32, #tpu.memory_space<vmem>>
        %dma_wait3A_345 = arith.constant 0 : i32
        %dma_wait3A_346 = arith.constant 0 : i32
        %dma_wait3A_347 = tpu.memref_slice %arg2[%dma_wait3A_345, %dma_wait3A_346] : memref<10000x128xf32, #tpu.memory_space<hbm>> -> memref<10000x128xf32, #tpu.memory_space<hbm>>
        %dma_wait3A_348 = tpu.memref_slice %arg27[%dma_wait3A_341] : memref<9x!tpu.dma_semaphore, #tpu.memory_space<semaphore_mem>> -> memref<1x!tpu.dma_semaphore, #tpu.memory_space<semaphore_mem>>
        %dma_wait3A_349 = tpu.memref_squeeze %dma_wait3A_348 : memref<1x!tpu.dma_semaphore, #tpu.memory_space<semaphore_mem>> -> memref<!tpu.dma_semaphore, #tpu.memory_space<semaphore_mem>>
        tpu.wait_indirect_dma semaphore(%dma_wait3A_349 : memref<!tpu.dma_semaphore, #tpu.memory_space<semaphore_mem>>) src(%dma_wait3A_347 : memref<10000x128xf32, #tpu.memory_space<hbm>>) dst(%arg19 : memref<40x128xf32, #tpu.memory_space<vmem>>)
        %dma_start3A = arith.constant 1 : i32
        %dma_start3A_350 = arith.constant 3 : i32
        %dma_start3A_351 = arith.constant 0 : i32
        %dma_start3A_352 = tpu.memref_slice %arg10[%dma_start3A, %dma_start3A_351] : memref<2x40xi32, #tpu.memory_space<vmem>> -> memref<1x40xi32, #tpu.memory_space<vmem>>
        %dma_start3A_353 = tpu.memref_squeeze %dma_start3A_352 : memref<1x40xi32, #tpu.memory_space<vmem>> -> memref<40xi32, #tpu.memory_space<vmem>>
        %dma_start3A_354 = arith.constant 0 : i32
        %dma_start3A_355 = arith.constant 0 : i32
        %dma_start3A_356 = tpu.memref_slice %arg25[%dma_start3A_354, %dma_start3A_355] : memref<10240x128xf32, #tpu.memory_space<vmem_shared>> -> memref<10240x128xf32, #tpu.memory_space<vmem_shared>>
        %dma_start3A_357 = tpu.memref_slice %arg28[%dma_start3A_350] : memref<9x!tpu.dma_semaphore, #tpu.memory_space<semaphore_mem>> -> memref<1x!tpu.dma_semaphore, #tpu.memory_space<semaphore_mem>>
        %dma_start3A_358 = tpu.memref_squeeze %dma_start3A_357 : memref<1x!tpu.dma_semaphore, #tpu.memory_space<semaphore_mem>> -> memref<!tpu.dma_semaphore, #tpu.memory_space<semaphore_mem>>
        tpu.enqueue_indirect_dma source(%arg19 : memref<40x128xf32, #tpu.memory_space<vmem>>) target(%dma_start3A_356 : memref<10240x128xf32, #tpu.memory_space<vmem_shared>>) offsets(%dma_start3A_353 : memref<40xi32, #tpu.memory_space<vmem>>) semaphore(%dma_start3A_358 : memref<!tpu.dma_semaphore, #tpu.memory_space<semaphore_mem>>) {add = true}
      } else {
      }
      %mul3A_45 = arith.constant 9 : i32
      %mul3A_46 = arith.muli %scan3A_13, %mul3A_45 : i32
      %add3A_47 = arith.constant 1 : i32
      %add3A_48 = arith.addi %mul3A_46, %add3A_47 : i32
      %sub3A_49 = arith.constant 2 : i32
      %sub3A_50 = arith.subi %add3A_48, %sub3A_49 : i32
      %sub3A_51 = arith.constant 6 : i32
      %sub3A_52 = arith.subi %add3A_48, %sub3A_51 : i32
      %ge3A_53 = arith.constant 9 : i32
      %ge3A_54 = arith.cmpi sge, %add3A_48, %ge3A_53 : i32
      %lt3A_55 = arith.constant 259 : i32
      %lt3A_56 = arith.cmpi slt, %add3A_48, %lt3A_55 : i32
      %and3A_57 = arith.andi %ge3A_54, %lt3A_56 : i1
      %convert_element_type3A_58 = arith.extui %and3A_57 : i1 to i32
      %cond3A_59 = arith.constant 0 : i32
      %cond3A_60 = arith.cmpi ne, %convert_element_type3A_58, %cond3A_59 : i32
      scf.if %cond3A_60 {
        %dma_wait3A = arith.constant 1 : i32
        %dma_wait3A_341 = arith.constant 1 : i32
        %dma_wait3A_342 = arith.constant 0 : i32
        %dma_wait3A_343 = tpu.memref_slice %arg8[%dma_wait3A, %dma_wait3A_342] : memref<2x40xi32, #tpu.memory_space<vmem>> -> memref<1x40xi32, #tpu.memory_space<vmem>>
        %dma_wait3A_344 = tpu.memref_squeeze %dma_wait3A_343 : memref<1x40xi32, #tpu.memory_space<vmem>> -> memref<40xi32, #tpu.memory_space<vmem>>
        %dma_wait3A_345 = arith.constant 0 : i32
        %dma_wait3A_346 = arith.constant 0 : i32
        %dma_wait3A_347 = tpu.memref_slice %arg25[%dma_wait3A_345, %dma_wait3A_346] : memref<10240x128xf32, #tpu.memory_space<vmem_shared>> -> memref<10240x128xf32, #tpu.memory_space<vmem_shared>>
        %dma_wait3A_348 = tpu.memref_slice %arg28[%dma_wait3A_341] : memref<9x!tpu.dma_semaphore, #tpu.memory_space<semaphore_mem>> -> memref<1x!tpu.dma_semaphore, #tpu.memory_space<semaphore_mem>>
        %dma_wait3A_349 = tpu.memref_squeeze %dma_wait3A_348 : memref<1x!tpu.dma_semaphore, #tpu.memory_space<semaphore_mem>> -> memref<!tpu.dma_semaphore, #tpu.memory_space<semaphore_mem>>
        tpu.wait_indirect_dma semaphore(%dma_wait3A_349 : memref<!tpu.dma_semaphore, #tpu.memory_space<semaphore_mem>>) src(%arg17 : memref<40x128xf32, #tpu.memory_space<vmem>>) dst(%dma_wait3A_347 : memref<10240x128xf32, #tpu.memory_space<vmem_shared>>)
      } else {
      }
      %lt3A_61 = arith.constant 250 : i32
      %lt3A_62 = arith.cmpi slt, %add3A_48, %lt3A_61 : i32
      %convert_element_type3A_63 = arith.extui %lt3A_62 : i1 to i32
      %cond3A_64 = arith.constant 0 : i32
      %cond3A_65 = arith.cmpi ne, %convert_element_type3A_63, %cond3A_64 : i32
      scf.if %cond3A_65 {
        %dma_start3A = arith.constant 0 : i32
        %dma_start3A_341 = arith.constant 1 : i32
        %dma_start3A_342 = arith.constant 0 : i32
        %dma_start3A_343 = tpu.memref_slice %arg8[%dma_start3A, %dma_start3A_342] : memref<2x40xi32, #tpu.memory_space<vmem>> -> memref<1x40xi32, #tpu.memory_space<vmem>>
        %dma_start3A_344 = tpu.memref_squeeze %dma_start3A_343 : memref<1x40xi32, #tpu.memory_space<vmem>> -> memref<40xi32, #tpu.memory_space<vmem>>
        %dma_start3A_345 = arith.constant 0 : i32
        %dma_start3A_346 = tpu.memref_slice %arg3[%add3A, %add3A_48, %dma_start3A_345] : memref<32x250x40xi32, #tpu.memory_space<hbm>> -> memref<1x1x40xi32, #tpu.memory_space<hbm>>
        %dma_start3A_347 = tpu.memref_squeeze %dma_start3A_346 : memref<1x1x40xi32, #tpu.memory_space<hbm>> -> memref<40xi32, #tpu.memory_space<hbm>>
        %dma_start3A_348 = tpu.memref_slice %arg26[%dma_start3A_341] : memref<9x!tpu.dma_semaphore, #tpu.memory_space<semaphore_mem>> -> memref<1x!tpu.dma_semaphore, #tpu.memory_space<semaphore_mem>>
        %dma_start3A_349 = tpu.memref_squeeze %dma_start3A_348 : memref<1x!tpu.dma_semaphore, #tpu.memory_space<semaphore_mem>> -> memref<!tpu.dma_semaphore, #tpu.memory_space<semaphore_mem>>
        %dma_start3A_350 = arith.constant 0 : i32
        %dma_start3A_351 = tpu.memref_slice %arg8[%dma_start3A, %dma_start3A_350] : memref<2x40xi32, #tpu.memory_space<vmem>> -> memref<1x40xi32, #tpu.memory_space<vmem>>
        %dma_start3A_352 = tpu.memref_squeeze %dma_start3A_351 : memref<1x40xi32, #tpu.memory_space<vmem>> -> memref<40xi32, #tpu.memory_space<vmem>>
        %dma_start3A_353 = arith.constant 0 : i32
        %dma_start3A_354 = tpu.memref_slice %arg3[%add3A, %add3A_48, %dma_start3A_353] : memref<32x250x40xi32, #tpu.memory_space<hbm>> -> memref<1x1x40xi32, #tpu.memory_space<hbm>>
        %dma_start3A_355 = tpu.memref_squeeze %dma_start3A_354 : memref<1x1x40xi32, #tpu.memory_space<hbm>> -> memref<40xi32, #tpu.memory_space<hbm>>
        tpu.enqueue_dma source(%dma_start3A_355 : memref<40xi32, #tpu.memory_space<hbm>>) target(%dma_start3A_352 : memref<40xi32, #tpu.memory_space<vmem>>) target_semaphore(%dma_start3A_349 : memref<!tpu.dma_semaphore, #tpu.memory_space<semaphore_mem>>)
        %dma_start3A_356 = arith.constant 1 : i32
        %dma_start3A_357 = arith.constant 1 : i32
        %dma_start3A_358 = arith.constant 0 : i32
        %dma_start3A_359 = tpu.memref_slice %arg8[%dma_start3A_356, %dma_start3A_358] : memref<2x40xi32, #tpu.memory_space<vmem>> -> memref<1x40xi32, #tpu.memory_space<vmem>>
        %dma_start3A_360 = tpu.memref_squeeze %dma_start3A_359 : memref<1x40xi32, #tpu.memory_space<vmem>> -> memref<40xi32, #tpu.memory_space<vmem>>
        %dma_start3A_361 = arith.constant 0 : i32
        %dma_start3A_362 = tpu.memref_slice %arg4[%add3A, %add3A_48, %dma_start3A_361] : memref<32x250x40xi32, #tpu.memory_space<hbm>> -> memref<1x1x40xi32, #tpu.memory_space<hbm>>
        %dma_start3A_363 = tpu.memref_squeeze %dma_start3A_362 : memref<1x1x40xi32, #tpu.memory_space<hbm>> -> memref<40xi32, #tpu.memory_space<hbm>>
        %dma_start3A_364 = tpu.memref_slice %arg26[%dma_start3A_357] : memref<9x!tpu.dma_semaphore, #tpu.memory_space<semaphore_mem>> -> memref<1x!tpu.dma_semaphore, #tpu.memory_space<semaphore_mem>>
        %dma_start3A_365 = tpu.memref_squeeze %dma_start3A_364 : memref<1x!tpu.dma_semaphore, #tpu.memory_space<semaphore_mem>> -> memref<!tpu.dma_semaphore, #tpu.memory_space<semaphore_mem>>
        %dma_start3A_366 = arith.constant 0 : i32
        %dma_start3A_367 = tpu.memref_slice %arg8[%dma_start3A_356, %dma_start3A_366] : memref<2x40xi32, #tpu.memory_space<vmem>> -> memref<1x40xi32, #tpu.memory_space<vmem>>
        %dma_start3A_368 = tpu.memref_squeeze %dma_start3A_367 : memref<1x40xi32, #tpu.memory_space<vmem>> -> memref<40xi32, #tpu.memory_space<vmem>>
        %dma_start3A_369 = arith.constant 0 : i32
        %dma_start3A_370 = tpu.memref_slice %arg4[%add3A, %add3A_48, %dma_start3A_369] : memref<32x250x40xi32, #tpu.memory_space<hbm>> -> memref<1x1x40xi32, #tpu.memory_space<hbm>>
        %dma_start3A_371 = tpu.memref_squeeze %dma_start3A_370 : memref<1x1x40xi32, #tpu.memory_space<hbm>> -> memref<40xi32, #tpu.memory_space<hbm>>
        tpu.enqueue_dma source(%dma_start3A_371 : memref<40xi32, #tpu.memory_space<hbm>>) target(%dma_start3A_368 : memref<40xi32, #tpu.memory_space<vmem>>) target_semaphore(%dma_start3A_365 : memref<!tpu.dma_semaphore, #tpu.memory_space<semaphore_mem>>)
      } else {
      }
      %ge3A_66 = arith.constant 0 : i32
      %ge3A_67 = arith.cmpi sge, %sub3A_50, %ge3A_66 : i32
      %lt3A_68 = arith.constant 250 : i32
      %lt3A_69 = arith.cmpi slt, %sub3A_50, %lt3A_68 : i32
      %and3A_70 = arith.andi %ge3A_67, %lt3A_69 : i1
      %convert_element_type3A_71 = arith.extui %and3A_70 : i1 to i32
      %cond3A_72 = arith.constant 0 : i32
      %cond3A_73 = arith.cmpi ne, %convert_element_type3A_71, %cond3A_72 : i32
      scf.if %cond3A_73 {
        %dma_wait3A = arith.constant 0 : i32
        %dma_wait3A_341 = arith.constant 8 : i32
        %dma_wait3A_342 = arith.constant 0 : i32
        %dma_wait3A_343 = tpu.memref_slice %arg15[%dma_wait3A, %dma_wait3A_342] : memref<2x40xi32, #tpu.memory_space<vmem>> -> memref<1x40xi32, #tpu.memory_space<vmem>>
        %dma_wait3A_344 = tpu.memref_squeeze %dma_wait3A_343 : memref<1x40xi32, #tpu.memory_space<vmem>> -> memref<40xi32, #tpu.memory_space<vmem>>
        %dma_wait3A_345 = arith.constant 0 : i32
        %dma_wait3A_346 = tpu.memref_slice %arg3[%add3A, %sub3A_50, %dma_wait3A_345] : memref<32x250x40xi32, #tpu.memory_space<hbm>> -> memref<1x1x40xi32, #tpu.memory_space<hbm>>
        %dma_wait3A_347 = tpu.memref_squeeze %dma_wait3A_346 : memref<1x1x40xi32, #tpu.memory_space<hbm>> -> memref<40xi32, #tpu.memory_space<hbm>>
        %dma_wait3A_348 = tpu.memref_slice %arg26[%dma_wait3A_341] : memref<9x!tpu.dma_semaphore, #tpu.memory_space<semaphore_mem>> -> memref<1x!tpu.dma_semaphore, #tpu.memory_space<semaphore_mem>>
        %dma_wait3A_349 = tpu.memref_squeeze %dma_wait3A_348 : memref<1x!tpu.dma_semaphore, #tpu.memory_space<semaphore_mem>> -> memref<!tpu.dma_semaphore, #tpu.memory_space<semaphore_mem>>
        %dma_wait3A_350 = arith.constant 0 : i32
        %dma_wait3A_351 = tpu.memref_slice %arg15[%dma_wait3A, %dma_wait3A_350] : memref<2x40xi32, #tpu.memory_space<vmem>> -> memref<1x40xi32, #tpu.memory_space<vmem>>
        %dma_wait3A_352 = tpu.memref_squeeze %dma_wait3A_351 : memref<1x40xi32, #tpu.memory_space<vmem>> -> memref<40xi32, #tpu.memory_space<vmem>>
        %dma_wait3A_353 = arith.constant 0 : i32
        %dma_wait3A_354 = tpu.memref_slice %arg3[%add3A, %sub3A_50, %dma_wait3A_353] : memref<32x250x40xi32, #tpu.memory_space<hbm>> -> memref<1x1x40xi32, #tpu.memory_space<hbm>>
        %dma_wait3A_355 = tpu.memref_squeeze %dma_wait3A_354 : memref<1x1x40xi32, #tpu.memory_space<hbm>> -> memref<40xi32, #tpu.memory_space<hbm>>
        tpu.wait_dma2 semaphore(%dma_wait3A_349 : memref<!tpu.dma_semaphore, #tpu.memory_space<semaphore_mem>>) src(%dma_wait3A_355 : memref<40xi32, #tpu.memory_space<hbm>>) dst(%dma_wait3A_352 : memref<40xi32, #tpu.memory_space<vmem>>)
        %dma_wait3A_356 = arith.constant 1 : i32
        %dma_wait3A_357 = arith.constant 8 : i32
        %dma_wait3A_358 = arith.constant 0 : i32
        %dma_wait3A_359 = tpu.memref_slice %arg15[%dma_wait3A_356, %dma_wait3A_358] : memref<2x40xi32, #tpu.memory_space<vmem>> -> memref<1x40xi32, #tpu.memory_space<vmem>>
        %dma_wait3A_360 = tpu.memref_squeeze %dma_wait3A_359 : memref<1x40xi32, #tpu.memory_space<vmem>> -> memref<40xi32, #tpu.memory_space<vmem>>
        %dma_wait3A_361 = arith.constant 0 : i32
        %dma_wait3A_362 = tpu.memref_slice %arg4[%add3A, %sub3A_50, %dma_wait3A_361] : memref<32x250x40xi32, #tpu.memory_space<hbm>> -> memref<1x1x40xi32, #tpu.memory_space<hbm>>
        %dma_wait3A_363 = tpu.memref_squeeze %dma_wait3A_362 : memref<1x1x40xi32, #tpu.memory_space<hbm>> -> memref<40xi32, #tpu.memory_space<hbm>>
        %dma_wait3A_364 = tpu.memref_slice %arg26[%dma_wait3A_357] : memref<9x!tpu.dma_semaphore, #tpu.memory_space<semaphore_mem>> -> memref<1x!tpu.dma_semaphore, #tpu.memory_space<semaphore_mem>>
        %dma_wait3A_365 = tpu.memref_squeeze %dma_wait3A_364 : memref<1x!tpu.dma_semaphore, #tpu.memory_space<semaphore_mem>> -> memref<!tpu.dma_semaphore, #tpu.memory_space<semaphore_mem>>
        %dma_wait3A_366 = arith.constant 0 : i32
        %dma_wait3A_367 = tpu.memref_slice %arg15[%dma_wait3A_356, %dma_wait3A_366] : memref<2x40xi32, #tpu.memory_space<vmem>> -> memref<1x40xi32, #tpu.memory_space<vmem>>
        %dma_wait3A_368 = tpu.memref_squeeze %dma_wait3A_367 : memref<1x40xi32, #tpu.memory_space<vmem>> -> memref<40xi32, #tpu.memory_space<vmem>>
        %dma_wait3A_369 = arith.constant 0 : i32
        %dma_wait3A_370 = tpu.memref_slice %arg4[%add3A, %sub3A_50, %dma_wait3A_369] : memref<32x250x40xi32, #tpu.memory_space<hbm>> -> memref<1x1x40xi32, #tpu.memory_space<hbm>>
        %dma_wait3A_371 = tpu.memref_squeeze %dma_wait3A_370 : memref<1x1x40xi32, #tpu.memory_space<hbm>> -> memref<40xi32, #tpu.memory_space<hbm>>
        tpu.wait_dma2 semaphore(%dma_wait3A_365 : memref<!tpu.dma_semaphore, #tpu.memory_space<semaphore_mem>>) src(%dma_wait3A_371 : memref<40xi32, #tpu.memory_space<hbm>>) dst(%dma_wait3A_368 : memref<40xi32, #tpu.memory_space<vmem>>)
        %dma_start3A = arith.constant 0 : i32
        %dma_start3A_372 = arith.constant 8 : i32
        %dma_start3A_373 = arith.constant 0 : i32
        %dma_start3A_374 = tpu.memref_slice %arg15[%dma_start3A, %dma_start3A_373] : memref<2x40xi32, #tpu.memory_space<vmem>> -> memref<1x40xi32, #tpu.memory_space<vmem>>
        %dma_start3A_375 = tpu.memref_squeeze %dma_start3A_374 : memref<1x40xi32, #tpu.memory_space<vmem>> -> memref<40xi32, #tpu.memory_space<vmem>>
        %dma_start3A_376 = arith.constant 0 : i32
        %dma_start3A_377 = arith.constant 0 : i32
        %dma_start3A_378 = tpu.memref_slice %arg2[%dma_start3A_376, %dma_start3A_377] : memref<10000x128xf32, #tpu.memory_space<hbm>> -> memref<10000x128xf32, #tpu.memory_space<hbm>>
        %dma_start3A_379 = tpu.memref_slice %arg27[%dma_start3A_372] : memref<9x!tpu.dma_semaphore, #tpu.memory_space<semaphore_mem>> -> memref<1x!tpu.dma_semaphore, #tpu.memory_space<semaphore_mem>>
        %dma_start3A_380 = tpu.memref_squeeze %dma_start3A_379 : memref<1x!tpu.dma_semaphore, #tpu.memory_space<semaphore_mem>> -> memref<!tpu.dma_semaphore, #tpu.memory_space<semaphore_mem>>
        tpu.enqueue_indirect_dma source(%dma_start3A_378 : memref<10000x128xf32, #tpu.memory_space<hbm>>) target(%arg24 : memref<40x128xf32, #tpu.memory_space<vmem>>) offsets(%dma_start3A_375 : memref<40xi32, #tpu.memory_space<vmem>>) semaphore(%dma_start3A_380 : memref<!tpu.dma_semaphore, #tpu.memory_space<semaphore_mem>>)
      } else {
      }
      %ge3A_74 = arith.constant 0 : i32
      %ge3A_75 = arith.cmpi sge, %sub3A_52, %ge3A_74 : i32
      %lt3A_76 = arith.constant 250 : i32
      %lt3A_77 = arith.cmpi slt, %sub3A_52, %lt3A_76 : i32
      %and3A_78 = arith.andi %ge3A_75, %lt3A_77 : i1
      %convert_element_type3A_79 = arith.extui %and3A_78 : i1 to i32
      %cond3A_80 = arith.constant 0 : i32
      %cond3A_81 = arith.cmpi ne, %convert_element_type3A_79, %cond3A_80 : i32
      scf.if %cond3A_81 {
        %dma_wait3A = arith.constant 0 : i32
        %dma_wait3A_341 = arith.constant 4 : i32
        %dma_wait3A_342 = arith.constant 0 : i32
        %dma_wait3A_343 = tpu.memref_slice %arg11[%dma_wait3A, %dma_wait3A_342] : memref<2x40xi32, #tpu.memory_space<vmem>> -> memref<1x40xi32, #tpu.memory_space<vmem>>
        %dma_wait3A_344 = tpu.memref_squeeze %dma_wait3A_343 : memref<1x40xi32, #tpu.memory_space<vmem>> -> memref<40xi32, #tpu.memory_space<vmem>>
        %dma_wait3A_345 = arith.constant 0 : i32
        %dma_wait3A_346 = arith.constant 0 : i32
        %dma_wait3A_347 = tpu.memref_slice %arg2[%dma_wait3A_345, %dma_wait3A_346] : memref<10000x128xf32, #tpu.memory_space<hbm>> -> memref<10000x128xf32, #tpu.memory_space<hbm>>
        %dma_wait3A_348 = tpu.memref_slice %arg27[%dma_wait3A_341] : memref<9x!tpu.dma_semaphore, #tpu.memory_space<semaphore_mem>> -> memref<1x!tpu.dma_semaphore, #tpu.memory_space<semaphore_mem>>
        %dma_wait3A_349 = tpu.memref_squeeze %dma_wait3A_348 : memref<1x!tpu.dma_semaphore, #tpu.memory_space<semaphore_mem>> -> memref<!tpu.dma_semaphore, #tpu.memory_space<semaphore_mem>>
        tpu.wait_indirect_dma semaphore(%dma_wait3A_349 : memref<!tpu.dma_semaphore, #tpu.memory_space<semaphore_mem>>) src(%dma_wait3A_347 : memref<10000x128xf32, #tpu.memory_space<hbm>>) dst(%arg20 : memref<40x128xf32, #tpu.memory_space<vmem>>)
        %dma_start3A = arith.constant 1 : i32
        %dma_start3A_350 = arith.constant 4 : i32
        %dma_start3A_351 = arith.constant 0 : i32
        %dma_start3A_352 = tpu.memref_slice %arg11[%dma_start3A, %dma_start3A_351] : memref<2x40xi32, #tpu.memory_space<vmem>> -> memref<1x40xi32, #tpu.memory_space<vmem>>
        %dma_start3A_353 = tpu.memref_squeeze %dma_start3A_352 : memref<1x40xi32, #tpu.memory_space<vmem>> -> memref<40xi32, #tpu.memory_space<vmem>>
        %dma_start3A_354 = arith.constant 0 : i32
        %dma_start3A_355 = arith.constant 0 : i32
        %dma_start3A_356 = tpu.memref_slice %arg25[%dma_start3A_354, %dma_start3A_355] : memref<10240x128xf32, #tpu.memory_space<vmem_shared>> -> memref<10240x128xf32, #tpu.memory_space<vmem_shared>>
        %dma_start3A_357 = tpu.memref_slice %arg28[%dma_start3A_350] : memref<9x!tpu.dma_semaphore, #tpu.memory_space<semaphore_mem>> -> memref<1x!tpu.dma_semaphore, #tpu.memory_space<semaphore_mem>>
        %dma_start3A_358 = tpu.memref_squeeze %dma_start3A_357 : memref<1x!tpu.dma_semaphore, #tpu.memory_space<semaphore_mem>> -> memref<!tpu.dma_semaphore, #tpu.memory_space<semaphore_mem>>
        tpu.enqueue_indirect_dma source(%arg20 : memref<40x128xf32, #tpu.memory_space<vmem>>) target(%dma_start3A_356 : memref<10240x128xf32, #tpu.memory_space<vmem_shared>>) offsets(%dma_start3A_353 : memref<40xi32, #tpu.memory_space<vmem>>) semaphore(%dma_start3A_358 : memref<!tpu.dma_semaphore, #tpu.memory_space<semaphore_mem>>) {add = true}
      } else {
      }
      %mul3A_82 = arith.constant 9 : i32
      %mul3A_83 = arith.muli %scan3A_13, %mul3A_82 : i32
      %add3A_84 = arith.constant 2 : i32
      %add3A_85 = arith.addi %mul3A_83, %add3A_84 : i32
      %sub3A_86 = arith.constant 2 : i32
      %sub3A_87 = arith.subi %add3A_85, %sub3A_86 : i32
      %sub3A_88 = arith.constant 6 : i32
      %sub3A_89 = arith.subi %add3A_85, %sub3A_88 : i32
      %ge3A_90 = arith.constant 9 : i32
      %ge3A_91 = arith.cmpi sge, %add3A_85, %ge3A_90 : i32
      %lt3A_92 = arith.constant 259 : i32
      %lt3A_93 = arith.cmpi slt, %add3A_85, %lt3A_92 : i32
      %and3A_94 = arith.andi %ge3A_91, %lt3A_93 : i1
      %convert_element_type3A_95 = arith.extui %and3A_94 : i1 to i32
      %cond3A_96 = arith.constant 0 : i32
      %cond3A_97 = arith.cmpi ne, %convert_element_type3A_95, %cond3A_96 : i32
      scf.if %cond3A_97 {
        %dma_wait3A = arith.constant 1 : i32
        %dma_wait3A_341 = arith.constant 2 : i32
        %dma_wait3A_342 = arith.constant 0 : i32
        %dma_wait3A_343 = tpu.memref_slice %arg9[%dma_wait3A, %dma_wait3A_342] : memref<2x40xi32, #tpu.memory_space<vmem>> -> memref<1x40xi32, #tpu.memory_space<vmem>>
        %dma_wait3A_344 = tpu.memref_squeeze %dma_wait3A_343 : memref<1x40xi32, #tpu.memory_space<vmem>> -> memref<40xi32, #tpu.memory_space<vmem>>
        %dma_wait3A_345 = arith.constant 0 : i32
        %dma_wait3A_346 = arith.constant 0 : i32
        %dma_wait3A_347 = tpu.memref_slice %arg25[%dma_wait3A_345, %dma_wait3A_346] : memref<10240x128xf32, #tpu.memory_space<vmem_shared>> -> memref<10240x128xf32, #tpu.memory_space<vmem_shared>>
        %dma_wait3A_348 = tpu.memref_slice %arg28[%dma_wait3A_341] : memref<9x!tpu.dma_semaphore, #tpu.memory_space<semaphore_mem>> -> memref<1x!tpu.dma_semaphore, #tpu.memory_space<semaphore_mem>>
        %dma_wait3A_349 = tpu.memref_squeeze %dma_wait3A_348 : memref<1x!tpu.dma_semaphore, #tpu.memory_space<semaphore_mem>> -> memref<!tpu.dma_semaphore, #tpu.memory_space<semaphore_mem>>
        tpu.wait_indirect_dma semaphore(%dma_wait3A_349 : memref<!tpu.dma_semaphore, #tpu.memory_space<semaphore_mem>>) src(%arg18 : memref<40x128xf32, #tpu.memory_space<vmem>>) dst(%dma_wait3A_347 : memref<10240x128xf32, #tpu.memory_space<vmem_shared>>)
      } else {
      }
      %lt3A_98 = arith.constant 250 : i32
      %lt3A_99 = arith.cmpi slt, %add3A_85, %lt3A_98 : i32
      %convert_element_type3A_100 = arith.extui %lt3A_99 : i1 to i32
      %cond3A_101 = arith.constant 0 : i32
      %cond3A_102 = arith.cmpi ne, %convert_element_type3A_100, %cond3A_101 : i32
      scf.if %cond3A_102 {
        %dma_start3A = arith.constant 0 : i32
        %dma_start3A_341 = arith.constant 2 : i32
        %dma_start3A_342 = arith.constant 0 : i32
        %dma_start3A_343 = tpu.memref_slice %arg9[%dma_start3A, %dma_start3A_342] : memref<2x40xi32, #tpu.memory_space<vmem>> -> memref<1x40xi32, #tpu.memory_space<vmem>>
        %dma_start3A_344 = tpu.memref_squeeze %dma_start3A_343 : memref<1x40xi32, #tpu.memory_space<vmem>> -> memref<40xi32, #tpu.memory_space<vmem>>
        %dma_start3A_345 = arith.constant 0 : i32
        %dma_start3A_346 = tpu.memref_slice %arg3[%add3A, %add3A_85, %dma_start3A_345] : memref<32x250x40xi32, #tpu.memory_space<hbm>> -> memref<1x1x40xi32, #tpu.memory_space<hbm>>
        %dma_start3A_347 = tpu.memref_squeeze %dma_start3A_346 : memref<1x1x40xi32, #tpu.memory_space<hbm>> -> memref<40xi32, #tpu.memory_space<hbm>>
        %dma_start3A_348 = tpu.memref_slice %arg26[%dma_start3A_341] : memref<9x!tpu.dma_semaphore, #tpu.memory_space<semaphore_mem>> -> memref<1x!tpu.dma_semaphore, #tpu.memory_space<semaphore_mem>>
        %dma_start3A_349 = tpu.memref_squeeze %dma_start3A_348 : memref<1x!tpu.dma_semaphore, #tpu.memory_space<semaphore_mem>> -> memref<!tpu.dma_semaphore, #tpu.memory_space<semaphore_mem>>
        %dma_start3A_350 = arith.constant 0 : i32
        %dma_start3A_351 = tpu.memref_slice %arg9[%dma_start3A, %dma_start3A_350] : memref<2x40xi32, #tpu.memory_space<vmem>> -> memref<1x40xi32, #tpu.memory_space<vmem>>
        %dma_start3A_352 = tpu.memref_squeeze %dma_start3A_351 : memref<1x40xi32, #tpu.memory_space<vmem>> -> memref<40xi32, #tpu.memory_space<vmem>>
        %dma_start3A_353 = arith.constant 0 : i32
        %dma_start3A_354 = tpu.memref_slice %arg3[%add3A, %add3A_85, %dma_start3A_353] : memref<32x250x40xi32, #tpu.memory_space<hbm>> -> memref<1x1x40xi32, #tpu.memory_space<hbm>>
        %dma_start3A_355 = tpu.memref_squeeze %dma_start3A_354 : memref<1x1x40xi32, #tpu.memory_space<hbm>> -> memref<40xi32, #tpu.memory_space<hbm>>
        tpu.enqueue_dma source(%dma_start3A_355 : memref<40xi32, #tpu.memory_space<hbm>>) target(%dma_start3A_352 : memref<40xi32, #tpu.memory_space<vmem>>) target_semaphore(%dma_start3A_349 : memref<!tpu.dma_semaphore, #tpu.memory_space<semaphore_mem>>)
        %dma_start3A_356 = arith.constant 1 : i32
        %dma_start3A_357 = arith.constant 2 : i32
        %dma_start3A_358 = arith.constant 0 : i32
        %dma_start3A_359 = tpu.memref_slice %arg9[%dma_start3A_356, %dma_start3A_358] : memref<2x40xi32, #tpu.memory_space<vmem>> -> memref<1x40xi32, #tpu.memory_space<vmem>>
        %dma_start3A_360 = tpu.memref_squeeze %dma_start3A_359 : memref<1x40xi32, #tpu.memory_space<vmem>> -> memref<40xi32, #tpu.memory_space<vmem>>
        %dma_start3A_361 = arith.constant 0 : i32
        %dma_start3A_362 = tpu.memref_slice %arg4[%add3A, %add3A_85, %dma_start3A_361] : memref<32x250x40xi32, #tpu.memory_space<hbm>> -> memref<1x1x40xi32, #tpu.memory_space<hbm>>
        %dma_start3A_363 = tpu.memref_squeeze %dma_start3A_362 : memref<1x1x40xi32, #tpu.memory_space<hbm>> -> memref<40xi32, #tpu.memory_space<hbm>>
        %dma_start3A_364 = tpu.memref_slice %arg26[%dma_start3A_357] : memref<9x!tpu.dma_semaphore, #tpu.memory_space<semaphore_mem>> -> memref<1x!tpu.dma_semaphore, #tpu.memory_space<semaphore_mem>>
        %dma_start3A_365 = tpu.memref_squeeze %dma_start3A_364 : memref<1x!tpu.dma_semaphore, #tpu.memory_space<semaphore_mem>> -> memref<!tpu.dma_semaphore, #tpu.memory_space<semaphore_mem>>
        %dma_start3A_366 = arith.constant 0 : i32
        %dma_start3A_367 = tpu.memref_slice %arg9[%dma_start3A_356, %dma_start3A_366] : memref<2x40xi32, #tpu.memory_space<vmem>> -> memref<1x40xi32, #tpu.memory_space<vmem>>
        %dma_start3A_368 = tpu.memref_squeeze %dma_start3A_367 : memref<1x40xi32, #tpu.memory_space<vmem>> -> memref<40xi32, #tpu.memory_space<vmem>>
        %dma_start3A_369 = arith.constant 0 : i32
        %dma_start3A_370 = tpu.memref_slice %arg4[%add3A, %add3A_85, %dma_start3A_369] : memref<32x250x40xi32, #tpu.memory_space<hbm>> -> memref<1x1x40xi32, #tpu.memory_space<hbm>>
        %dma_start3A_371 = tpu.memref_squeeze %dma_start3A_370 : memref<1x1x40xi32, #tpu.memory_space<hbm>> -> memref<40xi32, #tpu.memory_space<hbm>>
        tpu.enqueue_dma source(%dma_start3A_371 : memref<40xi32, #tpu.memory_space<hbm>>) target(%dma_start3A_368 : memref<40xi32, #tpu.memory_space<vmem>>) target_semaphore(%dma_start3A_365 : memref<!tpu.dma_semaphore, #tpu.memory_space<semaphore_mem>>)
      } else {
      }
      %ge3A_103 = arith.constant 0 : i32
      %ge3A_104 = arith.cmpi sge, %sub3A_87, %ge3A_103 : i32
      %lt3A_105 = arith.constant 250 : i32
      %lt3A_106 = arith.cmpi slt, %sub3A_87, %lt3A_105 : i32
      %and3A_107 = arith.andi %ge3A_104, %lt3A_106 : i1
      %convert_element_type3A_108 = arith.extui %and3A_107 : i1 to i32
      %cond3A_109 = arith.constant 0 : i32
      %cond3A_110 = arith.cmpi ne, %convert_element_type3A_108, %cond3A_109 : i32
      scf.if %cond3A_110 {
        %dma_wait3A = arith.constant 0 : i32
        %dma_wait3A_341 = arith.constant 0 : i32
        %dma_wait3A_342 = arith.constant 0 : i32
        %dma_wait3A_343 = tpu.memref_slice %arg7[%dma_wait3A, %dma_wait3A_342] : memref<2x40xi32, #tpu.memory_space<vmem>> -> memref<1x40xi32, #tpu.memory_space<vmem>>
        %dma_wait3A_344 = tpu.memref_squeeze %dma_wait3A_343 : memref<1x40xi32, #tpu.memory_space<vmem>> -> memref<40xi32, #tpu.memory_space<vmem>>
        %dma_wait3A_345 = arith.constant 0 : i32
        %dma_wait3A_346 = tpu.memref_slice %arg3[%add3A, %sub3A_87, %dma_wait3A_345] : memref<32x250x40xi32, #tpu.memory_space<hbm>> -> memref<1x1x40xi32, #tpu.memory_space<hbm>>
        %dma_wait3A_347 = tpu.memref_squeeze %dma_wait3A_346 : memref<1x1x40xi32, #tpu.memory_space<hbm>> -> memref<40xi32, #tpu.memory_space<hbm>>
        %dma_wait3A_348 = tpu.memref_slice %arg26[%dma_wait3A_341] : memref<9x!tpu.dma_semaphore, #tpu.memory_space<semaphore_mem>> -> memref<1x!tpu.dma_semaphore, #tpu.memory_space<semaphore_mem>>
        %dma_wait3A_349 = tpu.memref_squeeze %dma_wait3A_348 : memref<1x!tpu.dma_semaphore, #tpu.memory_space<semaphore_mem>> -> memref<!tpu.dma_semaphore, #tpu.memory_space<semaphore_mem>>
        %dma_wait3A_350 = arith.constant 0 : i32
        %dma_wait3A_351 = tpu.memref_slice %arg7[%dma_wait3A, %dma_wait3A_350] : memref<2x40xi32, #tpu.memory_space<vmem>> -> memref<1x40xi32, #tpu.memory_space<vmem>>
        %dma_wait3A_352 = tpu.memref_squeeze %dma_wait3A_351 : memref<1x40xi32, #tpu.memory_space<vmem>> -> memref<40xi32, #tpu.memory_space<vmem>>
        %dma_wait3A_353 = arith.constant 0 : i32
        %dma_wait3A_354 = tpu.memref_slice %arg3[%add3A, %sub3A_87, %dma_wait3A_353] : memref<32x250x40xi32, #tpu.memory_space<hbm>> -> memref<1x1x40xi32, #tpu.memory_space<hbm>>
        %dma_wait3A_355 = tpu.memref_squeeze %dma_wait3A_354 : memref<1x1x40xi32, #tpu.memory_space<hbm>> -> memref<40xi32, #tpu.memory_space<hbm>>
        tpu.wait_dma2 semaphore(%dma_wait3A_349 : memref<!tpu.dma_semaphore, #tpu.memory_space<semaphore_mem>>) src(%dma_wait3A_355 : memref<40xi32, #tpu.memory_space<hbm>>) dst(%dma_wait3A_352 : memref<40xi32, #tpu.memory_space<vmem>>)
        %dma_wait3A_356 = arith.constant 1 : i32
        %dma_wait3A_357 = arith.constant 0 : i32
        %dma_wait3A_358 = arith.constant 0 : i32
        %dma_wait3A_359 = tpu.memref_slice %arg7[%dma_wait3A_356, %dma_wait3A_358] : memref<2x40xi32, #tpu.memory_space<vmem>> -> memref<1x40xi32, #tpu.memory_space<vmem>>
        %dma_wait3A_360 = tpu.memref_squeeze %dma_wait3A_359 : memref<1x40xi32, #tpu.memory_space<vmem>> -> memref<40xi32, #tpu.memory_space<vmem>>
        %dma_wait3A_361 = arith.constant 0 : i32
        %dma_wait3A_362 = tpu.memref_slice %arg4[%add3A, %sub3A_87, %dma_wait3A_361] : memref<32x250x40xi32, #tpu.memory_space<hbm>> -> memref<1x1x40xi32, #tpu.memory_space<hbm>>
        %dma_wait3A_363 = tpu.memref_squeeze %dma_wait3A_362 : memref<1x1x40xi32, #tpu.memory_space<hbm>> -> memref<40xi32, #tpu.memory_space<hbm>>
        %dma_wait3A_364 = tpu.memref_slice %arg26[%dma_wait3A_357] : memref<9x!tpu.dma_semaphore, #tpu.memory_space<semaphore_mem>> -> memref<1x!tpu.dma_semaphore, #tpu.memory_space<semaphore_mem>>
        %dma_wait3A_365 = tpu.memref_squeeze %dma_wait3A_364 : memref<1x!tpu.dma_semaphore, #tpu.memory_space<semaphore_mem>> -> memref<!tpu.dma_semaphore, #tpu.memory_space<semaphore_mem>>
        %dma_wait3A_366 = arith.constant 0 : i32
        %dma_wait3A_367 = tpu.memref_slice %arg7[%dma_wait3A_356, %dma_wait3A_366] : memref<2x40xi32, #tpu.memory_space<vmem>> -> memref<1x40xi32, #tpu.memory_space<vmem>>
        %dma_wait3A_368 = tpu.memref_squeeze %dma_wait3A_367 : memref<1x40xi32, #tpu.memory_space<vmem>> -> memref<40xi32, #tpu.memory_space<vmem>>
        %dma_wait3A_369 = arith.constant 0 : i32
        %dma_wait3A_370 = tpu.memref_slice %arg4[%add3A, %sub3A_87, %dma_wait3A_369] : memref<32x250x40xi32, #tpu.memory_space<hbm>> -> memref<1x1x40xi32, #tpu.memory_space<hbm>>
        %dma_wait3A_371 = tpu.memref_squeeze %dma_wait3A_370 : memref<1x1x40xi32, #tpu.memory_space<hbm>> -> memref<40xi32, #tpu.memory_space<hbm>>
        tpu.wait_dma2 semaphore(%dma_wait3A_365 : memref<!tpu.dma_semaphore, #tpu.memory_space<semaphore_mem>>) src(%dma_wait3A_371 : memref<40xi32, #tpu.memory_space<hbm>>) dst(%dma_wait3A_368 : memref<40xi32, #tpu.memory_space<vmem>>)
        %dma_start3A = arith.constant 0 : i32
        %dma_start3A_372 = arith.constant 0 : i32
        %dma_start3A_373 = arith.constant 0 : i32
        %dma_start3A_374 = tpu.memref_slice %arg7[%dma_start3A, %dma_start3A_373] : memref<2x40xi32, #tpu.memory_space<vmem>> -> memref<1x40xi32, #tpu.memory_space<vmem>>
        %dma_start3A_375 = tpu.memref_squeeze %dma_start3A_374 : memref<1x40xi32, #tpu.memory_space<vmem>> -> memref<40xi32, #tpu.memory_space<vmem>>
        %dma_start3A_376 = arith.constant 0 : i32
        %dma_start3A_377 = arith.constant 0 : i32
        %dma_start3A_378 = tpu.memref_slice %arg2[%dma_start3A_376, %dma_start3A_377] : memref<10000x128xf32, #tpu.memory_space<hbm>> -> memref<10000x128xf32, #tpu.memory_space<hbm>>
        %dma_start3A_379 = tpu.memref_slice %arg27[%dma_start3A_372] : memref<9x!tpu.dma_semaphore, #tpu.memory_space<semaphore_mem>> -> memref<1x!tpu.dma_semaphore, #tpu.memory_space<semaphore_mem>>
        %dma_start3A_380 = tpu.memref_squeeze %dma_start3A_379 : memref<1x!tpu.dma_semaphore, #tpu.memory_space<semaphore_mem>> -> memref<!tpu.dma_semaphore, #tpu.memory_space<semaphore_mem>>
        tpu.enqueue_indirect_dma source(%dma_start3A_378 : memref<10000x128xf32, #tpu.memory_space<hbm>>) target(%arg16 : memref<40x128xf32, #tpu.memory_space<vmem>>) offsets(%dma_start3A_375 : memref<40xi32, #tpu.memory_space<vmem>>) semaphore(%dma_start3A_380 : memref<!tpu.dma_semaphore, #tpu.memory_space<semaphore_mem>>)
      } else {
      }
      %ge3A_111 = arith.constant 0 : i32
      %ge3A_112 = arith.cmpi sge, %sub3A_89, %ge3A_111 : i32
      %lt3A_113 = arith.constant 250 : i32
      %lt3A_114 = arith.cmpi slt, %sub3A_89, %lt3A_113 : i32
      %and3A_115 = arith.andi %ge3A_112, %lt3A_114 : i1
      %convert_element_type3A_116 = arith.extui %and3A_115 : i1 to i32
      %cond3A_117 = arith.constant 0 : i32
      %cond3A_118 = arith.cmpi ne, %convert_element_type3A_116, %cond3A_117 : i32
      scf.if %cond3A_118 {
        %dma_wait3A = arith.constant 0 : i32
        %dma_wait3A_341 = arith.constant 5 : i32
        %dma_wait3A_342 = arith.constant 0 : i32
        %dma_wait3A_343 = tpu.memref_slice %arg12[%dma_wait3A, %dma_wait3A_342] : memref<2x40xi32, #tpu.memory_space<vmem>> -> memref<1x40xi32, #tpu.memory_space<vmem>>
        %dma_wait3A_344 = tpu.memref_squeeze %dma_wait3A_343 : memref<1x40xi32, #tpu.memory_space<vmem>> -> memref<40xi32, #tpu.memory_space<vmem>>
        %dma_wait3A_345 = arith.constant 0 : i32
        %dma_wait3A_346 = arith.constant 0 : i32
        %dma_wait3A_347 = tpu.memref_slice %arg2[%dma_wait3A_345, %dma_wait3A_346] : memref<10000x128xf32, #tpu.memory_space<hbm>> -> memref<10000x128xf32, #tpu.memory_space<hbm>>
        %dma_wait3A_348 = tpu.memref_slice %arg27[%dma_wait3A_341] : memref<9x!tpu.dma_semaphore, #tpu.memory_space<semaphore_mem>> -> memref<1x!tpu.dma_semaphore, #tpu.memory_space<semaphore_mem>>
        %dma_wait3A_349 = tpu.memref_squeeze %dma_wait3A_348 : memref<1x!tpu.dma_semaphore, #tpu.memory_space<semaphore_mem>> -> memref<!tpu.dma_semaphore, #tpu.memory_space<semaphore_mem>>
        tpu.wait_indirect_dma semaphore(%dma_wait3A_349 : memref<!tpu.dma_semaphore, #tpu.memory_space<semaphore_mem>>) src(%dma_wait3A_347 : memref<10000x128xf32, #tpu.memory_space<hbm>>) dst(%arg21 : memref<40x128xf32, #tpu.memory_space<vmem>>)
        %dma_start3A = arith.constant 1 : i32
        %dma_start3A_350 = arith.constant 5 : i32
        %dma_start3A_351 = arith.constant 0 : i32
        %dma_start3A_352 = tpu.memref_slice %arg12[%dma_start3A, %dma_start3A_351] : memref<2x40xi32, #tpu.memory_space<vmem>> -> memref<1x40xi32, #tpu.memory_space<vmem>>
        %dma_start3A_353 = tpu.memref_squeeze %dma_start3A_352 : memref<1x40xi32, #tpu.memory_space<vmem>> -> memref<40xi32, #tpu.memory_space<vmem>>
        %dma_start3A_354 = arith.constant 0 : i32
        %dma_start3A_355 = arith.constant 0 : i32
        %dma_start3A_356 = tpu.memref_slice %arg25[%dma_start3A_354, %dma_start3A_355] : memref<10240x128xf32, #tpu.memory_space<vmem_shared>> -> memref<10240x128xf32, #tpu.memory_space<vmem_shared>>
        %dma_start3A_357 = tpu.memref_slice %arg28[%dma_start3A_350] : memref<9x!tpu.dma_semaphore, #tpu.memory_space<semaphore_mem>> -> memref<1x!tpu.dma_semaphore, #tpu.memory_space<semaphore_mem>>
        %dma_start3A_358 = tpu.memref_squeeze %dma_start3A_357 : memref<1x!tpu.dma_semaphore, #tpu.memory_space<semaphore_mem>> -> memref<!tpu.dma_semaphore, #tpu.memory_space<semaphore_mem>>
        tpu.enqueue_indirect_dma source(%arg21 : memref<40x128xf32, #tpu.memory_space<vmem>>) target(%dma_start3A_356 : memref<10240x128xf32, #tpu.memory_space<vmem_shared>>) offsets(%dma_start3A_353 : memref<40xi32, #tpu.memory_space<vmem>>) semaphore(%dma_start3A_358 : memref<!tpu.dma_semaphore, #tpu.memory_space<semaphore_mem>>) {add = true}
      } else {
      }
      %mul3A_119 = arith.constant 9 : i32
      %mul3A_120 = arith.muli %scan3A_13, %mul3A_119 : i32
      %add3A_121 = arith.constant 3 : i32
      %add3A_122 = arith.addi %mul3A_120, %add3A_121 : i32
      %sub3A_123 = arith.constant 2 : i32
      %sub3A_124 = arith.subi %add3A_122, %sub3A_123 : i32
      %sub3A_125 = arith.constant 6 : i32
      %sub3A_126 = arith.subi %add3A_122, %sub3A_125 : i32
      %ge3A_127 = arith.constant 9 : i32
      %ge3A_128 = arith.cmpi sge, %add3A_122, %ge3A_127 : i32
      %lt3A_129 = arith.constant 259 : i32
      %lt3A_130 = arith.cmpi slt, %add3A_122, %lt3A_129 : i32
      %and3A_131 = arith.andi %ge3A_128, %lt3A_130 : i1
      %convert_element_type3A_132 = arith.extui %and3A_131 : i1 to i32
      %cond3A_133 = arith.constant 0 : i32
      %cond3A_134 = arith.cmpi ne, %convert_element_type3A_132, %cond3A_133 : i32
      scf.if %cond3A_134 {
        %dma_wait3A = arith.constant 1 : i32
        %dma_wait3A_341 = arith.constant 3 : i32
        %dma_wait3A_342 = arith.constant 0 : i32
        %dma_wait3A_343 = tpu.memref_slice %arg10[%dma_wait3A, %dma_wait3A_342] : memref<2x40xi32, #tpu.memory_space<vmem>> -> memref<1x40xi32, #tpu.memory_space<vmem>>
        %dma_wait3A_344 = tpu.memref_squeeze %dma_wait3A_343 : memref<1x40xi32, #tpu.memory_space<vmem>> -> memref<40xi32, #tpu.memory_space<vmem>>
        %dma_wait3A_345 = arith.constant 0 : i32
        %dma_wait3A_346 = arith.constant 0 : i32
        %dma_wait3A_347 = tpu.memref_slice %arg25[%dma_wait3A_345, %dma_wait3A_346] : memref<10240x128xf32, #tpu.memory_space<vmem_shared>> -> memref<10240x128xf32, #tpu.memory_space<vmem_shared>>
        %dma_wait3A_348 = tpu.memref_slice %arg28[%dma_wait3A_341] : memref<9x!tpu.dma_semaphore, #tpu.memory_space<semaphore_mem>> -> memref<1x!tpu.dma_semaphore, #tpu.memory_space<semaphore_mem>>
        %dma_wait3A_349 = tpu.memref_squeeze %dma_wait3A_348 : memref<1x!tpu.dma_semaphore, #tpu.memory_space<semaphore_mem>> -> memref<!tpu.dma_semaphore, #tpu.memory_space<semaphore_mem>>
        tpu.wait_indirect_dma semaphore(%dma_wait3A_349 : memref<!tpu.dma_semaphore, #tpu.memory_space<semaphore_mem>>) src(%arg19 : memref<40x128xf32, #tpu.memory_space<vmem>>) dst(%dma_wait3A_347 : memref<10240x128xf32, #tpu.memory_space<vmem_shared>>)
      } else {
      }
      %lt3A_135 = arith.constant 250 : i32
      %lt3A_136 = arith.cmpi slt, %add3A_122, %lt3A_135 : i32
      %convert_element_type3A_137 = arith.extui %lt3A_136 : i1 to i32
      %cond3A_138 = arith.constant 0 : i32
      %cond3A_139 = arith.cmpi ne, %convert_element_type3A_137, %cond3A_138 : i32
      scf.if %cond3A_139 {
        %dma_start3A = arith.constant 0 : i32
        %dma_start3A_341 = arith.constant 3 : i32
        %dma_start3A_342 = arith.constant 0 : i32
        %dma_start3A_343 = tpu.memref_slice %arg10[%dma_start3A, %dma_start3A_342] : memref<2x40xi32, #tpu.memory_space<vmem>> -> memref<1x40xi32, #tpu.memory_space<vmem>>
        %dma_start3A_344 = tpu.memref_squeeze %dma_start3A_343 : memref<1x40xi32, #tpu.memory_space<vmem>> -> memref<40xi32, #tpu.memory_space<vmem>>
        %dma_start3A_345 = arith.constant 0 : i32
        %dma_start3A_346 = tpu.memref_slice %arg3[%add3A, %add3A_122, %dma_start3A_345] : memref<32x250x40xi32, #tpu.memory_space<hbm>> -> memref<1x1x40xi32, #tpu.memory_space<hbm>>
        %dma_start3A_347 = tpu.memref_squeeze %dma_start3A_346 : memref<1x1x40xi32, #tpu.memory_space<hbm>> -> memref<40xi32, #tpu.memory_space<hbm>>
        %dma_start3A_348 = tpu.memref_slice %arg26[%dma_start3A_341] : memref<9x!tpu.dma_semaphore, #tpu.memory_space<semaphore_mem>> -> memref<1x!tpu.dma_semaphore, #tpu.memory_space<semaphore_mem>>
        %dma_start3A_349 = tpu.memref_squeeze %dma_start3A_348 : memref<1x!tpu.dma_semaphore, #tpu.memory_space<semaphore_mem>> -> memref<!tpu.dma_semaphore, #tpu.memory_space<semaphore_mem>>
        %dma_start3A_350 = arith.constant 0 : i32
        %dma_start3A_351 = tpu.memref_slice %arg10[%dma_start3A, %dma_start3A_350] : memref<2x40xi32, #tpu.memory_space<vmem>> -> memref<1x40xi32, #tpu.memory_space<vmem>>
        %dma_start3A_352 = tpu.memref_squeeze %dma_start3A_351 : memref<1x40xi32, #tpu.memory_space<vmem>> -> memref<40xi32, #tpu.memory_space<vmem>>
        %dma_start3A_353 = arith.constant 0 : i32
        %dma_start3A_354 = tpu.memref_slice %arg3[%add3A, %add3A_122, %dma_start3A_353] : memref<32x250x40xi32, #tpu.memory_space<hbm>> -> memref<1x1x40xi32, #tpu.memory_space<hbm>>
        %dma_start3A_355 = tpu.memref_squeeze %dma_start3A_354 : memref<1x1x40xi32, #tpu.memory_space<hbm>> -> memref<40xi32, #tpu.memory_space<hbm>>
        tpu.enqueue_dma source(%dma_start3A_355 : memref<40xi32, #tpu.memory_space<hbm>>) target(%dma_start3A_352 : memref<40xi32, #tpu.memory_space<vmem>>) target_semaphore(%dma_start3A_349 : memref<!tpu.dma_semaphore, #tpu.memory_space<semaphore_mem>>)
        %dma_start3A_356 = arith.constant 1 : i32
        %dma_start3A_357 = arith.constant 3 : i32
        %dma_start3A_358 = arith.constant 0 : i32
        %dma_start3A_359 = tpu.memref_slice %arg10[%dma_start3A_356, %dma_start3A_358] : memref<2x40xi32, #tpu.memory_space<vmem>> -> memref<1x40xi32, #tpu.memory_space<vmem>>
        %dma_start3A_360 = tpu.memref_squeeze %dma_start3A_359 : memref<1x40xi32, #tpu.memory_space<vmem>> -> memref<40xi32, #tpu.memory_space<vmem>>
        %dma_start3A_361 = arith.constant 0 : i32
        %dma_start3A_362 = tpu.memref_slice %arg4[%add3A, %add3A_122, %dma_start3A_361] : memref<32x250x40xi32, #tpu.memory_space<hbm>> -> memref<1x1x40xi32, #tpu.memory_space<hbm>>
        %dma_start3A_363 = tpu.memref_squeeze %dma_start3A_362 : memref<1x1x40xi32, #tpu.memory_space<hbm>> -> memref<40xi32, #tpu.memory_space<hbm>>
        %dma_start3A_364 = tpu.memref_slice %arg26[%dma_start3A_357] : memref<9x!tpu.dma_semaphore, #tpu.memory_space<semaphore_mem>> -> memref<1x!tpu.dma_semaphore, #tpu.memory_space<semaphore_mem>>
        %dma_start3A_365 = tpu.memref_squeeze %dma_start3A_364 : memref<1x!tpu.dma_semaphore, #tpu.memory_space<semaphore_mem>> -> memref<!tpu.dma_semaphore, #tpu.memory_space<semaphore_mem>>
        %dma_start3A_366 = arith.constant 0 : i32
        %dma_start3A_367 = tpu.memref_slice %arg10[%dma_start3A_356, %dma_start3A_366] : memref<2x40xi32, #tpu.memory_space<vmem>> -> memref<1x40xi32, #tpu.memory_space<vmem>>
        %dma_start3A_368 = tpu.memref_squeeze %dma_start3A_367 : memref<1x40xi32, #tpu.memory_space<vmem>> -> memref<40xi32, #tpu.memory_space<vmem>>
        %dma_start3A_369 = arith.constant 0 : i32
        %dma_start3A_370 = tpu.memref_slice %arg4[%add3A, %add3A_122, %dma_start3A_369] : memref<32x250x40xi32, #tpu.memory_space<hbm>> -> memref<1x1x40xi32, #tpu.memory_space<hbm>>
        %dma_start3A_371 = tpu.memref_squeeze %dma_start3A_370 : memref<1x1x40xi32, #tpu.memory_space<hbm>> -> memref<40xi32, #tpu.memory_space<hbm>>
        tpu.enqueue_dma source(%dma_start3A_371 : memref<40xi32, #tpu.memory_space<hbm>>) target(%dma_start3A_368 : memref<40xi32, #tpu.memory_space<vmem>>) target_semaphore(%dma_start3A_365 : memref<!tpu.dma_semaphore, #tpu.memory_space<semaphore_mem>>)
      } else {
      }
      %ge3A_140 = arith.constant 0 : i32
      %ge3A_141 = arith.cmpi sge, %sub3A_124, %ge3A_140 : i32
      %lt3A_142 = arith.constant 250 : i32
      %lt3A_143 = arith.cmpi slt, %sub3A_124, %lt3A_142 : i32
      %and3A_144 = arith.andi %ge3A_141, %lt3A_143 : i1
      %convert_element_type3A_145 = arith.extui %and3A_144 : i1 to i32
      %cond3A_146 = arith.constant 0 : i32
      %cond3A_147 = arith.cmpi ne, %convert_element_type3A_145, %cond3A_146 : i32
      scf.if %cond3A_147 {
        %dma_wait3A = arith.constant 0 : i32
        %dma_wait3A_341 = arith.constant 1 : i32
        %dma_wait3A_342 = arith.constant 0 : i32
        %dma_wait3A_343 = tpu.memref_slice %arg8[%dma_wait3A, %dma_wait3A_342] : memref<2x40xi32, #tpu.memory_space<vmem>> -> memref<1x40xi32, #tpu.memory_space<vmem>>
        %dma_wait3A_344 = tpu.memref_squeeze %dma_wait3A_343 : memref<1x40xi32, #tpu.memory_space<vmem>> -> memref<40xi32, #tpu.memory_space<vmem>>
        %dma_wait3A_345 = arith.constant 0 : i32
        %dma_wait3A_346 = tpu.memref_slice %arg3[%add3A, %sub3A_124, %dma_wait3A_345] : memref<32x250x40xi32, #tpu.memory_space<hbm>> -> memref<1x1x40xi32, #tpu.memory_space<hbm>>
        %dma_wait3A_347 = tpu.memref_squeeze %dma_wait3A_346 : memref<1x1x40xi32, #tpu.memory_space<hbm>> -> memref<40xi32, #tpu.memory_space<hbm>>
        %dma_wait3A_348 = tpu.memref_slice %arg26[%dma_wait3A_341] : memref<9x!tpu.dma_semaphore, #tpu.memory_space<semaphore_mem>> -> memref<1x!tpu.dma_semaphore, #tpu.memory_space<semaphore_mem>>
        %dma_wait3A_349 = tpu.memref_squeeze %dma_wait3A_348 : memref<1x!tpu.dma_semaphore, #tpu.memory_space<semaphore_mem>> -> memref<!tpu.dma_semaphore, #tpu.memory_space<semaphore_mem>>
        %dma_wait3A_350 = arith.constant 0 : i32
        %dma_wait3A_351 = tpu.memref_slice %arg8[%dma_wait3A, %dma_wait3A_350] : memref<2x40xi32, #tpu.memory_space<vmem>> -> memref<1x40xi32, #tpu.memory_space<vmem>>
        %dma_wait3A_352 = tpu.memref_squeeze %dma_wait3A_351 : memref<1x40xi32, #tpu.memory_space<vmem>> -> memref<40xi32, #tpu.memory_space<vmem>>
        %dma_wait3A_353 = arith.constant 0 : i32
        %dma_wait3A_354 = tpu.memref_slice %arg3[%add3A, %sub3A_124, %dma_wait3A_353] : memref<32x250x40xi32, #tpu.memory_space<hbm>> -> memref<1x1x40xi32, #tpu.memory_space<hbm>>
        %dma_wait3A_355 = tpu.memref_squeeze %dma_wait3A_354 : memref<1x1x40xi32, #tpu.memory_space<hbm>> -> memref<40xi32, #tpu.memory_space<hbm>>
        tpu.wait_dma2 semaphore(%dma_wait3A_349 : memref<!tpu.dma_semaphore, #tpu.memory_space<semaphore_mem>>) src(%dma_wait3A_355 : memref<40xi32, #tpu.memory_space<hbm>>) dst(%dma_wait3A_352 : memref<40xi32, #tpu.memory_space<vmem>>)
        %dma_wait3A_356 = arith.constant 1 : i32
        %dma_wait3A_357 = arith.constant 1 : i32
        %dma_wait3A_358 = arith.constant 0 : i32
        %dma_wait3A_359 = tpu.memref_slice %arg8[%dma_wait3A_356, %dma_wait3A_358] : memref<2x40xi32, #tpu.memory_space<vmem>> -> memref<1x40xi32, #tpu.memory_space<vmem>>
        %dma_wait3A_360 = tpu.memref_squeeze %dma_wait3A_359 : memref<1x40xi32, #tpu.memory_space<vmem>> -> memref<40xi32, #tpu.memory_space<vmem>>
        %dma_wait3A_361 = arith.constant 0 : i32
        %dma_wait3A_362 = tpu.memref_slice %arg4[%add3A, %sub3A_124, %dma_wait3A_361] : memref<32x250x40xi32, #tpu.memory_space<hbm>> -> memref<1x1x40xi32, #tpu.memory_space<hbm>>
        %dma_wait3A_363 = tpu.memref_squeeze %dma_wait3A_362 : memref<1x1x40xi32, #tpu.memory_space<hbm>> -> memref<40xi32, #tpu.memory_space<hbm>>
        %dma_wait3A_364 = tpu.memref_slice %arg26[%dma_wait3A_357] : memref<9x!tpu.dma_semaphore, #tpu.memory_space<semaphore_mem>> -> memref<1x!tpu.dma_semaphore, #tpu.memory_space<semaphore_mem>>
        %dma_wait3A_365 = tpu.memref_squeeze %dma_wait3A_364 : memref<1x!tpu.dma_semaphore, #tpu.memory_space<semaphore_mem>> -> memref<!tpu.dma_semaphore, #tpu.memory_space<semaphore_mem>>
        %dma_wait3A_366 = arith.constant 0 : i32
        %dma_wait3A_367 = tpu.memref_slice %arg8[%dma_wait3A_356, %dma_wait3A_366] : memref<2x40xi32, #tpu.memory_space<vmem>> -> memref<1x40xi32, #tpu.memory_space<vmem>>
        %dma_wait3A_368 = tpu.memref_squeeze %dma_wait3A_367 : memref<1x40xi32, #tpu.memory_space<vmem>> -> memref<40xi32, #tpu.memory_space<vmem>>
        %dma_wait3A_369 = arith.constant 0 : i32
        %dma_wait3A_370 = tpu.memref_slice %arg4[%add3A, %sub3A_124, %dma_wait3A_369] : memref<32x250x40xi32, #tpu.memory_space<hbm>> -> memref<1x1x40xi32, #tpu.memory_space<hbm>>
        %dma_wait3A_371 = tpu.memref_squeeze %dma_wait3A_370 : memref<1x1x40xi32, #tpu.memory_space<hbm>> -> memref<40xi32, #tpu.memory_space<hbm>>
        tpu.wait_dma2 semaphore(%dma_wait3A_365 : memref<!tpu.dma_semaphore, #tpu.memory_space<semaphore_mem>>) src(%dma_wait3A_371 : memref<40xi32, #tpu.memory_space<hbm>>) dst(%dma_wait3A_368 : memref<40xi32, #tpu.memory_space<vmem>>)
        %dma_start3A = arith.constant 0 : i32
        %dma_start3A_372 = arith.constant 1 : i32
        %dma_start3A_373 = arith.constant 0 : i32
        %dma_start3A_374 = tpu.memref_slice %arg8[%dma_start3A, %dma_start3A_373] : memref<2x40xi32, #tpu.memory_space<vmem>> -> memref<1x40xi32, #tpu.memory_space<vmem>>
        %dma_start3A_375 = tpu.memref_squeeze %dma_start3A_374 : memref<1x40xi32, #tpu.memory_space<vmem>> -> memref<40xi32, #tpu.memory_space<vmem>>
        %dma_start3A_376 = arith.constant 0 : i32
        %dma_start3A_377 = arith.constant 0 : i32
        %dma_start3A_378 = tpu.memref_slice %arg2[%dma_start3A_376, %dma_start3A_377] : memref<10000x128xf32, #tpu.memory_space<hbm>> -> memref<10000x128xf32, #tpu.memory_space<hbm>>
        %dma_start3A_379 = tpu.memref_slice %arg27[%dma_start3A_372] : memref<9x!tpu.dma_semaphore, #tpu.memory_space<semaphore_mem>> -> memref<1x!tpu.dma_semaphore, #tpu.memory_space<semaphore_mem>>
        %dma_start3A_380 = tpu.memref_squeeze %dma_start3A_379 : memref<1x!tpu.dma_semaphore, #tpu.memory_space<semaphore_mem>> -> memref<!tpu.dma_semaphore, #tpu.memory_space<semaphore_mem>>
        tpu.enqueue_indirect_dma source(%dma_start3A_378 : memref<10000x128xf32, #tpu.memory_space<hbm>>) target(%arg17 : memref<40x128xf32, #tpu.memory_space<vmem>>) offsets(%dma_start3A_375 : memref<40xi32, #tpu.memory_space<vmem>>) semaphore(%dma_start3A_380 : memref<!tpu.dma_semaphore, #tpu.memory_space<semaphore_mem>>)
      } else {
      }
      %ge3A_148 = arith.constant 0 : i32
      %ge3A_149 = arith.cmpi sge, %sub3A_126, %ge3A_148 : i32
      %lt3A_150 = arith.constant 250 : i32
      %lt3A_151 = arith.cmpi slt, %sub3A_126, %lt3A_150 : i32
      %and3A_152 = arith.andi %ge3A_149, %lt3A_151 : i1
      %convert_element_type3A_153 = arith.extui %and3A_152 : i1 to i32
      %cond3A_154 = arith.constant 0 : i32
      %cond3A_155 = arith.cmpi ne, %convert_element_type3A_153, %cond3A_154 : i32
      scf.if %cond3A_155 {
        %dma_wait3A = arith.constant 0 : i32
        %dma_wait3A_341 = arith.constant 6 : i32
        %dma_wait3A_342 = arith.constant 0 : i32
        %dma_wait3A_343 = tpu.memref_slice %arg13[%dma_wait3A, %dma_wait3A_342] : memref<2x40xi32, #tpu.memory_space<vmem>> -> memref<1x40xi32, #tpu.memory_space<vmem>>
        %dma_wait3A_344 = tpu.memref_squeeze %dma_wait3A_343 : memref<1x40xi32, #tpu.memory_space<vmem>> -> memref<40xi32, #tpu.memory_space<vmem>>
        %dma_wait3A_345 = arith.constant 0 : i32
        %dma_wait3A_346 = arith.constant 0 : i32
        %dma_wait3A_347 = tpu.memref_slice %arg2[%dma_wait3A_345, %dma_wait3A_346] : memref<10000x128xf32, #tpu.memory_space<hbm>> -> memref<10000x128xf32, #tpu.memory_space<hbm>>
        %dma_wait3A_348 = tpu.memref_slice %arg27[%dma_wait3A_341] : memref<9x!tpu.dma_semaphore, #tpu.memory_space<semaphore_mem>> -> memref<1x!tpu.dma_semaphore, #tpu.memory_space<semaphore_mem>>
        %dma_wait3A_349 = tpu.memref_squeeze %dma_wait3A_348 : memref<1x!tpu.dma_semaphore, #tpu.memory_space<semaphore_mem>> -> memref<!tpu.dma_semaphore, #tpu.memory_space<semaphore_mem>>
        tpu.wait_indirect_dma semaphore(%dma_wait3A_349 : memref<!tpu.dma_semaphore, #tpu.memory_space<semaphore_mem>>) src(%dma_wait3A_347 : memref<10000x128xf32, #tpu.memory_space<hbm>>) dst(%arg22 : memref<40x128xf32, #tpu.memory_space<vmem>>)
        %dma_start3A = arith.constant 1 : i32
        %dma_start3A_350 = arith.constant 6 : i32
        %dma_start3A_351 = arith.constant 0 : i32
        %dma_start3A_352 = tpu.memref_slice %arg13[%dma_start3A, %dma_start3A_351] : memref<2x40xi32, #tpu.memory_space<vmem>> -> memref<1x40xi32, #tpu.memory_space<vmem>>
        %dma_start3A_353 = tpu.memref_squeeze %dma_start3A_352 : memref<1x40xi32, #tpu.memory_space<vmem>> -> memref<40xi32, #tpu.memory_space<vmem>>
        %dma_start3A_354 = arith.constant 0 : i32
        %dma_start3A_355 = arith.constant 0 : i32
        %dma_start3A_356 = tpu.memref_slice %arg25[%dma_start3A_354, %dma_start3A_355] : memref<10240x128xf32, #tpu.memory_space<vmem_shared>> -> memref<10240x128xf32, #tpu.memory_space<vmem_shared>>
        %dma_start3A_357 = tpu.memref_slice %arg28[%dma_start3A_350] : memref<9x!tpu.dma_semaphore, #tpu.memory_space<semaphore_mem>> -> memref<1x!tpu.dma_semaphore, #tpu.memory_space<semaphore_mem>>
        %dma_start3A_358 = tpu.memref_squeeze %dma_start3A_357 : memref<1x!tpu.dma_semaphore, #tpu.memory_space<semaphore_mem>> -> memref<!tpu.dma_semaphore, #tpu.memory_space<semaphore_mem>>
        tpu.enqueue_indirect_dma source(%arg22 : memref<40x128xf32, #tpu.memory_space<vmem>>) target(%dma_start3A_356 : memref<10240x128xf32, #tpu.memory_space<vmem_shared>>) offsets(%dma_start3A_353 : memref<40xi32, #tpu.memory_space<vmem>>) semaphore(%dma_start3A_358 : memref<!tpu.dma_semaphore, #tpu.memory_space<semaphore_mem>>) {add = true}
      } else {
      }
      %mul3A_156 = arith.constant 9 : i32
      %mul3A_157 = arith.muli %scan3A_13, %mul3A_156 : i32
      %add3A_158 = arith.constant 4 : i32
      %add3A_159 = arith.addi %mul3A_157, %add3A_158 : i32
      %sub3A_160 = arith.constant 2 : i32
      %sub3A_161 = arith.subi %add3A_159, %sub3A_160 : i32
      %sub3A_162 = arith.constant 6 : i32
      %sub3A_163 = arith.subi %add3A_159, %sub3A_162 : i32
      %ge3A_164 = arith.constant 9 : i32
      %ge3A_165 = arith.cmpi sge, %add3A_159, %ge3A_164 : i32
      %lt3A_166 = arith.constant 259 : i32
      %lt3A_167 = arith.cmpi slt, %add3A_159, %lt3A_166 : i32
      %and3A_168 = arith.andi %ge3A_165, %lt3A_167 : i1
      %convert_element_type3A_169 = arith.extui %and3A_168 : i1 to i32
      %cond3A_170 = arith.constant 0 : i32
      %cond3A_171 = arith.cmpi ne, %convert_element_type3A_169, %cond3A_170 : i32
      scf.if %cond3A_171 {
        %dma_wait3A = arith.constant 1 : i32
        %dma_wait3A_341 = arith.constant 4 : i32
        %dma_wait3A_342 = arith.constant 0 : i32
        %dma_wait3A_343 = tpu.memref_slice %arg11[%dma_wait3A, %dma_wait3A_342] : memref<2x40xi32, #tpu.memory_space<vmem>> -> memref<1x40xi32, #tpu.memory_space<vmem>>
        %dma_wait3A_344 = tpu.memref_squeeze %dma_wait3A_343 : memref<1x40xi32, #tpu.memory_space<vmem>> -> memref<40xi32, #tpu.memory_space<vmem>>
        %dma_wait3A_345 = arith.constant 0 : i32
        %dma_wait3A_346 = arith.constant 0 : i32
        %dma_wait3A_347 = tpu.memref_slice %arg25[%dma_wait3A_345, %dma_wait3A_346] : memref<10240x128xf32, #tpu.memory_space<vmem_shared>> -> memref<10240x128xf32, #tpu.memory_space<vmem_shared>>
        %dma_wait3A_348 = tpu.memref_slice %arg28[%dma_wait3A_341] : memref<9x!tpu.dma_semaphore, #tpu.memory_space<semaphore_mem>> -> memref<1x!tpu.dma_semaphore, #tpu.memory_space<semaphore_mem>>
        %dma_wait3A_349 = tpu.memref_squeeze %dma_wait3A_348 : memref<1x!tpu.dma_semaphore, #tpu.memory_space<semaphore_mem>> -> memref<!tpu.dma_semaphore, #tpu.memory_space<semaphore_mem>>
        tpu.wait_indirect_dma semaphore(%dma_wait3A_349 : memref<!tpu.dma_semaphore, #tpu.memory_space<semaphore_mem>>) src(%arg20 : memref<40x128xf32, #tpu.memory_space<vmem>>) dst(%dma_wait3A_347 : memref<10240x128xf32, #tpu.memory_space<vmem_shared>>)
      } else {
      }
      %lt3A_172 = arith.constant 250 : i32
      %lt3A_173 = arith.cmpi slt, %add3A_159, %lt3A_172 : i32
      %convert_element_type3A_174 = arith.extui %lt3A_173 : i1 to i32
      %cond3A_175 = arith.constant 0 : i32
      %cond3A_176 = arith.cmpi ne, %convert_element_type3A_174, %cond3A_175 : i32
      scf.if %cond3A_176 {
        %dma_start3A = arith.constant 0 : i32
        %dma_start3A_341 = arith.constant 4 : i32
        %dma_start3A_342 = arith.constant 0 : i32
        %dma_start3A_343 = tpu.memref_slice %arg11[%dma_start3A, %dma_start3A_342] : memref<2x40xi32, #tpu.memory_space<vmem>> -> memref<1x40xi32, #tpu.memory_space<vmem>>
        %dma_start3A_344 = tpu.memref_squeeze %dma_start3A_343 : memref<1x40xi32, #tpu.memory_space<vmem>> -> memref<40xi32, #tpu.memory_space<vmem>>
        %dma_start3A_345 = arith.constant 0 : i32
        %dma_start3A_346 = tpu.memref_slice %arg3[%add3A, %add3A_159, %dma_start3A_345] : memref<32x250x40xi32, #tpu.memory_space<hbm>> -> memref<1x1x40xi32, #tpu.memory_space<hbm>>
        %dma_start3A_347 = tpu.memref_squeeze %dma_start3A_346 : memref<1x1x40xi32, #tpu.memory_space<hbm>> -> memref<40xi32, #tpu.memory_space<hbm>>
        %dma_start3A_348 = tpu.memref_slice %arg26[%dma_start3A_341] : memref<9x!tpu.dma_semaphore, #tpu.memory_space<semaphore_mem>> -> memref<1x!tpu.dma_semaphore, #tpu.memory_space<semaphore_mem>>
        %dma_start3A_349 = tpu.memref_squeeze %dma_start3A_348 : memref<1x!tpu.dma_semaphore, #tpu.memory_space<semaphore_mem>> -> memref<!tpu.dma_semaphore, #tpu.memory_space<semaphore_mem>>
        %dma_start3A_350 = arith.constant 0 : i32
        %dma_start3A_351 = tpu.memref_slice %arg11[%dma_start3A, %dma_start3A_350] : memref<2x40xi32, #tpu.memory_space<vmem>> -> memref<1x40xi32, #tpu.memory_space<vmem>>
        %dma_start3A_352 = tpu.memref_squeeze %dma_start3A_351 : memref<1x40xi32, #tpu.memory_space<vmem>> -> memref<40xi32, #tpu.memory_space<vmem>>
        %dma_start3A_353 = arith.constant 0 : i32
        %dma_start3A_354 = tpu.memref_slice %arg3[%add3A, %add3A_159, %dma_start3A_353] : memref<32x250x40xi32, #tpu.memory_space<hbm>> -> memref<1x1x40xi32, #tpu.memory_space<hbm>>
        %dma_start3A_355 = tpu.memref_squeeze %dma_start3A_354 : memref<1x1x40xi32, #tpu.memory_space<hbm>> -> memref<40xi32, #tpu.memory_space<hbm>>
        tpu.enqueue_dma source(%dma_start3A_355 : memref<40xi32, #tpu.memory_space<hbm>>) target(%dma_start3A_352 : memref<40xi32, #tpu.memory_space<vmem>>) target_semaphore(%dma_start3A_349 : memref<!tpu.dma_semaphore, #tpu.memory_space<semaphore_mem>>)
        %dma_start3A_356 = arith.constant 1 : i32
        %dma_start3A_357 = arith.constant 4 : i32
        %dma_start3A_358 = arith.constant 0 : i32
        %dma_start3A_359 = tpu.memref_slice %arg11[%dma_start3A_356, %dma_start3A_358] : memref<2x40xi32, #tpu.memory_space<vmem>> -> memref<1x40xi32, #tpu.memory_space<vmem>>
        %dma_start3A_360 = tpu.memref_squeeze %dma_start3A_359 : memref<1x40xi32, #tpu.memory_space<vmem>> -> memref<40xi32, #tpu.memory_space<vmem>>
        %dma_start3A_361 = arith.constant 0 : i32
        %dma_start3A_362 = tpu.memref_slice %arg4[%add3A, %add3A_159, %dma_start3A_361] : memref<32x250x40xi32, #tpu.memory_space<hbm>> -> memref<1x1x40xi32, #tpu.memory_space<hbm>>
        %dma_start3A_363 = tpu.memref_squeeze %dma_start3A_362 : memref<1x1x40xi32, #tpu.memory_space<hbm>> -> memref<40xi32, #tpu.memory_space<hbm>>
        %dma_start3A_364 = tpu.memref_slice %arg26[%dma_start3A_357] : memref<9x!tpu.dma_semaphore, #tpu.memory_space<semaphore_mem>> -> memref<1x!tpu.dma_semaphore, #tpu.memory_space<semaphore_mem>>
        %dma_start3A_365 = tpu.memref_squeeze %dma_start3A_364 : memref<1x!tpu.dma_semaphore, #tpu.memory_space<semaphore_mem>> -> memref<!tpu.dma_semaphore, #tpu.memory_space<semaphore_mem>>
        %dma_start3A_366 = arith.constant 0 : i32
        %dma_start3A_367 = tpu.memref_slice %arg11[%dma_start3A_356, %dma_start3A_366] : memref<2x40xi32, #tpu.memory_space<vmem>> -> memref<1x40xi32, #tpu.memory_space<vmem>>
        %dma_start3A_368 = tpu.memref_squeeze %dma_start3A_367 : memref<1x40xi32, #tpu.memory_space<vmem>> -> memref<40xi32, #tpu.memory_space<vmem>>
        %dma_start3A_369 = arith.constant 0 : i32
        %dma_start3A_370 = tpu.memref_slice %arg4[%add3A, %add3A_159, %dma_start3A_369] : memref<32x250x40xi32, #tpu.memory_space<hbm>> -> memref<1x1x40xi32, #tpu.memory_space<hbm>>
        %dma_start3A_371 = tpu.memref_squeeze %dma_start3A_370 : memref<1x1x40xi32, #tpu.memory_space<hbm>> -> memref<40xi32, #tpu.memory_space<hbm>>
        tpu.enqueue_dma source(%dma_start3A_371 : memref<40xi32, #tpu.memory_space<hbm>>) target(%dma_start3A_368 : memref<40xi32, #tpu.memory_space<vmem>>) target_semaphore(%dma_start3A_365 : memref<!tpu.dma_semaphore, #tpu.memory_space<semaphore_mem>>)
      } else {
      }
      %ge3A_177 = arith.constant 0 : i32
      %ge3A_178 = arith.cmpi sge, %sub3A_161, %ge3A_177 : i32
      %lt3A_179 = arith.constant 250 : i32
      %lt3A_180 = arith.cmpi slt, %sub3A_161, %lt3A_179 : i32
      %and3A_181 = arith.andi %ge3A_178, %lt3A_180 : i1
      %convert_element_type3A_182 = arith.extui %and3A_181 : i1 to i32
      %cond3A_183 = arith.constant 0 : i32
      %cond3A_184 = arith.cmpi ne, %convert_element_type3A_182, %cond3A_183 : i32
      scf.if %cond3A_184 {
        %dma_wait3A = arith.constant 0 : i32
        %dma_wait3A_341 = arith.constant 2 : i32
        %dma_wait3A_342 = arith.constant 0 : i32
        %dma_wait3A_343 = tpu.memref_slice %arg9[%dma_wait3A, %dma_wait3A_342] : memref<2x40xi32, #tpu.memory_space<vmem>> -> memref<1x40xi32, #tpu.memory_space<vmem>>
        %dma_wait3A_344 = tpu.memref_squeeze %dma_wait3A_343 : memref<1x40xi32, #tpu.memory_space<vmem>> -> memref<40xi32, #tpu.memory_space<vmem>>
        %dma_wait3A_345 = arith.constant 0 : i32
        %dma_wait3A_346 = tpu.memref_slice %arg3[%add3A, %sub3A_161, %dma_wait3A_345] : memref<32x250x40xi32, #tpu.memory_space<hbm>> -> memref<1x1x40xi32, #tpu.memory_space<hbm>>
        %dma_wait3A_347 = tpu.memref_squeeze %dma_wait3A_346 : memref<1x1x40xi32, #tpu.memory_space<hbm>> -> memref<40xi32, #tpu.memory_space<hbm>>
        %dma_wait3A_348 = tpu.memref_slice %arg26[%dma_wait3A_341] : memref<9x!tpu.dma_semaphore, #tpu.memory_space<semaphore_mem>> -> memref<1x!tpu.dma_semaphore, #tpu.memory_space<semaphore_mem>>
        %dma_wait3A_349 = tpu.memref_squeeze %dma_wait3A_348 : memref<1x!tpu.dma_semaphore, #tpu.memory_space<semaphore_mem>> -> memref<!tpu.dma_semaphore, #tpu.memory_space<semaphore_mem>>
        %dma_wait3A_350 = arith.constant 0 : i32
        %dma_wait3A_351 = tpu.memref_slice %arg9[%dma_wait3A, %dma_wait3A_350] : memref<2x40xi32, #tpu.memory_space<vmem>> -> memref<1x40xi32, #tpu.memory_space<vmem>>
        %dma_wait3A_352 = tpu.memref_squeeze %dma_wait3A_351 : memref<1x40xi32, #tpu.memory_space<vmem>> -> memref<40xi32, #tpu.memory_space<vmem>>
        %dma_wait3A_353 = arith.constant 0 : i32
        %dma_wait3A_354 = tpu.memref_slice %arg3[%add3A, %sub3A_161, %dma_wait3A_353] : memref<32x250x40xi32, #tpu.memory_space<hbm>> -> memref<1x1x40xi32, #tpu.memory_space<hbm>>
        %dma_wait3A_355 = tpu.memref_squeeze %dma_wait3A_354 : memref<1x1x40xi32, #tpu.memory_space<hbm>> -> memref<40xi32, #tpu.memory_space<hbm>>
        tpu.wait_dma2 semaphore(%dma_wait3A_349 : memref<!tpu.dma_semaphore, #tpu.memory_space<semaphore_mem>>) src(%dma_wait3A_355 : memref<40xi32, #tpu.memory_space<hbm>>) dst(%dma_wait3A_352 : memref<40xi32, #tpu.memory_space<vmem>>)
        %dma_wait3A_356 = arith.constant 1 : i32
        %dma_wait3A_357 = arith.constant 2 : i32
        %dma_wait3A_358 = arith.constant 0 : i32
        %dma_wait3A_359 = tpu.memref_slice %arg9[%dma_wait3A_356, %dma_wait3A_358] : memref<2x40xi32, #tpu.memory_space<vmem>> -> memref<1x40xi32, #tpu.memory_space<vmem>>
        %dma_wait3A_360 = tpu.memref_squeeze %dma_wait3A_359 : memref<1x40xi32, #tpu.memory_space<vmem>> -> memref<40xi32, #tpu.memory_space<vmem>>
        %dma_wait3A_361 = arith.constant 0 : i32
        %dma_wait3A_362 = tpu.memref_slice %arg4[%add3A, %sub3A_161, %dma_wait3A_361] : memref<32x250x40xi32, #tpu.memory_space<hbm>> -> memref<1x1x40xi32, #tpu.memory_space<hbm>>
        %dma_wait3A_363 = tpu.memref_squeeze %dma_wait3A_362 : memref<1x1x40xi32, #tpu.memory_space<hbm>> -> memref<40xi32, #tpu.memory_space<hbm>>
        %dma_wait3A_364 = tpu.memref_slice %arg26[%dma_wait3A_357] : memref<9x!tpu.dma_semaphore, #tpu.memory_space<semaphore_mem>> -> memref<1x!tpu.dma_semaphore, #tpu.memory_space<semaphore_mem>>
        %dma_wait3A_365 = tpu.memref_squeeze %dma_wait3A_364 : memref<1x!tpu.dma_semaphore, #tpu.memory_space<semaphore_mem>> -> memref<!tpu.dma_semaphore, #tpu.memory_space<semaphore_mem>>
        %dma_wait3A_366 = arith.constant 0 : i32
        %dma_wait3A_367 = tpu.memref_slice %arg9[%dma_wait3A_356, %dma_wait3A_366] : memref<2x40xi32, #tpu.memory_space<vmem>> -> memref<1x40xi32, #tpu.memory_space<vmem>>
        %dma_wait3A_368 = tpu.memref_squeeze %dma_wait3A_367 : memref<1x40xi32, #tpu.memory_space<vmem>> -> memref<40xi32, #tpu.memory_space<vmem>>
        %dma_wait3A_369 = arith.constant 0 : i32
        %dma_wait3A_370 = tpu.memref_slice %arg4[%add3A, %sub3A_161, %dma_wait3A_369] : memref<32x250x40xi32, #tpu.memory_space<hbm>> -> memref<1x1x40xi32, #tpu.memory_space<hbm>>
        %dma_wait3A_371 = tpu.memref_squeeze %dma_wait3A_370 : memref<1x1x40xi32, #tpu.memory_space<hbm>> -> memref<40xi32, #tpu.memory_space<hbm>>
        tpu.wait_dma2 semaphore(%dma_wait3A_365 : memref<!tpu.dma_semaphore, #tpu.memory_space<semaphore_mem>>) src(%dma_wait3A_371 : memref<40xi32, #tpu.memory_space<hbm>>) dst(%dma_wait3A_368 : memref<40xi32, #tpu.memory_space<vmem>>)
        %dma_start3A = arith.constant 0 : i32
        %dma_start3A_372 = arith.constant 2 : i32
        %dma_start3A_373 = arith.constant 0 : i32
        %dma_start3A_374 = tpu.memref_slice %arg9[%dma_start3A, %dma_start3A_373] : memref<2x40xi32, #tpu.memory_space<vmem>> -> memref<1x40xi32, #tpu.memory_space<vmem>>
        %dma_start3A_375 = tpu.memref_squeeze %dma_start3A_374 : memref<1x40xi32, #tpu.memory_space<vmem>> -> memref<40xi32, #tpu.memory_space<vmem>>
        %dma_start3A_376 = arith.constant 0 : i32
        %dma_start3A_377 = arith.constant 0 : i32
        %dma_start3A_378 = tpu.memref_slice %arg2[%dma_start3A_376, %dma_start3A_377] : memref<10000x128xf32, #tpu.memory_space<hbm>> -> memref<10000x128xf32, #tpu.memory_space<hbm>>
        %dma_start3A_379 = tpu.memref_slice %arg27[%dma_start3A_372] : memref<9x!tpu.dma_semaphore, #tpu.memory_space<semaphore_mem>> -> memref<1x!tpu.dma_semaphore, #tpu.memory_space<semaphore_mem>>
        %dma_start3A_380 = tpu.memref_squeeze %dma_start3A_379 : memref<1x!tpu.dma_semaphore, #tpu.memory_space<semaphore_mem>> -> memref<!tpu.dma_semaphore, #tpu.memory_space<semaphore_mem>>
        tpu.enqueue_indirect_dma source(%dma_start3A_378 : memref<10000x128xf32, #tpu.memory_space<hbm>>) target(%arg18 : memref<40x128xf32, #tpu.memory_space<vmem>>) offsets(%dma_start3A_375 : memref<40xi32, #tpu.memory_space<vmem>>) semaphore(%dma_start3A_380 : memref<!tpu.dma_semaphore, #tpu.memory_space<semaphore_mem>>)
      } else {
      }
      %ge3A_185 = arith.constant 0 : i32
      %ge3A_186 = arith.cmpi sge, %sub3A_163, %ge3A_185 : i32
      %lt3A_187 = arith.constant 250 : i32
      %lt3A_188 = arith.cmpi slt, %sub3A_163, %lt3A_187 : i32
      %and3A_189 = arith.andi %ge3A_186, %lt3A_188 : i1
      %convert_element_type3A_190 = arith.extui %and3A_189 : i1 to i32
      %cond3A_191 = arith.constant 0 : i32
      %cond3A_192 = arith.cmpi ne, %convert_element_type3A_190, %cond3A_191 : i32
      scf.if %cond3A_192 {
        %dma_wait3A = arith.constant 0 : i32
        %dma_wait3A_341 = arith.constant 7 : i32
        %dma_wait3A_342 = arith.constant 0 : i32
        %dma_wait3A_343 = tpu.memref_slice %arg14[%dma_wait3A, %dma_wait3A_342] : memref<2x40xi32, #tpu.memory_space<vmem>> -> memref<1x40xi32, #tpu.memory_space<vmem>>
        %dma_wait3A_344 = tpu.memref_squeeze %dma_wait3A_343 : memref<1x40xi32, #tpu.memory_space<vmem>> -> memref<40xi32, #tpu.memory_space<vmem>>
        %dma_wait3A_345 = arith.constant 0 : i32
        %dma_wait3A_346 = arith.constant 0 : i32
        %dma_wait3A_347 = tpu.memref_slice %arg2[%dma_wait3A_345, %dma_wait3A_346] : memref<10000x128xf32, #tpu.memory_space<hbm>> -> memref<10000x128xf32, #tpu.memory_space<hbm>>
        %dma_wait3A_348 = tpu.memref_slice %arg27[%dma_wait3A_341] : memref<9x!tpu.dma_semaphore, #tpu.memory_space<semaphore_mem>> -> memref<1x!tpu.dma_semaphore, #tpu.memory_space<semaphore_mem>>
        %dma_wait3A_349 = tpu.memref_squeeze %dma_wait3A_348 : memref<1x!tpu.dma_semaphore, #tpu.memory_space<semaphore_mem>> -> memref<!tpu.dma_semaphore, #tpu.memory_space<semaphore_mem>>
        tpu.wait_indirect_dma semaphore(%dma_wait3A_349 : memref<!tpu.dma_semaphore, #tpu.memory_space<semaphore_mem>>) src(%dma_wait3A_347 : memref<10000x128xf32, #tpu.memory_space<hbm>>) dst(%arg23 : memref<40x128xf32, #tpu.memory_space<vmem>>)
        %dma_start3A = arith.constant 1 : i32
        %dma_start3A_350 = arith.constant 7 : i32
        %dma_start3A_351 = arith.constant 0 : i32
        %dma_start3A_352 = tpu.memref_slice %arg14[%dma_start3A, %dma_start3A_351] : memref<2x40xi32, #tpu.memory_space<vmem>> -> memref<1x40xi32, #tpu.memory_space<vmem>>
        %dma_start3A_353 = tpu.memref_squeeze %dma_start3A_352 : memref<1x40xi32, #tpu.memory_space<vmem>> -> memref<40xi32, #tpu.memory_space<vmem>>
        %dma_start3A_354 = arith.constant 0 : i32
        %dma_start3A_355 = arith.constant 0 : i32
        %dma_start3A_356 = tpu.memref_slice %arg25[%dma_start3A_354, %dma_start3A_355] : memref<10240x128xf32, #tpu.memory_space<vmem_shared>> -> memref<10240x128xf32, #tpu.memory_space<vmem_shared>>
        %dma_start3A_357 = tpu.memref_slice %arg28[%dma_start3A_350] : memref<9x!tpu.dma_semaphore, #tpu.memory_space<semaphore_mem>> -> memref<1x!tpu.dma_semaphore, #tpu.memory_space<semaphore_mem>>
        %dma_start3A_358 = tpu.memref_squeeze %dma_start3A_357 : memref<1x!tpu.dma_semaphore, #tpu.memory_space<semaphore_mem>> -> memref<!tpu.dma_semaphore, #tpu.memory_space<semaphore_mem>>
        tpu.enqueue_indirect_dma source(%arg23 : memref<40x128xf32, #tpu.memory_space<vmem>>) target(%dma_start3A_356 : memref<10240x128xf32, #tpu.memory_space<vmem_shared>>) offsets(%dma_start3A_353 : memref<40xi32, #tpu.memory_space<vmem>>) semaphore(%dma_start3A_358 : memref<!tpu.dma_semaphore, #tpu.memory_space<semaphore_mem>>) {add = true}
      } else {
      }
      %mul3A_193 = arith.constant 9 : i32
      %mul3A_194 = arith.muli %scan3A_13, %mul3A_193 : i32
      %add3A_195 = arith.constant 5 : i32
      %add3A_196 = arith.addi %mul3A_194, %add3A_195 : i32
      %sub3A_197 = arith.constant 2 : i32
      %sub3A_198 = arith.subi %add3A_196, %sub3A_197 : i32
      %sub3A_199 = arith.constant 6 : i32
      %sub3A_200 = arith.subi %add3A_196, %sub3A_199 : i32
      %ge3A_201 = arith.constant 9 : i32
      %ge3A_202 = arith.cmpi sge, %add3A_196, %ge3A_201 : i32
      %lt3A_203 = arith.constant 259 : i32
      %lt3A_204 = arith.cmpi slt, %add3A_196, %lt3A_203 : i32
      %and3A_205 = arith.andi %ge3A_202, %lt3A_204 : i1
      %convert_element_type3A_206 = arith.extui %and3A_205 : i1 to i32
      %cond3A_207 = arith.constant 0 : i32
      %cond3A_208 = arith.cmpi ne, %convert_element_type3A_206, %cond3A_207 : i32
      scf.if %cond3A_208 {
        %dma_wait3A = arith.constant 1 : i32
        %dma_wait3A_341 = arith.constant 5 : i32
        %dma_wait3A_342 = arith.constant 0 : i32
        %dma_wait3A_343 = tpu.memref_slice %arg12[%dma_wait3A, %dma_wait3A_342] : memref<2x40xi32, #tpu.memory_space<vmem>> -> memref<1x40xi32, #tpu.memory_space<vmem>>
        %dma_wait3A_344 = tpu.memref_squeeze %dma_wait3A_343 : memref<1x40xi32, #tpu.memory_space<vmem>> -> memref<40xi32, #tpu.memory_space<vmem>>
        %dma_wait3A_345 = arith.constant 0 : i32
        %dma_wait3A_346 = arith.constant 0 : i32
        %dma_wait3A_347 = tpu.memref_slice %arg25[%dma_wait3A_345, %dma_wait3A_346] : memref<10240x128xf32, #tpu.memory_space<vmem_shared>> -> memref<10240x128xf32, #tpu.memory_space<vmem_shared>>
        %dma_wait3A_348 = tpu.memref_slice %arg28[%dma_wait3A_341] : memref<9x!tpu.dma_semaphore, #tpu.memory_space<semaphore_mem>> -> memref<1x!tpu.dma_semaphore, #tpu.memory_space<semaphore_mem>>
        %dma_wait3A_349 = tpu.memref_squeeze %dma_wait3A_348 : memref<1x!tpu.dma_semaphore, #tpu.memory_space<semaphore_mem>> -> memref<!tpu.dma_semaphore, #tpu.memory_space<semaphore_mem>>
        tpu.wait_indirect_dma semaphore(%dma_wait3A_349 : memref<!tpu.dma_semaphore, #tpu.memory_space<semaphore_mem>>) src(%arg21 : memref<40x128xf32, #tpu.memory_space<vmem>>) dst(%dma_wait3A_347 : memref<10240x128xf32, #tpu.memory_space<vmem_shared>>)
      } else {
      }
      %lt3A_209 = arith.constant 250 : i32
      %lt3A_210 = arith.cmpi slt, %add3A_196, %lt3A_209 : i32
      %convert_element_type3A_211 = arith.extui %lt3A_210 : i1 to i32
      %cond3A_212 = arith.constant 0 : i32
      %cond3A_213 = arith.cmpi ne, %convert_element_type3A_211, %cond3A_212 : i32
      scf.if %cond3A_213 {
        %dma_start3A = arith.constant 0 : i32
        %dma_start3A_341 = arith.constant 5 : i32
        %dma_start3A_342 = arith.constant 0 : i32
        %dma_start3A_343 = tpu.memref_slice %arg12[%dma_start3A, %dma_start3A_342] : memref<2x40xi32, #tpu.memory_space<vmem>> -> memref<1x40xi32, #tpu.memory_space<vmem>>
        %dma_start3A_344 = tpu.memref_squeeze %dma_start3A_343 : memref<1x40xi32, #tpu.memory_space<vmem>> -> memref<40xi32, #tpu.memory_space<vmem>>
        %dma_start3A_345 = arith.constant 0 : i32
        %dma_start3A_346 = tpu.memref_slice %arg3[%add3A, %add3A_196, %dma_start3A_345] : memref<32x250x40xi32, #tpu.memory_space<hbm>> -> memref<1x1x40xi32, #tpu.memory_space<hbm>>
        %dma_start3A_347 = tpu.memref_squeeze %dma_start3A_346 : memref<1x1x40xi32, #tpu.memory_space<hbm>> -> memref<40xi32, #tpu.memory_space<hbm>>
        %dma_start3A_348 = tpu.memref_slice %arg26[%dma_start3A_341] : memref<9x!tpu.dma_semaphore, #tpu.memory_space<semaphore_mem>> -> memref<1x!tpu.dma_semaphore, #tpu.memory_space<semaphore_mem>>
        %dma_start3A_349 = tpu.memref_squeeze %dma_start3A_348 : memref<1x!tpu.dma_semaphore, #tpu.memory_space<semaphore_mem>> -> memref<!tpu.dma_semaphore, #tpu.memory_space<semaphore_mem>>
        %dma_start3A_350 = arith.constant 0 : i32
        %dma_start3A_351 = tpu.memref_slice %arg12[%dma_start3A, %dma_start3A_350] : memref<2x40xi32, #tpu.memory_space<vmem>> -> memref<1x40xi32, #tpu.memory_space<vmem>>
        %dma_start3A_352 = tpu.memref_squeeze %dma_start3A_351 : memref<1x40xi32, #tpu.memory_space<vmem>> -> memref<40xi32, #tpu.memory_space<vmem>>
        %dma_start3A_353 = arith.constant 0 : i32
        %dma_start3A_354 = tpu.memref_slice %arg3[%add3A, %add3A_196, %dma_start3A_353] : memref<32x250x40xi32, #tpu.memory_space<hbm>> -> memref<1x1x40xi32, #tpu.memory_space<hbm>>
        %dma_start3A_355 = tpu.memref_squeeze %dma_start3A_354 : memref<1x1x40xi32, #tpu.memory_space<hbm>> -> memref<40xi32, #tpu.memory_space<hbm>>
        tpu.enqueue_dma source(%dma_start3A_355 : memref<40xi32, #tpu.memory_space<hbm>>) target(%dma_start3A_352 : memref<40xi32, #tpu.memory_space<vmem>>) target_semaphore(%dma_start3A_349 : memref<!tpu.dma_semaphore, #tpu.memory_space<semaphore_mem>>)
        %dma_start3A_356 = arith.constant 1 : i32
        %dma_start3A_357 = arith.constant 5 : i32
        %dma_start3A_358 = arith.constant 0 : i32
        %dma_start3A_359 = tpu.memref_slice %arg12[%dma_start3A_356, %dma_start3A_358] : memref<2x40xi32, #tpu.memory_space<vmem>> -> memref<1x40xi32, #tpu.memory_space<vmem>>
        %dma_start3A_360 = tpu.memref_squeeze %dma_start3A_359 : memref<1x40xi32, #tpu.memory_space<vmem>> -> memref<40xi32, #tpu.memory_space<vmem>>
        %dma_start3A_361 = arith.constant 0 : i32
        %dma_start3A_362 = tpu.memref_slice %arg4[%add3A, %add3A_196, %dma_start3A_361] : memref<32x250x40xi32, #tpu.memory_space<hbm>> -> memref<1x1x40xi32, #tpu.memory_space<hbm>>
        %dma_start3A_363 = tpu.memref_squeeze %dma_start3A_362 : memref<1x1x40xi32, #tpu.memory_space<hbm>> -> memref<40xi32, #tpu.memory_space<hbm>>
        %dma_start3A_364 = tpu.memref_slice %arg26[%dma_start3A_357] : memref<9x!tpu.dma_semaphore, #tpu.memory_space<semaphore_mem>> -> memref<1x!tpu.dma_semaphore, #tpu.memory_space<semaphore_mem>>
        %dma_start3A_365 = tpu.memref_squeeze %dma_start3A_364 : memref<1x!tpu.dma_semaphore, #tpu.memory_space<semaphore_mem>> -> memref<!tpu.dma_semaphore, #tpu.memory_space<semaphore_mem>>
        %dma_start3A_366 = arith.constant 0 : i32
        %dma_start3A_367 = tpu.memref_slice %arg12[%dma_start3A_356, %dma_start3A_366] : memref<2x40xi32, #tpu.memory_space<vmem>> -> memref<1x40xi32, #tpu.memory_space<vmem>>
        %dma_start3A_368 = tpu.memref_squeeze %dma_start3A_367 : memref<1x40xi32, #tpu.memory_space<vmem>> -> memref<40xi32, #tpu.memory_space<vmem>>
        %dma_start3A_369 = arith.constant 0 : i32
        %dma_start3A_370 = tpu.memref_slice %arg4[%add3A, %add3A_196, %dma_start3A_369] : memref<32x250x40xi32, #tpu.memory_space<hbm>> -> memref<1x1x40xi32, #tpu.memory_space<hbm>>
        %dma_start3A_371 = tpu.memref_squeeze %dma_start3A_370 : memref<1x1x40xi32, #tpu.memory_space<hbm>> -> memref<40xi32, #tpu.memory_space<hbm>>
        tpu.enqueue_dma source(%dma_start3A_371 : memref<40xi32, #tpu.memory_space<hbm>>) target(%dma_start3A_368 : memref<40xi32, #tpu.memory_space<vmem>>) target_semaphore(%dma_start3A_365 : memref<!tpu.dma_semaphore, #tpu.memory_space<semaphore_mem>>)
      } else {
      }
      %ge3A_214 = arith.constant 0 : i32
      %ge3A_215 = arith.cmpi sge, %sub3A_198, %ge3A_214 : i32
      %lt3A_216 = arith.constant 250 : i32
      %lt3A_217 = arith.cmpi slt, %sub3A_198, %lt3A_216 : i32
      %and3A_218 = arith.andi %ge3A_215, %lt3A_217 : i1
      %convert_element_type3A_219 = arith.extui %and3A_218 : i1 to i32
      %cond3A_220 = arith.constant 0 : i32
      %cond3A_221 = arith.cmpi ne, %convert_element_type3A_219, %cond3A_220 : i32
      scf.if %cond3A_221 {
        %dma_wait3A = arith.constant 0 : i32
        %dma_wait3A_341 = arith.constant 3 : i32
        %dma_wait3A_342 = arith.constant 0 : i32
        %dma_wait3A_343 = tpu.memref_slice %arg10[%dma_wait3A, %dma_wait3A_342] : memref<2x40xi32, #tpu.memory_space<vmem>> -> memref<1x40xi32, #tpu.memory_space<vmem>>
        %dma_wait3A_344 = tpu.memref_squeeze %dma_wait3A_343 : memref<1x40xi32, #tpu.memory_space<vmem>> -> memref<40xi32, #tpu.memory_space<vmem>>
        %dma_wait3A_345 = arith.constant 0 : i32
        %dma_wait3A_346 = tpu.memref_slice %arg3[%add3A, %sub3A_198, %dma_wait3A_345] : memref<32x250x40xi32, #tpu.memory_space<hbm>> -> memref<1x1x40xi32, #tpu.memory_space<hbm>>
        %dma_wait3A_347 = tpu.memref_squeeze %dma_wait3A_346 : memref<1x1x40xi32, #tpu.memory_space<hbm>> -> memref<40xi32, #tpu.memory_space<hbm>>
        %dma_wait3A_348 = tpu.memref_slice %arg26[%dma_wait3A_341] : memref<9x!tpu.dma_semaphore, #tpu.memory_space<semaphore_mem>> -> memref<1x!tpu.dma_semaphore, #tpu.memory_space<semaphore_mem>>
        %dma_wait3A_349 = tpu.memref_squeeze %dma_wait3A_348 : memref<1x!tpu.dma_semaphore, #tpu.memory_space<semaphore_mem>> -> memref<!tpu.dma_semaphore, #tpu.memory_space<semaphore_mem>>
        %dma_wait3A_350 = arith.constant 0 : i32
        %dma_wait3A_351 = tpu.memref_slice %arg10[%dma_wait3A, %dma_wait3A_350] : memref<2x40xi32, #tpu.memory_space<vmem>> -> memref<1x40xi32, #tpu.memory_space<vmem>>
        %dma_wait3A_352 = tpu.memref_squeeze %dma_wait3A_351 : memref<1x40xi32, #tpu.memory_space<vmem>> -> memref<40xi32, #tpu.memory_space<vmem>>
        %dma_wait3A_353 = arith.constant 0 : i32
        %dma_wait3A_354 = tpu.memref_slice %arg3[%add3A, %sub3A_198, %dma_wait3A_353] : memref<32x250x40xi32, #tpu.memory_space<hbm>> -> memref<1x1x40xi32, #tpu.memory_space<hbm>>
        %dma_wait3A_355 = tpu.memref_squeeze %dma_wait3A_354 : memref<1x1x40xi32, #tpu.memory_space<hbm>> -> memref<40xi32, #tpu.memory_space<hbm>>
        tpu.wait_dma2 semaphore(%dma_wait3A_349 : memref<!tpu.dma_semaphore, #tpu.memory_space<semaphore_mem>>) src(%dma_wait3A_355 : memref<40xi32, #tpu.memory_space<hbm>>) dst(%dma_wait3A_352 : memref<40xi32, #tpu.memory_space<vmem>>)
        %dma_wait3A_356 = arith.constant 1 : i32
        %dma_wait3A_357 = arith.constant 3 : i32
        %dma_wait3A_358 = arith.constant 0 : i32
        %dma_wait3A_359 = tpu.memref_slice %arg10[%dma_wait3A_356, %dma_wait3A_358] : memref<2x40xi32, #tpu.memory_space<vmem>> -> memref<1x40xi32, #tpu.memory_space<vmem>>
        %dma_wait3A_360 = tpu.memref_squeeze %dma_wait3A_359 : memref<1x40xi32, #tpu.memory_space<vmem>> -> memref<40xi32, #tpu.memory_space<vmem>>
        %dma_wait3A_361 = arith.constant 0 : i32
        %dma_wait3A_362 = tpu.memref_slice %arg4[%add3A, %sub3A_198, %dma_wait3A_361] : memref<32x250x40xi32, #tpu.memory_space<hbm>> -> memref<1x1x40xi32, #tpu.memory_space<hbm>>
        %dma_wait3A_363 = tpu.memref_squeeze %dma_wait3A_362 : memref<1x1x40xi32, #tpu.memory_space<hbm>> -> memref<40xi32, #tpu.memory_space<hbm>>
        %dma_wait3A_364 = tpu.memref_slice %arg26[%dma_wait3A_357] : memref<9x!tpu.dma_semaphore, #tpu.memory_space<semaphore_mem>> -> memref<1x!tpu.dma_semaphore, #tpu.memory_space<semaphore_mem>>
        %dma_wait3A_365 = tpu.memref_squeeze %dma_wait3A_364 : memref<1x!tpu.dma_semaphore, #tpu.memory_space<semaphore_mem>> -> memref<!tpu.dma_semaphore, #tpu.memory_space<semaphore_mem>>
        %dma_wait3A_366 = arith.constant 0 : i32
        %dma_wait3A_367 = tpu.memref_slice %arg10[%dma_wait3A_356, %dma_wait3A_366] : memref<2x40xi32, #tpu.memory_space<vmem>> -> memref<1x40xi32, #tpu.memory_space<vmem>>
        %dma_wait3A_368 = tpu.memref_squeeze %dma_wait3A_367 : memref<1x40xi32, #tpu.memory_space<vmem>> -> memref<40xi32, #tpu.memory_space<vmem>>
        %dma_wait3A_369 = arith.constant 0 : i32
        %dma_wait3A_370 = tpu.memref_slice %arg4[%add3A, %sub3A_198, %dma_wait3A_369] : memref<32x250x40xi32, #tpu.memory_space<hbm>> -> memref<1x1x40xi32, #tpu.memory_space<hbm>>
        %dma_wait3A_371 = tpu.memref_squeeze %dma_wait3A_370 : memref<1x1x40xi32, #tpu.memory_space<hbm>> -> memref<40xi32, #tpu.memory_space<hbm>>
        tpu.wait_dma2 semaphore(%dma_wait3A_365 : memref<!tpu.dma_semaphore, #tpu.memory_space<semaphore_mem>>) src(%dma_wait3A_371 : memref<40xi32, #tpu.memory_space<hbm>>) dst(%dma_wait3A_368 : memref<40xi32, #tpu.memory_space<vmem>>)
        %dma_start3A = arith.constant 0 : i32
        %dma_start3A_372 = arith.constant 3 : i32
        %dma_start3A_373 = arith.constant 0 : i32
        %dma_start3A_374 = tpu.memref_slice %arg10[%dma_start3A, %dma_start3A_373] : memref<2x40xi32, #tpu.memory_space<vmem>> -> memref<1x40xi32, #tpu.memory_space<vmem>>
        %dma_start3A_375 = tpu.memref_squeeze %dma_start3A_374 : memref<1x40xi32, #tpu.memory_space<vmem>> -> memref<40xi32, #tpu.memory_space<vmem>>
        %dma_start3A_376 = arith.constant 0 : i32
        %dma_start3A_377 = arith.constant 0 : i32
        %dma_start3A_378 = tpu.memref_slice %arg2[%dma_start3A_376, %dma_start3A_377] : memref<10000x128xf32, #tpu.memory_space<hbm>> -> memref<10000x128xf32, #tpu.memory_space<hbm>>
        %dma_start3A_379 = tpu.memref_slice %arg27[%dma_start3A_372] : memref<9x!tpu.dma_semaphore, #tpu.memory_space<semaphore_mem>> -> memref<1x!tpu.dma_semaphore, #tpu.memory_space<semaphore_mem>>
        %dma_start3A_380 = tpu.memref_squeeze %dma_start3A_379 : memref<1x!tpu.dma_semaphore, #tpu.memory_space<semaphore_mem>> -> memref<!tpu.dma_semaphore, #tpu.memory_space<semaphore_mem>>
        tpu.enqueue_indirect_dma source(%dma_start3A_378 : memref<10000x128xf32, #tpu.memory_space<hbm>>) target(%arg19 : memref<40x128xf32, #tpu.memory_space<vmem>>) offsets(%dma_start3A_375 : memref<40xi32, #tpu.memory_space<vmem>>) semaphore(%dma_start3A_380 : memref<!tpu.dma_semaphore, #tpu.memory_space<semaphore_mem>>)
      } else {
      }
      %ge3A_222 = arith.constant 0 : i32
      %ge3A_223 = arith.cmpi sge, %sub3A_200, %ge3A_222 : i32
      %lt3A_224 = arith.constant 250 : i32
      %lt3A_225 = arith.cmpi slt, %sub3A_200, %lt3A_224 : i32
      %and3A_226 = arith.andi %ge3A_223, %lt3A_225 : i1
      %convert_element_type3A_227 = arith.extui %and3A_226 : i1 to i32
      %cond3A_228 = arith.constant 0 : i32
      %cond3A_229 = arith.cmpi ne, %convert_element_type3A_227, %cond3A_228 : i32
      scf.if %cond3A_229 {
        %dma_wait3A = arith.constant 0 : i32
        %dma_wait3A_341 = arith.constant 8 : i32
        %dma_wait3A_342 = arith.constant 0 : i32
        %dma_wait3A_343 = tpu.memref_slice %arg15[%dma_wait3A, %dma_wait3A_342] : memref<2x40xi32, #tpu.memory_space<vmem>> -> memref<1x40xi32, #tpu.memory_space<vmem>>
        %dma_wait3A_344 = tpu.memref_squeeze %dma_wait3A_343 : memref<1x40xi32, #tpu.memory_space<vmem>> -> memref<40xi32, #tpu.memory_space<vmem>>
        %dma_wait3A_345 = arith.constant 0 : i32
        %dma_wait3A_346 = arith.constant 0 : i32
        %dma_wait3A_347 = tpu.memref_slice %arg2[%dma_wait3A_345, %dma_wait3A_346] : memref<10000x128xf32, #tpu.memory_space<hbm>> -> memref<10000x128xf32, #tpu.memory_space<hbm>>
        %dma_wait3A_348 = tpu.memref_slice %arg27[%dma_wait3A_341] : memref<9x!tpu.dma_semaphore, #tpu.memory_space<semaphore_mem>> -> memref<1x!tpu.dma_semaphore, #tpu.memory_space<semaphore_mem>>
        %dma_wait3A_349 = tpu.memref_squeeze %dma_wait3A_348 : memref<1x!tpu.dma_semaphore, #tpu.memory_space<semaphore_mem>> -> memref<!tpu.dma_semaphore, #tpu.memory_space<semaphore_mem>>
        tpu.wait_indirect_dma semaphore(%dma_wait3A_349 : memref<!tpu.dma_semaphore, #tpu.memory_space<semaphore_mem>>) src(%dma_wait3A_347 : memref<10000x128xf32, #tpu.memory_space<hbm>>) dst(%arg24 : memref<40x128xf32, #tpu.memory_space<vmem>>)
        %dma_start3A = arith.constant 1 : i32
        %dma_start3A_350 = arith.constant 8 : i32
        %dma_start3A_351 = arith.constant 0 : i32
        %dma_start3A_352 = tpu.memref_slice %arg15[%dma_start3A, %dma_start3A_351] : memref<2x40xi32, #tpu.memory_space<vmem>> -> memref<1x40xi32, #tpu.memory_space<vmem>>
        %dma_start3A_353 = tpu.memref_squeeze %dma_start3A_352 : memref<1x40xi32, #tpu.memory_space<vmem>> -> memref<40xi32, #tpu.memory_space<vmem>>
        %dma_start3A_354 = arith.constant 0 : i32
        %dma_start3A_355 = arith.constant 0 : i32
        %dma_start3A_356 = tpu.memref_slice %arg25[%dma_start3A_354, %dma_start3A_355] : memref<10240x128xf32, #tpu.memory_space<vmem_shared>> -> memref<10240x128xf32, #tpu.memory_space<vmem_shared>>
        %dma_start3A_357 = tpu.memref_slice %arg28[%dma_start3A_350] : memref<9x!tpu.dma_semaphore, #tpu.memory_space<semaphore_mem>> -> memref<1x!tpu.dma_semaphore, #tpu.memory_space<semaphore_mem>>
        %dma_start3A_358 = tpu.memref_squeeze %dma_start3A_357 : memref<1x!tpu.dma_semaphore, #tpu.memory_space<semaphore_mem>> -> memref<!tpu.dma_semaphore, #tpu.memory_space<semaphore_mem>>
        tpu.enqueue_indirect_dma source(%arg24 : memref<40x128xf32, #tpu.memory_space<vmem>>) target(%dma_start3A_356 : memref<10240x128xf32, #tpu.memory_space<vmem_shared>>) offsets(%dma_start3A_353 : memref<40xi32, #tpu.memory_space<vmem>>) semaphore(%dma_start3A_358 : memref<!tpu.dma_semaphore, #tpu.memory_space<semaphore_mem>>) {add = true}
      } else {
      }
      %mul3A_230 = arith.constant 9 : i32
      %mul3A_231 = arith.muli %scan3A_13, %mul3A_230 : i32
      %add3A_232 = arith.constant 6 : i32
      %add3A_233 = arith.addi %mul3A_231, %add3A_232 : i32
      %sub3A_234 = arith.constant 2 : i32
      %sub3A_235 = arith.subi %add3A_233, %sub3A_234 : i32
      %sub3A_236 = arith.constant 6 : i32
      %sub3A_237 = arith.subi %add3A_233, %sub3A_236 : i32
      %ge3A_238 = arith.constant 9 : i32
      %ge3A_239 = arith.cmpi sge, %add3A_233, %ge3A_238 : i32
      %lt3A_240 = arith.constant 259 : i32
      %lt3A_241 = arith.cmpi slt, %add3A_233, %lt3A_240 : i32
      %and3A_242 = arith.andi %ge3A_239, %lt3A_241 : i1
      %convert_element_type3A_243 = arith.extui %and3A_242 : i1 to i32
      %cond3A_244 = arith.constant 0 : i32
      %cond3A_245 = arith.cmpi ne, %convert_element_type3A_243, %cond3A_244 : i32
      scf.if %cond3A_245 {
        %dma_wait3A = arith.constant 1 : i32
        %dma_wait3A_341 = arith.constant 6 : i32
        %dma_wait3A_342 = arith.constant 0 : i32
        %dma_wait3A_343 = tpu.memref_slice %arg13[%dma_wait3A, %dma_wait3A_342] : memref<2x40xi32, #tpu.memory_space<vmem>> -> memref<1x40xi32, #tpu.memory_space<vmem>>
        %dma_wait3A_344 = tpu.memref_squeeze %dma_wait3A_343 : memref<1x40xi32, #tpu.memory_space<vmem>> -> memref<40xi32, #tpu.memory_space<vmem>>
        %dma_wait3A_345 = arith.constant 0 : i32
        %dma_wait3A_346 = arith.constant 0 : i32
        %dma_wait3A_347 = tpu.memref_slice %arg25[%dma_wait3A_345, %dma_wait3A_346] : memref<10240x128xf32, #tpu.memory_space<vmem_shared>> -> memref<10240x128xf32, #tpu.memory_space<vmem_shared>>
        %dma_wait3A_348 = tpu.memref_slice %arg28[%dma_wait3A_341] : memref<9x!tpu.dma_semaphore, #tpu.memory_space<semaphore_mem>> -> memref<1x!tpu.dma_semaphore, #tpu.memory_space<semaphore_mem>>
        %dma_wait3A_349 = tpu.memref_squeeze %dma_wait3A_348 : memref<1x!tpu.dma_semaphore, #tpu.memory_space<semaphore_mem>> -> memref<!tpu.dma_semaphore, #tpu.memory_space<semaphore_mem>>
        tpu.wait_indirect_dma semaphore(%dma_wait3A_349 : memref<!tpu.dma_semaphore, #tpu.memory_space<semaphore_mem>>) src(%arg22 : memref<40x128xf32, #tpu.memory_space<vmem>>) dst(%dma_wait3A_347 : memref<10240x128xf32, #tpu.memory_space<vmem_shared>>)
      } else {
      }
      %lt3A_246 = arith.constant 250 : i32
      %lt3A_247 = arith.cmpi slt, %add3A_233, %lt3A_246 : i32
      %convert_element_type3A_248 = arith.extui %lt3A_247 : i1 to i32
      %cond3A_249 = arith.constant 0 : i32
      %cond3A_250 = arith.cmpi ne, %convert_element_type3A_248, %cond3A_249 : i32
      scf.if %cond3A_250 {
        %dma_start3A = arith.constant 0 : i32
        %dma_start3A_341 = arith.constant 6 : i32
        %dma_start3A_342 = arith.constant 0 : i32
        %dma_start3A_343 = tpu.memref_slice %arg13[%dma_start3A, %dma_start3A_342] : memref<2x40xi32, #tpu.memory_space<vmem>> -> memref<1x40xi32, #tpu.memory_space<vmem>>
        %dma_start3A_344 = tpu.memref_squeeze %dma_start3A_343 : memref<1x40xi32, #tpu.memory_space<vmem>> -> memref<40xi32, #tpu.memory_space<vmem>>
        %dma_start3A_345 = arith.constant 0 : i32
        %dma_start3A_346 = tpu.memref_slice %arg3[%add3A, %add3A_233, %dma_start3A_345] : memref<32x250x40xi32, #tpu.memory_space<hbm>> -> memref<1x1x40xi32, #tpu.memory_space<hbm>>
        %dma_start3A_347 = tpu.memref_squeeze %dma_start3A_346 : memref<1x1x40xi32, #tpu.memory_space<hbm>> -> memref<40xi32, #tpu.memory_space<hbm>>
        %dma_start3A_348 = tpu.memref_slice %arg26[%dma_start3A_341] : memref<9x!tpu.dma_semaphore, #tpu.memory_space<semaphore_mem>> -> memref<1x!tpu.dma_semaphore, #tpu.memory_space<semaphore_mem>>
        %dma_start3A_349 = tpu.memref_squeeze %dma_start3A_348 : memref<1x!tpu.dma_semaphore, #tpu.memory_space<semaphore_mem>> -> memref<!tpu.dma_semaphore, #tpu.memory_space<semaphore_mem>>
        %dma_start3A_350 = arith.constant 0 : i32
        %dma_start3A_351 = tpu.memref_slice %arg13[%dma_start3A, %dma_start3A_350] : memref<2x40xi32, #tpu.memory_space<vmem>> -> memref<1x40xi32, #tpu.memory_space<vmem>>
        %dma_start3A_352 = tpu.memref_squeeze %dma_start3A_351 : memref<1x40xi32, #tpu.memory_space<vmem>> -> memref<40xi32, #tpu.memory_space<vmem>>
        %dma_start3A_353 = arith.constant 0 : i32
        %dma_start3A_354 = tpu.memref_slice %arg3[%add3A, %add3A_233, %dma_start3A_353] : memref<32x250x40xi32, #tpu.memory_space<hbm>> -> memref<1x1x40xi32, #tpu.memory_space<hbm>>
        %dma_start3A_355 = tpu.memref_squeeze %dma_start3A_354 : memref<1x1x40xi32, #tpu.memory_space<hbm>> -> memref<40xi32, #tpu.memory_space<hbm>>
        tpu.enqueue_dma source(%dma_start3A_355 : memref<40xi32, #tpu.memory_space<hbm>>) target(%dma_start3A_352 : memref<40xi32, #tpu.memory_space<vmem>>) target_semaphore(%dma_start3A_349 : memref<!tpu.dma_semaphore, #tpu.memory_space<semaphore_mem>>)
        %dma_start3A_356 = arith.constant 1 : i32
        %dma_start3A_357 = arith.constant 6 : i32
        %dma_start3A_358 = arith.constant 0 : i32
        %dma_start3A_359 = tpu.memref_slice %arg13[%dma_start3A_356, %dma_start3A_358] : memref<2x40xi32, #tpu.memory_space<vmem>> -> memref<1x40xi32, #tpu.memory_space<vmem>>
        %dma_start3A_360 = tpu.memref_squeeze %dma_start3A_359 : memref<1x40xi32, #tpu.memory_space<vmem>> -> memref<40xi32, #tpu.memory_space<vmem>>
        %dma_start3A_361 = arith.constant 0 : i32
        %dma_start3A_362 = tpu.memref_slice %arg4[%add3A, %add3A_233, %dma_start3A_361] : memref<32x250x40xi32, #tpu.memory_space<hbm>> -> memref<1x1x40xi32, #tpu.memory_space<hbm>>
        %dma_start3A_363 = tpu.memref_squeeze %dma_start3A_362 : memref<1x1x40xi32, #tpu.memory_space<hbm>> -> memref<40xi32, #tpu.memory_space<hbm>>
        %dma_start3A_364 = tpu.memref_slice %arg26[%dma_start3A_357] : memref<9x!tpu.dma_semaphore, #tpu.memory_space<semaphore_mem>> -> memref<1x!tpu.dma_semaphore, #tpu.memory_space<semaphore_mem>>
        %dma_start3A_365 = tpu.memref_squeeze %dma_start3A_364 : memref<1x!tpu.dma_semaphore, #tpu.memory_space<semaphore_mem>> -> memref<!tpu.dma_semaphore, #tpu.memory_space<semaphore_mem>>
        %dma_start3A_366 = arith.constant 0 : i32
        %dma_start3A_367 = tpu.memref_slice %arg13[%dma_start3A_356, %dma_start3A_366] : memref<2x40xi32, #tpu.memory_space<vmem>> -> memref<1x40xi32, #tpu.memory_space<vmem>>
        %dma_start3A_368 = tpu.memref_squeeze %dma_start3A_367 : memref<1x40xi32, #tpu.memory_space<vmem>> -> memref<40xi32, #tpu.memory_space<vmem>>
        %dma_start3A_369 = arith.constant 0 : i32
        %dma_start3A_370 = tpu.memref_slice %arg4[%add3A, %add3A_233, %dma_start3A_369] : memref<32x250x40xi32, #tpu.memory_space<hbm>> -> memref<1x1x40xi32, #tpu.memory_space<hbm>>
        %dma_start3A_371 = tpu.memref_squeeze %dma_start3A_370 : memref<1x1x40xi32, #tpu.memory_space<hbm>> -> memref<40xi32, #tpu.memory_space<hbm>>
        tpu.enqueue_dma source(%dma_start3A_371 : memref<40xi32, #tpu.memory_space<hbm>>) target(%dma_start3A_368 : memref<40xi32, #tpu.memory_space<vmem>>) target_semaphore(%dma_start3A_365 : memref<!tpu.dma_semaphore, #tpu.memory_space<semaphore_mem>>)
      } else {
      }
      %ge3A_251 = arith.constant 0 : i32
      %ge3A_252 = arith.cmpi sge, %sub3A_235, %ge3A_251 : i32
      %lt3A_253 = arith.constant 250 : i32
      %lt3A_254 = arith.cmpi slt, %sub3A_235, %lt3A_253 : i32
      %and3A_255 = arith.andi %ge3A_252, %lt3A_254 : i1
      %convert_element_type3A_256 = arith.extui %and3A_255 : i1 to i32
      %cond3A_257 = arith.constant 0 : i32
      %cond3A_258 = arith.cmpi ne, %convert_element_type3A_256, %cond3A_257 : i32
      scf.if %cond3A_258 {
        %dma_wait3A = arith.constant 0 : i32
        %dma_wait3A_341 = arith.constant 4 : i32
        %dma_wait3A_342 = arith.constant 0 : i32
        %dma_wait3A_343 = tpu.memref_slice %arg11[%dma_wait3A, %dma_wait3A_342] : memref<2x40xi32, #tpu.memory_space<vmem>> -> memref<1x40xi32, #tpu.memory_space<vmem>>
        %dma_wait3A_344 = tpu.memref_squeeze %dma_wait3A_343 : memref<1x40xi32, #tpu.memory_space<vmem>> -> memref<40xi32, #tpu.memory_space<vmem>>
        %dma_wait3A_345 = arith.constant 0 : i32
        %dma_wait3A_346 = tpu.memref_slice %arg3[%add3A, %sub3A_235, %dma_wait3A_345] : memref<32x250x40xi32, #tpu.memory_space<hbm>> -> memref<1x1x40xi32, #tpu.memory_space<hbm>>
        %dma_wait3A_347 = tpu.memref_squeeze %dma_wait3A_346 : memref<1x1x40xi32, #tpu.memory_space<hbm>> -> memref<40xi32, #tpu.memory_space<hbm>>
        %dma_wait3A_348 = tpu.memref_slice %arg26[%dma_wait3A_341] : memref<9x!tpu.dma_semaphore, #tpu.memory_space<semaphore_mem>> -> memref<1x!tpu.dma_semaphore, #tpu.memory_space<semaphore_mem>>
        %dma_wait3A_349 = tpu.memref_squeeze %dma_wait3A_348 : memref<1x!tpu.dma_semaphore, #tpu.memory_space<semaphore_mem>> -> memref<!tpu.dma_semaphore, #tpu.memory_space<semaphore_mem>>
        %dma_wait3A_350 = arith.constant 0 : i32
        %dma_wait3A_351 = tpu.memref_slice %arg11[%dma_wait3A, %dma_wait3A_350] : memref<2x40xi32, #tpu.memory_space<vmem>> -> memref<1x40xi32, #tpu.memory_space<vmem>>
        %dma_wait3A_352 = tpu.memref_squeeze %dma_wait3A_351 : memref<1x40xi32, #tpu.memory_space<vmem>> -> memref<40xi32, #tpu.memory_space<vmem>>
        %dma_wait3A_353 = arith.constant 0 : i32
        %dma_wait3A_354 = tpu.memref_slice %arg3[%add3A, %sub3A_235, %dma_wait3A_353] : memref<32x250x40xi32, #tpu.memory_space<hbm>> -> memref<1x1x40xi32, #tpu.memory_space<hbm>>
        %dma_wait3A_355 = tpu.memref_squeeze %dma_wait3A_354 : memref<1x1x40xi32, #tpu.memory_space<hbm>> -> memref<40xi32, #tpu.memory_space<hbm>>
        tpu.wait_dma2 semaphore(%dma_wait3A_349 : memref<!tpu.dma_semaphore, #tpu.memory_space<semaphore_mem>>) src(%dma_wait3A_355 : memref<40xi32, #tpu.memory_space<hbm>>) dst(%dma_wait3A_352 : memref<40xi32, #tpu.memory_space<vmem>>)
        %dma_wait3A_356 = arith.constant 1 : i32
        %dma_wait3A_357 = arith.constant 4 : i32
        %dma_wait3A_358 = arith.constant 0 : i32
        %dma_wait3A_359 = tpu.memref_slice %arg11[%dma_wait3A_356, %dma_wait3A_358] : memref<2x40xi32, #tpu.memory_space<vmem>> -> memref<1x40xi32, #tpu.memory_space<vmem>>
        %dma_wait3A_360 = tpu.memref_squeeze %dma_wait3A_359 : memref<1x40xi32, #tpu.memory_space<vmem>> -> memref<40xi32, #tpu.memory_space<vmem>>
        %dma_wait3A_361 = arith.constant 0 : i32
        %dma_wait3A_362 = tpu.memref_slice %arg4[%add3A, %sub3A_235, %dma_wait3A_361] : memref<32x250x40xi32, #tpu.memory_space<hbm>> -> memref<1x1x40xi32, #tpu.memory_space<hbm>>
        %dma_wait3A_363 = tpu.memref_squeeze %dma_wait3A_362 : memref<1x1x40xi32, #tpu.memory_space<hbm>> -> memref<40xi32, #tpu.memory_space<hbm>>
        %dma_wait3A_364 = tpu.memref_slice %arg26[%dma_wait3A_357] : memref<9x!tpu.dma_semaphore, #tpu.memory_space<semaphore_mem>> -> memref<1x!tpu.dma_semaphore, #tpu.memory_space<semaphore_mem>>
        %dma_wait3A_365 = tpu.memref_squeeze %dma_wait3A_364 : memref<1x!tpu.dma_semaphore, #tpu.memory_space<semaphore_mem>> -> memref<!tpu.dma_semaphore, #tpu.memory_space<semaphore_mem>>
        %dma_wait3A_366 = arith.constant 0 : i32
        %dma_wait3A_367 = tpu.memref_slice %arg11[%dma_wait3A_356, %dma_wait3A_366] : memref<2x40xi32, #tpu.memory_space<vmem>> -> memref<1x40xi32, #tpu.memory_space<vmem>>
        %dma_wait3A_368 = tpu.memref_squeeze %dma_wait3A_367 : memref<1x40xi32, #tpu.memory_space<vmem>> -> memref<40xi32, #tpu.memory_space<vmem>>
        %dma_wait3A_369 = arith.constant 0 : i32
        %dma_wait3A_370 = tpu.memref_slice %arg4[%add3A, %sub3A_235, %dma_wait3A_369] : memref<32x250x40xi32, #tpu.memory_space<hbm>> -> memref<1x1x40xi32, #tpu.memory_space<hbm>>
        %dma_wait3A_371 = tpu.memref_squeeze %dma_wait3A_370 : memref<1x1x40xi32, #tpu.memory_space<hbm>> -> memref<40xi32, #tpu.memory_space<hbm>>
        tpu.wait_dma2 semaphore(%dma_wait3A_365 : memref<!tpu.dma_semaphore, #tpu.memory_space<semaphore_mem>>) src(%dma_wait3A_371 : memref<40xi32, #tpu.memory_space<hbm>>) dst(%dma_wait3A_368 : memref<40xi32, #tpu.memory_space<vmem>>)
        %dma_start3A = arith.constant 0 : i32
        %dma_start3A_372 = arith.constant 4 : i32
        %dma_start3A_373 = arith.constant 0 : i32
        %dma_start3A_374 = tpu.memref_slice %arg11[%dma_start3A, %dma_start3A_373] : memref<2x40xi32, #tpu.memory_space<vmem>> -> memref<1x40xi32, #tpu.memory_space<vmem>>
        %dma_start3A_375 = tpu.memref_squeeze %dma_start3A_374 : memref<1x40xi32, #tpu.memory_space<vmem>> -> memref<40xi32, #tpu.memory_space<vmem>>
        %dma_start3A_376 = arith.constant 0 : i32
        %dma_start3A_377 = arith.constant 0 : i32
        %dma_start3A_378 = tpu.memref_slice %arg2[%dma_start3A_376, %dma_start3A_377] : memref<10000x128xf32, #tpu.memory_space<hbm>> -> memref<10000x128xf32, #tpu.memory_space<hbm>>
        %dma_start3A_379 = tpu.memref_slice %arg27[%dma_start3A_372] : memref<9x!tpu.dma_semaphore, #tpu.memory_space<semaphore_mem>> -> memref<1x!tpu.dma_semaphore, #tpu.memory_space<semaphore_mem>>
        %dma_start3A_380 = tpu.memref_squeeze %dma_start3A_379 : memref<1x!tpu.dma_semaphore, #tpu.memory_space<semaphore_mem>> -> memref<!tpu.dma_semaphore, #tpu.memory_space<semaphore_mem>>
        tpu.enqueue_indirect_dma source(%dma_start3A_378 : memref<10000x128xf32, #tpu.memory_space<hbm>>) target(%arg20 : memref<40x128xf32, #tpu.memory_space<vmem>>) offsets(%dma_start3A_375 : memref<40xi32, #tpu.memory_space<vmem>>) semaphore(%dma_start3A_380 : memref<!tpu.dma_semaphore, #tpu.memory_space<semaphore_mem>>)
      } else {
      }
      %ge3A_259 = arith.constant 0 : i32
      %ge3A_260 = arith.cmpi sge, %sub3A_237, %ge3A_259 : i32
      %lt3A_261 = arith.constant 250 : i32
      %lt3A_262 = arith.cmpi slt, %sub3A_237, %lt3A_261 : i32
      %and3A_263 = arith.andi %ge3A_260, %lt3A_262 : i1
      %convert_element_type3A_264 = arith.extui %and3A_263 : i1 to i32
      %cond3A_265 = arith.constant 0 : i32
      %cond3A_266 = arith.cmpi ne, %convert_element_type3A_264, %cond3A_265 : i32
      scf.if %cond3A_266 {
        %dma_wait3A = arith.constant 0 : i32
        %dma_wait3A_341 = arith.constant 0 : i32
        %dma_wait3A_342 = arith.constant 0 : i32
        %dma_wait3A_343 = tpu.memref_slice %arg7[%dma_wait3A, %dma_wait3A_342] : memref<2x40xi32, #tpu.memory_space<vmem>> -> memref<1x40xi32, #tpu.memory_space<vmem>>
        %dma_wait3A_344 = tpu.memref_squeeze %dma_wait3A_343 : memref<1x40xi32, #tpu.memory_space<vmem>> -> memref<40xi32, #tpu.memory_space<vmem>>
        %dma_wait3A_345 = arith.constant 0 : i32
        %dma_wait3A_346 = arith.constant 0 : i32
        %dma_wait3A_347 = tpu.memref_slice %arg2[%dma_wait3A_345, %dma_wait3A_346] : memref<10000x128xf32, #tpu.memory_space<hbm>> -> memref<10000x128xf32, #tpu.memory_space<hbm>>
        %dma_wait3A_348 = tpu.memref_slice %arg27[%dma_wait3A_341] : memref<9x!tpu.dma_semaphore, #tpu.memory_space<semaphore_mem>> -> memref<1x!tpu.dma_semaphore, #tpu.memory_space<semaphore_mem>>
        %dma_wait3A_349 = tpu.memref_squeeze %dma_wait3A_348 : memref<1x!tpu.dma_semaphore, #tpu.memory_space<semaphore_mem>> -> memref<!tpu.dma_semaphore, #tpu.memory_space<semaphore_mem>>
        tpu.wait_indirect_dma semaphore(%dma_wait3A_349 : memref<!tpu.dma_semaphore, #tpu.memory_space<semaphore_mem>>) src(%dma_wait3A_347 : memref<10000x128xf32, #tpu.memory_space<hbm>>) dst(%arg16 : memref<40x128xf32, #tpu.memory_space<vmem>>)
        %dma_start3A = arith.constant 1 : i32
        %dma_start3A_350 = arith.constant 0 : i32
        %dma_start3A_351 = arith.constant 0 : i32
        %dma_start3A_352 = tpu.memref_slice %arg7[%dma_start3A, %dma_start3A_351] : memref<2x40xi32, #tpu.memory_space<vmem>> -> memref<1x40xi32, #tpu.memory_space<vmem>>
        %dma_start3A_353 = tpu.memref_squeeze %dma_start3A_352 : memref<1x40xi32, #tpu.memory_space<vmem>> -> memref<40xi32, #tpu.memory_space<vmem>>
        %dma_start3A_354 = arith.constant 0 : i32
        %dma_start3A_355 = arith.constant 0 : i32
        %dma_start3A_356 = tpu.memref_slice %arg25[%dma_start3A_354, %dma_start3A_355] : memref<10240x128xf32, #tpu.memory_space<vmem_shared>> -> memref<10240x128xf32, #tpu.memory_space<vmem_shared>>
        %dma_start3A_357 = tpu.memref_slice %arg28[%dma_start3A_350] : memref<9x!tpu.dma_semaphore, #tpu.memory_space<semaphore_mem>> -> memref<1x!tpu.dma_semaphore, #tpu.memory_space<semaphore_mem>>
        %dma_start3A_358 = tpu.memref_squeeze %dma_start3A_357 : memref<1x!tpu.dma_semaphore, #tpu.memory_space<semaphore_mem>> -> memref<!tpu.dma_semaphore, #tpu.memory_space<semaphore_mem>>
        tpu.enqueue_indirect_dma source(%arg16 : memref<40x128xf32, #tpu.memory_space<vmem>>) target(%dma_start3A_356 : memref<10240x128xf32, #tpu.memory_space<vmem_shared>>) offsets(%dma_start3A_353 : memref<40xi32, #tpu.memory_space<vmem>>) semaphore(%dma_start3A_358 : memref<!tpu.dma_semaphore, #tpu.memory_space<semaphore_mem>>) {add = true}
      } else {
      }
      %mul3A_267 = arith.constant 9 : i32
      %mul3A_268 = arith.muli %scan3A_13, %mul3A_267 : i32
      %add3A_269 = arith.constant 7 : i32
      %add3A_270 = arith.addi %mul3A_268, %add3A_269 : i32
      %sub3A_271 = arith.constant 2 : i32
      %sub3A_272 = arith.subi %add3A_270, %sub3A_271 : i32
      %sub3A_273 = arith.constant 6 : i32
      %sub3A_274 = arith.subi %add3A_270, %sub3A_273 : i32
      %ge3A_275 = arith.constant 9 : i32
      %ge3A_276 = arith.cmpi sge, %add3A_270, %ge3A_275 : i32
      %lt3A_277 = arith.constant 259 : i32
      %lt3A_278 = arith.cmpi slt, %add3A_270, %lt3A_277 : i32
      %and3A_279 = arith.andi %ge3A_276, %lt3A_278 : i1
      %convert_element_type3A_280 = arith.extui %and3A_279 : i1 to i32
      %cond3A_281 = arith.constant 0 : i32
      %cond3A_282 = arith.cmpi ne, %convert_element_type3A_280, %cond3A_281 : i32
      scf.if %cond3A_282 {
        %dma_wait3A = arith.constant 1 : i32
        %dma_wait3A_341 = arith.constant 7 : i32
        %dma_wait3A_342 = arith.constant 0 : i32
        %dma_wait3A_343 = tpu.memref_slice %arg14[%dma_wait3A, %dma_wait3A_342] : memref<2x40xi32, #tpu.memory_space<vmem>> -> memref<1x40xi32, #tpu.memory_space<vmem>>
        %dma_wait3A_344 = tpu.memref_squeeze %dma_wait3A_343 : memref<1x40xi32, #tpu.memory_space<vmem>> -> memref<40xi32, #tpu.memory_space<vmem>>
        %dma_wait3A_345 = arith.constant 0 : i32
        %dma_wait3A_346 = arith.constant 0 : i32
        %dma_wait3A_347 = tpu.memref_slice %arg25[%dma_wait3A_345, %dma_wait3A_346] : memref<10240x128xf32, #tpu.memory_space<vmem_shared>> -> memref<10240x128xf32, #tpu.memory_space<vmem_shared>>
        %dma_wait3A_348 = tpu.memref_slice %arg28[%dma_wait3A_341] : memref<9x!tpu.dma_semaphore, #tpu.memory_space<semaphore_mem>> -> memref<1x!tpu.dma_semaphore, #tpu.memory_space<semaphore_mem>>
        %dma_wait3A_349 = tpu.memref_squeeze %dma_wait3A_348 : memref<1x!tpu.dma_semaphore, #tpu.memory_space<semaphore_mem>> -> memref<!tpu.dma_semaphore, #tpu.memory_space<semaphore_mem>>
        tpu.wait_indirect_dma semaphore(%dma_wait3A_349 : memref<!tpu.dma_semaphore, #tpu.memory_space<semaphore_mem>>) src(%arg23 : memref<40x128xf32, #tpu.memory_space<vmem>>) dst(%dma_wait3A_347 : memref<10240x128xf32, #tpu.memory_space<vmem_shared>>)
      } else {
      }
      %lt3A_283 = arith.constant 250 : i32
      %lt3A_284 = arith.cmpi slt, %add3A_270, %lt3A_283 : i32
      %convert_element_type3A_285 = arith.extui %lt3A_284 : i1 to i32
      %cond3A_286 = arith.constant 0 : i32
      %cond3A_287 = arith.cmpi ne, %convert_element_type3A_285, %cond3A_286 : i32
      scf.if %cond3A_287 {
        %dma_start3A = arith.constant 0 : i32
        %dma_start3A_341 = arith.constant 7 : i32
        %dma_start3A_342 = arith.constant 0 : i32
        %dma_start3A_343 = tpu.memref_slice %arg14[%dma_start3A, %dma_start3A_342] : memref<2x40xi32, #tpu.memory_space<vmem>> -> memref<1x40xi32, #tpu.memory_space<vmem>>
        %dma_start3A_344 = tpu.memref_squeeze %dma_start3A_343 : memref<1x40xi32, #tpu.memory_space<vmem>> -> memref<40xi32, #tpu.memory_space<vmem>>
        %dma_start3A_345 = arith.constant 0 : i32
        %dma_start3A_346 = tpu.memref_slice %arg3[%add3A, %add3A_270, %dma_start3A_345] : memref<32x250x40xi32, #tpu.memory_space<hbm>> -> memref<1x1x40xi32, #tpu.memory_space<hbm>>
        %dma_start3A_347 = tpu.memref_squeeze %dma_start3A_346 : memref<1x1x40xi32, #tpu.memory_space<hbm>> -> memref<40xi32, #tpu.memory_space<hbm>>
        %dma_start3A_348 = tpu.memref_slice %arg26[%dma_start3A_341] : memref<9x!tpu.dma_semaphore, #tpu.memory_space<semaphore_mem>> -> memref<1x!tpu.dma_semaphore, #tpu.memory_space<semaphore_mem>>
        %dma_start3A_349 = tpu.memref_squeeze %dma_start3A_348 : memref<1x!tpu.dma_semaphore, #tpu.memory_space<semaphore_mem>> -> memref<!tpu.dma_semaphore, #tpu.memory_space<semaphore_mem>>
        %dma_start3A_350 = arith.constant 0 : i32
        %dma_start3A_351 = tpu.memref_slice %arg14[%dma_start3A, %dma_start3A_350] : memref<2x40xi32, #tpu.memory_space<vmem>> -> memref<1x40xi32, #tpu.memory_space<vmem>>
        %dma_start3A_352 = tpu.memref_squeeze %dma_start3A_351 : memref<1x40xi32, #tpu.memory_space<vmem>> -> memref<40xi32, #tpu.memory_space<vmem>>
        %dma_start3A_353 = arith.constant 0 : i32
        %dma_start3A_354 = tpu.memref_slice %arg3[%add3A, %add3A_270, %dma_start3A_353] : memref<32x250x40xi32, #tpu.memory_space<hbm>> -> memref<1x1x40xi32, #tpu.memory_space<hbm>>
        %dma_start3A_355 = tpu.memref_squeeze %dma_start3A_354 : memref<1x1x40xi32, #tpu.memory_space<hbm>> -> memref<40xi32, #tpu.memory_space<hbm>>
        tpu.enqueue_dma source(%dma_start3A_355 : memref<40xi32, #tpu.memory_space<hbm>>) target(%dma_start3A_352 : memref<40xi32, #tpu.memory_space<vmem>>) target_semaphore(%dma_start3A_349 : memref<!tpu.dma_semaphore, #tpu.memory_space<semaphore_mem>>)
        %dma_start3A_356 = arith.constant 1 : i32
        %dma_start3A_357 = arith.constant 7 : i32
        %dma_start3A_358 = arith.constant 0 : i32
        %dma_start3A_359 = tpu.memref_slice %arg14[%dma_start3A_356, %dma_start3A_358] : memref<2x40xi32, #tpu.memory_space<vmem>> -> memref<1x40xi32, #tpu.memory_space<vmem>>
        %dma_start3A_360 = tpu.memref_squeeze %dma_start3A_359 : memref<1x40xi32, #tpu.memory_space<vmem>> -> memref<40xi32, #tpu.memory_space<vmem>>
        %dma_start3A_361 = arith.constant 0 : i32
        %dma_start3A_362 = tpu.memref_slice %arg4[%add3A, %add3A_270, %dma_start3A_361] : memref<32x250x40xi32, #tpu.memory_space<hbm>> -> memref<1x1x40xi32, #tpu.memory_space<hbm>>
        %dma_start3A_363 = tpu.memref_squeeze %dma_start3A_362 : memref<1x1x40xi32, #tpu.memory_space<hbm>> -> memref<40xi32, #tpu.memory_space<hbm>>
        %dma_start3A_364 = tpu.memref_slice %arg26[%dma_start3A_357] : memref<9x!tpu.dma_semaphore, #tpu.memory_space<semaphore_mem>> -> memref<1x!tpu.dma_semaphore, #tpu.memory_space<semaphore_mem>>
        %dma_start3A_365 = tpu.memref_squeeze %dma_start3A_364 : memref<1x!tpu.dma_semaphore, #tpu.memory_space<semaphore_mem>> -> memref<!tpu.dma_semaphore, #tpu.memory_space<semaphore_mem>>
        %dma_start3A_366 = arith.constant 0 : i32
        %dma_start3A_367 = tpu.memref_slice %arg14[%dma_start3A_356, %dma_start3A_366] : memref<2x40xi32, #tpu.memory_space<vmem>> -> memref<1x40xi32, #tpu.memory_space<vmem>>
        %dma_start3A_368 = tpu.memref_squeeze %dma_start3A_367 : memref<1x40xi32, #tpu.memory_space<vmem>> -> memref<40xi32, #tpu.memory_space<vmem>>
        %dma_start3A_369 = arith.constant 0 : i32
        %dma_start3A_370 = tpu.memref_slice %arg4[%add3A, %add3A_270, %dma_start3A_369] : memref<32x250x40xi32, #tpu.memory_space<hbm>> -> memref<1x1x40xi32, #tpu.memory_space<hbm>>
        %dma_start3A_371 = tpu.memref_squeeze %dma_start3A_370 : memref<1x1x40xi32, #tpu.memory_space<hbm>> -> memref<40xi32, #tpu.memory_space<hbm>>
        tpu.enqueue_dma source(%dma_start3A_371 : memref<40xi32, #tpu.memory_space<hbm>>) target(%dma_start3A_368 : memref<40xi32, #tpu.memory_space<vmem>>) target_semaphore(%dma_start3A_365 : memref<!tpu.dma_semaphore, #tpu.memory_space<semaphore_mem>>)
      } else {
      }
      %ge3A_288 = arith.constant 0 : i32
      %ge3A_289 = arith.cmpi sge, %sub3A_272, %ge3A_288 : i32
      %lt3A_290 = arith.constant 250 : i32
      %lt3A_291 = arith.cmpi slt, %sub3A_272, %lt3A_290 : i32
      %and3A_292 = arith.andi %ge3A_289, %lt3A_291 : i1
      %convert_element_type3A_293 = arith.extui %and3A_292 : i1 to i32
      %cond3A_294 = arith.constant 0 : i32
      %cond3A_295 = arith.cmpi ne, %convert_element_type3A_293, %cond3A_294 : i32
      scf.if %cond3A_295 {
        %dma_wait3A = arith.constant 0 : i32
        %dma_wait3A_341 = arith.constant 5 : i32
        %dma_wait3A_342 = arith.constant 0 : i32
        %dma_wait3A_343 = tpu.memref_slice %arg12[%dma_wait3A, %dma_wait3A_342] : memref<2x40xi32, #tpu.memory_space<vmem>> -> memref<1x40xi32, #tpu.memory_space<vmem>>
        %dma_wait3A_344 = tpu.memref_squeeze %dma_wait3A_343 : memref<1x40xi32, #tpu.memory_space<vmem>> -> memref<40xi32, #tpu.memory_space<vmem>>
        %dma_wait3A_345 = arith.constant 0 : i32
        %dma_wait3A_346 = tpu.memref_slice %arg3[%add3A, %sub3A_272, %dma_wait3A_345] : memref<32x250x40xi32, #tpu.memory_space<hbm>> -> memref<1x1x40xi32, #tpu.memory_space<hbm>>
        %dma_wait3A_347 = tpu.memref_squeeze %dma_wait3A_346 : memref<1x1x40xi32, #tpu.memory_space<hbm>> -> memref<40xi32, #tpu.memory_space<hbm>>
        %dma_wait3A_348 = tpu.memref_slice %arg26[%dma_wait3A_341] : memref<9x!tpu.dma_semaphore, #tpu.memory_space<semaphore_mem>> -> memref<1x!tpu.dma_semaphore, #tpu.memory_space<semaphore_mem>>
        %dma_wait3A_349 = tpu.memref_squeeze %dma_wait3A_348 : memref<1x!tpu.dma_semaphore, #tpu.memory_space<semaphore_mem>> -> memref<!tpu.dma_semaphore, #tpu.memory_space<semaphore_mem>>
        %dma_wait3A_350 = arith.constant 0 : i32
        %dma_wait3A_351 = tpu.memref_slice %arg12[%dma_wait3A, %dma_wait3A_350] : memref<2x40xi32, #tpu.memory_space<vmem>> -> memref<1x40xi32, #tpu.memory_space<vmem>>
        %dma_wait3A_352 = tpu.memref_squeeze %dma_wait3A_351 : memref<1x40xi32, #tpu.memory_space<vmem>> -> memref<40xi32, #tpu.memory_space<vmem>>
        %dma_wait3A_353 = arith.constant 0 : i32
        %dma_wait3A_354 = tpu.memref_slice %arg3[%add3A, %sub3A_272, %dma_wait3A_353] : memref<32x250x40xi32, #tpu.memory_space<hbm>> -> memref<1x1x40xi32, #tpu.memory_space<hbm>>
        %dma_wait3A_355 = tpu.memref_squeeze %dma_wait3A_354 : memref<1x1x40xi32, #tpu.memory_space<hbm>> -> memref<40xi32, #tpu.memory_space<hbm>>
        tpu.wait_dma2 semaphore(%dma_wait3A_349 : memref<!tpu.dma_semaphore, #tpu.memory_space<semaphore_mem>>) src(%dma_wait3A_355 : memref<40xi32, #tpu.memory_space<hbm>>) dst(%dma_wait3A_352 : memref<40xi32, #tpu.memory_space<vmem>>)
        %dma_wait3A_356 = arith.constant 1 : i32
        %dma_wait3A_357 = arith.constant 5 : i32
        %dma_wait3A_358 = arith.constant 0 : i32
        %dma_wait3A_359 = tpu.memref_slice %arg12[%dma_wait3A_356, %dma_wait3A_358] : memref<2x40xi32, #tpu.memory_space<vmem>> -> memref<1x40xi32, #tpu.memory_space<vmem>>
        %dma_wait3A_360 = tpu.memref_squeeze %dma_wait3A_359 : memref<1x40xi32, #tpu.memory_space<vmem>> -> memref<40xi32, #tpu.memory_space<vmem>>
        %dma_wait3A_361 = arith.constant 0 : i32
        %dma_wait3A_362 = tpu.memref_slice %arg4[%add3A, %sub3A_272, %dma_wait3A_361] : memref<32x250x40xi32, #tpu.memory_space<hbm>> -> memref<1x1x40xi32, #tpu.memory_space<hbm>>
        %dma_wait3A_363 = tpu.memref_squeeze %dma_wait3A_362 : memref<1x1x40xi32, #tpu.memory_space<hbm>> -> memref<40xi32, #tpu.memory_space<hbm>>
        %dma_wait3A_364 = tpu.memref_slice %arg26[%dma_wait3A_357] : memref<9x!tpu.dma_semaphore, #tpu.memory_space<semaphore_mem>> -> memref<1x!tpu.dma_semaphore, #tpu.memory_space<semaphore_mem>>
        %dma_wait3A_365 = tpu.memref_squeeze %dma_wait3A_364 : memref<1x!tpu.dma_semaphore, #tpu.memory_space<semaphore_mem>> -> memref<!tpu.dma_semaphore, #tpu.memory_space<semaphore_mem>>
        %dma_wait3A_366 = arith.constant 0 : i32
        %dma_wait3A_367 = tpu.memref_slice %arg12[%dma_wait3A_356, %dma_wait3A_366] : memref<2x40xi32, #tpu.memory_space<vmem>> -> memref<1x40xi32, #tpu.memory_space<vmem>>
        %dma_wait3A_368 = tpu.memref_squeeze %dma_wait3A_367 : memref<1x40xi32, #tpu.memory_space<vmem>> -> memref<40xi32, #tpu.memory_space<vmem>>
        %dma_wait3A_369 = arith.constant 0 : i32
        %dma_wait3A_370 = tpu.memref_slice %arg4[%add3A, %sub3A_272, %dma_wait3A_369] : memref<32x250x40xi32, #tpu.memory_space<hbm>> -> memref<1x1x40xi32, #tpu.memory_space<hbm>>
        %dma_wait3A_371 = tpu.memref_squeeze %dma_wait3A_370 : memref<1x1x40xi32, #tpu.memory_space<hbm>> -> memref<40xi32, #tpu.memory_space<hbm>>
        tpu.wait_dma2 semaphore(%dma_wait3A_365 : memref<!tpu.dma_semaphore, #tpu.memory_space<semaphore_mem>>) src(%dma_wait3A_371 : memref<40xi32, #tpu.memory_space<hbm>>) dst(%dma_wait3A_368 : memref<40xi32, #tpu.memory_space<vmem>>)
        %dma_start3A = arith.constant 0 : i32
        %dma_start3A_372 = arith.constant 5 : i32
        %dma_start3A_373 = arith.constant 0 : i32
        %dma_start3A_374 = tpu.memref_slice %arg12[%dma_start3A, %dma_start3A_373] : memref<2x40xi32, #tpu.memory_space<vmem>> -> memref<1x40xi32, #tpu.memory_space<vmem>>
        %dma_start3A_375 = tpu.memref_squeeze %dma_start3A_374 : memref<1x40xi32, #tpu.memory_space<vmem>> -> memref<40xi32, #tpu.memory_space<vmem>>
        %dma_start3A_376 = arith.constant 0 : i32
        %dma_start3A_377 = arith.constant 0 : i32
        %dma_start3A_378 = tpu.memref_slice %arg2[%dma_start3A_376, %dma_start3A_377] : memref<10000x128xf32, #tpu.memory_space<hbm>> -> memref<10000x128xf32, #tpu.memory_space<hbm>>
        %dma_start3A_379 = tpu.memref_slice %arg27[%dma_start3A_372] : memref<9x!tpu.dma_semaphore, #tpu.memory_space<semaphore_mem>> -> memref<1x!tpu.dma_semaphore, #tpu.memory_space<semaphore_mem>>
        %dma_start3A_380 = tpu.memref_squeeze %dma_start3A_379 : memref<1x!tpu.dma_semaphore, #tpu.memory_space<semaphore_mem>> -> memref<!tpu.dma_semaphore, #tpu.memory_space<semaphore_mem>>
        tpu.enqueue_indirect_dma source(%dma_start3A_378 : memref<10000x128xf32, #tpu.memory_space<hbm>>) target(%arg21 : memref<40x128xf32, #tpu.memory_space<vmem>>) offsets(%dma_start3A_375 : memref<40xi32, #tpu.memory_space<vmem>>) semaphore(%dma_start3A_380 : memref<!tpu.dma_semaphore, #tpu.memory_space<semaphore_mem>>)
      } else {
      }
      %ge3A_296 = arith.constant 0 : i32
      %ge3A_297 = arith.cmpi sge, %sub3A_274, %ge3A_296 : i32
      %lt3A_298 = arith.constant 250 : i32
      %lt3A_299 = arith.cmpi slt, %sub3A_274, %lt3A_298 : i32
      %and3A_300 = arith.andi %ge3A_297, %lt3A_299 : i1
      %convert_element_type3A_301 = arith.extui %and3A_300 : i1 to i32
      %cond3A_302 = arith.constant 0 : i32
      %cond3A_303 = arith.cmpi ne, %convert_element_type3A_301, %cond3A_302 : i32
      scf.if %cond3A_303 {
        %dma_wait3A = arith.constant 0 : i32
        %dma_wait3A_341 = arith.constant 1 : i32
        %dma_wait3A_342 = arith.constant 0 : i32
        %dma_wait3A_343 = tpu.memref_slice %arg8[%dma_wait3A, %dma_wait3A_342] : memref<2x40xi32, #tpu.memory_space<vmem>> -> memref<1x40xi32, #tpu.memory_space<vmem>>
        %dma_wait3A_344 = tpu.memref_squeeze %dma_wait3A_343 : memref<1x40xi32, #tpu.memory_space<vmem>> -> memref<40xi32, #tpu.memory_space<vmem>>
        %dma_wait3A_345 = arith.constant 0 : i32
        %dma_wait3A_346 = arith.constant 0 : i32
        %dma_wait3A_347 = tpu.memref_slice %arg2[%dma_wait3A_345, %dma_wait3A_346] : memref<10000x128xf32, #tpu.memory_space<hbm>> -> memref<10000x128xf32, #tpu.memory_space<hbm>>
        %dma_wait3A_348 = tpu.memref_slice %arg27[%dma_wait3A_341] : memref<9x!tpu.dma_semaphore, #tpu.memory_space<semaphore_mem>> -> memref<1x!tpu.dma_semaphore, #tpu.memory_space<semaphore_mem>>
        %dma_wait3A_349 = tpu.memref_squeeze %dma_wait3A_348 : memref<1x!tpu.dma_semaphore, #tpu.memory_space<semaphore_mem>> -> memref<!tpu.dma_semaphore, #tpu.memory_space<semaphore_mem>>
        tpu.wait_indirect_dma semaphore(%dma_wait3A_349 : memref<!tpu.dma_semaphore, #tpu.memory_space<semaphore_mem>>) src(%dma_wait3A_347 : memref<10000x128xf32, #tpu.memory_space<hbm>>) dst(%arg17 : memref<40x128xf32, #tpu.memory_space<vmem>>)
        %dma_start3A = arith.constant 1 : i32
        %dma_start3A_350 = arith.constant 1 : i32
        %dma_start3A_351 = arith.constant 0 : i32
        %dma_start3A_352 = tpu.memref_slice %arg8[%dma_start3A, %dma_start3A_351] : memref<2x40xi32, #tpu.memory_space<vmem>> -> memref<1x40xi32, #tpu.memory_space<vmem>>
        %dma_start3A_353 = tpu.memref_squeeze %dma_start3A_352 : memref<1x40xi32, #tpu.memory_space<vmem>> -> memref<40xi32, #tpu.memory_space<vmem>>
        %dma_start3A_354 = arith.constant 0 : i32
        %dma_start3A_355 = arith.constant 0 : i32
        %dma_start3A_356 = tpu.memref_slice %arg25[%dma_start3A_354, %dma_start3A_355] : memref<10240x128xf32, #tpu.memory_space<vmem_shared>> -> memref<10240x128xf32, #tpu.memory_space<vmem_shared>>
        %dma_start3A_357 = tpu.memref_slice %arg28[%dma_start3A_350] : memref<9x!tpu.dma_semaphore, #tpu.memory_space<semaphore_mem>> -> memref<1x!tpu.dma_semaphore, #tpu.memory_space<semaphore_mem>>
        %dma_start3A_358 = tpu.memref_squeeze %dma_start3A_357 : memref<1x!tpu.dma_semaphore, #tpu.memory_space<semaphore_mem>> -> memref<!tpu.dma_semaphore, #tpu.memory_space<semaphore_mem>>
        tpu.enqueue_indirect_dma source(%arg17 : memref<40x128xf32, #tpu.memory_space<vmem>>) target(%dma_start3A_356 : memref<10240x128xf32, #tpu.memory_space<vmem_shared>>) offsets(%dma_start3A_353 : memref<40xi32, #tpu.memory_space<vmem>>) semaphore(%dma_start3A_358 : memref<!tpu.dma_semaphore, #tpu.memory_space<semaphore_mem>>) {add = true}
      } else {
      }
      %mul3A_304 = arith.constant 9 : i32
      %mul3A_305 = arith.muli %scan3A_13, %mul3A_304 : i32
      %add3A_306 = arith.constant 8 : i32
      %add3A_307 = arith.addi %mul3A_305, %add3A_306 : i32
      %sub3A_308 = arith.constant 2 : i32
      %sub3A_309 = arith.subi %add3A_307, %sub3A_308 : i32
      %sub3A_310 = arith.constant 6 : i32
      %sub3A_311 = arith.subi %add3A_307, %sub3A_310 : i32
      %ge3A_312 = arith.constant 9 : i32
      %ge3A_313 = arith.cmpi sge, %add3A_307, %ge3A_312 : i32
      %lt3A_314 = arith.constant 259 : i32
      %lt3A_315 = arith.cmpi slt, %add3A_307, %lt3A_314 : i32
      %and3A_316 = arith.andi %ge3A_313, %lt3A_315 : i1
      %convert_element_type3A_317 = arith.extui %and3A_316 : i1 to i32
      %cond3A_318 = arith.constant 0 : i32
      %cond3A_319 = arith.cmpi ne, %convert_element_type3A_317, %cond3A_318 : i32
      scf.if %cond3A_319 {
        %dma_wait3A = arith.constant 1 : i32
        %dma_wait3A_341 = arith.constant 8 : i32
        %dma_wait3A_342 = arith.constant 0 : i32
        %dma_wait3A_343 = tpu.memref_slice %arg15[%dma_wait3A, %dma_wait3A_342] : memref<2x40xi32, #tpu.memory_space<vmem>> -> memref<1x40xi32, #tpu.memory_space<vmem>>
        %dma_wait3A_344 = tpu.memref_squeeze %dma_wait3A_343 : memref<1x40xi32, #tpu.memory_space<vmem>> -> memref<40xi32, #tpu.memory_space<vmem>>
        %dma_wait3A_345 = arith.constant 0 : i32
        %dma_wait3A_346 = arith.constant 0 : i32
        %dma_wait3A_347 = tpu.memref_slice %arg25[%dma_wait3A_345, %dma_wait3A_346] : memref<10240x128xf32, #tpu.memory_space<vmem_shared>> -> memref<10240x128xf32, #tpu.memory_space<vmem_shared>>
        %dma_wait3A_348 = tpu.memref_slice %arg28[%dma_wait3A_341] : memref<9x!tpu.dma_semaphore, #tpu.memory_space<semaphore_mem>> -> memref<1x!tpu.dma_semaphore, #tpu.memory_space<semaphore_mem>>
        %dma_wait3A_349 = tpu.memref_squeeze %dma_wait3A_348 : memref<1x!tpu.dma_semaphore, #tpu.memory_space<semaphore_mem>> -> memref<!tpu.dma_semaphore, #tpu.memory_space<semaphore_mem>>
        tpu.wait_indirect_dma semaphore(%dma_wait3A_349 : memref<!tpu.dma_semaphore, #tpu.memory_space<semaphore_mem>>) src(%arg24 : memref<40x128xf32, #tpu.memory_space<vmem>>) dst(%dma_wait3A_347 : memref<10240x128xf32, #tpu.memory_space<vmem_shared>>)
      } else {
      }
      %lt3A_320 = arith.constant 250 : i32
      %lt3A_321 = arith.cmpi slt, %add3A_307, %lt3A_320 : i32
      %convert_element_type3A_322 = arith.extui %lt3A_321 : i1 to i32
      %cond3A_323 = arith.constant 0 : i32
      %cond3A_324 = arith.cmpi ne, %convert_element_type3A_322, %cond3A_323 : i32
      scf.if %cond3A_324 {
        %dma_start3A = arith.constant 0 : i32
        %dma_start3A_341 = arith.constant 8 : i32
        %dma_start3A_342 = arith.constant 0 : i32
        %dma_start3A_343 = tpu.memref_slice %arg15[%dma_start3A, %dma_start3A_342] : memref<2x40xi32, #tpu.memory_space<vmem>> -> memref<1x40xi32, #tpu.memory_space<vmem>>
        %dma_start3A_344 = tpu.memref_squeeze %dma_start3A_343 : memref<1x40xi32, #tpu.memory_space<vmem>> -> memref<40xi32, #tpu.memory_space<vmem>>
        %dma_start3A_345 = arith.constant 0 : i32
        %dma_start3A_346 = tpu.memref_slice %arg3[%add3A, %add3A_307, %dma_start3A_345] : memref<32x250x40xi32, #tpu.memory_space<hbm>> -> memref<1x1x40xi32, #tpu.memory_space<hbm>>
        %dma_start3A_347 = tpu.memref_squeeze %dma_start3A_346 : memref<1x1x40xi32, #tpu.memory_space<hbm>> -> memref<40xi32, #tpu.memory_space<hbm>>
        %dma_start3A_348 = tpu.memref_slice %arg26[%dma_start3A_341] : memref<9x!tpu.dma_semaphore, #tpu.memory_space<semaphore_mem>> -> memref<1x!tpu.dma_semaphore, #tpu.memory_space<semaphore_mem>>
        %dma_start3A_349 = tpu.memref_squeeze %dma_start3A_348 : memref<1x!tpu.dma_semaphore, #tpu.memory_space<semaphore_mem>> -> memref<!tpu.dma_semaphore, #tpu.memory_space<semaphore_mem>>
        %dma_start3A_350 = arith.constant 0 : i32
        %dma_start3A_351 = tpu.memref_slice %arg15[%dma_start3A, %dma_start3A_350] : memref<2x40xi32, #tpu.memory_space<vmem>> -> memref<1x40xi32, #tpu.memory_space<vmem>>
        %dma_start3A_352 = tpu.memref_squeeze %dma_start3A_351 : memref<1x40xi32, #tpu.memory_space<vmem>> -> memref<40xi32, #tpu.memory_space<vmem>>
        %dma_start3A_353 = arith.constant 0 : i32
        %dma_start3A_354 = tpu.memref_slice %arg3[%add3A, %add3A_307, %dma_start3A_353] : memref<32x250x40xi32, #tpu.memory_space<hbm>> -> memref<1x1x40xi32, #tpu.memory_space<hbm>>
        %dma_start3A_355 = tpu.memref_squeeze %dma_start3A_354 : memref<1x1x40xi32, #tpu.memory_space<hbm>> -> memref<40xi32, #tpu.memory_space<hbm>>
        tpu.enqueue_dma source(%dma_start3A_355 : memref<40xi32, #tpu.memory_space<hbm>>) target(%dma_start3A_352 : memref<40xi32, #tpu.memory_space<vmem>>) target_semaphore(%dma_start3A_349 : memref<!tpu.dma_semaphore, #tpu.memory_space<semaphore_mem>>)
        %dma_start3A_356 = arith.constant 1 : i32
        %dma_start3A_357 = arith.constant 8 : i32
        %dma_start3A_358 = arith.constant 0 : i32
        %dma_start3A_359 = tpu.memref_slice %arg15[%dma_start3A_356, %dma_start3A_358] : memref<2x40xi32, #tpu.memory_space<vmem>> -> memref<1x40xi32, #tpu.memory_space<vmem>>
        %dma_start3A_360 = tpu.memref_squeeze %dma_start3A_359 : memref<1x40xi32, #tpu.memory_space<vmem>> -> memref<40xi32, #tpu.memory_space<vmem>>
        %dma_start3A_361 = arith.constant 0 : i32
        %dma_start3A_362 = tpu.memref_slice %arg4[%add3A, %add3A_307, %dma_start3A_361] : memref<32x250x40xi32, #tpu.memory_space<hbm>> -> memref<1x1x40xi32, #tpu.memory_space<hbm>>
        %dma_start3A_363 = tpu.memref_squeeze %dma_start3A_362 : memref<1x1x40xi32, #tpu.memory_space<hbm>> -> memref<40xi32, #tpu.memory_space<hbm>>
        %dma_start3A_364 = tpu.memref_slice %arg26[%dma_start3A_357] : memref<9x!tpu.dma_semaphore, #tpu.memory_space<semaphore_mem>> -> memref<1x!tpu.dma_semaphore, #tpu.memory_space<semaphore_mem>>
        %dma_start3A_365 = tpu.memref_squeeze %dma_start3A_364 : memref<1x!tpu.dma_semaphore, #tpu.memory_space<semaphore_mem>> -> memref<!tpu.dma_semaphore, #tpu.memory_space<semaphore_mem>>
        %dma_start3A_366 = arith.constant 0 : i32
        %dma_start3A_367 = tpu.memref_slice %arg15[%dma_start3A_356, %dma_start3A_366] : memref<2x40xi32, #tpu.memory_space<vmem>> -> memref<1x40xi32, #tpu.memory_space<vmem>>
        %dma_start3A_368 = tpu.memref_squeeze %dma_start3A_367 : memref<1x40xi32, #tpu.memory_space<vmem>> -> memref<40xi32, #tpu.memory_space<vmem>>
        %dma_start3A_369 = arith.constant 0 : i32
        %dma_start3A_370 = tpu.memref_slice %arg4[%add3A, %add3A_307, %dma_start3A_369] : memref<32x250x40xi32, #tpu.memory_space<hbm>> -> memref<1x1x40xi32, #tpu.memory_space<hbm>>
        %dma_start3A_371 = tpu.memref_squeeze %dma_start3A_370 : memref<1x1x40xi32, #tpu.memory_space<hbm>> -> memref<40xi32, #tpu.memory_space<hbm>>
        tpu.enqueue_dma source(%dma_start3A_371 : memref<40xi32, #tpu.memory_space<hbm>>) target(%dma_start3A_368 : memref<40xi32, #tpu.memory_space<vmem>>) target_semaphore(%dma_start3A_365 : memref<!tpu.dma_semaphore, #tpu.memory_space<semaphore_mem>>)
      } else {
      }
      %ge3A_325 = arith.constant 0 : i32
      %ge3A_326 = arith.cmpi sge, %sub3A_309, %ge3A_325 : i32
      %lt3A_327 = arith.constant 250 : i32
      %lt3A_328 = arith.cmpi slt, %sub3A_309, %lt3A_327 : i32
      %and3A_329 = arith.andi %ge3A_326, %lt3A_328 : i1
      %convert_element_type3A_330 = arith.extui %and3A_329 : i1 to i32
      %cond3A_331 = arith.constant 0 : i32
      %cond3A_332 = arith.cmpi ne, %convert_element_type3A_330, %cond3A_331 : i32
      scf.if %cond3A_332 {
        %dma_wait3A = arith.constant 0 : i32
        %dma_wait3A_341 = arith.constant 6 : i32
        %dma_wait3A_342 = arith.constant 0 : i32
        %dma_wait3A_343 = tpu.memref_slice %arg13[%dma_wait3A, %dma_wait3A_342] : memref<2x40xi32, #tpu.memory_space<vmem>> -> memref<1x40xi32, #tpu.memory_space<vmem>>
        %dma_wait3A_344 = tpu.memref_squeeze %dma_wait3A_343 : memref<1x40xi32, #tpu.memory_space<vmem>> -> memref<40xi32, #tpu.memory_space<vmem>>
        %dma_wait3A_345 = arith.constant 0 : i32
        %dma_wait3A_346 = tpu.memref_slice %arg3[%add3A, %sub3A_309, %dma_wait3A_345] : memref<32x250x40xi32, #tpu.memory_space<hbm>> -> memref<1x1x40xi32, #tpu.memory_space<hbm>>
        %dma_wait3A_347 = tpu.memref_squeeze %dma_wait3A_346 : memref<1x1x40xi32, #tpu.memory_space<hbm>> -> memref<40xi32, #tpu.memory_space<hbm>>
        %dma_wait3A_348 = tpu.memref_slice %arg26[%dma_wait3A_341] : memref<9x!tpu.dma_semaphore, #tpu.memory_space<semaphore_mem>> -> memref<1x!tpu.dma_semaphore, #tpu.memory_space<semaphore_mem>>
        %dma_wait3A_349 = tpu.memref_squeeze %dma_wait3A_348 : memref<1x!tpu.dma_semaphore, #tpu.memory_space<semaphore_mem>> -> memref<!tpu.dma_semaphore, #tpu.memory_space<semaphore_mem>>
        %dma_wait3A_350 = arith.constant 0 : i32
        %dma_wait3A_351 = tpu.memref_slice %arg13[%dma_wait3A, %dma_wait3A_350] : memref<2x40xi32, #tpu.memory_space<vmem>> -> memref<1x40xi32, #tpu.memory_space<vmem>>
        %dma_wait3A_352 = tpu.memref_squeeze %dma_wait3A_351 : memref<1x40xi32, #tpu.memory_space<vmem>> -> memref<40xi32, #tpu.memory_space<vmem>>
        %dma_wait3A_353 = arith.constant 0 : i32
        %dma_wait3A_354 = tpu.memref_slice %arg3[%add3A, %sub3A_309, %dma_wait3A_353] : memref<32x250x40xi32, #tpu.memory_space<hbm>> -> memref<1x1x40xi32, #tpu.memory_space<hbm>>
        %dma_wait3A_355 = tpu.memref_squeeze %dma_wait3A_354 : memref<1x1x40xi32, #tpu.memory_space<hbm>> -> memref<40xi32, #tpu.memory_space<hbm>>
        tpu.wait_dma2 semaphore(%dma_wait3A_349 : memref<!tpu.dma_semaphore, #tpu.memory_space<semaphore_mem>>) src(%dma_wait3A_355 : memref<40xi32, #tpu.memory_space<hbm>>) dst(%dma_wait3A_352 : memref<40xi32, #tpu.memory_space<vmem>>)
        %dma_wait3A_356 = arith.constant 1 : i32
        %dma_wait3A_357 = arith.constant 6 : i32
        %dma_wait3A_358 = arith.constant 0 : i32
        %dma_wait3A_359 = tpu.memref_slice %arg13[%dma_wait3A_356, %dma_wait3A_358] : memref<2x40xi32, #tpu.memory_space<vmem>> -> memref<1x40xi32, #tpu.memory_space<vmem>>
        %dma_wait3A_360 = tpu.memref_squeeze %dma_wait3A_359 : memref<1x40xi32, #tpu.memory_space<vmem>> -> memref<40xi32, #tpu.memory_space<vmem>>
        %dma_wait3A_361 = arith.constant 0 : i32
        %dma_wait3A_362 = tpu.memref_slice %arg4[%add3A, %sub3A_309, %dma_wait3A_361] : memref<32x250x40xi32, #tpu.memory_space<hbm>> -> memref<1x1x40xi32, #tpu.memory_space<hbm>>
        %dma_wait3A_363 = tpu.memref_squeeze %dma_wait3A_362 : memref<1x1x40xi32, #tpu.memory_space<hbm>> -> memref<40xi32, #tpu.memory_space<hbm>>
        %dma_wait3A_364 = tpu.memref_slice %arg26[%dma_wait3A_357] : memref<9x!tpu.dma_semaphore, #tpu.memory_space<semaphore_mem>> -> memref<1x!tpu.dma_semaphore, #tpu.memory_space<semaphore_mem>>
        %dma_wait3A_365 = tpu.memref_squeeze %dma_wait3A_364 : memref<1x!tpu.dma_semaphore, #tpu.memory_space<semaphore_mem>> -> memref<!tpu.dma_semaphore, #tpu.memory_space<semaphore_mem>>
        %dma_wait3A_366 = arith.constant 0 : i32
        %dma_wait3A_367 = tpu.memref_slice %arg13[%dma_wait3A_356, %dma_wait3A_366] : memref<2x40xi32, #tpu.memory_space<vmem>> -> memref<1x40xi32, #tpu.memory_space<vmem>>
        %dma_wait3A_368 = tpu.memref_squeeze %dma_wait3A_367 : memref<1x40xi32, #tpu.memory_space<vmem>> -> memref<40xi32, #tpu.memory_space<vmem>>
        %dma_wait3A_369 = arith.constant 0 : i32
        %dma_wait3A_370 = tpu.memref_slice %arg4[%add3A, %sub3A_309, %dma_wait3A_369] : memref<32x250x40xi32, #tpu.memory_space<hbm>> -> memref<1x1x40xi32, #tpu.memory_space<hbm>>
        %dma_wait3A_371 = tpu.memref_squeeze %dma_wait3A_370 : memref<1x1x40xi32, #tpu.memory_space<hbm>> -> memref<40xi32, #tpu.memory_space<hbm>>
        tpu.wait_dma2 semaphore(%dma_wait3A_365 : memref<!tpu.dma_semaphore, #tpu.memory_space<semaphore_mem>>) src(%dma_wait3A_371 : memref<40xi32, #tpu.memory_space<hbm>>) dst(%dma_wait3A_368 : memref<40xi32, #tpu.memory_space<vmem>>)
        %dma_start3A = arith.constant 0 : i32
        %dma_start3A_372 = arith.constant 6 : i32
        %dma_start3A_373 = arith.constant 0 : i32
        %dma_start3A_374 = tpu.memref_slice %arg13[%dma_start3A, %dma_start3A_373] : memref<2x40xi32, #tpu.memory_space<vmem>> -> memref<1x40xi32, #tpu.memory_space<vmem>>
        %dma_start3A_375 = tpu.memref_squeeze %dma_start3A_374 : memref<1x40xi32, #tpu.memory_space<vmem>> -> memref<40xi32, #tpu.memory_space<vmem>>
        %dma_start3A_376 = arith.constant 0 : i32
        %dma_start3A_377 = arith.constant 0 : i32
        %dma_start3A_378 = tpu.memref_slice %arg2[%dma_start3A_376, %dma_start3A_377] : memref<10000x128xf32, #tpu.memory_space<hbm>> -> memref<10000x128xf32, #tpu.memory_space<hbm>>
        %dma_start3A_379 = tpu.memref_slice %arg27[%dma_start3A_372] : memref<9x!tpu.dma_semaphore, #tpu.memory_space<semaphore_mem>> -> memref<1x!tpu.dma_semaphore, #tpu.memory_space<semaphore_mem>>
        %dma_start3A_380 = tpu.memref_squeeze %dma_start3A_379 : memref<1x!tpu.dma_semaphore, #tpu.memory_space<semaphore_mem>> -> memref<!tpu.dma_semaphore, #tpu.memory_space<semaphore_mem>>
        tpu.enqueue_indirect_dma source(%dma_start3A_378 : memref<10000x128xf32, #tpu.memory_space<hbm>>) target(%arg22 : memref<40x128xf32, #tpu.memory_space<vmem>>) offsets(%dma_start3A_375 : memref<40xi32, #tpu.memory_space<vmem>>) semaphore(%dma_start3A_380 : memref<!tpu.dma_semaphore, #tpu.memory_space<semaphore_mem>>)
      } else {
      }
      %ge3A_333 = arith.constant 0 : i32
      %ge3A_334 = arith.cmpi sge, %sub3A_311, %ge3A_333 : i32
      %lt3A_335 = arith.constant 250 : i32
      %lt3A_336 = arith.cmpi slt, %sub3A_311, %lt3A_335 : i32
      %and3A_337 = arith.andi %ge3A_334, %lt3A_336 : i1
      %convert_element_type3A_338 = arith.extui %and3A_337 : i1 to i32
      %cond3A_339 = arith.constant 0 : i32
      %cond3A_340 = arith.cmpi ne, %convert_element_type3A_338, %cond3A_339 : i32
      scf.if %cond3A_340 {
        %dma_wait3A = arith.constant 0 : i32
        %dma_wait3A_341 = arith.constant 2 : i32
        %dma_wait3A_342 = arith.constant 0 : i32
        %dma_wait3A_343 = tpu.memref_slice %arg9[%dma_wait3A, %dma_wait3A_342] : memref<2x40xi32, #tpu.memory_space<vmem>> -> memref<1x40xi32, #tpu.memory_space<vmem>>
        %dma_wait3A_344 = tpu.memref_squeeze %dma_wait3A_343 : memref<1x40xi32, #tpu.memory_space<vmem>> -> memref<40xi32, #tpu.memory_space<vmem>>
        %dma_wait3A_345 = arith.constant 0 : i32
        %dma_wait3A_346 = arith.constant 0 : i32
        %dma_wait3A_347 = tpu.memref_slice %arg2[%dma_wait3A_345, %dma_wait3A_346] : memref<10000x128xf32, #tpu.memory_space<hbm>> -> memref<10000x128xf32, #tpu.memory_space<hbm>>
        %dma_wait3A_348 = tpu.memref_slice %arg27[%dma_wait3A_341] : memref<9x!tpu.dma_semaphore, #tpu.memory_space<semaphore_mem>> -> memref<1x!tpu.dma_semaphore, #tpu.memory_space<semaphore_mem>>
        %dma_wait3A_349 = tpu.memref_squeeze %dma_wait3A_348 : memref<1x!tpu.dma_semaphore, #tpu.memory_space<semaphore_mem>> -> memref<!tpu.dma_semaphore, #tpu.memory_space<semaphore_mem>>
        tpu.wait_indirect_dma semaphore(%dma_wait3A_349 : memref<!tpu.dma_semaphore, #tpu.memory_space<semaphore_mem>>) src(%dma_wait3A_347 : memref<10000x128xf32, #tpu.memory_space<hbm>>) dst(%arg18 : memref<40x128xf32, #tpu.memory_space<vmem>>)
        %dma_start3A = arith.constant 1 : i32
        %dma_start3A_350 = arith.constant 2 : i32
        %dma_start3A_351 = arith.constant 0 : i32
        %dma_start3A_352 = tpu.memref_slice %arg9[%dma_start3A, %dma_start3A_351] : memref<2x40xi32, #tpu.memory_space<vmem>> -> memref<1x40xi32, #tpu.memory_space<vmem>>
        %dma_start3A_353 = tpu.memref_squeeze %dma_start3A_352 : memref<1x40xi32, #tpu.memory_space<vmem>> -> memref<40xi32, #tpu.memory_space<vmem>>
        %dma_start3A_354 = arith.constant 0 : i32
        %dma_start3A_355 = arith.constant 0 : i32
        %dma_start3A_356 = tpu.memref_slice %arg25[%dma_start3A_354, %dma_start3A_355] : memref<10240x128xf32, #tpu.memory_space<vmem_shared>> -> memref<10240x128xf32, #tpu.memory_space<vmem_shared>>
        %dma_start3A_357 = tpu.memref_slice %arg28[%dma_start3A_350] : memref<9x!tpu.dma_semaphore, #tpu.memory_space<semaphore_mem>> -> memref<1x!tpu.dma_semaphore, #tpu.memory_space<semaphore_mem>>
        %dma_start3A_358 = tpu.memref_squeeze %dma_start3A_357 : memref<1x!tpu.dma_semaphore, #tpu.memory_space<semaphore_mem>> -> memref<!tpu.dma_semaphore, #tpu.memory_space<semaphore_mem>>
        tpu.enqueue_indirect_dma source(%arg18 : memref<40x128xf32, #tpu.memory_space<vmem>>) target(%dma_start3A_356 : memref<10240x128xf32, #tpu.memory_space<vmem_shared>>) offsets(%dma_start3A_353 : memref<40xi32, #tpu.memory_space<vmem>>) semaphore(%dma_start3A_358 : memref<!tpu.dma_semaphore, #tpu.memory_space<semaphore_mem>>) {add = true}
      } else {
      }
    }
    %scan3A_7 = arith.constant 29 : i32
    %barrier3A_8 = arith.constant 0 : index
    tpu.barrier barrier_id(%barrier3A_8)
    %mul3A_9 = arith.constant 640 : i32
    %mul3A_10 = arith.muli %arg1, %mul3A_9 : i32
    %mul3A_11 = arith.constant 640 : i32
    %mul3A_12 = arith.muli %arg1, %mul3A_11 : i32
    "tpu.region"() ({
      %run_scoped3A = tpu.sem_alloc : memref<!tpu.dma_semaphore, #tpu.memory_space<semaphore_mem>>
      %dma_start3A = arith.constant 0 : i32
      %dma_start3A_13 = tpu.memref_slice %arg6[%arg0, %mul3A_12, %dma_start3A] : memref<2x10240x128xf32, #tpu.memory_space<hbm>> -> memref<1x640x128xf32, #tpu.memory_space<hbm>>
      %dma_start3A_14 = tpu.memref_squeeze %dma_start3A_13 : memref<1x640x128xf32, #tpu.memory_space<hbm>> -> memref<640x128xf32, #tpu.memory_space<hbm>>
      %dma_start3A_15 = arith.constant 0 : i32
      %dma_start3A_16 = tpu.memref_slice %arg25[%mul3A_10, %dma_start3A_15] : memref<10240x128xf32, #tpu.memory_space<vmem_shared>> -> memref<640x128xf32, #tpu.memory_space<vmem_shared>>
      tpu.enqueue_dma source(%dma_start3A_16 : memref<640x128xf32, #tpu.memory_space<vmem_shared>>) target(%dma_start3A_14 : memref<640x128xf32, #tpu.memory_space<hbm>>) target_semaphore(%run_scoped3A : memref<!tpu.dma_semaphore, #tpu.memory_space<semaphore_mem>>)
      %dma_wait3A = arith.constant 0 : i32
      %dma_wait3A_17 = tpu.memref_slice %arg6[%arg0, %mul3A_12, %dma_wait3A] : memref<2x10240x128xf32, #tpu.memory_space<hbm>> -> memref<1x640x128xf32, #tpu.memory_space<hbm>>
      %dma_wait3A_18 = tpu.memref_squeeze %dma_wait3A_17 : memref<1x640x128xf32, #tpu.memory_space<hbm>> -> memref<640x128xf32, #tpu.memory_space<hbm>>
      %dma_wait3A_19 = arith.constant 0 : i32
      %dma_wait3A_20 = tpu.memref_slice %arg25[%mul3A_10, %dma_wait3A_19] : memref<10240x128xf32, #tpu.memory_space<vmem_shared>> -> memref<640x128xf32, #tpu.memory_space<vmem_shared>>
      tpu.wait_dma2 semaphore(%run_scoped3A : memref<!tpu.dma_semaphore, #tpu.memory_space<semaphore_mem>>) src(%dma_wait3A_20 : memref<640x128xf32, #tpu.memory_space<vmem_shared>>) dst(%dma_wait3A_18 : memref<640x128xf32, #tpu.memory_space<hbm>>)
      tpu.yield
    }) : () -> ()
    return
  }
}

module attributes {stable_mosaic.version = 14 : i64} {
  func.func @_mlp1_body(%arg0: i32, %arg1: memref<1000x128xf32, #tpu.memory_space<vmem>>, %arg2: memref<2x1000x128xf32, #tpu.memory_space<vmem>>, %arg3: memref<128x128xf32, #tpu.memory_space<vmem>>, %arg4: memref<1x128xf32, #tpu.memory_space<vmem>>, %arg5: memref<128x128xf32, #tpu.memory_space<vmem>>, %arg6: memref<1x128xf32, #tpu.memory_space<vmem>>, %arg7: memref<1x1xf32, #tpu.memory_space<smem>>, %arg8: memref<1000x128xf32, #tpu.memory_space<vmem>>) attributes {dimension_semantics = [#tpu.dimension_semantics<arbitrary>], iteration_bounds = array<i64: 10>, scalar_prefetch = 0 : i64, scratch_operands = 0 : i64, tpu.core_type = #tpu.core_type<tc>, window_params = [{transform_indices = @transform_0, window_bounds = array<i64: 1000, 128>}, {transform_indices = @transform_1, window_bounds = array<i64: 2, 1000, 128>}, {pipeline_mode = #tpu.pipeline_mode<synchronous>, transform_indices = @transform_2, window_bounds = array<i64: 128, 128>}, {pipeline_mode = #tpu.pipeline_mode<synchronous>, transform_indices = @transform_3, window_bounds = array<i64: 1, 128>}, {pipeline_mode = #tpu.pipeline_mode<synchronous>, transform_indices = @transform_4, window_bounds = array<i64: 128, 128>}, {pipeline_mode = #tpu.pipeline_mode<synchronous>, transform_indices = @transform_5, window_bounds = array<i64: 1, 128>}, {transform_indices = @transform_6, window_bounds = array<i64: 1, 1>}, {transform_indices = @transform_7, window_bounds = array<i64: 1000, 128>}]} {
    %get3A = arith.constant 0 : index
    %get3A_0 = arith.constant 0 : index
    %get3A_1 = vector.load %arg1[%get3A, %get3A_0] : memref<1000x128xf32, #tpu.memory_space<vmem>>, vector<1000x128xf32>
    %get3A_2 = arith.constant 0 : index
    %get3A_3 = arith.constant 0 : index
    %get3A_4 = arith.constant 0 : index
    %get3A_5 = vector.load %arg2[%get3A_2, %get3A_3, %get3A_4] : memref<2x1000x128xf32, #tpu.memory_space<vmem>>, vector<1x1000x128xf32>
    %get3A_6 = vector.shape_cast %get3A_5 : vector<1x1000x128xf32> to vector<1000x128xf32>
    %add3A = arith.addf %get3A_1, %get3A_6 : vector<1000x128xf32>
    %get3A_7 = arith.constant 1 : index
    %get3A_8 = arith.constant 0 : index
    %get3A_9 = arith.constant 0 : index
    %get3A_10 = vector.load %arg2[%get3A_7, %get3A_8, %get3A_9] : memref<2x1000x128xf32, #tpu.memory_space<vmem>>, vector<1x1000x128xf32>
    %get3A_11 = vector.shape_cast %get3A_10 : vector<1x1000x128xf32> to vector<1000x128xf32>
    %add3A_12 = arith.addf %add3A, %get3A_11 : vector<1000x128xf32>
    %get3A_13 = arith.constant 0 : index
    %get3A_14 = arith.constant 0 : index
    %get3A_15 = vector.load %arg3[%get3A_13, %get3A_14] : memref<128x128xf32, #tpu.memory_space<vmem>>, vector<128x128xf32>
    %get3A_16 = arith.constant 0 : index
    %get3A_17 = arith.constant 0 : index
    %get3A_18 = vector.load %arg4[%get3A_16, %get3A_17] : memref<1x128xf32, #tpu.memory_space<vmem>>, vector<1x128xf32>
    %get3A_19 = arith.constant 0 : index
    %get3A_20 = arith.constant 0 : index
    %get3A_21 = vector.load %arg5[%get3A_19, %get3A_20] : memref<128x128xf32, #tpu.memory_space<vmem>>, vector<128x128xf32>
    %get3A_22 = arith.constant 0 : index
    %get3A_23 = arith.constant 0 : index
    %get3A_24 = vector.load %arg6[%get3A_22, %get3A_23] : memref<1x128xf32, #tpu.memory_space<vmem>>, vector<1x128xf32>
    %get3A_25 = arith.constant 0 : index
    %get3A_26 = arith.constant 0 : index
    %get3A_27 = memref.load %arg7[%get3A_25, %get3A_26] : memref<1x1xf32, #tpu.memory_space<smem>>
    %dot_general3A = arith.constant dense<0.000000e+00> : vector<1000x128xf32>
    %dot_general3A_28 = tpu.matmul %add3A_12, %get3A_15, %dot_general3A {dimension_numbers = #tpu.dot_dimension_numbers<[1], [0], [0], [1], [0, 0, 1, 1], [], []>, transpose_lhs_hint = false} : vector<1000x128xf32>, vector<128x128xf32>, vector<1000x128xf32> -> vector<1000x128xf32>
    %add3A_29 = vector.broadcast %get3A_18 : vector<1x128xf32> to vector<1000x128xf32>
    %add3A_30 = arith.addf %dot_general3A_28, %add3A_29 : vector<1000x128xf32>
    %max3A = arith.constant 0.000000e+00 : f32
    %max3A_31 = vector.broadcast %max3A : f32 to vector<1000x128xf32>
    %max3A_32 = arith.maximumf %add3A_30, %max3A_31 : vector<1000x128xf32>
    %dot_general3A_33 = arith.constant dense<0.000000e+00> : vector<1000x128xf32>
    %dot_general3A_34 = tpu.matmul %max3A_32, %get3A_21, %dot_general3A_33 {dimension_numbers = #tpu.dot_dimension_numbers<[1], [0], [0], [1], [0, 0, 1, 1], [], []>, transpose_lhs_hint = false} : vector<1000x128xf32>, vector<128x128xf32>, vector<1000x128xf32> -> vector<1000x128xf32>
    %add3A_35 = vector.broadcast %get3A_24 : vector<1x128xf32> to vector<1000x128xf32>
    %add3A_36 = arith.addf %dot_general3A_34, %add3A_35 : vector<1000x128xf32>
    %gt3A = arith.constant 0.000000e+00 : f32
    %gt3A_37 = vector.broadcast %gt3A : f32 to vector<1000x128xf32>
    %gt3A_38 = arith.cmpf ogt, %add3A_36, %gt3A_37 : vector<1000x128xf32>
    %mul3A = vector.broadcast %get3A_27 : f32 to vector<1000x128xf32>
    %mul3A_39 = arith.mulf %mul3A, %add3A_36 : vector<1000x128xf32>
    %select_n3A = arith.select %gt3A_38, %add3A_36, %mul3A_39 : vector<1000x128xi1>, vector<1000x128xf32>
    %swap3A = arith.constant 0 : index
    %swap3A_40 = arith.constant 0 : index
    %swap3A_41 = vector.load %arg8[%swap3A, %swap3A_40] : memref<1000x128xf32, #tpu.memory_space<vmem>>, vector<1000x128xf32>
    tpu.vector_store %arg8[%swap3A, %swap3A_40], %select_n3A {strides = array<i32>} : memref<1000x128xf32, #tpu.memory_space<vmem>>, vector<1000x128xf32>,
    return
  }
  func.func @transform_0(%arg0: i32) -> (i32, i32) {
    %c0_i32 = arith.constant 0 : i32
    %c0_i32_0 = arith.constant 0 : i32
    return %arg0, %c0_i32 : i32, i32
  }
  func.func @transform_1(%arg0: i32) -> (i32, i32, i32) {
    %c0_i32 = arith.constant 0 : i32
    %c0_i32_0 = arith.constant 0 : i32
    %c0_i32_1 = arith.constant 0 : i32
    return %c0_i32, %arg0, %c0_i32_0 : i32, i32, i32
  }
  func.func @transform_2(%arg0: i32) -> (i32, i32) {
    %c0_i32 = arith.constant 0 : i32
    %c0_i32_0 = arith.constant 0 : i32
    %c0_i32_1 = arith.constant 0 : i32
    return %c0_i32, %c0_i32_0 : i32, i32
  }
  func.func @transform_3(%arg0: i32) -> (i32, i32) {
    %c0_i32 = arith.constant 0 : i32
    %c0_i32_0 = arith.constant 0 : i32
    %c0_i32_1 = arith.constant 0 : i32
    return %c0_i32, %c0_i32_0 : i32, i32
  }
  func.func @transform_4(%arg0: i32) -> (i32, i32) {
    %c0_i32 = arith.constant 0 : i32
    %c0_i32_0 = arith.constant 0 : i32
    %c0_i32_1 = arith.constant 0 : i32
    return %c0_i32, %c0_i32_0 : i32, i32
  }
  func.func @transform_5(%arg0: i32) -> (i32, i32) {
    %c0_i32 = arith.constant 0 : i32
    %c0_i32_0 = arith.constant 0 : i32
    %c0_i32_1 = arith.constant 0 : i32
    return %c0_i32, %c0_i32_0 : i32, i32
  }
  func.func @transform_6(%arg0: i32) -> (i32, i32) {
    %c0_i32 = arith.constant 0 : i32
    %c0_i32_0 = arith.constant 0 : i32
    %c0_i32_1 = arith.constant 0 : i32
    return %c0_i32, %c0_i32_0 : i32, i32
  }
  func.func @transform_7(%arg0: i32) -> (i32, i32) {
    %c0_i32 = arith.constant 0 : i32
    %c0_i32_0 = arith.constant 0 : i32
    return %arg0, %c0_i32 : i32, i32
  }
}

module attributes {stable_mosaic.version = 14 : i64} {
  func.func @_mlp2_body(%arg0: i32, %arg1: memref<1000x128xf32, #tpu.memory_space<vmem>>, %arg2: memref<2x1000x128xf32, #tpu.memory_space<vmem>>, %arg3: memref<1x1x1000xi32, #tpu.memory_space<vmem>>, %arg4: memref<128x128xf32, #tpu.memory_space<vmem>>, %arg5: memref<1x128xf32, #tpu.memory_space<vmem>>, %arg6: memref<128x128xf32, #tpu.memory_space<vmem>>, %arg7: memref<1x128xf32, #tpu.memory_space<vmem>>, %arg8: memref<1x1xf32, #tpu.memory_space<smem>>, %arg9: memref<1x128xf32, #tpu.memory_space<vmem>>, %arg10: memref<1x128xf32, #tpu.memory_space<vmem>>, %arg11: memref<128x256xf32, #tpu.memory_space<vmem>>, %arg12: memref<128x128xf32, #tpu.memory_space<vmem>>, %arg13: memref<128x1xf32, #tpu.memory_space<vmem>>, %arg14: memref<1x128xf32, #tpu.memory_space<vmem>>, %arg15: memref<1x128xf32, #tpu.memory_space<vmem>>) attributes {dimension_semantics = [#tpu.dimension_semantics<arbitrary>], iteration_bounds = array<i64: 10>, scalar_prefetch = 0 : i64, scratch_operands = 4 : i64, tpu.core_type = #tpu.core_type<tc>, window_params = [{transform_indices = @transform_0, window_bounds = array<i64: 1000, 128>}, {transform_indices = @transform_1, window_bounds = array<i64: 2, 1000, 128>}, {transform_indices = @transform_2, window_bounds = array<i64: 1, 1, 1000>}, {pipeline_mode = #tpu.pipeline_mode<synchronous>, transform_indices = @transform_3, window_bounds = array<i64: 128, 128>}, {pipeline_mode = #tpu.pipeline_mode<synchronous>, transform_indices = @transform_4, window_bounds = array<i64: 1, 128>}, {pipeline_mode = #tpu.pipeline_mode<synchronous>, transform_indices = @transform_5, window_bounds = array<i64: 128, 128>}, {pipeline_mode = #tpu.pipeline_mode<synchronous>, transform_indices = @transform_6, window_bounds = array<i64: 1, 128>}, {transform_indices = @transform_7, window_bounds = array<i64: 1, 1>}, {pipeline_mode = #tpu.pipeline_mode<synchronous>, transform_indices = @transform_8, window_bounds = array<i64: 1, 128>}, {pipeline_mode = #tpu.pipeline_mode<synchronous>, transform_indices = @transform_9, window_bounds = array<i64: 1, 128>}, {pipeline_mode = #tpu.pipeline_mode<synchronous>, transform_indices = @transform_10, window_bounds = array<i64: 128, 256>}]} {
    %get3A = arith.constant 0 : index
    %get3A_0 = arith.constant 0 : index
    %get3A_1 = vector.load %arg1[%get3A, %get3A_0] : memref<1000x128xf32, #tpu.memory_space<vmem>>, vector<1000x128xf32>
    %get3A_2 = arith.constant 0 : index
    %get3A_3 = arith.constant 0 : index
    %get3A_4 = arith.constant 0 : index
    %get3A_5 = vector.load %arg2[%get3A_2, %get3A_3, %get3A_4] : memref<2x1000x128xf32, #tpu.memory_space<vmem>>, vector<1x1000x128xf32>
    %get3A_6 = vector.shape_cast %get3A_5 : vector<1x1000x128xf32> to vector<1000x128xf32>
    %add3A = arith.addf %get3A_1, %get3A_6 : vector<1000x128xf32>
    %get3A_7 = arith.constant 1 : index
    %get3A_8 = arith.constant 0 : index
    %get3A_9 = arith.constant 0 : index
    %get3A_10 = vector.load %arg2[%get3A_7, %get3A_8, %get3A_9] : memref<2x1000x128xf32, #tpu.memory_space<vmem>>, vector<1x1000x128xf32>
    %get3A_11 = vector.shape_cast %get3A_10 : vector<1x1000x128xf32> to vector<1000x128xf32>
    %add3A_12 = arith.addf %add3A, %get3A_11 : vector<1000x128xf32>
    %get3A_13 = arith.constant 0 : index
    %get3A_14 = arith.constant 0 : index
    %get3A_15 = vector.load %arg4[%get3A_13, %get3A_14] : memref<128x128xf32, #tpu.memory_space<vmem>>, vector<128x128xf32>
    %get3A_16 = arith.constant 0 : index
    %get3A_17 = arith.constant 0 : index
    %get3A_18 = vector.load %arg5[%get3A_16, %get3A_17] : memref<1x128xf32, #tpu.memory_space<vmem>>, vector<1x128xf32>
    %get3A_19 = arith.constant 0 : index
    %get3A_20 = arith.constant 0 : index
    %get3A_21 = vector.load %arg6[%get3A_19, %get3A_20] : memref<128x128xf32, #tpu.memory_space<vmem>>, vector<128x128xf32>
    %get3A_22 = arith.constant 0 : index
    %get3A_23 = arith.constant 0 : index
    %get3A_24 = vector.load %arg7[%get3A_22, %get3A_23] : memref<1x128xf32, #tpu.memory_space<vmem>>, vector<1x128xf32>
    %get3A_25 = arith.constant 0 : index
    %get3A_26 = arith.constant 0 : index
    %get3A_27 = memref.load %arg8[%get3A_25, %get3A_26] : memref<1x1xf32, #tpu.memory_space<smem>>
    %dot_general3A = arith.constant dense<0.000000e+00> : vector<1000x128xf32>
    %dot_general3A_28 = tpu.matmul %add3A_12, %get3A_15, %dot_general3A {dimension_numbers = #tpu.dot_dimension_numbers<[1], [0], [0], [1], [0, 0, 1, 1], [], []>, transpose_lhs_hint = false} : vector<1000x128xf32>, vector<128x128xf32>, vector<1000x128xf32> -> vector<1000x128xf32>
    %add3A_29 = vector.broadcast %get3A_18 : vector<1x128xf32> to vector<1000x128xf32>
    %add3A_30 = arith.addf %dot_general3A_28, %add3A_29 : vector<1000x128xf32>
    %max3A = arith.constant 0.000000e+00 : f32
    %max3A_31 = vector.broadcast %max3A : f32 to vector<1000x128xf32>
    %max3A_32 = arith.maximumf %add3A_30, %max3A_31 : vector<1000x128xf32>
    %dot_general3A_33 = arith.constant dense<0.000000e+00> : vector<1000x128xf32>
    %dot_general3A_34 = tpu.matmul %max3A_32, %get3A_21, %dot_general3A_33 {dimension_numbers = #tpu.dot_dimension_numbers<[1], [0], [0], [1], [0, 0, 1, 1], [], []>, transpose_lhs_hint = false} : vector<1000x128xf32>, vector<128x128xf32>, vector<1000x128xf32> -> vector<1000x128xf32>
    %add3A_35 = vector.broadcast %get3A_24 : vector<1x128xf32> to vector<1000x128xf32>
    %add3A_36 = arith.addf %dot_general3A_34, %add3A_35 : vector<1000x128xf32>
    %gt3A = arith.constant 0.000000e+00 : f32
    %gt3A_37 = vector.broadcast %gt3A : f32 to vector<1000x128xf32>
    %gt3A_38 = arith.cmpf ogt, %add3A_36, %gt3A_37 : vector<1000x128xf32>
    %mul3A = vector.broadcast %get3A_27 : f32 to vector<1000x128xf32>
    %mul3A_39 = arith.mulf %mul3A, %add3A_36 : vector<1000x128xf32>
    %select_n3A = arith.select %gt3A_38, %add3A_36, %mul3A_39 : vector<1000x128xi1>, vector<1000x128xf32>
    %get3A_40 = arith.constant 0 : index
    %get3A_41 = arith.constant 0 : index
    %get3A_42 = arith.constant 0 : index
    %get3A_43 = vector.load %arg3[%get3A_40, %get3A_41, %get3A_42] : memref<1x1x1000xi32, #tpu.memory_space<vmem>>, vector<1x1x1000xi32>
    %get3A_44 = vector.shape_cast %get3A_43 : vector<1x1x1000xi32> to vector<1000xi32>
    %iota3A = tpu.iota {dimensions = array<i32: 0>} : vector<128x1000xi32>
    %broadcast_in_dim3A = vector.shape_cast %get3A_44 : vector<1000xi32> to vector<1x1000xi32>
    %eq3A = vector.broadcast %broadcast_in_dim3A : vector<1x1000xi32> to vector<128x1000xi32>
    %eq3A_45 = arith.cmpi eq, %eq3A, %iota3A : vector<128x1000xi32>
    %convert_element_type3A = arith.extui %eq3A_45 : vector<128x1000xi1> to vector<128x1000xi32>
    %convert_element_type3A_46 = arith.sitofp %convert_element_type3A : vector<128x1000xi32> to vector<128x1000xf32>
    %eq3A_47 = arith.constant 0 : i32
    %eq3A_48 = arith.cmpi eq, %arg0, %eq3A_47 : i32
    %convert_element_type3A_49 = arith.extui %eq3A_48 : i1 to i32
    %cond3A = arith.constant 0 : i32
    %cond3A_50 = arith.cmpi ne, %convert_element_type3A_49, %cond3A : i32
    scf.if %cond3A_50 {
      %broadcast_in_dim3A_94 = arith.constant 0.000000e+00 : f32
      %broadcast_in_dim3A_95 = vector.broadcast %broadcast_in_dim3A_94 : f32 to vector<128x128xf32>
      %swap3A_96 = arith.constant 0 : index
      %swap3A_97 = arith.constant 0 : index
      %swap3A_98 = vector.load %arg12[%swap3A_96, %swap3A_97] : memref<128x128xf32, #tpu.memory_space<vmem>>, vector<128x128xf32>
      tpu.vector_store %arg12[%swap3A_96, %swap3A_97], %broadcast_in_dim3A_95 {strides = array<i32>} : memref<128x128xf32, #tpu.memory_space<vmem>>, vector<128x128xf32>,
      %broadcast_in_dim3A_99 = arith.constant 0.000000e+00 : f32
      %broadcast_in_dim3A_100 = vector.broadcast %broadcast_in_dim3A_99 : f32 to vector<128x1xf32>
      %swap3A_101 = arith.constant 0 : index
      %swap3A_102 = arith.constant 0 : index
      %swap3A_103 = vector.load %arg13[%swap3A_101, %swap3A_102] : memref<128x1xf32, #tpu.memory_space<vmem>>, vector<128x1xf32>
      tpu.vector_store %arg13[%swap3A_101, %swap3A_102], %broadcast_in_dim3A_100 {strides = array<i32>} : memref<128x1xf32, #tpu.memory_space<vmem>>, vector<128x1xf32>,
      %broadcast_in_dim3A_104 = arith.constant 0.000000e+00 : f32
      %broadcast_in_dim3A_105 = vector.broadcast %broadcast_in_dim3A_104 : f32 to vector<1x128xf32>
      %swap3A_106 = arith.constant 0 : index
      %swap3A_107 = arith.constant 0 : index
      %swap3A_108 = vector.load %arg14[%swap3A_106, %swap3A_107] : memref<1x128xf32, #tpu.memory_space<vmem>>, vector<1x128xf32>
      tpu.vector_store %arg14[%swap3A_106, %swap3A_107], %broadcast_in_dim3A_105 {strides = array<i32>} : memref<1x128xf32, #tpu.memory_space<vmem>>, vector<1x128xf32>,
      %broadcast_in_dim3A_109 = arith.constant 0.000000e+00 : f32
      %broadcast_in_dim3A_110 = vector.broadcast %broadcast_in_dim3A_109 : f32 to vector<1x128xf32>
      %swap3A_111 = arith.constant 0 : index
      %swap3A_112 = arith.constant 0 : index
      %swap3A_113 = vector.load %arg15[%swap3A_111, %swap3A_112] : memref<1x128xf32, #tpu.memory_space<vmem>>, vector<1x128xf32>
      tpu.vector_store %arg15[%swap3A_111, %swap3A_112], %broadcast_in_dim3A_110 {strides = array<i32>} : memref<1x128xf32, #tpu.memory_space<vmem>>, vector<1x128xf32>,
    } else {
    }
    %get3A_51 = arith.constant 0 : index
    %get3A_52 = arith.constant 0 : index
    %get3A_53 = vector.load %arg12[%get3A_51, %get3A_52] : memref<128x128xf32, #tpu.memory_space<vmem>>, vector<128x128xf32>
    %dot_general3A_54 = arith.constant dense<0.000000e+00> : vector<128x128xf32>
    %dot_general3A_55 = tpu.matmul %convert_element_type3A_46, %select_n3A, %dot_general3A_54 {dimension_numbers = #tpu.dot_dimension_numbers<[1], [0], [0], [1], [0, 0, 1, 1], [], []>, precision = #tpu.contract_precision<fp32>, transpose_lhs_hint = false} : vector<128x1000xf32>, vector<1000x128xf32>, vector<128x128xf32> -> vector<128x128xf32>
    %add3A_56 = arith.addf %get3A_53, %dot_general3A_55 : vector<128x128xf32>
    %swap3A = arith.constant 0 : index
    %swap3A_57 = arith.constant 0 : index
    %swap3A_58 = vector.load %arg12[%swap3A, %swap3A_57] : memref<128x128xf32, #tpu.memory_space<vmem>>, vector<128x128xf32>
    tpu.vector_store %arg12[%swap3A, %swap3A_57], %add3A_56 {strides = array<i32>} : memref<128x128xf32, #tpu.memory_space<vmem>>, vector<128x128xf32>,
    %get3A_59 = arith.constant 0 : index
    %get3A_60 = arith.constant 0 : index
    %get3A_61 = vector.load %arg13[%get3A_59, %get3A_60] : memref<128x1xf32, #tpu.memory_space<vmem>>, vector<128x1xf32>
    %reduce_sum3A = arith.constant dense<0.000000e+00> : vector<128xf32>
    %reduce_sum3A_62 = vector.multi_reduction <add>, %convert_element_type3A_46, %reduce_sum3A [1] : vector<128x1000xf32> to vector<128xf32>
    %broadcast_in_dim3A_63 = vector.shape_cast %reduce_sum3A_62 : vector<128xf32> to vector<128x1xf32>
    %add3A_64 = arith.addf %get3A_61, %broadcast_in_dim3A_63 : vector<128x1xf32>
    %swap3A_65 = arith.constant 0 : index
    %swap3A_66 = arith.constant 0 : index
    %swap3A_67 = vector.load %arg13[%swap3A_65, %swap3A_66] : memref<128x1xf32, #tpu.memory_space<vmem>>, vector<128x1xf32>
    tpu.vector_store %arg13[%swap3A_65, %swap3A_66], %add3A_64 {strides = array<i32>} : memref<128x1xf32, #tpu.memory_space<vmem>>, vector<128x1xf32>,
    %get3A_68 = arith.constant 0 : index
    %get3A_69 = arith.constant 0 : index
    %get3A_70 = vector.load %arg14[%get3A_68, %get3A_69] : memref<1x128xf32, #tpu.memory_space<vmem>>, vector<1x128xf32>
    %reduce_sum3A_71 = arith.constant dense<0.000000e+00> : vector<128xf32>
    %reduce_sum3A_72 = vector.multi_reduction <add>, %select_n3A, %reduce_sum3A_71 [0] : vector<1000x128xf32> to vector<128xf32>
    %broadcast_in_dim3A_73 = vector.shape_cast %reduce_sum3A_72 : vector<128xf32> to vector<1x128xf32>
    %add3A_74 = arith.addf %get3A_70, %broadcast_in_dim3A_73 : vector<1x128xf32>
    %swap3A_75 = arith.constant 0 : index
    %swap3A_76 = arith.constant 0 : index
    %swap3A_77 = vector.load %arg14[%swap3A_75, %swap3A_76] : memref<1x128xf32, #tpu.memory_space<vmem>>, vector<1x128xf32>
    tpu.vector_store %arg14[%swap3A_75, %swap3A_76], %add3A_74 {strides = array<i32>} : memref<1x128xf32, #tpu.memory_space<vmem>>, vector<1x128xf32>,
    %get3A_78 = arith.constant 0 : index
    %get3A_79 = arith.constant 0 : index
    %get3A_80 = vector.load %arg15[%get3A_78, %get3A_79] : memref<1x128xf32, #tpu.memory_space<vmem>>, vector<1x128xf32>
    %mul3A_81 = arith.mulf %select_n3A, %select_n3A : vector<1000x128xf32>
    %reduce_sum3A_82 = arith.constant dense<0.000000e+00> : vector<128xf32>
    %reduce_sum3A_83 = vector.multi_reduction <add>, %mul3A_81, %reduce_sum3A_82 [0] : vector<1000x128xf32> to vector<128xf32>
    %broadcast_in_dim3A_84 = vector.shape_cast %reduce_sum3A_83 : vector<128xf32> to vector<1x128xf32>
    %add3A_85 = arith.addf %get3A_80, %broadcast_in_dim3A_84 : vector<1x128xf32>
    %swap3A_86 = arith.constant 0 : index
    %swap3A_87 = arith.constant 0 : index
    %swap3A_88 = vector.load %arg15[%swap3A_86, %swap3A_87] : memref<1x128xf32, #tpu.memory_space<vmem>>, vector<1x128xf32>
    tpu.vector_store %arg15[%swap3A_86, %swap3A_87], %add3A_85 {strides = array<i32>} : memref<1x128xf32, #tpu.memory_space<vmem>>, vector<1x128xf32>,
    %eq3A_89 = arith.constant 9 : i32
    %eq3A_90 = arith.cmpi eq, %arg0, %eq3A_89 : i32
    %convert_element_type3A_91 = arith.extui %eq3A_90 : i1 to i32
    %cond3A_92 = arith.constant 0 : i32
    %cond3A_93 = arith.cmpi ne, %convert_element_type3A_91, %cond3A_92 : i32
    scf.if %cond3A_93 {
      %get3A_94 = arith.constant 0 : index
      %get3A_95 = arith.constant 0 : index
      %get3A_96 = vector.load %arg14[%get3A_94, %get3A_95] : memref<1x128xf32, #tpu.memory_space<vmem>>, vector<1x128xf32>
      %div3A = arith.constant 1.000000e+04 : f32
      %div3A_97 = vector.broadcast %div3A : f32 to vector<1x128xf32>
      %div3A_98 = arith.divf %get3A_96, %div3A_97 : vector<1x128xf32>
      %get3A_99 = arith.constant 0 : index
      %get3A_100 = arith.constant 0 : index
      %get3A_101 = vector.load %arg15[%get3A_99, %get3A_100] : memref<1x128xf32, #tpu.memory_space<vmem>>, vector<1x128xf32>
      %div3A_102 = arith.constant 1.000000e+04 : f32
      %div3A_103 = vector.broadcast %div3A_102 : f32 to vector<1x128xf32>
      %div3A_104 = arith.divf %get3A_101, %div3A_103 : vector<1x128xf32>
      %mul3A_105 = arith.mulf %div3A_98, %div3A_98 : vector<1x128xf32>
      %sub3A = arith.subf %div3A_104, %mul3A_105 : vector<1x128xf32>
      %get3A_106 = arith.constant 0 : index
      %get3A_107 = arith.constant 0 : index
      %get3A_108 = vector.load %arg9[%get3A_106, %get3A_107] : memref<1x128xf32, #tpu.memory_space<vmem>>, vector<1x128xf32>
      %add3A_109 = arith.constant 9.99999974E-6 : f32
      %add3A_110 = vector.broadcast %add3A_109 : f32 to vector<1x128xf32>
      %add3A_111 = arith.addf %sub3A, %add3A_110 : vector<1x128xf32>
      %sqrt3A = math.sqrt %add3A_111 : vector<1x128xf32>
      %div3A_112 = arith.divf %get3A_108, %sqrt3A : vector<1x128xf32>
      %get3A_113 = arith.constant 0 : index
      %get3A_114 = arith.constant 0 : index
      %get3A_115 = vector.load %arg10[%get3A_113, %get3A_114] : memref<1x128xf32, #tpu.memory_space<vmem>>, vector<1x128xf32>
      %mul3A_116 = arith.mulf %div3A_98, %div3A_112 : vector<1x128xf32>
      %sub3A_117 = arith.subf %get3A_115, %mul3A_116 : vector<1x128xf32>
      %get3A_118 = arith.constant 0 : index
      %get3A_119 = arith.constant 0 : index
      %get3A_120 = vector.load %arg12[%get3A_118, %get3A_119] : memref<128x128xf32, #tpu.memory_space<vmem>>, vector<128x128xf32>
      %mul3A_121 = vector.broadcast %div3A_112 : vector<1x128xf32> to vector<128x128xf32>
      %mul3A_122 = arith.mulf %get3A_120, %mul3A_121 : vector<128x128xf32>
      %get3A_123 = arith.constant 0 : index
      %get3A_124 = arith.constant 0 : index
      %get3A_125 = vector.load %arg13[%get3A_123, %get3A_124] : memref<128x1xf32, #tpu.memory_space<vmem>>, vector<128x1xf32>
      %mul3A_126 = vector.broadcast %get3A_125 : vector<128x1xf32> to vector<128x128xf32>
      %mul3A_127 = vector.broadcast %sub3A_117 : vector<1x128xf32> to vector<128x128xf32>
      %mul3A_128 = arith.mulf %mul3A_126, %mul3A_127 : vector<128x128xf32>
      %add3A_129 = arith.addf %mul3A_122, %mul3A_128 : vector<128x128xf32>
      %swap3A_130 = arith.constant 0 : index
      %swap3A_131 = arith.constant 0 : index
      %swap3A_132 = vector.load %arg11[%swap3A_130, %swap3A_131] : memref<128x256xf32, #tpu.memory_space<vmem>>, vector<128x128xf32>
      tpu.vector_store %arg11[%swap3A_130, %swap3A_131], %add3A_129 {strides = array<i32>} : memref<128x256xf32, #tpu.memory_space<vmem>>, vector<128x128xf32>,
      %swap3A_133 = arith.constant 0 : index
      %swap3A_134 = arith.constant 128 : index
      %swap3A_135 = vector.load %arg11[%swap3A_133, %swap3A_134] : memref<128x256xf32, #tpu.memory_space<vmem>>, vector<128x128xf32>
      tpu.vector_store %arg11[%swap3A_133, %swap3A_134], %add3A_129 {strides = array<i32>} : memref<128x256xf32, #tpu.memory_space<vmem>>, vector<128x128xf32>,
    } else {
    }
    return
  }
  func.func @transform_0(%arg0: i32) -> (i32, i32) {
    %c0_i32 = arith.constant 0 : i32
    %c0_i32_0 = arith.constant 0 : i32
    return %arg0, %c0_i32 : i32, i32
  }
  func.func @transform_1(%arg0: i32) -> (i32, i32, i32) {
    %c0_i32 = arith.constant 0 : i32
    %c0_i32_0 = arith.constant 0 : i32
    %c0_i32_1 = arith.constant 0 : i32
    return %c0_i32, %arg0, %c0_i32_0 : i32, i32, i32
  }
  func.func @transform_2(%arg0: i32) -> (i32, i32, i32) {
    %c0_i32 = arith.constant 0 : i32
    %c0_i32_0 = arith.constant 0 : i32
    %c0_i32_1 = arith.constant 0 : i32
    return %arg0, %c0_i32, %c0_i32_0 : i32, i32, i32
  }
  func.func @transform_3(%arg0: i32) -> (i32, i32) {
    %c0_i32 = arith.constant 0 : i32
    %c0_i32_0 = arith.constant 0 : i32
    %c0_i32_1 = arith.constant 0 : i32
    return %c0_i32, %c0_i32_0 : i32, i32
  }
  func.func @transform_4(%arg0: i32) -> (i32, i32) {
    %c0_i32 = arith.constant 0 : i32
    %c0_i32_0 = arith.constant 0 : i32
    %c0_i32_1 = arith.constant 0 : i32
    return %c0_i32, %c0_i32_0 : i32, i32
  }
  func.func @transform_5(%arg0: i32) -> (i32, i32) {
    %c0_i32 = arith.constant 0 : i32
    %c0_i32_0 = arith.constant 0 : i32
    %c0_i32_1 = arith.constant 0 : i32
    return %c0_i32, %c0_i32_0 : i32, i32
  }
  func.func @transform_6(%arg0: i32) -> (i32, i32) {
    %c0_i32 = arith.constant 0 : i32
    %c0_i32_0 = arith.constant 0 : i32
    %c0_i32_1 = arith.constant 0 : i32
    return %c0_i32, %c0_i32_0 : i32, i32
  }
  func.func @transform_7(%arg0: i32) -> (i32, i32) {
    %c0_i32 = arith.constant 0 : i32
    %c0_i32_0 = arith.constant 0 : i32
    %c0_i32_1 = arith.constant 0 : i32
    return %c0_i32, %c0_i32_0 : i32, i32
  }
  func.func @transform_8(%arg0: i32) -> (i32, i32) {
    %c0_i32 = arith.constant 0 : i32
    %c0_i32_0 = arith.constant 0 : i32
    %c0_i32_1 = arith.constant 0 : i32
    return %c0_i32, %c0_i32_0 : i32, i32
  }
  func.func @transform_9(%arg0: i32) -> (i32, i32) {
    %c0_i32 = arith.constant 0 : i32
    %c0_i32_0 = arith.constant 0 : i32
    %c0_i32_1 = arith.constant 0 : i32
    return %c0_i32, %c0_i32_0 : i32, i32
  }
  func.func @transform_10(%arg0: i32) -> (i32, i32) {
    %c0_i32 = arith.constant 0 : i32
    %c0_i32_0 = arith.constant 0 : i32
    %c0_i32_1 = arith.constant 0 : i32
    return %c0_i32, %c0_i32_0 : i32, i32
  }
}

</mosaic_0001>

<sc_bundles>
// kernel: kernel.6.cloned.1.call-start
scs
__scs_entry_jumppad:
0x0: {  	(pc) =	sbr.rel $0x88, $3  }
0x1: {  	(tag) =	ssettag $0x0;
	lr =	simm.s32 $0x1  }
0x2: {  	[smem:$0x3F93] =	sst lr;
	_ =	strace $0xD0000000  }
0x3: {  	_ = 	snop  }
0x4: {  	_ = 	snop  }
0x5: {  	_ = 	snop  }
0x6: {  	_ = 	snop  }
0x7: {  	_ = 	snop  }
__scs_overlays_trampoline_lowered:
0x8: {  	[smem:$0x3FA2] =	sst s0  }
0x9: {  	[smem:$0x3FA3] =	sst s1  }
0xa: {  	[smem:$0x3FA4] =	sst s2  }
0xb: {  	[smem:$0x3FA5] =	sst s3  }
0xc: {  	[smem:$0x3FA6] =	sst s4  }
0xd: {  	[smem:$0x3FA7] =	sst s5  }
0xe: {  	[smem:$0x3FA8] =	sst s6  }
0xf: {  	[smem:$0x3FA9] =	sst s7  }
0x10: {  	[smem:$0x3FAA] =	sst s8  }
0x11: {  	[smem:$0x3FAB] =	sst s9;
	s0 =	simm.s32 @!p0 $0x0  }
0x12: {  	s1 =	sld [smem:$0x3F91];
	s0 =	simm.s32 @p0 $0x1  }
0x13: {  	[smem:$0x3FAC] =	sst s0;
	s0 =	simm.s32 @!p1 $0x0  }
0x14: {  	s2 =	sld [smem:$0x3F90];
	s0 =	simm.s32 @p1 $0x1  }
0x15: {  	[smem:$0x3FAD] =	sst s0;
	s0 =	simm.s32 @!p2 $0x0  }
0x16: {  	s3 =	sld [smem:$0x3FDB];
	s0 =	simm.s32 @p2 $0x1  }
0x17: {  	s4 =	simm.s32 $0x1BF5;
	[smem:$0x3FAF] =	sst s0  }
0x18: {  	s0 =	sld [smem:$0x3F92];
	_ =	swait.ge [sflag:s4], $0x0  }
0x19: {  	s7 =	sld [smem:$0x3F93]  }
0x1a: {  	s8 =	sadd.s32 $0xFFFFE003, lr  }
0x1b: {  	s9 =	sadd.s32 $0xFFFFFEF7, lr;
	s5 =	simm.s32 $0xFFFFFFFF;
	p2 =	slt.u32 s8, $0xFFFFF086  }
0x1c: {  	p1 =	slt.u32 s9, $0xF7A;
	s5 =	simm.s32 @!p2 $0x0  }
0x1d: {  	s5 =	simm.s32 @p1 $0x1;
	p0 =	seq.s32 s7, s2  }
0x1e: {  	s7 =	smul.u32 @!p0 $0xF7A, s2;
	p2 =	seq.s32 @!p0 s5, $0x0  }
0x1f: {  	s9 =	smul.u32 $0xF7A, s1;
	s8 =	simm.s32 @!p0 $0x1BF5;
	p2 =	por !p2, p0  }
0x20: {  	[sflag:s8] =	ssyncset.s32 @!p0 $0xFFFFF086;
	s6 =	sadd.s32 @!p0 s3, s7;
	s7 =	simm.s32 @!p0 $0x108  }
0x21: {  	s3 =	sadd.s32 s3, s9;
	s6 =	sadd.s32 @!p0 $0x88, s6;
	s7 =	simm.s32 @p2 $0x1082  }
0x22: {  	[simem:s7], [sflag:s8] =	dma.local @!p0 [hbm:s6], $0xF7A  }
0x23: {  	s9 =	sor.u32 $0xD0000000, s2;
	s6 =	simm.s32 $0x108;
	_ =	swait.ge @!p0 [sflag:s8], $0x0  }
0x24: {  	s3 =	sadd.s32 $0x88, s3;
	s6 =	simm.s32 @!p1 $0x1082;
	[sflag:s4] =	ssyncset.s32 $0xFFFFF086  }
0x25: {  	[simem:s6], [sflag:s4] =	dma.local [hbm:s3], $0xF7A  }
0x26: {  	[smem:$0x3F93] =	sst s1;
	(tag) =	ssettag s2;
	_ =	strace s9  }
0x27: {  	s1 =	sld [smem:$0x3FA3]  }
0x28: {  	s2 =	sld [smem:$0x3FA4]  }
0x29: {  	s4 =	sld [smem:$0x3FA6]  }
0x2a: {  	p0 =	seq.s32 s5, $0x0;
	s5 =	sld [smem:$0x3FA7]  }
0x2b: {  	s6 =	sld [smem:$0x3FA8]  }
0x2c: {  	s7 =	sld [smem:$0x3FA9]  }
0x2d: {  	s3 =	simm.s32 $0x108;
	s8 =	sld [smem:$0x3FAA]  }
0x2e: {  	s3 =	simm.s32 @!p0 $0x1082;
	s9 =	sld [smem:$0x3FAB]  }
0x2f: {  	lr =	sadd.s32 s0, s3;
	s0 =	sld [smem:$0x3FA2]  }
0x30: {  	s3 =	sld [smem:$0x3FA5]  }
0x31: {  	[smem:$0x3FAE] =	sst s10  }
0x32: {  	s10 =	sld [smem:$0x3FAC];
	_ =	sdelay $0x3  }
0x33: {  	p0 =	seq.s32 s10, $0x1;
	s10 =	sld [smem:$0x3FAE];
	_ =	sdelay $0x3  }
0x34: {  	[smem:$0x3FAE] =	sst s10  }
0x35: {  	s10 =	sld [smem:$0x3FAD];
	_ =	sdelay $0x3  }
0x36: {  	p1 =	seq.s32 s10, $0x1;
	s10 =	sld [smem:$0x3FAE];
	_ =	sdelay $0x3  }
0x37: {  	[smem:$0x3FAE] =	sst s10  }
0x38: {  	s10 =	sld [smem:$0x3FAF]  }
0x39: {  	_ = 	snop;
	(pc) =	sbr.ind lr, $3  }
0x3a: {  	_ = 	snop  }
0x3b: {  	_ = 	snop  }
0x3c: {  	p2 =	seq.s32 s10, $0x1;
	s10 =	sld [smem:$0x3FAE]  }
0x3d: {  	_ =	shalt  }
0x3e: {  	_ =	shalt  }
0x3f: {  	_ =	shalt  }
0x40: {  	_ =	shalt  }
0x41: {  	_ =	shalt  }
0x42: {  	_ =	shalt  }
0x43: {  	_ =	shalt  }
0x44: {  	_ =	shalt  }
0x45: {  	_ =	shalt  }
0x46: {  	_ =	shalt  }
0x47: {  	_ =	shalt  }
0x48: {  	_ =	shalt  }
0x49: {  	_ =	shalt  }
0x4a: {  	_ =	shalt  }
0x4b: {  	_ =	shalt  }
0x4c: {  	_ =	shalt  }
0x4d: {  	_ =	shalt  }
0x4e: {  	_ =	shalt  }
0x4f: {  	_ =	shalt  }
0x50: {  	_ =	shalt  }
0x51: {  	_ =	shalt  }
0x52: {  	_ =	shalt  }
0x53: {  	_ =	shalt  }
0x54: {  	_ =	shalt  }
0x55: {  	_ =	shalt  }
0x56: {  	_ =	shalt  }
0x57: {  	_ =	shalt  }
0x58: {  	_ =	shalt  }
0x59: {  	_ =	shalt  }
0x5a: {  	_ =	shalt  }
0x5b: {  	_ =	shalt  }
0x5c: {  	_ =	shalt  }
0x5d: {  	_ =	shalt  }
0x5e: {  	_ =	shalt  }
0x5f: {  	_ =	shalt  }
0x60: {  	_ =	shalt  }
0x61: {  	_ =	shalt  }
0x62: {  	_ =	shalt  }
0x63: {  	_ =	shalt  }
0x64: {  	_ =	shalt  }
0x65: {  	_ =	shalt  }
0x66: {  	_ =	shalt  }
0x67: {  	_ =	shalt  }
0x68: {  	_ =	shalt  }
0x69: {  	_ =	shalt  }
0x6a: {  	_ =	shalt  }
0x6b: {  	_ =	shalt  }
0x6c: {  	_ =	shalt  }
0x6d: {  	_ =	shalt  }
0x6e: {  	_ =	shalt  }
0x6f: {  	_ =	shalt  }
0x70: {  	_ =	shalt  }
0x71: {  	_ =	shalt  }
0x72: {  	_ =	shalt  }
0x73: {  	_ =	shalt  }
0x74: {  	_ =	shalt  }
0x75: {  	_ =	shalt  }
0x76: {  	_ =	shalt  }
0x77: {  	_ =	shalt  }
0x78: {  	_ =	shalt  }
0x79: {  	_ =	shalt  }
0x7a: {  	_ =	shalt  }
0x7b: {  	_ =	shalt  }
0x7c: {  	_ =	shalt  }
0x7d: {  	_ =	shalt  }
0x7e: {  	_ =	shalt  }
0x7f: {  	_ =	shalt  }
0x80: {  	_ =	shalt  }
0x81: {  	_ =	shalt  }
0x82: {  	_ =	shalt  }
0x83: {  	_ =	shalt  }
0x84: {  	_ =	shalt  }
0x85: {  	_ =	shalt  }
0x86: {  	_ =	shalt  }
0x87: {  	_ =	shalt  }
.Lfunc_end0:
.L_simem_size_0:
called_computation_lowered:
.L_overlay_start_0:
0x88: {  	s2 =	sld [smem:$0x3FD9]  }
0x89: {  	s3 =	sld [smem:$0x3FFE];
	_ =	sdelay $0x1  }
0x8a: {  	s1 =	srdreg.scid  }
0x8b: {  	s0 =	sand.u32 $0x1, s1  }
0x8c: {  	s17 =	sshll.u32 s0, $0xA;
	s2 =	sadd.s32 s3, s2  }
0x8d: {  	s2 =	sadd.s32 s2, s17  }
0x8e: {  	[smem:$0x3FBA] =	sst s2  }
0x8f: {  	_ = 	snop  }
0x90: {  	s2 =	sld [smem:$0x3FC9];
	(tm) =	ssettm $0x1  }
0x91: {  	s18 =	sld [smem:$0x3FFB];
	_ =	sdelay $0x3  }
0x92: {  	_ =	strace s18  }
0x93: {  	s3 =	sld [smem:$0x3FFC];
	_ =	sdelay $0x3  }
0x94: {  	_ =	strace s3  }
0x95: {  	s3 =	sld [smem:$0x3FFD];
	_ =	sdelay $0x3  }
0x96: {  	_ =	strace s3  }
0x97: {  	_ =	strace $0x8FFFFFFF  }
0x98: {  	s19 =	sld [smem:$0x3FDB];
	_ =	sdelay $0x1  }
0x99: {  	s4 =	simm.s32 $_scs_section_size  }
0x9a: {  	s5 =	simm.s32 $_size__tile_overlayer_lowered;
	s6 =	simm.s32 $_tile_overlayer_lowered  }
0x9b: {  	s22 =	simm.s32 $0x1BFF;
	s21 =	sshll.u32 s6, $0x1;
	s3 =	sadd.s32 s4, s19  }
0x9c: {  	s7 =	simm.s32 $0x0;
	s20 =	sshll.u32 s5, $0x1;
	s5 =	sadd.s32 s21, s3  }
0x9d: {  	[timem:s7], [sflag:s22] =	dma.local [hbm:s5], s20  }
0x9e: {  	_ =	swait.ge [sflag:s22], s20  }
0x9f: {  	s4 =	ssub.s32 $0x0, s20;
	[sflag:s22] =	ssyncset.done $0x0  }
0xa0: {  	[sflag:s22] =	ssyncadd.s32 s4;
	_ =	sdelay $0x1  }
0xa1: {  	s23 =	simm.s32 $0x1B8B  }
0xa2: {  	_ =	swait.ge [sflag:s23], $0x1  }
0xa3: {  	[sflag:s23] =	ssyncset.done $0x0  }
0xa4: {  	s25 =	simm.s32 $0x1B8E;
	s24 =	sld [smem:$0x3FFE];
	[sflag:s23] =	ssyncadd.s32 $0xFFFFFFFF  }
0xa5: {  	s26 =	simm.s32 $execute0_lowered;
	[smem:$0x3FD2] =	sst s25  }
0xa6: {  	s5 =	sshll.u32 s26, $0x1;
	_ =	strace $0x80000046;
	[dreg:$0x1] =	wrdreg $0xFFFFFFFF  }
0xa7: {  	s28 =	simm.s32 $_size_execute0_lowered;
	s3 =	sadd.s32 s3, s5;
	[dreg:$0x0] =	wrdreg $0x0  }
0xa8: {  	s5 =	sshll.u32 s28, $0x1;
	[dreg:$0x2] =	wrdreg s3  }
0xa9: {  	[dreg:$0x3] =	wrdreg s5  }
0xaa: {  	[dreg:$0x4] =	wrdreg $0xC0  }
0xab: {  	_ =	task [dreg:s7], $0x5FFFF  }
0xac: {  	[dreg:$0x1] =	wrdreg $0xFFFFFFFF  }
0xad: {  	[dreg:$0x0] =	wrdreg $0x60  }
0xae: {  	[dreg:$0x2] =	wrdreg s2  }
0xaf: {  	[dreg:$0x3] =	wrdreg s24  }
0xb0: {  	[dreg:$0x4] =	wrdreg $0xBD000  }
0xb1: {  	[dreg:$0x5] =	wrdreg $0x9  }
0xb2: {  	_ =	task.clear_ibuf [dreg:s7], $0x6FFFF;
	_ =	strace $0x90000046  }
0xb3: {  	s29 =	simm.s32 $0x9;
	_ =	strace $0x80000048  }
0xb4: {  	_ =	swait.ge [sflag:s29], $0x1  }
0xb5: {  	[sflag:s29] =	ssyncadd.s32 $0xFFFFFFFF  }
0xb6: {  	_ =	strace $0x90000048  }
0xb7: {  	_ =	sfence  }
0xb8: {  	s30 =	sld [smem:$0x0];
	_ =	sdelay $0x2  }
0xb9: {  	s31 =	sshll.u32 s1, $0xD;
	s1 =	sshrl.u32 s1, $0x2  }
0xba: {  	s3 =	sand.u32 $0x4000, s31;
	s1 =	sadd.s32 s1, s30  }
0xbb: {  	s0 =	sor.u32 s3, s0;
	s1 =	sshll.u32 s1, $0x11  }
0xbc: {  	s0 =	sor.u32 s1, s0  }
0xbd: {  	s0 =	sadd.s32 $0x8F2B, s0  }
0xbe: {  	[sflag:s0] =	ssyncadd.remote.s32 $0x1  }
0xbf: {  	_ =	sfence.sel $0xFFFF  }
0xc0: {  	[dreg:$0x0] =	wrdreg $0xFFFFFFFF;
	(pc) =	sbr.abs _section_cstart, $3  }
0xc1: {  	[dreg:$0x1] =	wrdreg $0xFFFFFFFF  }
0xc2: {  	_ =	task.clear_ibuf [dreg:s7], $0x2FFFF;
	_ =	strace $0x9FFFFFFF  }
0xc3: {  	(tm) =	ssettm $0x7FFFFFFF  }
tec
execute0_lowered:
.L_overlay_start_1:
0x0: {  	(tag) =	ssettag $0x1  }
0x1: {  	s1 =	rddreg [dreg:$0x0]  }
0x2: {  	s0 =	rddreg [dreg:$0x1]  }
0x3: {  	s2 =	rddreg [dreg:$0x2];
	s3 =	srdreg.scid  }
0x4: {  	s4 =	simm.s32 $0x0;
	s11 =	stileid.u32;
	s17 =	simm.s32 $0x6  }
0x5: {  	s18 =	simm.s32 $0x28;
	s21 =	simm.s32 $0xB;
	s30 =	simm.s32 $0xC  }
0x6: {  	s3 =	sand.u32 $0x1, s3;
	[smem:$0x7FF] =	sst s4;
	s8 =	smul.u32 $0x14000, s11  }
0x7: {  	s5 =	sadd.s32 $0x2600, s0;
	s6 =	sadd.s32 $0x22600, s0;
	s10 =	smul.u32 $0x50000, s11  }
0x8: {  	s12 =	sadd.s32 $0x42600, s0;
	s25 =	sshll.u32 s11, $0x1;
	s28 =	sshll.u32 s11, $0x6  }
0x9: {  	s7 =	smul.u32 $0x140000, s3;
	_ =	strace $0x80000047;
	s23 =	ssub.s32 $0x2, s3  }
0xa: {  	[dreg:$0x4] =	wrdreg s12;
	s3 =	sor.u32 s3, s25;
	s11 =	sor.u32 $0x1C1C, s28  }
0xb: {  	s12 =	simm.s32 $0x0;
	s9 =	sshrl.u32 s23, $0x1;
	s26 =	sshrl.u32 s10, $0x2  }
0xc: {  	s10 =	sshll.u32 s3, $0xC;
	[dreg:$0x5] =	wrdreg s11;
	s7 =	sadd.s32 s8, s7  }
.Ltmp0:
0xd: {  	s24 =	ssub.s32 s23, s9;
	s29 =	sadd.s32 s26, s2;
	(pc) =	sbr.rel .LBB2_1-.Ltmp0, $4  }
0xe: {  	s9 =	sshll.u32 s3, $0xF;
	s7 =	sshrl.u32 s7, $0x3;
	s31 =	smax.u32 s24, $0x1  }
0xf: {  	s0 =	sadd.s32 s7, s0;
	[dreg:$0x7] =	wrdreg s31;
	s7 =	sshrl.u32 s29, $0x3  }
0x10: {  	s8 =	simm.s32 $0x1C;
	s0 =	sadd.s32 $0x44E00, s0;
	[dreg:$0x8] =	wrdreg s7  }
0x11: {  	s26 =	simm.s32 $0x7;
	[dreg:$0x6] =	wrdreg s0;
	s0 =	simm.s32 $0x3100  }
.LBB2_10:
0x12: {  	[bflag:$0x0] =	sbarrier.arrive $0xFFFF  }
0x13: {  	s11 =	rddreg [dreg:$0x5]  }
0x14: {  	s3 =	rddreg [dreg:$0x6]  }
0x15: {  	s8 =	simm.s32 $0x1C;
	s7 =	rddreg [dreg:$0x8]  }
0x16: {  	[hbm:s3], [sflag:s11] =	dma.local [spmem:s7], $0x2800  }
0x17: {  	_ =	swait.ge [sflag:s8], $0x2800  }
0x18: {  	s12 =	rddreg [dreg:$0x9]  }
0x19: {  	s31 =	rddreg [dreg:$0x7];
	s12 =	sadd.s32 $0x1, s12  }
0x1a: {  	p0 =	sne.s32 s12, s31  }
.Ltmp1:
0x1b: {  	_ = 	snop;
	(pc) =	sbr.rel @!p0 .LBB2_11-.Ltmp1, $3  }
0x1c: {  	_ =	sdelay $0x1  }
0x1d: {  	[sflag:s8] =	ssyncset.done $0x0  }
0x1e: {  	[sflag:s8] =	ssyncadd.s32 $0xFFFFD800  }
.LBB2_1:
0x1f: {  	[dreg:$0x9] =	wrdreg s12  }
0x20: {  	s3 =	rddreg [dreg:$0x4]  }
0x21: {  	[spmem:s7], [sflag:s11] =	dma.local [hbm:s3], $0x2800  }
.Ltmp2:
0x22: {  	_ =	swait.ge [sflag:s8], $0x2800;
	(pc) =	sbr.rel .LBB2_2-.Ltmp2, $4  }
0x23: {  	[sflag:s8] =	ssyncset.done $0x0  }
0x24: {  	[sflag:s8] =	ssyncadd.s32 $0xFFFFD800  }
0x25: {  	s12 =	simm.s32 $0xFFFFFFF7;
	s13 =	simm.s32 $0x0;
	[bflag:$0x0] =	sbarrier.arrive $0xFFFF  }
0x26: {  	s7 =	simm.s32 $0x400;
	s11 =	simm.s32 $0x70;
	s8 =	simm.s32 $0x0  }
.LBB2_7:
0x27: {  	s3 =	sand.u32 $0x1FC00, s7  }
0x28: {  	s14 =	sand.u32 $0x380, s8;
	s3 =	sadd.s32 s9, s3  }
0x29: {  	s3 =	sor.u32 s14, s3  }
0x2a: {  	s3 =	sshrl.u32 s3, $0x3  }
0x2b: {  	s15 =	simm.s32 $0x800;
	s29 =	sadd.s32 s5, s3  }
0x2c: {  	[tilespmem:s15], [sflag:$0x9] =	stream.linear.gather [hbm4b:s29+s4], $0x80, $0x38;
	[tilespmem:$0x1FD00] =	vst v63  }
0x2d: {  	s31 =	simm.s32 $0x880;
	s3 =	sadd.s32 s6, s3  }
0x2e: {  	[tilespmem:s31], [sflag:$0x9] =	stream.linear.gather [hbm4b:s3+s4], $0x80, $0x38;
	[tilespmem:$0x1FD00] =	vst v63  }
.LBB2_9:
0x2f: {  	_ =	swait.ge [sflag:s26], $0x80  }
0x30: {  	[sflag:s26] =	ssyncset.done $0x0  }
0x31: {  	[sflag:s26] =	ssyncadd.s32 $0xFFFFFF80  }
0x32: {  	_ =	swait.ge [sflag:s26], $0x80  }
0x33: {  	s3 =	simm.s32 $0x600;
	s12 =	sadd.s32 $0x9, s12;
	[sflag:s26] =	ssyncset.done $0x0  }
0x34: {  	s14 =	simm.s32 $0x8100;
	p0 =	sne.s32 s12, $0xFC;
	[sflag:s26] =	ssyncadd.s32 $0xFFFFFF80  }
0x35: {  	[tilespmem:s14], [sflag:$0x10] =	stream.indirect.gather [hbm4b:s1+s18], $0x80, s3, s18, $0xb8;
	[tilespmem:$0x1FD00] =	vst v63  }
.Ltmp3:
0x36: {  	_ = 	snop;
	(pc) =	sbr.rel @!p0 .LBB2_10-.Ltmp3, $4  }
0x37: {  	s31 =	simm.s32 $0x280;
	_ =	swait.ge [sflag:s30], $0x1400  }
0x38: {  	s13 =	sadd.s32 $0x1, s13;
	s7 =	sadd.s32 $0x480, s7;
	[sflag:s30] =	ssyncset.done $0x0  }
0x39: {  	s8 =	sadd.s32 $0x80, s8;
	s11 =	sadd.s32 $0x90, s11;
	[sflag:s30] =	ssyncadd.s32 $0xFFFFEC00  }
0x3a: {  	[spmem:s2] =	stream.indirect.scatter.add.f32 [tilespmem:s0], [sflag:$0x15], $0x80, s31, s18, $0xb8;
	[tilespmem:$0x1FD00] =	vst v63  }
.LBB2_2:
0x3b: {  	p0 =	seq.s32 s12, $0xF3  }
0x3c: {  	s3 =	sadd.s32 @!p0 $0xFFFFFC00, s7  }
0x3d: {  	p1 =	sgt.u32 s12, $0xF9;
	s3 =	sand.u32 @!p0 $0xFC00, s3  }
0x3e: {  	s14 =	simm.s32 @!p1 $0x13;
	s15 =	sand.u32 @!p0 $0x380, s8;
	s3 =	sadd.s32 @!p0 s9, s3  }
0x3f: {  	_ =	swait.ge @!p1 [sflag:s14], $0x1400;
	s3 =	sor.u32 @!p0 s15, s3  }
0x40: {  	s16 =	sadd.s32 $0x7, s12;
	[sflag:s14] =	ssyncset.done @!p1 $0x0;
	s3 =	sshrl.u32 @!p0 s3, $0x3  }
0x41: {  	[sflag:s14] =	ssyncadd.s32 @!p1 $0xFFFFEC00;
	s15 =	simm.s32 @!p0 $0x0;
	s14 =	sadd.s32 @!p0 s5, s3  }
0x42: {  	[tilespmem:s15], [sflag:$0x1] =	stream.linear.gather @!p0 [hbm4b:s14+s15], $0x80, $0x38;
	[tilespmem:$0x1FD00] =	vst v63  }
0x43: {  	p1 =	sgt.u32 s16, $0xF9;
	s3 =	sadd.s32 @!p0 s6, s3;
	s14 =	simm.s32 @!p0 $0x80  }
0x44: {  	[tilespmem:s14], [sflag:$0x1] =	stream.linear.gather @!p0 [hbm4b:s3+s15], $0x80, $0x38;
	[tilespmem:$0x1FD00] =	vst v63  }
0x45: {  	s3 =	simm.s32 @!p1 $0x8  }
0x46: {  	_ =	swait.ge @!p1 [sflag:s3], $0x80  }
0x47: {  	[sflag:s3] =	ssyncset.done @!p1 $0x0  }
0x48: {  	[sflag:s3] =	ssyncadd.s32 @!p1 $0xFFFFFF80  }
0x49: {  	s19 =	sadd.s32 $0x3, s12;
	_ =	swait.ge @!p1 [sflag:s3], $0x80  }
0x4a: {  	p3 =	sgt.u32 s19, $0xF9;
	s16 =	simm.s32 @!p1 $0x28;
	[sflag:s3] =	ssyncset.done @!p1 $0x0  }
0x4b: {  	s24 =	simm.s32 @!p1 $0x9500;
	[sflag:s3] =	ssyncadd.s32 @!p1 $0xFFFFFF80;
	s3 =	simm.s32 @!p1 $0x700  }
0x4c: {  	[tilespmem:s24], [sflag:$0x11] =	stream.indirect.gather @!p1 [hbm4b:s1+s16], $0x80, s3, s16, $0xb8;
	[tilespmem:$0x1FD00] =	vst v63  }
0x4d: {  	s3 =	simm.s32 @!p3 $0xD  }
0x4e: {  	_ =	swait.ge @!p3 [sflag:s3], $0x1400  }
0x4f: {  	s19 =	simm.s32 @!p3 $0x380;
	[sflag:s3] =	ssyncset.done @!p3 $0x0  }
0x50: {  	s20 =	simm.s32 @!p3 $0x4500;
	[sflag:s3] =	ssyncadd.s32 @!p3 $0xFFFFEC00;
	s3 =	simm.s32 @!p3 $0x28  }
0x51: {  	[spmem:s2] =	stream.indirect.scatter.add.f32 @!p3 [tilespmem:s20], [sflag:$0x16], $0x80, s19, s3, $0xb8;
	[tilespmem:$0x1FD00] =	vst v63  }
0x52: {  	s3 =	sadd.s32 @!p3 $0x1, s12  }
0x53: {  	p2 =	sgt.u32 @!p3 s3, $0xF9  }
0x54: {  	s3 =	sadd.s32 @!p0 $0xFFFFFFA0, s11;
	p2 =	por p2, p3  }
0x55: {  	s20 =	sand.u32 @!p0 $0x3F80, s3;
	s19 =	simm.s32 @!p2 $0x14  }
0x56: {  	s3 =	sand.u32 @!p0 $0x70, s3;
	s20 =	sadd.s32 @!p0 s10, s20;
	_ =	swait.ge @!p2 [sflag:s19], $0x1400  }
0x57: {  	s28 =	sadd.s32 $0x8, s12;
	s3 =	sor.u32 @!p0 s3, s20;
	[sflag:s19] =	ssyncset.done @!p2 $0x0  }
0x58: {  	s22 =	simm.s32 @!p0 $0x100;
	[sflag:s19] =	ssyncadd.s32 @!p2 $0xFFFFEC00;
	s19 =	sadd.s32 @!p0 s5, s3  }
0x59: {  	[tilespmem:s22], [sflag:$0x2] =	stream.linear.gather @!p0 [hbm4b:s19+s15], $0x80, $0x38;
	[tilespmem:$0x1FD00] =	vst v63  }
0x5a: {  	s20 =	simm.s32 @!p0 $0x180;
	s3 =	sadd.s32 @!p0 s6, s3;
	p2 =	sgt.u32 s28, $0xF9  }
0x5b: {  	[tilespmem:s20], [sflag:$0x2] =	stream.linear.gather @!p0 [hbm4b:s3+s15], $0x80, $0x38;
	[tilespmem:$0x1FD00] =	vst v63  }
0x5c: {  	s3 =	simm.s32 @!p2 $0x9  }
0x5d: {  	_ =	swait.ge @!p2 [sflag:s3], $0x80  }
0x5e: {  	[sflag:s3] =	ssyncset.done @!p2 $0x0  }
0x5f: {  	s29 =	sadd.s32 $0x4, s12;
	[sflag:s3] =	ssyncadd.s32 @!p2 $0xFFFFFF80  }
0x60: {  	p4 =	sgt.u32 s29, $0xF9;
	_ =	swait.ge @!p2 [sflag:s3], $0x80  }
0x61: {  	s25 =	simm.s32 @!p2 $0x28;
	s19 =	simm.s32 @!p4 $0xE;
	[sflag:s3] =	ssyncset.done @!p2 $0x0  }
0x62: {  	s20 =	simm.s32 @!p2 $0x800;
	[sflag:s3] =	ssyncadd.s32 @!p2 $0xFFFFFF80;
	s3 =	simm.s32 @!p2 $0xA900  }
0x63: {  	[tilespmem:s3], [sflag:$0x12] =	stream.indirect.gather @!p2 [hbm4b:s1+s25], $0x80, s20, s25, $0xb8;
	[tilespmem:$0x1FD00] =	vst v63  }
0x64: {  	_ =	swait.ge @!p4 [sflag:s19], $0x1400  }
0x65: {  	s31 =	sadd.s32 $0x2, s12;
	s23 =	simm.s32 @!p4 $0x5900;
	[sflag:s19] =	ssyncset.done @!p4 $0x0  }
0x66: {  	s20 =	simm.s32 @!p4 $0x480;
	[sflag:s19] =	ssyncadd.s32 @!p4 $0xFFFFEC00;
	s19 =	simm.s32 @!p4 $0x28  }
0x67: {  	[spmem:s2] =	stream.indirect.scatter.add.f32 @!p4 [tilespmem:s23], [sflag:$0x17], $0x80, s20, s19, $0xb8;
	[tilespmem:$0x1FD00] =	vst v63  }
0x68: {  	p5 =	sgt.u32 s31, $0xF9;
	s19 =	sadd.s32 @!p0 $0xFFFFFFB0, s11  }
0x69: {  	s20 =	simm.s32 @!p5 $0x15;
	s23 =	sand.u32 @!p0 $0x3F80, s19  }
0x6a: {  	_ =	swait.ge @!p5 [sflag:s20], $0x1400;
	s19 =	sand.u32 @!p0 $0x70, s19;
	s23 =	sadd.s32 @!p0 s10, s23  }
0x6b: {  	[sflag:s20] =	ssyncset.done @!p5 $0x0;
	s19 =	sor.u32 @!p0 s19, s23  }
0x6c: {  	[sflag:s20] =	ssyncadd.s32 @!p5 $0xFFFFEC00;
	s23 =	simm.s32 @!p0 $0x200;
	s20 =	sadd.s32 @!p0 s5, s19  }
0x6d: {  	[tilespmem:s23], [sflag:$0x3] =	stream.linear.gather @!p0 [hbm4b:s20+s15], $0x80, $0x38;
	[tilespmem:$0x1FD00] =	vst v63  }
0x6e: {  	s19 =	sadd.s32 @!p0 s6, s19;
	s20 =	simm.s32 @!p0 $0x280  }
0x6f: {  	[tilespmem:s20], [sflag:$0x3] =	stream.linear.gather @!p0 [hbm4b:s19+s15], $0x80, $0x38;
	[tilespmem:$0x1FD00] =	vst v63  }
0x70: {  	s19 =	simm.s32 @!p0 $0x1  }
0x71: {  	_ =	swait.ge @!p0 [sflag:s19], $0x80  }
0x72: {  	[sflag:s19] =	ssyncset.done @!p0 $0x0  }
0x73: {  	s28 =	sadd.s32 $0x5, s12;
	[sflag:s19] =	ssyncadd.s32 @!p0 $0xFFFFFF80  }
0x74: {  	p5 =	sgt.u32 s28, $0xF9;
	_ =	swait.ge @!p0 [sflag:s19], $0x80  }
0x75: {  	s28 =	simm.s32 @!p5 $0xF;
	[sflag:s19] =	ssyncset.done @!p0 $0x0  }
0x76: {  	s20 =	simm.s32 @!p0 $0x900;
	[sflag:s19] =	ssyncadd.s32 @!p0 $0xFFFFFF80;
	s19 =	simm.s32 @!p0 $0x28  }
0x77: {  	[tilespmem:s20], [sflag:$0xA] =	stream.indirect.gather @!p0 [hbm4b:s1+s19], $0x80, s15, s19, $0xb8;
	[tilespmem:$0x1FD00] =	vst v63  }
0x78: {  	_ =	swait.ge @!p5 [sflag:s28], $0x1400  }
0x79: {  	s29 =	simm.s32 @!p5 $0x580;
	[sflag:s28] =	ssyncset.done @!p5 $0x0  }
0x7a: {  	s31 =	simm.s32 @!p5 $0x6D00;
	[sflag:s28] =	ssyncadd.s32 @!p5 $0xFFFFEC00;
	s28 =	simm.s32 @!p5 $0x28  }
0x7b: {  	[spmem:s2] =	stream.indirect.scatter.add.f32 @!p5 [tilespmem:s31], [sflag:$0x18], $0x80, s29, s28, $0xb8;
	[tilespmem:$0x1FD00] =	vst v63  }
0x7c: {  	s28 =	sadd.s32 @!p0 $0xFFFFFFC0, s11  }
0x7d: {  	s29 =	simm.s32 @!p3 $0x16;
	s31 =	sand.u32 @!p0 $0x3F80, s28  }
0x7e: {  	_ =	swait.ge @!p3 [sflag:s29], $0x1400;
	s28 =	sand.u32 @!p0 $0x70, s28;
	s31 =	sadd.s32 @!p0 s10, s31  }
0x7f: {  	[sflag:s29] =	ssyncset.done @!p3 $0x0;
	s31 =	sor.u32 @!p0 s28, s31  }
0x80: {  	[sflag:s29] =	ssyncadd.s32 @!p3 $0xFFFFEC00;
	s28 =	simm.s32 @!p0 $0x300;
	s29 =	sadd.s32 @!p0 s5, s31  }
0x81: {  	[tilespmem:s28], [sflag:$0x4] =	stream.linear.gather @!p0 [hbm4b:s29+s15], $0x80, $0x38;
	[tilespmem:$0x1FD00] =	vst v63  }
0x82: {  	s29 =	sadd.s32 @!p0 s6, s31;
	s31 =	simm.s32 @!p0 $0x380  }
0x83: {  	[tilespmem:s31], [sflag:$0x4] =	stream.linear.gather @!p0 [hbm4b:s29+s15], $0x80, $0x38;
	[tilespmem:$0x1FD00] =	vst v63  }
0x84: {  	s29 =	simm.s32 @!p0 $0x2  }
0x85: {  	_ =	swait.ge @!p0 [sflag:s29], $0x80  }
0x86: {  	[sflag:s29] =	ssyncset.done @!p0 $0x0  }
0x87: {  	[sflag:s29] =	ssyncadd.s32 @!p0 $0xFFFFFF80  }
0x88: {  	_ =	swait.ge @!p0 [sflag:s29], $0x80  }
0x89: {  	s31 =	sadd.s32 $0x6, s12;
	[sflag:s29] =	ssyncset.done @!p0 $0x0  }
0x8a: {  	p3 =	sgt.u32 s31, $0xF9;
	[sflag:s29] =	ssyncadd.s32 @!p0 $0xFFFFFF80;
	s29 =	simm.s32 @!p0 $0x1D00  }
0x8b: {  	[tilespmem:s29], [sflag:$0xB] =	stream.indirect.gather @!p0 [hbm4b:s1+s19], $0x80, s22, s19, $0xb8;
	[tilespmem:$0x1FD00] =	vst v63  }
0x8c: {  	s22 =	simm.s32 @!p3 $0x10  }
0x8d: {  	_ =	swait.ge @!p3 [sflag:s22], $0x1400  }
0x8e: {  	s31 =	simm.s32 @!p3 $0x8100;
	[sflag:s22] =	ssyncset.done @!p3 $0x0  }
0x8f: {  	s29 =	simm.s32 @!p3 $0x680;
	[sflag:s22] =	ssyncadd.s32 @!p3 $0xFFFFEC00;
	s22 =	simm.s32 @!p3 $0x28  }
0x90: {  	[spmem:s2] =	stream.indirect.scatter.add.f32 @!p3 [tilespmem:s31], [sflag:$0x19], $0x80, s29, s22, $0xb8;
	[tilespmem:$0x1FD00] =	vst v63  }
0x91: {  	s22 =	sadd.s32 @!p0 $0xFFFFFFD0, s11  }
0x92: {  	s29 =	simm.s32 @!p4 $0x17;
	s31 =	sand.u32 @!p0 $0x3F80, s22  }
0x93: {  	_ =	swait.ge @!p4 [sflag:s29], $0x1400;
	s22 =	sand.u32 @!p0 $0x70, s22;
	s31 =	sadd.s32 @!p0 s10, s31  }
0x94: {  	[sflag:s29] =	ssyncset.done @!p4 $0x0;
	s31 =	sor.u32 @!p0 s22, s31  }
0x95: {  	[sflag:s29] =	ssyncadd.s32 @!p4 $0xFFFFEC00;
	s22 =	simm.s32 @!p0 $0x400;
	s29 =	sadd.s32 @!p0 s5, s31  }
0x96: {  	[tilespmem:s22], [sflag:$0x5] =	stream.linear.gather @!p0 [hbm4b:s29+s15], $0x80, $0x38;
	[tilespmem:$0x1FD00] =	vst v63  }
0x97: {  	s29 =	sadd.s32 @!p0 s6, s31;
	s31 =	simm.s32 @!p0 $0x480  }
0x98: {  	[tilespmem:s31], [sflag:$0x5] =	stream.linear.gather @!p0 [hbm4b:s29+s15], $0x80, $0x38;
	[tilespmem:$0x1FD00] =	vst v63  }
0x99: {  	s29 =	simm.s32 @!p0 $0x3  }
0x9a: {  	_ =	swait.ge @!p0 [sflag:s29], $0x80  }
0x9b: {  	[sflag:s29] =	ssyncset.done @!p0 $0x0  }
0x9c: {  	[sflag:s29] =	ssyncadd.s32 @!p0 $0xFFFFFF80  }
0x9d: {  	_ =	swait.ge @!p0 [sflag:s29], $0x80  }
0x9e: {  	[sflag:s29] =	ssyncset.done @!p0 $0x0  }
0x9f: {  	[sflag:s29] =	ssyncadd.s32 @!p0 $0xFFFFFF80;
	s29 =	simm.s32 @!p0 $0x3100  }
0xa0: {  	[tilespmem:s29], [sflag:$0xC] =	stream.indirect.gather @!p0 [hbm4b:s1+s19], $0x80, s23, s19, $0xb8;
	[tilespmem:$0x1FD00] =	vst v63  }
0xa1: {  	s23 =	simm.s32 @!p1 $0x11  }
0xa2: {  	_ =	swait.ge @!p1 [sflag:s23], $0x1400  }
0xa3: {  	[sflag:s23] =	ssyncset.done @!p1 $0x0  }
0xa4: {  	[sflag:s23] =	ssyncadd.s32 @!p1 $0xFFFFEC00;
	s23 =	simm.s32 @!p1 $0x780  }
0xa5: {  	[spmem:s2] =	stream.indirect.scatter.add.f32 @!p1 [tilespmem:s24], [sflag:$0x1A], $0x80, s23, s16, $0xb8;
	[tilespmem:$0x1FD00] =	vst v63  }
0xa6: {  	s16 =	sadd.s32 @!p0 $0xFFFFFFE0, s11  }
0xa7: {  	s23 =	simm.s32 @!p5 $0x18;
	s24 =	sand.u32 @!p0 $0x3F80, s16  }
0xa8: {  	_ =	swait.ge @!p5 [sflag:s23], $0x1400;
	s16 =	sand.u32 @!p0 $0x70, s16;
	s24 =	sadd.s32 @!p0 s10, s24  }
0xa9: {  	[sflag:s23] =	ssyncset.done @!p5 $0x0;
	s16 =	sor.u32 @!p0 s16, s24  }
0xaa: {  	[sflag:s23] =	ssyncadd.s32 @!p5 $0xFFFFEC00;
	s24 =	simm.s32 @!p0 $0x500;
	s23 =	sadd.s32 @!p0 s5, s16  }
0xab: {  	[tilespmem:s24], [sflag:$0x6] =	stream.linear.gather @!p0 [hbm4b:s23+s15], $0x80, $0x38;
	[tilespmem:$0x1FD00] =	vst v63  }
0xac: {  	s16 =	sadd.s32 @!p0 s6, s16;
	s23 =	simm.s32 @!p0 $0x580  }
0xad: {  	[tilespmem:s23], [sflag:$0x6] =	stream.linear.gather @!p0 [hbm4b:s16+s15], $0x80, $0x38;
	[tilespmem:$0x1FD00] =	vst v63  }
0xae: {  	s16 =	simm.s32 @!p0 $0x4  }
0xaf: {  	_ =	swait.ge @!p0 [sflag:s16], $0x80  }
0xb0: {  	[sflag:s16] =	ssyncset.done @!p0 $0x0  }
0xb1: {  	[sflag:s16] =	ssyncadd.s32 @!p0 $0xFFFFFF80  }
0xb2: {  	_ =	swait.ge @!p0 [sflag:s16], $0x80  }
0xb3: {  	[sflag:s16] =	ssyncset.done @!p0 $0x0  }
0xb4: {  	[sflag:s16] =	ssyncadd.s32 @!p0 $0xFFFFFF80;
	s16 =	simm.s32 @!p0 $0x4500  }
0xb5: {  	[tilespmem:s16], [sflag:$0xD] =	stream.indirect.gather @!p0 [hbm4b:s1+s19], $0x80, s28, s19, $0xb8;
	[tilespmem:$0x1FD00] =	vst v63  }
0xb6: {  	s16 =	simm.s32 @!p2 $0x12  }
0xb7: {  	_ =	swait.ge @!p2 [sflag:s16], $0x1400  }
0xb8: {  	[sflag:s16] =	ssyncset.done @!p2 $0x0  }
0xb9: {  	[sflag:s16] =	ssyncadd.s32 @!p2 $0xFFFFEC00;
	s16 =	simm.s32 @!p2 $0x880  }
0xba: {  	[spmem:s2] =	stream.indirect.scatter.add.f32 @!p2 [tilespmem:s3], [sflag:$0x1B], $0x80, s16, s25, $0xb8;
	[tilespmem:$0x1FD00] =	vst v63  }
0xbb: {  	s3 =	sadd.s32 @!p0 $0xFFFFFFF0, s11  }
0xbc: {  	s16 =	simm.s32 @!p3 $0x19;
	s23 =	sand.u32 @!p0 $0x3F80, s3  }
0xbd: {  	_ =	swait.ge @!p3 [sflag:s16], $0x1400;
	s3 =	sand.u32 @!p0 $0x70, s3;
	s23 =	sadd.s32 @!p0 s10, s23  }
0xbe: {  	[sflag:s16] =	ssyncset.done @!p3 $0x0;
	s3 =	sor.u32 @!p0 s3, s23  }
0xbf: {  	[sflag:s16] =	ssyncadd.s32 @!p3 $0xFFFFEC00;
	s23 =	simm.s32 @!p0 $0x600;
	s16 =	sadd.s32 @!p0 s5, s3  }
0xc0: {  	[tilespmem:s23], [sflag:$0x7] =	stream.linear.gather @!p0 [hbm4b:s16+s15], $0x80, $0x38;
	[tilespmem:$0x1FD00] =	vst v63  }
0xc1: {  	s3 =	sadd.s32 @!p0 s6, s3;
	s16 =	simm.s32 @!p0 $0x680  }
0xc2: {  	[tilespmem:s16], [sflag:$0x7] =	stream.linear.gather @!p0 [hbm4b:s3+s15], $0x80, $0x38;
	[tilespmem:$0x1FD00] =	vst v63  }
0xc3: {  	s3 =	simm.s32 @!p0 $0x5  }
0xc4: {  	_ =	swait.ge @!p0 [sflag:s3], $0x80  }
0xc5: {  	[sflag:s3] =	ssyncset.done @!p0 $0x0  }
0xc6: {  	[sflag:s3] =	ssyncadd.s32 @!p0 $0xFFFFFF80  }
0xc7: {  	_ =	swait.ge @!p0 [sflag:s3], $0x80  }
0xc8: {  	[sflag:s3] =	ssyncset.done @!p0 $0x0  }
0xc9: {  	[sflag:s3] =	ssyncadd.s32 @!p0 $0xFFFFFF80;
	s3 =	simm.s32 @!p0 $0x5900  }
0xca: {  	[tilespmem:s3], [sflag:$0xE] =	stream.indirect.gather @!p0 [hbm4b:s1+s19], $0x80, s22, s19, $0xb8;
	[tilespmem:$0x1FD00] =	vst v63  }
0xcb: {  	s3 =	simm.s32 @!p0 $0xA  }
0xcc: {  	_ =	swait.ge @!p0 [sflag:s3], $0x1400  }
0xcd: {  	p3 =	sgt.u32 s13, $0x1A;
	[sflag:s3] =	ssyncset.done @!p0 $0x0  }
.Ltmp4:
0xce: {  	[sflag:s3] =	ssyncadd.s32 @!p0 $0xFFFFEC00;
	s3 =	simm.s32 @!p1 $0x1A;
	(pc) =	sbr.rel @p3 .LBB2_4-.Ltmp4, $4  }
0xcf: {  	[spmem:s2] =	stream.indirect.scatter.add.f32 @!p0 [tilespmem:s20], [sflag:$0x13], $0x80, s14, s19, $0xb8;
	[tilespmem:$0x1FD00] =	vst v63  }
0xd0: {  	_ =	swait.ge @!p1 [sflag:s3], $0x1400  }
0xd1: {  	[sflag:s3] =	ssyncset.done @!p1 $0x0  }
0xd2: {  	[sflag:s3] =	ssyncadd.s32 @!p1 $0xFFFFEC00  }
0xd3: {  	s3 =	sand.u32 $0x3F80, s11  }
0xd4: {  	s14 =	sand.u32 $0x70, s11;
	s3 =	sadd.s32 s10, s3  }
.Ltmp5:
0xd5: {  	s3 =	sor.u32 s14, s3;
	(pc) =	sbr.rel .LBB2_5-.Ltmp5, $4  }
0xd6: {  	s15 =	simm.s32 $0x700;
	s14 =	sadd.s32 s5, s3  }
0xd7: {  	[tilespmem:s15], [sflag:$0x8] =	stream.linear.gather [hbm4b:s14+s4], $0x80, $0x38;
	[tilespmem:$0x1FD00] =	vst v63  }
0xd8: {  	s31 =	simm.s32 $0x780;
	s3 =	sadd.s32 s6, s3  }
0xd9: {  	[tilespmem:s31], [sflag:$0x8] =	stream.linear.gather [hbm4b:s3+s4], $0x80, $0x38;
	[tilespmem:$0x1FD00] =	vst v63  }
.LBB2_4:
.Ltmp6:
0xda: {  	(pc) =	sbr.rel @p0 .LBB2_6-.Ltmp6, $1  }
0xdb: {  	_ =	sdelay $0x3  }
.LBB2_5:
0xdc: {  	_ =	swait.ge [sflag:s17], $0x80  }
0xdd: {  	[sflag:s17] =	ssyncset.done $0x0  }
0xde: {  	[sflag:s17] =	ssyncadd.s32 $0xFFFFFF80  }
0xdf: {  	_ =	swait.ge [sflag:s17], $0x80  }
0xe0: {  	[sflag:s17] =	ssyncset.done $0x0  }
0xe1: {  	s3 =	simm.s32 $0x500;
	s14 =	simm.s32 $0x6D00;
	[sflag:s17] =	ssyncadd.s32 $0xFFFFFF80  }
0xe2: {  	[tilespmem:s14], [sflag:$0xF] =	stream.indirect.gather [hbm4b:s1+s18], $0x80, s3, s18, $0xb8;
	[tilespmem:$0x1FD00] =	vst v63  }
0xe3: {  	_ =	swait.ge [sflag:s21], $0x1400  }
0xe4: {  	[sflag:s21] =	ssyncset.done $0x0  }
0xe5: {  	s29 =	simm.s32 $0x180;
	s31 =	simm.s32 $0x1D00;
	[sflag:s21] =	ssyncadd.s32 $0xFFFFEC00  }
0xe6: {  	[spmem:s2] =	stream.indirect.scatter.add.f32 [tilespmem:s31], [sflag:$0x14], $0x80, s29, s18, $0xb8;
	[tilespmem:$0x1FD00] =	vst v63  }
.LBB2_6:
.Ltmp7:
0xe7: {  	(pc) =	sbr.rel @!p3 .LBB2_7-.Ltmp7, $4  }
0xe8: {  	s3 =	simm.s32 @!p2 $0x1B  }
0xe9: {  	_ =	swait.ge @!p2 [sflag:s3], $0x1400  }
0xea: {  	[sflag:s3] =	ssyncset.done @!p2 $0x0  }
0xeb: {  	[sflag:s3] =	ssyncadd.s32 @!p2 $0xFFFFEC00  }
.Ltmp8:
0xec: {  	(pc) =	sbr.rel @!p0 .LBB2_9-.Ltmp8, $4  }
.Ltmp9:
0xed: {  	(pc) =	sbr.rel @p0 .LBB2_10-.Ltmp9, $4  }
0xee: {  	_ = 	snop  }
0xef: {  	_ = 	snop  }
0xf0: {  	_ = 	snop  }
0xf1: {  	_ = 	snop  }
.LBB2_11:
0xf2: {  	_ =	sfence.sel $0x180000  }
0xf3: {  	[bflag:$0x0] =	sbarrier.arrive $0xFFFF  }
0xf4: {  	_ =	strace $0x90000047  }
0xf5: {  	s0 =	stileid.u32;
	[bflag:$0x2] =	sbarrier.arrive $0xFFFF  }
0xf6: {  	p0 =	sne.s32 s0, $0x0;
	s0 =	rddreg [dreg:$0x3]  }
0xf7: {  	s0 =	sadd.s32 @!p0 $0x100000, s0  }
0xf8: {  	[sflag:s0] =	ssyncadd.tile.s32 @!p0 $0x1;
	_ =	shalt  }
.Lfunc_end2:
_tile_overlayer_lowered:
.L_overlay_start_2:
0xf9: {  	(tag) =	ssettag $0x2  }
0xfa: {  	s0 =	rddreg [dreg:$0x0];
	s2 =	stileid.u32  }
0xfb: {  	s1 =	rddreg [dreg:$0x1];
	p0 =	sne.s32 s2, $0x0  }
0xfc: {  	s3 =	rddreg [dreg:$0x2];
	[bflag:$0x3] =	sbarrier.arrive $0xFFFF;
	s2 =	simm.s32 @!p0 $0x1C1C  }
0xfd: {  	[timem:s3], [sflag:s2] =	dma.local @!p0 [hbm:s0], s1  }
0xfe: {  	s0 =	simm.s32 @!p0 $0x1C  }
0xff: {  	_ =	swait.ge @!p0 [sflag:s0], s1  }
0x100: {  	s1 =	ssub.s32 @!p0 $0x0, s1;
	[sflag:s0] =	ssyncset.done @!p0 $0x0  }
0x101: {  	[sflag:s0] =	ssyncadd.s32 @!p0 s1  }
0x102: {  	[bflag:$0x3] =	sbarrier.arrive $0xFFFF  }
0x103: {  	_ =	shalt  }

// kernel: kernel.9.cloned.1.call-start
scs
__scs_entry_jumppad:
0x0: {  	(pc) =	sbr.rel $0x88, $3  }
0x1: {  	(tag) =	ssettag $0x0;
	lr =	simm.s32 $0x1  }
0x2: {  	[smem:$0x3F93] =	sst lr;
	_ =	strace $0xD0000000  }
0x3: {  	_ = 	snop  }
0x4: {  	_ = 	snop  }
0x5: {  	_ = 	snop  }
0x6: {  	_ = 	snop  }
0x7: {  	_ = 	snop  }
__scs_overlays_trampoline_lowered:
0x8: {  	[smem:$0x3FA2] =	sst s0  }
0x9: {  	[smem:$0x3FA3] =	sst s1  }
0xa: {  	[smem:$0x3FA4] =	sst s2  }
0xb: {  	[smem:$0x3FA5] =	sst s3  }
0xc: {  	[smem:$0x3FA6] =	sst s4  }
0xd: {  	[smem:$0x3FA7] =	sst s5  }
0xe: {  	[smem:$0x3FA8] =	sst s6  }
0xf: {  	[smem:$0x3FA9] =	sst s7  }
0x10: {  	[smem:$0x3FAA] =	sst s8  }
0x11: {  	[smem:$0x3FAB] =	sst s9;
	s0 =	simm.s32 @!p0 $0x0  }
0x12: {  	s1 =	sld [smem:$0x3F91];
	s0 =	simm.s32 @p0 $0x1  }
0x13: {  	[smem:$0x3FAC] =	sst s0;
	s0 =	simm.s32 @!p1 $0x0  }
0x14: {  	s2 =	sld [smem:$0x3F90];
	s0 =	simm.s32 @p1 $0x1  }
0x15: {  	[smem:$0x3FAD] =	sst s0;
	s0 =	simm.s32 @!p2 $0x0  }
0x16: {  	s3 =	sld [smem:$0x3FDB];
	s0 =	simm.s32 @p2 $0x1  }
0x17: {  	s4 =	simm.s32 $0x1BF5;
	[smem:$0x3FAF] =	sst s0  }
0x18: {  	s0 =	sld [smem:$0x3F92];
	_ =	swait.ge [sflag:s4], $0x0  }
0x19: {  	s7 =	sld [smem:$0x3F93]  }
0x1a: {  	s8 =	sadd.s32 $0xFFFFE003, lr  }
0x1b: {  	s9 =	sadd.s32 $0xFFFFFEF7, lr;
	s5 =	simm.s32 $0xFFFFFFFF;
	p2 =	slt.u32 s8, $0xFFFFF086  }
0x1c: {  	p1 =	slt.u32 s9, $0xF7A;
	s5 =	simm.s32 @!p2 $0x0  }
0x1d: {  	s5 =	simm.s32 @p1 $0x1;
	p0 =	seq.s32 s7, s2  }
0x1e: {  	s7 =	smul.u32 @!p0 $0xF7A, s2;
	p2 =	seq.s32 @!p0 s5, $0x0  }
0x1f: {  	s9 =	smul.u32 $0xF7A, s1;
	s8 =	simm.s32 @!p0 $0x1BF5;
	p2 =	por !p2, p0  }
0x20: {  	[sflag:s8] =	ssyncset.s32 @!p0 $0xFFFFF086;
	s6 =	sadd.s32 @!p0 s3, s7;
	s7 =	simm.s32 @!p0 $0x108  }
0x21: {  	s3 =	sadd.s32 s3, s9;
	s6 =	sadd.s32 @!p0 $0x88, s6;
	s7 =	simm.s32 @p2 $0x1082  }
0x22: {  	[simem:s7], [sflag:s8] =	dma.local @!p0 [hbm:s6], $0xF7A  }
0x23: {  	s9 =	sor.u32 $0xD0000000, s2;
	s6 =	simm.s32 $0x108;
	_ =	swait.ge @!p0 [sflag:s8], $0x0  }
0x24: {  	s3 =	sadd.s32 $0x88, s3;
	s6 =	simm.s32 @!p1 $0x1082;
	[sflag:s4] =	ssyncset.s32 $0xFFFFF086  }
0x25: {  	[simem:s6], [sflag:s4] =	dma.local [hbm:s3], $0xF7A  }
0x26: {  	[smem:$0x3F93] =	sst s1;
	(tag) =	ssettag s2;
	_ =	strace s9  }
0x27: {  	s1 =	sld [smem:$0x3FA3]  }
0x28: {  	s2 =	sld [smem:$0x3FA4]  }
0x29: {  	s4 =	sld [smem:$0x3FA6]  }
0x2a: {  	p0 =	seq.s32 s5, $0x0;
	s5 =	sld [smem:$0x3FA7]  }
0x2b: {  	s6 =	sld [smem:$0x3FA8]  }
0x2c: {  	s7 =	sld [smem:$0x3FA9]  }
0x2d: {  	s3 =	simm.s32 $0x108;
	s8 =	sld [smem:$0x3FAA]  }
0x2e: {  	s3 =	simm.s32 @!p0 $0x1082;
	s9 =	sld [smem:$0x3FAB]  }
0x2f: {  	lr =	sadd.s32 s0, s3;
	s0 =	sld [smem:$0x3FA2]  }
0x30: {  	s3 =	sld [smem:$0x3FA5]  }
0x31: {  	[smem:$0x3FAE] =	sst s10  }
0x32: {  	s10 =	sld [smem:$0x3FAC];
	_ =	sdelay $0x3  }
0x33: {  	p0 =	seq.s32 s10, $0x1;
	s10 =	sld [smem:$0x3FAE];
	_ =	sdelay $0x3  }
0x34: {  	[smem:$0x3FAE] =	sst s10  }
0x35: {  	s10 =	sld [smem:$0x3FAD];
	_ =	sdelay $0x3  }
0x36: {  	p1 =	seq.s32 s10, $0x1;
	s10 =	sld [smem:$0x3FAE];
	_ =	sdelay $0x3  }
0x37: {  	[smem:$0x3FAE] =	sst s10  }
0x38: {  	s10 =	sld [smem:$0x3FAF]  }
0x39: {  	_ = 	snop;
	(pc) =	sbr.ind lr, $3  }
0x3a: {  	_ = 	snop  }
0x3b: {  	_ = 	snop  }
0x3c: {  	p2 =	seq.s32 s10, $0x1;
	s10 =	sld [smem:$0x3FAE]  }
0x3d: {  	_ =	shalt  }
0x3e: {  	_ =	shalt  }
0x3f: {  	_ =	shalt  }
0x40: {  	_ =	shalt  }
0x41: {  	_ =	shalt  }
0x42: {  	_ =	shalt  }
0x43: {  	_ =	shalt  }
0x44: {  	_ =	shalt  }
0x45: {  	_ =	shalt  }
0x46: {  	_ =	shalt  }
0x47: {  	_ =	shalt  }
0x48: {  	_ =	shalt  }
0x49: {  	_ =	shalt  }
0x4a: {  	_ =	shalt  }
0x4b: {  	_ =	shalt  }
0x4c: {  	_ =	shalt  }
0x4d: {  	_ =	shalt  }
0x4e: {  	_ =	shalt  }
0x4f: {  	_ =	shalt  }
0x50: {  	_ =	shalt  }
0x51: {  	_ =	shalt  }
0x52: {  	_ =	shalt  }
0x53: {  	_ =	shalt  }
0x54: {  	_ =	shalt  }
0x55: {  	_ =	shalt  }
0x56: {  	_ =	shalt  }
0x57: {  	_ =	shalt  }
0x58: {  	_ =	shalt  }
0x59: {  	_ =	shalt  }
0x5a: {  	_ =	shalt  }
0x5b: {  	_ =	shalt  }
0x5c: {  	_ =	shalt  }
0x5d: {  	_ =	shalt  }
0x5e: {  	_ =	shalt  }
0x5f: {  	_ =	shalt  }
0x60: {  	_ =	shalt  }
0x61: {  	_ =	shalt  }
0x62: {  	_ =	shalt  }
0x63: {  	_ =	shalt  }
0x64: {  	_ =	shalt  }
0x65: {  	_ =	shalt  }
0x66: {  	_ =	shalt  }
0x67: {  	_ =	shalt  }
0x68: {  	_ =	shalt  }
0x69: {  	_ =	shalt  }
0x6a: {  	_ =	shalt  }
0x6b: {  	_ =	shalt  }
0x6c: {  	_ =	shalt  }
0x6d: {  	_ =	shalt  }
0x6e: {  	_ =	shalt  }
0x6f: {  	_ =	shalt  }
0x70: {  	_ =	shalt  }
0x71: {  	_ =	shalt  }
0x72: {  	_ =	shalt  }
0x73: {  	_ =	shalt  }
0x74: {  	_ =	shalt  }
0x75: {  	_ =	shalt  }
0x76: {  	_ =	shalt  }
0x77: {  	_ =	shalt  }
0x78: {  	_ =	shalt  }
0x79: {  	_ =	shalt  }
0x7a: {  	_ =	shalt  }
0x7b: {  	_ =	shalt  }
0x7c: {  	_ =	shalt  }
0x7d: {  	_ =	shalt  }
0x7e: {  	_ =	shalt  }
0x7f: {  	_ =	shalt  }
0x80: {  	_ =	shalt  }
0x81: {  	_ =	shalt  }
0x82: {  	_ =	shalt  }
0x83: {  	_ =	shalt  }
0x84: {  	_ =	shalt  }
0x85: {  	_ =	shalt  }
0x86: {  	_ =	shalt  }
0x87: {  	_ =	shalt  }
.Lfunc_end0:
.L_simem_size_0:
called_computation.1_lowered:
.L_overlay_start_0:
0x88: {  	s2 =	sld [smem:$0x3FD9]  }
0x89: {  	s3 =	sld [smem:$0x3FFE];
	_ =	sdelay $0x1  }
0x8a: {  	s1 =	srdreg.scid  }
0x8b: {  	s0 =	sand.u32 $0x1, s1  }
0x8c: {  	s16 =	sshll.u32 s0, $0xA;
	s2 =	sadd.s32 s3, s2  }
0x8d: {  	s2 =	sadd.s32 s2, s16  }
0x8e: {  	[smem:$0x3FBA] =	sst s2  }
0x8f: {  	_ = 	snop  }
0x90: {  	(tm) =	ssettm $0x1  }
0x91: {  	s17 =	sld [smem:$0x3FFB];
	_ =	sdelay $0x3  }
0x92: {  	_ =	strace s17  }
0x93: {  	s2 =	sld [smem:$0x3FFC];
	_ =	sdelay $0x3  }
0x94: {  	_ =	strace s2  }
0x95: {  	s2 =	sld [smem:$0x3FFD];
	_ =	sdelay $0x3  }
0x96: {  	_ =	strace s2  }
0x97: {  	_ =	strace $0x8FFFFFFF  }
0x98: {  	s18 =	sld [smem:$0x3FDB];
	_ =	sdelay $0x1  }
0x99: {  	s19 =	simm.s32 $_scs_section_size  }
0x9a: {  	s4 =	simm.s32 $_size__tile_overlayer_lowered;
	s5 =	simm.s32 $_tile_overlayer_lowered  }
0x9b: {  	s22 =	simm.s32 $0x1BFF;
	s21 =	sshll.u32 s5, $0x1;
	s2 =	sadd.s32 s19, s18  }
0x9c: {  	s6 =	simm.s32 $0x0;
	s20 =	sshll.u32 s4, $0x1;
	s4 =	sadd.s32 s21, s2  }
0x9d: {  	[timem:s6], [sflag:s22] =	dma.local [hbm:s4], s20  }
0x9e: {  	_ =	swait.ge [sflag:s22], s20  }
0x9f: {  	s3 =	ssub.s32 $0x0, s20;
	[sflag:s22] =	ssyncset.done $0x0  }
0xa0: {  	[sflag:s22] =	ssyncadd.s32 s3;
	_ =	sdelay $0x1  }
0xa1: {  	s23 =	simm.s32 $0x1B8B  }
0xa2: {  	_ =	swait.ge [sflag:s23], $0x1  }
0xa3: {  	[sflag:s23] =	ssyncset.done $0x0  }
0xa4: {  	s25 =	simm.s32 $0x1B8E;
	s24 =	sld [smem:$0x3FFE];
	[sflag:s23] =	ssyncadd.s32 $0xFFFFFFFF  }
0xa5: {  	s26 =	simm.s32 $execute0_lowered;
	[smem:$0x3FD2] =	sst s25  }
0xa6: {  	s4 =	sshll.u32 s26, $0x1;
	_ =	strace $0x80000049;
	[dreg:$0x1] =	wrdreg $0xFFFFFFFF  }
0xa7: {  	s28 =	simm.s32 $_size_execute0_lowered;
	s2 =	sadd.s32 s2, s4;
	[dreg:$0x0] =	wrdreg $0x0  }
0xa8: {  	s4 =	sshll.u32 s28, $0x1;
	[dreg:$0x2] =	wrdreg s2  }
0xa9: {  	[dreg:$0x3] =	wrdreg s4  }
0xaa: {  	[dreg:$0x4] =	wrdreg $0xC0  }
0xab: {  	_ =	task [dreg:s6], $0x5FFFF  }
0xac: {  	[dreg:$0x1] =	wrdreg $0xFFFFFFFF  }
0xad: {  	[dreg:$0x0] =	wrdreg $0x60  }
0xae: {  	[dreg:$0x2] =	wrdreg s24  }
0xaf: {  	[dreg:$0x3] =	wrdreg $0xBD000  }
0xb0: {  	[dreg:$0x4] =	wrdreg $0x9  }
0xb1: {  	_ =	task.clear_ibuf [dreg:s6], $0x5FFFF;
	_ =	strace $0x90000049  }
0xb2: {  	s29 =	simm.s32 $0x9;
	_ =	strace $0x8000004B  }
0xb3: {  	_ =	swait.ge [sflag:s29], $0x1  }
0xb4: {  	[sflag:s29] =	ssyncadd.s32 $0xFFFFFFFF  }
0xb5: {  	_ =	strace $0x9000004B  }
0xb6: {  	_ =	sfence  }
0xb7: {  	s30 =	sld [smem:$0x0];
	_ =	sdelay $0x2  }
0xb8: {  	s31 =	sshll.u32 s1, $0xD;
	s1 =	sshrl.u32 s1, $0x2  }
0xb9: {  	s3 =	sand.u32 $0x4000, s31;
	s1 =	sadd.s32 s1, s30  }
0xba: {  	s0 =	sor.u32 s3, s0;
	s1 =	sshll.u32 s1, $0x11  }
0xbb: {  	s0 =	sor.u32 s1, s0  }
0xbc: {  	s0 =	sadd.s32 $0x8F2B, s0  }
0xbd: {  	[sflag:s0] =	ssyncadd.remote.s32 $0x1  }
0xbe: {  	_ =	sfence.sel $0xFFFF  }
0xbf: {  	[dreg:$0x0] =	wrdreg $0xFFFFFFFF;
	(pc) =	sbr.abs _section_cstart, $3  }
0xc0: {  	[dreg:$0x1] =	wrdreg $0xFFFFFFFF  }
0xc1: {  	_ =	task.clear_ibuf [dreg:s6], $0x2FFFF;
	_ =	strace $0x9FFFFFFF  }
0xc2: {  	(tm) =	ssettm $0x7FFFFFFF  }
0xc3: {  	_ =	shalt  }
tec
execute0_lowered:
.L_overlay_start_1:
0x0: {  	(tag) =	ssettag $0x1  }
0x1: {  	s0 =	rddreg [dreg:$0x0]  }
0x2: {  	s1 =	rddreg [dreg:$0x1];
	s2 =	srdreg.scid;
	s3 =	simm.s32 $0x0  }
0x3: {  	s11 =	stileid.u32;
	s17 =	simm.s32 $0x6;
	s18 =	simm.s32 $0x28  }
0x4: {  	s21 =	simm.s32 $0xB;
	s30 =	simm.s32 $0xC;
	s2 =	sand.u32 $0x1, s2  }
0x5: {  	[smem:$0x7FF] =	sst s3;
	s8 =	smul.u32 $0x14000, s11;
	s4 =	sadd.s32 $0x44E00, s0  }
0x6: {  	s5 =	sadd.s32 $0x2600, s0;
	s6 =	sadd.s32 $0x22600, s0;
	s10 =	smul.u32 $0x50000, s11  }
0x7: {  	s12 =	sadd.s32 $0x42600, s0;
	s25 =	sshll.u32 s11, $0x1;
	s28 =	sshll.u32 s11, $0x6  }
0x8: {  	s7 =	smul.u32 $0x140000, s2;
	_ =	strace $0x8000004A;
	s23 =	ssub.s32 $0x2, s2  }
0x9: {  	[dreg:$0x3] =	wrdreg s12;
	s2 =	sor.u32 s2, s25;
	s11 =	sor.u32 $0x1C1C, s28  }
0xa: {  	s12 =	simm.s32 $0x0;
	s9 =	sshrl.u32 s23, $0x1;
	s26 =	sshrl.u32 s10, $0x2  }
0xb: {  	s10 =	sshll.u32 s2, $0xC;
	[dreg:$0x4] =	wrdreg s11;
	s7 =	sadd.s32 s8, s7  }
.Ltmp0:
0xc: {  	s24 =	ssub.s32 s23, s9;
	s29 =	sadd.s32 s26, s1;
	(pc) =	sbr.rel .LBB2_1-.Ltmp0, $4  }
0xd: {  	s9 =	sshll.u32 s2, $0xF;
	s7 =	sshrl.u32 s7, $0x3;
	s31 =	smax.u32 s24, $0x1  }
0xe: {  	s0 =	sadd.s32 s7, s0;
	[dreg:$0x6] =	wrdreg s31;
	s7 =	sshrl.u32 s29, $0x3  }
0xf: {  	s8 =	simm.s32 $0x1C;
	s0 =	sadd.s32 $0x95000, s0;
	[dreg:$0x7] =	wrdreg s7  }
0x10: {  	s26 =	simm.s32 $0x7;
	[dreg:$0x5] =	wrdreg s0;
	s0 =	simm.s32 $0x3100  }
.LBB2_10:
0x11: {  	[bflag:$0x0] =	sbarrier.arrive $0xFFFF  }
0x12: {  	s11 =	rddreg [dreg:$0x4]  }
0x13: {  	s2 =	rddreg [dreg:$0x5]  }
0x14: {  	s8 =	simm.s32 $0x1C;
	s7 =	rddreg [dreg:$0x7]  }
0x15: {  	[hbm:s2], [sflag:s11] =	dma.local [spmem:s7], $0x2800  }
0x16: {  	_ =	swait.ge [sflag:s8], $0x2800  }
0x17: {  	s12 =	rddreg [dreg:$0x8]  }
0x18: {  	s31 =	rddreg [dreg:$0x6];
	s12 =	sadd.s32 $0x1, s12  }
0x19: {  	p0 =	sne.s32 s12, s31  }
.Ltmp1:
0x1a: {  	_ = 	snop;
	(pc) =	sbr.rel @!p0 .LBB2_11-.Ltmp1, $3  }
0x1b: {  	_ =	sdelay $0x1  }
0x1c: {  	[sflag:s8] =	ssyncset.done $0x0  }
0x1d: {  	[sflag:s8] =	ssyncadd.s32 $0xFFFFD800  }
.LBB2_1:
0x1e: {  	[dreg:$0x8] =	wrdreg s12  }
0x1f: {  	s2 =	rddreg [dreg:$0x3]  }
0x20: {  	[spmem:s7], [sflag:s11] =	dma.local [hbm:s2], $0x2800  }
.Ltmp2:
0x21: {  	_ =	swait.ge [sflag:s8], $0x2800;
	(pc) =	sbr.rel .LBB2_2-.Ltmp2, $4  }
0x22: {  	[sflag:s8] =	ssyncset.done $0x0  }
0x23: {  	[sflag:s8] =	ssyncadd.s32 $0xFFFFD800  }
0x24: {  	s12 =	simm.s32 $0xFFFFFFF7;
	s13 =	simm.s32 $0x0;
	[bflag:$0x0] =	sbarrier.arrive $0xFFFF  }
0x25: {  	s7 =	simm.s32 $0x400;
	s11 =	simm.s32 $0x70;
	s8 =	simm.s32 $0x0  }
.LBB2_7:
0x26: {  	s2 =	sand.u32 $0x1FC00, s7  }
0x27: {  	s14 =	sand.u32 $0x380, s8;
	s2 =	sadd.s32 s9, s2  }
0x28: {  	s2 =	sor.u32 s14, s2  }
0x29: {  	s2 =	sshrl.u32 s2, $0x3  }
0x2a: {  	s15 =	simm.s32 $0x800;
	s29 =	sadd.s32 s5, s2  }
0x2b: {  	[tilespmem:s15], [sflag:$0x9] =	stream.linear.gather [hbm4b:s29+s3], $0x80, $0x38;
	[tilespmem:$0x1FD00] =	vst v63  }
0x2c: {  	s31 =	simm.s32 $0x880;
	s2 =	sadd.s32 s6, s2  }
0x2d: {  	[tilespmem:s31], [sflag:$0x9] =	stream.linear.gather [hbm4b:s2+s3], $0x80, $0x38;
	[tilespmem:$0x1FD00] =	vst v63  }
.LBB2_9:
0x2e: {  	_ =	swait.ge [sflag:s26], $0x80  }
0x2f: {  	[sflag:s26] =	ssyncset.done $0x0  }
0x30: {  	[sflag:s26] =	ssyncadd.s32 $0xFFFFFF80  }
0x31: {  	_ =	swait.ge [sflag:s26], $0x80  }
0x32: {  	s2 =	simm.s32 $0x600;
	s12 =	sadd.s32 $0x9, s12;
	[sflag:s26] =	ssyncset.done $0x0  }
0x33: {  	s14 =	simm.s32 $0x8100;
	p0 =	sne.s32 s12, $0xFC;
	[sflag:s26] =	ssyncadd.s32 $0xFFFFFF80  }
0x34: {  	[tilespmem:s14], [sflag:$0x10] =	stream.indirect.gather [hbm4b:s4+s18], $0x80, s2, s18, $0xb8;
	[tilespmem:$0x1FD00] =	vst v63  }
.Ltmp3:
0x35: {  	_ = 	snop;
	(pc) =	sbr.rel @!p0 .LBB2_10-.Ltmp3, $4  }
0x36: {  	s31 =	simm.s32 $0x280;
	_ =	swait.ge [sflag:s30], $0x1400  }
0x37: {  	s13 =	sadd.s32 $0x1, s13;
	s7 =	sadd.s32 $0x480, s7;
	[sflag:s30] =	ssyncset.done $0x0  }
0x38: {  	s8 =	sadd.s32 $0x80, s8;
	s11 =	sadd.s32 $0x90, s11;
	[sflag:s30] =	ssyncadd.s32 $0xFFFFEC00  }
0x39: {  	[spmem:s1] =	stream.indirect.scatter.add.f32 [tilespmem:s0], [sflag:$0x15], $0x80, s31, s18, $0xb8;
	[tilespmem:$0x1FD00] =	vst v63  }
.LBB2_2:
0x3a: {  	p0 =	seq.s32 s12, $0xF3  }
0x3b: {  	s2 =	sadd.s32 @!p0 $0xFFFFFC00, s7  }
0x3c: {  	p1 =	sgt.u32 s12, $0xF9;
	s2 =	sand.u32 @!p0 $0xFC00, s2  }
0x3d: {  	s14 =	simm.s32 @!p1 $0x13;
	s15 =	sand.u32 @!p0 $0x380, s8;
	s2 =	sadd.s32 @!p0 s9, s2  }
0x3e: {  	_ =	swait.ge @!p1 [sflag:s14], $0x1400;
	s2 =	sor.u32 @!p0 s15, s2  }
0x3f: {  	s16 =	sadd.s32 $0x7, s12;
	[sflag:s14] =	ssyncset.done @!p1 $0x0;
	s2 =	sshrl.u32 @!p0 s2, $0x3  }
0x40: {  	[sflag:s14] =	ssyncadd.s32 @!p1 $0xFFFFEC00;
	s15 =	simm.s32 @!p0 $0x0;
	s14 =	sadd.s32 @!p0 s5, s2  }
0x41: {  	[tilespmem:s15], [sflag:$0x1] =	stream.linear.gather @!p0 [hbm4b:s14+s15], $0x80, $0x38;
	[tilespmem:$0x1FD00] =	vst v63  }
0x42: {  	p1 =	sgt.u32 s16, $0xF9;
	s2 =	sadd.s32 @!p0 s6, s2;
	s14 =	simm.s32 @!p0 $0x80  }
0x43: {  	[tilespmem:s14], [sflag:$0x1] =	stream.linear.gather @!p0 [hbm4b:s2+s15], $0x80, $0x38;
	[tilespmem:$0x1FD00] =	vst v63  }
0x44: {  	s2 =	simm.s32 @!p1 $0x8  }
0x45: {  	_ =	swait.ge @!p1 [sflag:s2], $0x80  }
0x46: {  	[sflag:s2] =	ssyncset.done @!p1 $0x0  }
0x47: {  	[sflag:s2] =	ssyncadd.s32 @!p1 $0xFFFFFF80  }
0x48: {  	s19 =	sadd.s32 $0x3, s12;
	_ =	swait.ge @!p1 [sflag:s2], $0x80  }
0x49: {  	p3 =	sgt.u32 s19, $0xF9;
	s16 =	simm.s32 @!p1 $0x28;
	[sflag:s2] =	ssyncset.done @!p1 $0x0  }
0x4a: {  	s24 =	simm.s32 @!p1 $0x9500;
	[sflag:s2] =	ssyncadd.s32 @!p1 $0xFFFFFF80;
	s2 =	simm.s32 @!p1 $0x700  }
0x4b: {  	[tilespmem:s24], [sflag:$0x11] =	stream.indirect.gather @!p1 [hbm4b:s4+s16], $0x80, s2, s16, $0xb8;
	[tilespmem:$0x1FD00] =	vst v63  }
0x4c: {  	s2 =	simm.s32 @!p3 $0xD  }
0x4d: {  	_ =	swait.ge @!p3 [sflag:s2], $0x1400  }
0x4e: {  	s19 =	simm.s32 @!p3 $0x380;
	[sflag:s2] =	ssyncset.done @!p3 $0x0  }
0x4f: {  	s20 =	simm.s32 @!p3 $0x4500;
	[sflag:s2] =	ssyncadd.s32 @!p3 $0xFFFFEC00;
	s2 =	simm.s32 @!p3 $0x28  }
0x50: {  	[spmem:s1] =	stream.indirect.scatter.add.f32 @!p3 [tilespmem:s20], [sflag:$0x16], $0x80, s19, s2, $0xb8;
	[tilespmem:$0x1FD00] =	vst v63  }
0x51: {  	s2 =	sadd.s32 @!p3 $0x1, s12  }
0x52: {  	p2 =	sgt.u32 @!p3 s2, $0xF9  }
0x53: {  	s2 =	sadd.s32 @!p0 $0xFFFFFFA0, s11;
	p2 =	por p2, p3  }
0x54: {  	s20 =	sand.u32 @!p0 $0x3F80, s2;
	s19 =	simm.s32 @!p2 $0x14  }
0x55: {  	s2 =	sand.u32 @!p0 $0x70, s2;
	s20 =	sadd.s32 @!p0 s10, s20;
	_ =	swait.ge @!p2 [sflag:s19], $0x1400  }
0x56: {  	s28 =	sadd.s32 $0x8, s12;
	s2 =	sor.u32 @!p0 s2, s20;
	[sflag:s19] =	ssyncset.done @!p2 $0x0  }
0x57: {  	s22 =	simm.s32 @!p0 $0x100;
	[sflag:s19] =	ssyncadd.s32 @!p2 $0xFFFFEC00;
	s19 =	sadd.s32 @!p0 s5, s2  }
0x58: {  	[tilespmem:s22], [sflag:$0x2] =	stream.linear.gather @!p0 [hbm4b:s19+s15], $0x80, $0x38;
	[tilespmem:$0x1FD00] =	vst v63  }
0x59: {  	s20 =	simm.s32 @!p0 $0x180;
	s2 =	sadd.s32 @!p0 s6, s2;
	p2 =	sgt.u32 s28, $0xF9  }
0x5a: {  	[tilespmem:s20], [sflag:$0x2] =	stream.linear.gather @!p0 [hbm4b:s2+s15], $0x80, $0x38;
	[tilespmem:$0x1FD00] =	vst v63  }
0x5b: {  	s2 =	simm.s32 @!p2 $0x9  }
0x5c: {  	_ =	swait.ge @!p2 [sflag:s2], $0x80  }
0x5d: {  	[sflag:s2] =	ssyncset.done @!p2 $0x0  }
0x5e: {  	s29 =	sadd.s32 $0x4, s12;
	[sflag:s2] =	ssyncadd.s32 @!p2 $0xFFFFFF80  }
0x5f: {  	p4 =	sgt.u32 s29, $0xF9;
	_ =	swait.ge @!p2 [sflag:s2], $0x80  }
0x60: {  	s25 =	simm.s32 @!p2 $0x28;
	s19 =	simm.s32 @!p4 $0xE;
	[sflag:s2] =	ssyncset.done @!p2 $0x0  }
0x61: {  	s20 =	simm.s32 @!p2 $0x800;
	[sflag:s2] =	ssyncadd.s32 @!p2 $0xFFFFFF80;
	s2 =	simm.s32 @!p2 $0xA900  }
0x62: {  	[tilespmem:s2], [sflag:$0x12] =	stream.indirect.gather @!p2 [hbm4b:s4+s25], $0x80, s20, s25, $0xb8;
	[tilespmem:$0x1FD00] =	vst v63  }
0x63: {  	_ =	swait.ge @!p4 [sflag:s19], $0x1400  }
0x64: {  	s31 =	sadd.s32 $0x2, s12;
	s23 =	simm.s32 @!p4 $0x5900;
	[sflag:s19] =	ssyncset.done @!p4 $0x0  }
0x65: {  	s20 =	simm.s32 @!p4 $0x480;
	[sflag:s19] =	ssyncadd.s32 @!p4 $0xFFFFEC00;
	s19 =	simm.s32 @!p4 $0x28  }
0x66: {  	[spmem:s1] =	stream.indirect.scatter.add.f32 @!p4 [tilespmem:s23], [sflag:$0x17], $0x80, s20, s19, $0xb8;
	[tilespmem:$0x1FD00] =	vst v63  }
0x67: {  	p5 =	sgt.u32 s31, $0xF9;
	s19 =	sadd.s32 @!p0 $0xFFFFFFB0, s11  }
0x68: {  	s20 =	simm.s32 @!p5 $0x15;
	s23 =	sand.u32 @!p0 $0x3F80, s19  }
0x69: {  	_ =	swait.ge @!p5 [sflag:s20], $0x1400;
	s19 =	sand.u32 @!p0 $0x70, s19;
	s23 =	sadd.s32 @!p0 s10, s23  }
0x6a: {  	[sflag:s20] =	ssyncset.done @!p5 $0x0;
	s19 =	sor.u32 @!p0 s19, s23  }
0x6b: {  	[sflag:s20] =	ssyncadd.s32 @!p5 $0xFFFFEC00;
	s23 =	simm.s32 @!p0 $0x200;
	s20 =	sadd.s32 @!p0 s5, s19  }
0x6c: {  	[tilespmem:s23], [sflag:$0x3] =	stream.linear.gather @!p0 [hbm4b:s20+s15], $0x80, $0x38;
	[tilespmem:$0x1FD00] =	vst v63  }
0x6d: {  	s19 =	sadd.s32 @!p0 s6, s19;
	s20 =	simm.s32 @!p0 $0x280  }
0x6e: {  	[tilespmem:s20], [sflag:$0x3] =	stream.linear.gather @!p0 [hbm4b:s19+s15], $0x80, $0x38;
	[tilespmem:$0x1FD00] =	vst v63  }
0x6f: {  	s19 =	simm.s32 @!p0 $0x1  }
0x70: {  	_ =	swait.ge @!p0 [sflag:s19], $0x80  }
0x71: {  	[sflag:s19] =	ssyncset.done @!p0 $0x0  }
0x72: {  	s28 =	sadd.s32 $0x5, s12;
	[sflag:s19] =	ssyncadd.s32 @!p0 $0xFFFFFF80  }
0x73: {  	p5 =	sgt.u32 s28, $0xF9;
	_ =	swait.ge @!p0 [sflag:s19], $0x80  }
0x74: {  	s28 =	simm.s32 @!p5 $0xF;
	[sflag:s19] =	ssyncset.done @!p0 $0x0  }
0x75: {  	s20 =	simm.s32 @!p0 $0x900;
	[sflag:s19] =	ssyncadd.s32 @!p0 $0xFFFFFF80;
	s19 =	simm.s32 @!p0 $0x28  }
0x76: {  	[tilespmem:s20], [sflag:$0xA] =	stream.indirect.gather @!p0 [hbm4b:s4+s19], $0x80, s15, s19, $0xb8;
	[tilespmem:$0x1FD00] =	vst v63  }
0x77: {  	_ =	swait.ge @!p5 [sflag:s28], $0x1400  }
0x78: {  	s29 =	simm.s32 @!p5 $0x580;
	[sflag:s28] =	ssyncset.done @!p5 $0x0  }
0x79: {  	s31 =	simm.s32 @!p5 $0x6D00;
	[sflag:s28] =	ssyncadd.s32 @!p5 $0xFFFFEC00;
	s28 =	simm.s32 @!p5 $0x28  }
0x7a: {  	[spmem:s1] =	stream.indirect.scatter.add.f32 @!p5 [tilespmem:s31], [sflag:$0x18], $0x80, s29, s28, $0xb8;
	[tilespmem:$0x1FD00] =	vst v63  }
0x7b: {  	s28 =	sadd.s32 @!p0 $0xFFFFFFC0, s11  }
0x7c: {  	s29 =	simm.s32 @!p3 $0x16;
	s31 =	sand.u32 @!p0 $0x3F80, s28  }
0x7d: {  	_ =	swait.ge @!p3 [sflag:s29], $0x1400;
	s28 =	sand.u32 @!p0 $0x70, s28;
	s31 =	sadd.s32 @!p0 s10, s31  }
0x7e: {  	[sflag:s29] =	ssyncset.done @!p3 $0x0;
	s31 =	sor.u32 @!p0 s28, s31  }
0x7f: {  	[sflag:s29] =	ssyncadd.s32 @!p3 $0xFFFFEC00;
	s28 =	simm.s32 @!p0 $0x300;
	s29 =	sadd.s32 @!p0 s5, s31  }
0x80: {  	[tilespmem:s28], [sflag:$0x4] =	stream.linear.gather @!p0 [hbm4b:s29+s15], $0x80, $0x38;
	[tilespmem:$0x1FD00] =	vst v63  }
0x81: {  	s29 =	sadd.s32 @!p0 s6, s31;
	s31 =	simm.s32 @!p0 $0x380  }
0x82: {  	[tilespmem:s31], [sflag:$0x4] =	stream.linear.gather @!p0 [hbm4b:s29+s15], $0x80, $0x38;
	[tilespmem:$0x1FD00] =	vst v63  }
0x83: {  	s29 =	simm.s32 @!p0 $0x2  }
0x84: {  	_ =	swait.ge @!p0 [sflag:s29], $0x80  }
0x85: {  	[sflag:s29] =	ssyncset.done @!p0 $0x0  }
0x86: {  	[sflag:s29] =	ssyncadd.s32 @!p0 $0xFFFFFF80  }
0x87: {  	_ =	swait.ge @!p0 [sflag:s29], $0x80  }
0x88: {  	s31 =	sadd.s32 $0x6, s12;
	[sflag:s29] =	ssyncset.done @!p0 $0x0  }
0x89: {  	p3 =	sgt.u32 s31, $0xF9;
	[sflag:s29] =	ssyncadd.s32 @!p0 $0xFFFFFF80;
	s29 =	simm.s32 @!p0 $0x1D00  }
0x8a: {  	[tilespmem:s29], [sflag:$0xB] =	stream.indirect.gather @!p0 [hbm4b:s4+s19], $0x80, s22, s19, $0xb8;
	[tilespmem:$0x1FD00] =	vst v63  }
0x8b: {  	s22 =	simm.s32 @!p3 $0x10  }
0x8c: {  	_ =	swait.ge @!p3 [sflag:s22], $0x1400  }
0x8d: {  	s31 =	simm.s32 @!p3 $0x8100;
	[sflag:s22] =	ssyncset.done @!p3 $0x0  }
0x8e: {  	s29 =	simm.s32 @!p3 $0x680;
	[sflag:s22] =	ssyncadd.s32 @!p3 $0xFFFFEC00;
	s22 =	simm.s32 @!p3 $0x28  }
0x8f: {  	[spmem:s1] =	stream.indirect.scatter.add.f32 @!p3 [tilespmem:s31], [sflag:$0x19], $0x80, s29, s22, $0xb8;
	[tilespmem:$0x1FD00] =	vst v63  }
0x90: {  	s22 =	sadd.s32 @!p0 $0xFFFFFFD0, s11  }
0x91: {  	s29 =	simm.s32 @!p4 $0x17;
	s31 =	sand.u32 @!p0 $0x3F80, s22  }
0x92: {  	_ =	swait.ge @!p4 [sflag:s29], $0x1400;
	s22 =	sand.u32 @!p0 $0x70, s22;
	s31 =	sadd.s32 @!p0 s10, s31  }
0x93: {  	[sflag:s29] =	ssyncset.done @!p4 $0x0;
	s31 =	sor.u32 @!p0 s22, s31  }
0x94: {  	[sflag:s29] =	ssyncadd.s32 @!p4 $0xFFFFEC00;
	s22 =	simm.s32 @!p0 $0x400;
	s29 =	sadd.s32 @!p0 s5, s31  }
0x95: {  	[tilespmem:s22], [sflag:$0x5] =	stream.linear.gather @!p0 [hbm4b:s29+s15], $0x80, $0x38;
	[tilespmem:$0x1FD00] =	vst v63  }
0x96: {  	s29 =	sadd.s32 @!p0 s6, s31;
	s31 =	simm.s32 @!p0 $0x480  }
0x97: {  	[tilespmem:s31], [sflag:$0x5] =	stream.linear.gather @!p0 [hbm4b:s29+s15], $0x80, $0x38;
	[tilespmem:$0x1FD00] =	vst v63  }
0x98: {  	s29 =	simm.s32 @!p0 $0x3  }
0x99: {  	_ =	swait.ge @!p0 [sflag:s29], $0x80  }
0x9a: {  	[sflag:s29] =	ssyncset.done @!p0 $0x0  }
0x9b: {  	[sflag:s29] =	ssyncadd.s32 @!p0 $0xFFFFFF80  }
0x9c: {  	_ =	swait.ge @!p0 [sflag:s29], $0x80  }
0x9d: {  	[sflag:s29] =	ssyncset.done @!p0 $0x0  }
0x9e: {  	[sflag:s29] =	ssyncadd.s32 @!p0 $0xFFFFFF80;
	s29 =	simm.s32 @!p0 $0x3100  }
0x9f: {  	[tilespmem:s29], [sflag:$0xC] =	stream.indirect.gather @!p0 [hbm4b:s4+s19], $0x80, s23, s19, $0xb8;
	[tilespmem:$0x1FD00] =	vst v63  }
0xa0: {  	s23 =	simm.s32 @!p1 $0x11  }
0xa1: {  	_ =	swait.ge @!p1 [sflag:s23], $0x1400  }
0xa2: {  	[sflag:s23] =	ssyncset.done @!p1 $0x0  }
0xa3: {  	[sflag:s23] =	ssyncadd.s32 @!p1 $0xFFFFEC00;
	s23 =	simm.s32 @!p1 $0x780  }
0xa4: {  	[spmem:s1] =	stream.indirect.scatter.add.f32 @!p1 [tilespmem:s24], [sflag:$0x1A], $0x80, s23, s16, $0xb8;
	[tilespmem:$0x1FD00] =	vst v63  }
0xa5: {  	s16 =	sadd.s32 @!p0 $0xFFFFFFE0, s11  }
0xa6: {  	s23 =	simm.s32 @!p5 $0x18;
	s24 =	sand.u32 @!p0 $0x3F80, s16  }
0xa7: {  	_ =	swait.ge @!p5 [sflag:s23], $0x1400;
	s16 =	sand.u32 @!p0 $0x70, s16;
	s24 =	sadd.s32 @!p0 s10, s24  }
0xa8: {  	[sflag:s23] =	ssyncset.done @!p5 $0x0;
	s16 =	sor.u32 @!p0 s16, s24  }
0xa9: {  	[sflag:s23] =	ssyncadd.s32 @!p5 $0xFFFFEC00;
	s24 =	simm.s32 @!p0 $0x500;
	s23 =	sadd.s32 @!p0 s5, s16  }
0xaa: {  	[tilespmem:s24], [sflag:$0x6] =	stream.linear.gather @!p0 [hbm4b:s23+s15], $0x80, $0x38;
	[tilespmem:$0x1FD00] =	vst v63  }
0xab: {  	s16 =	sadd.s32 @!p0 s6, s16;
	s23 =	simm.s32 @!p0 $0x580  }
0xac: {  	[tilespmem:s23], [sflag:$0x6] =	stream.linear.gather @!p0 [hbm4b:s16+s15], $0x80, $0x38;
	[tilespmem:$0x1FD00] =	vst v63  }
0xad: {  	s16 =	simm.s32 @!p0 $0x4  }
0xae: {  	_ =	swait.ge @!p0 [sflag:s16], $0x80  }
0xaf: {  	[sflag:s16] =	ssyncset.done @!p0 $0x0  }
0xb0: {  	[sflag:s16] =	ssyncadd.s32 @!p0 $0xFFFFFF80  }
0xb1: {  	_ =	swait.ge @!p0 [sflag:s16], $0x80  }
0xb2: {  	[sflag:s16] =	ssyncset.done @!p0 $0x0  }
0xb3: {  	[sflag:s16] =	ssyncadd.s32 @!p0 $0xFFFFFF80;
	s16 =	simm.s32 @!p0 $0x4500  }
0xb4: {  	[tilespmem:s16], [sflag:$0xD] =	stream.indirect.gather @!p0 [hbm4b:s4+s19], $0x80, s28, s19, $0xb8;
	[tilespmem:$0x1FD00] =	vst v63  }
0xb5: {  	s16 =	simm.s32 @!p2 $0x12  }
0xb6: {  	_ =	swait.ge @!p2 [sflag:s16], $0x1400  }
0xb7: {  	[sflag:s16] =	ssyncset.done @!p2 $0x0  }
0xb8: {  	[sflag:s16] =	ssyncadd.s32 @!p2 $0xFFFFEC00;
	s16 =	simm.s32 @!p2 $0x880  }
0xb9: {  	[spmem:s1] =	stream.indirect.scatter.add.f32 @!p2 [tilespmem:s2], [sflag:$0x1B], $0x80, s16, s25, $0xb8;
	[tilespmem:$0x1FD00] =	vst v63  }
0xba: {  	s2 =	sadd.s32 @!p0 $0xFFFFFFF0, s11  }
0xbb: {  	s16 =	simm.s32 @!p3 $0x19;
	s23 =	sand.u32 @!p0 $0x3F80, s2  }
0xbc: {  	_ =	swait.ge @!p3 [sflag:s16], $0x1400;
	s2 =	sand.u32 @!p0 $0x70, s2;
	s23 =	sadd.s32 @!p0 s10, s23  }
0xbd: {  	[sflag:s16] =	ssyncset.done @!p3 $0x0;
	s2 =	sor.u32 @!p0 s2, s23  }
0xbe: {  	[sflag:s16] =	ssyncadd.s32 @!p3 $0xFFFFEC00;
	s23 =	simm.s32 @!p0 $0x600;
	s16 =	sadd.s32 @!p0 s5, s2  }
0xbf: {  	[tilespmem:s23], [sflag:$0x7] =	stream.linear.gather @!p0 [hbm4b:s16+s15], $0x80, $0x38;
	[tilespmem:$0x1FD00] =	vst v63  }
0xc0: {  	s2 =	sadd.s32 @!p0 s6, s2;
	s16 =	simm.s32 @!p0 $0x680  }
0xc1: {  	[tilespmem:s16], [sflag:$0x7] =	stream.linear.gather @!p0 [hbm4b:s2+s15], $0x80, $0x38;
	[tilespmem:$0x1FD00] =	vst v63  }
0xc2: {  	s2 =	simm.s32 @!p0 $0x5  }
0xc3: {  	_ =	swait.ge @!p0 [sflag:s2], $0x80  }
0xc4: {  	[sflag:s2] =	ssyncset.done @!p0 $0x0  }
0xc5: {  	[sflag:s2] =	ssyncadd.s32 @!p0 $0xFFFFFF80  }
0xc6: {  	_ =	swait.ge @!p0 [sflag:s2], $0x80  }
0xc7: {  	[sflag:s2] =	ssyncset.done @!p0 $0x0  }
0xc8: {  	[sflag:s2] =	ssyncadd.s32 @!p0 $0xFFFFFF80;
	s2 =	simm.s32 @!p0 $0x5900  }
0xc9: {  	[tilespmem:s2], [sflag:$0xE] =	stream.indirect.gather @!p0 [hbm4b:s4+s19], $0x80, s22, s19, $0xb8;
	[tilespmem:$0x1FD00] =	vst v63  }
0xca: {  	s2 =	simm.s32 @!p0 $0xA  }
0xcb: {  	_ =	swait.ge @!p0 [sflag:s2], $0x1400  }
0xcc: {  	p3 =	sgt.u32 s13, $0x1A;
	[sflag:s2] =	ssyncset.done @!p0 $0x0  }
.Ltmp4:
0xcd: {  	[sflag:s2] =	ssyncadd.s32 @!p0 $0xFFFFEC00;
	s2 =	simm.s32 @!p1 $0x1A;
	(pc) =	sbr.rel @p3 .LBB2_4-.Ltmp4, $4  }
0xce: {  	[spmem:s1] =	stream.indirect.scatter.add.f32 @!p0 [tilespmem:s20], [sflag:$0x13], $0x80, s14, s19, $0xb8;
	[tilespmem:$0x1FD00] =	vst v63  }
0xcf: {  	_ =	swait.ge @!p1 [sflag:s2], $0x1400  }
0xd0: {  	[sflag:s2] =	ssyncset.done @!p1 $0x0  }
0xd1: {  	[sflag:s2] =	ssyncadd.s32 @!p1 $0xFFFFEC00  }
0xd2: {  	s2 =	sand.u32 $0x3F80, s11  }
0xd3: {  	s14 =	sand.u32 $0x70, s11;
	s2 =	sadd.s32 s10, s2  }
.Ltmp5:
0xd4: {  	s2 =	sor.u32 s14, s2;
	(pc) =	sbr.rel .LBB2_5-.Ltmp5, $4  }
0xd5: {  	s15 =	simm.s32 $0x700;
	s14 =	sadd.s32 s5, s2  }
0xd6: {  	[tilespmem:s15], [sflag:$0x8] =	stream.linear.gather [hbm4b:s14+s3], $0x80, $0x38;
	[tilespmem:$0x1FD00] =	vst v63  }
0xd7: {  	s31 =	simm.s32 $0x780;
	s2 =	sadd.s32 s6, s2  }
0xd8: {  	[tilespmem:s31], [sflag:$0x8] =	stream.linear.gather [hbm4b:s2+s3], $0x80, $0x38;
	[tilespmem:$0x1FD00] =	vst v63  }
.LBB2_4:
.Ltmp6:
0xd9: {  	(pc) =	sbr.rel @p0 .LBB2_6-.Ltmp6, $1  }
0xda: {  	_ =	sdelay $0x3  }
.LBB2_5:
0xdb: {  	_ =	swait.ge [sflag:s17], $0x80  }
0xdc: {  	[sflag:s17] =	ssyncset.done $0x0  }
0xdd: {  	[sflag:s17] =	ssyncadd.s32 $0xFFFFFF80  }
0xde: {  	_ =	swait.ge [sflag:s17], $0x80  }
0xdf: {  	[sflag:s17] =	ssyncset.done $0x0  }
0xe0: {  	s2 =	simm.s32 $0x500;
	s14 =	simm.s32 $0x6D00;
	[sflag:s17] =	ssyncadd.s32 $0xFFFFFF80  }
0xe1: {  	[tilespmem:s14], [sflag:$0xF] =	stream.indirect.gather [hbm4b:s4+s18], $0x80, s2, s18, $0xb8;
	[tilespmem:$0x1FD00] =	vst v63  }
0xe2: {  	_ =	swait.ge [sflag:s21], $0x1400  }
0xe3: {  	[sflag:s21] =	ssyncset.done $0x0  }
0xe4: {  	s29 =	simm.s32 $0x180;
	s31 =	simm.s32 $0x1D00;
	[sflag:s21] =	ssyncadd.s32 $0xFFFFEC00  }
0xe5: {  	[spmem:s1] =	stream.indirect.scatter.add.f32 [tilespmem:s31], [sflag:$0x14], $0x80, s29, s18, $0xb8;
	[tilespmem:$0x1FD00] =	vst v63  }
.LBB2_6:
.Ltmp7:
0xe6: {  	(pc) =	sbr.rel @!p3 .LBB2_7-.Ltmp7, $4  }
0xe7: {  	s2 =	simm.s32 @!p2 $0x1B  }
0xe8: {  	_ =	swait.ge @!p2 [sflag:s2], $0x1400  }
0xe9: {  	[sflag:s2] =	ssyncset.done @!p2 $0x0  }
0xea: {  	[sflag:s2] =	ssyncadd.s32 @!p2 $0xFFFFEC00  }
.Ltmp8:
0xeb: {  	(pc) =	sbr.rel @!p0 .LBB2_9-.Ltmp8, $4  }
.Ltmp9:
0xec: {  	(pc) =	sbr.rel @p0 .LBB2_10-.Ltmp9, $4  }
0xed: {  	_ = 	snop  }
0xee: {  	_ = 	snop  }
0xef: {  	_ = 	snop  }
0xf0: {  	_ = 	snop  }
.LBB2_11:
0xf1: {  	_ =	sfence.sel $0x180000  }
0xf2: {  	[bflag:$0x0] =	sbarrier.arrive $0xFFFF  }
0xf3: {  	_ =	strace $0x9000004A  }
0xf4: {  	s0 =	stileid.u32;
	[bflag:$0x2] =	sbarrier.arrive $0xFFFF  }
0xf5: {  	p0 =	sne.s32 s0, $0x0;
	s0 =	rddreg [dreg:$0x2]  }
0xf6: {  	s0 =	sadd.s32 @!p0 $0x100000, s0  }
0xf7: {  	[sflag:s0] =	ssyncadd.tile.s32 @!p0 $0x1;
	_ =	shalt  }
.Lfunc_end2:
_tile_overlayer_lowered:
.L_overlay_start_2:
0xf8: {  	(tag) =	ssettag $0x2  }
0xf9: {  	s0 =	rddreg [dreg:$0x0];
	s2 =	stileid.u32  }
0xfa: {  	s1 =	rddreg [dreg:$0x1];
	p0 =	sne.s32 s2, $0x0  }
0xfb: {  	s3 =	rddreg [dreg:$0x2];
	[bflag:$0x3] =	sbarrier.arrive $0xFFFF;
	s2 =	simm.s32 @!p0 $0x1C1C  }
0xfc: {  	[timem:s3], [sflag:s2] =	dma.local @!p0 [hbm:s0], s1  }
0xfd: {  	s0 =	simm.s32 @!p0 $0x1C  }
0xfe: {  	_ =	swait.ge @!p0 [sflag:s0], s1  }
0xff: {  	s1 =	ssub.s32 @!p0 $0x0, s1;
	[sflag:s0] =	ssyncset.done @!p0 $0x0  }
0x100: {  	[sflag:s0] =	ssyncadd.s32 @!p0 s1  }
0x101: {  	[bflag:$0x3] =	sbarrier.arrive $0xFFFF  }
0x102: {  	_ =	shalt  }

</sc_bundles>
